<compile_context>
chip_gen: v7x
topology: tpu7x:2x2x1
jax: 0.10.2.dev20260603
libtpu: 0.0.44.dev20260713+nightly
codegen_flags: <defaults>
</compile_context>

<pallas_src>
import functools

import jax
import jax.numpy as jnp
from jax import lax
from jax.experimental import pallas as pl
from jax.experimental.pallas import tpu as pltpu
from jax.experimental.pallas import tpu_sc as plsc

N = 10000
E = 320000
HID = 256
HALF = 128
NCORES = 2
NTILES = 16
K = 100
EPT = E // NTILES
CHUNKS = EPT // K
IB = 20
NBLK = CHUNKS // IB
RPT = N // NTILES
EPW = E // (NCORES * NTILES)
RB = 1000

_sc_mesh = plsc.VectorSubcoreMesh(core_axis_name="c", subcore_axis_name="s")


@functools.partial(
    pl.kernel,
    mesh=_sc_mesh,
    out_type=jax.ShapeDtypeStruct((NCORES * NTILES, N), jnp.float32),
    scratch_types=[
        pltpu.VMEM((EPW,), jnp.int32),
        pltpu.VMEM((N,), jnp.float32),
    ],
    compiler_params=pltpu.CompilerParams(needs_layout_passes=False),
)
def _deg_kernel(dst_hbm, out_hbm, dstbuf, acc):
    c = lax.axis_index("c")
    s = lax.axis_index("s")
    wid = s * NCORES + c

    zeros16 = jnp.zeros((16,), jnp.float32)

    def _zero(i, carry):
        acc[pl.ds(i * 16, 16)] = zeros16
        return carry

    lax.fori_loop(0, N // 16, _zero, 0)

    pltpu.sync_copy(dst_hbm.at[pl.ds(wid * EPW, EPW)], dstbuf)

    ones16 = jnp.ones((16,), jnp.float32)

    def _count(g, carry):
        idx = dstbuf[pl.ds(g * 16, 16)]
        plsc.addupdate_scatter(acc, [idx], ones16)
        return carry

    lax.fori_loop(0, EPW // 16, _count, 0)

    pltpu.sync_copy(acc, out_hbm.at[wid])


@functools.partial(
    pl.kernel,
    mesh=_sc_mesh,
    out_type=jax.ShapeDtypeStruct((NCORES * N, HALF), jnp.float32),
    scratch_types=[
        pltpu.VMEM((IB, K), jnp.int32),
        pltpu.VMEM((IB, K), jnp.int32),
        pltpu.VMEM((IB, K), jnp.int32),
        pltpu.VMEM((IB, K), jnp.int32),
        pltpu.VMEM((K, HALF), jnp.float32),
        pltpu.VMEM((K, HALF), jnp.float32),
        pltpu.VMEM((K, HALF), jnp.float32),
        pltpu.VMEM_SHARED((N, HALF), jnp.float32),
        pltpu.SemaphoreType.DMA,
        pltpu.SemaphoreType.DMA,
        pltpu.SemaphoreType.DMA,
        pltpu.SemaphoreType.DMA,
        pltpu.SemaphoreType.DMA,
        pltpu.SemaphoreType.DMA,
        pltpu.SemaphoreType.DMA,
        pltpu.SemaphoreType.DMA,
        pltpu.SemaphoreType.DMA,
    ],
    compiler_params=pltpu.CompilerParams(use_tc_tiling_on_sc=False),
)
def _gs_kernel(src_hbm, dst_hbm, y_hbm, out_hbm, srcP, dstP, srcQ, dstQ,
               rows0, rows1, rows2, acc,
               gsem0, gsem1, gsem2, ssem0, ssem1, ssem2, isemP, isemQ, nsem):
    c = lax.axis_index("c")
    s = lax.axis_index("s")
    nb = s * RPT
    soff = c * (E // K) + s * CHUNKS
    doff = s * CHUNKS

    init = pltpu.async_copy(y_hbm.at[pl.ds(c * N + nb, RPT)],
                            acc.at[pl.ds(nb, RPT)], nsem)

    def _load_blk(m, sblk, dblk, isem):
        pltpu.async_copy(src_hbm.at[pl.ds(soff + m * IB, IB)], sblk, isem)
        pltpu.async_copy(dst_hbm.at[pl.ds(doff + m * IB, IB)], dblk, isem)

    def _wait_blk(sblk, dblk, isem):
        pltpu.make_async_copy(src_hbm.at[pl.ds(0, IB)], sblk, isem).wait()
        pltpu.make_async_copy(dst_hbm.at[pl.ds(0, IB)], dblk, isem).wait()

    def _gather(sbuf, rows, sem):
        return pltpu.async_copy(y_hbm.at[sbuf], rows, sem)

    def _scatter(rows, dbuf, sem):
        return pltpu.async_copy(rows, acc.at[dbuf], sem, add=True)

    def _wait_gather(rows, gsem):
        pltpu.make_async_copy(y_hbm.at[pl.ds(0, K)], rows, gsem).wait()

    def _wait_scatter(rows, ssem):
        pltpu.make_async_copy(rows, acc.at[pl.ds(0, K)], ssem).wait()

    def _run_block(sblk, dblk, sblk_next, dblk_next, isem_next):
        def _three_chunks(j, carry):
            k = 3 * j
            _wait_gather(rows0, gsem0)
            _scatter(rows0, dblk.at[k], ssem0)
            _gather(sblk.at[k + 2], rows2, gsem2)
            _wait_gather(rows1, gsem1)
            _wait_scatter(rows0, ssem0)
            _gather(sblk.at[k + 3], rows0, gsem0)
            _scatter(rows1, dblk.at[k + 1], ssem1)
            _wait_scatter(rows1, ssem1)
            _gather(sblk.at[k + 4], rows1, gsem1)
            _wait_gather(rows2, gsem2)
            _scatter(rows2, dblk.at[k + 2], ssem2)
            _wait_scatter(rows2, ssem2)
            return carry

        lax.fori_loop(0, (IB - 2) // 3, _three_chunks, 0)

        _wait_gather(rows0, gsem0)
        _scatter(rows0, dblk.at[IB - 2], ssem0)
        _wait_blk(sblk_next, dblk_next, isem_next)
        _wait_gather(rows1, gsem1)
        _scatter(rows1, dblk.at[IB - 1], ssem1)
        _wait_scatter(rows0, ssem0)
        _gather(sblk_next.at[0], rows0, gsem0)
        _wait_scatter(rows1, ssem1)
        _gather(sblk_next.at[1], rows1, gsem1)

    _load_blk(0, srcP, dstP, isemP)
    _load_blk(1, srcQ, dstQ, isemQ)

    _wait_blk(srcP, dstP, isemP)
    _gather(srcP.at[0], rows0, gsem0)
    _gather(srcP.at[1], rows1, gsem1)
    init.wait()
    plsc.subcore_barrier()

    def _two_blocks(b, carry):
        _run_block(srcP, dstP, srcQ, dstQ, isemQ)
        _load_blk(jnp.minimum(2 * b + 2, NBLK - 1), srcP, dstP, isemP)
        _run_block(srcQ, dstQ, srcP, dstP, isemP)
        _load_blk(jnp.minimum(2 * b + 3, NBLK - 1), srcQ, dstQ, isemQ)
        return carry

    lax.fori_loop(0, NBLK // 2, _two_blocks, 0)

    _wait_gather(rows0, gsem0)
    _wait_gather(rows1, gsem1)
    _wait_blk(srcQ, dstQ, isemQ)

    plsc.subcore_barrier()

    pltpu.sync_copy(acc.at[pl.ds(nb, RPT)], out_hbm.at[pl.ds(c * N + nb, RPT)])


def _dinv_block(degp):
    deg = jnp.sum(degp, axis=1) + 1.0
    return lax.rsqrt(deg)[:, None]


def _mm1_body(x_ref, m_ref, w_ref, wm_ref, degp_ref, o_ref):
    dinv = _dinv_block(degp_ref[...])
    xw = jnp.dot(x_ref[...], w_ref[...], preferred_element_type=jnp.float32)
    xw = xw + m_ref[...] * wm_ref[...]
    y = xw * dinv
    o_ref[0] = y[:, :HALF]
    o_ref[1] = y[:, HALF:]


def _mid_body(agg_ref, degp_ref, w_ref, b_ref, o_ref):
    dinv = _dinv_block(degp_ref[...])
    agg = jnp.concatenate([agg_ref[0], agg_ref[1]], axis=1)
    h = jnp.maximum(agg * dinv + b_ref[...], 0.0)
    y = jnp.dot(h, w_ref[...], preferred_element_type=jnp.float32) * dinv
    o_ref[0] = y[:, :HALF]
    o_ref[1] = y[:, HALF:]


def _out_body(agg_ref, degp_ref, b_ref, wo_ref, bo_ref, o_ref):
    dinv = _dinv_block(degp_ref[...])
    agg = jnp.concatenate([agg_ref[0], agg_ref[1]], axis=1)
    h = jnp.maximum(agg * dinv + b_ref[...], 0.0)
    o_ref[...] = jnp.dot(h, wo_ref[...], preferred_element_type=jnp.float32) + bo_ref[...]


def _full(shape):
    nd = len(shape)
    return pl.BlockSpec(shape, lambda i: (0,) * nd)


def kernel(x, edge_index, mask_flag, W1, b1, W2, b2, Wo, bo):
    src = edge_index[0].astype(jnp.int32)
    dst = edge_index[1].astype(jnp.int32)

    src2 = jnp.concatenate([src, src + N]).reshape(NCORES * E // K, K)
    dstr = dst.reshape(E // K, K)

    deg_parts = _deg_kernel(dst).T

    grid = (N // RB,)
    mask2 = mask_flag[:, None]
    W1a, w1m = W1[:HALF], W1[HALF:]

    y1 = pl.pallas_call(
        _mm1_body,
        grid=grid,
        in_specs=[
            pl.BlockSpec((RB, HALF), lambda i: (i, 0)),
            pl.BlockSpec((RB, 1), lambda i: (i, 0)),
            _full((HALF, HID)),
            _full((1, HID)),
            pl.BlockSpec((RB, NCORES * NTILES), lambda i: (i, 0)),
        ],
        out_specs=pl.BlockSpec((NCORES, RB, HALF), lambda i: (0, i, 0)),
        out_shape=jax.ShapeDtypeStruct((NCORES, N, HALF), jnp.float32),
    )(x, mask2, W1a, w1m, deg_parts)

    agg1 = _gs_kernel(src2, dstr, y1.reshape(NCORES * N, HALF))
    agg1 = agg1.reshape(NCORES, N, HALF)

    y2 = pl.pallas_call(
        _mid_body,
        grid=grid,
        in_specs=[
            pl.BlockSpec((NCORES, RB, HALF), lambda i: (0, i, 0)),
            pl.BlockSpec((RB, NCORES * NTILES), lambda i: (i, 0)),
            _full((HID, HID)),
            _full((1, HID)),
        ],
        out_specs=pl.BlockSpec((NCORES, RB, HALF), lambda i: (0, i, 0)),
        out_shape=jax.ShapeDtypeStruct((NCORES, N, HALF), jnp.float32),
    )(agg1, deg_parts, W2, b1[None, :])

    agg2 = _gs_kernel(src2, dstr, y2.reshape(NCORES * N, HALF))
    agg2 = agg2.reshape(NCORES, N, HALF)

    out = pl.pallas_call(
        _out_body,
        grid=grid,
        in_specs=[
            pl.BlockSpec((NCORES, RB, HALF), lambda i: (0, i, 0)),
            pl.BlockSpec((RB, NCORES * NTILES), lambda i: (i, 0)),
            _full((1, HID)),
            _full((HID, 3)),
            _full((1, 3)),
        ],
        out_specs=pl.BlockSpec((RB, 3), lambda i: (i, 0)),
        out_shape=jax.ShapeDtypeStruct((N, 3), jnp.float32),
    )(agg2, deg_parts, b2[None, :], Wo, bo[None, :])

    return out

# --- scband reference (transcript-rebuilt; emitter-appended) ---
"""Pipeline reference for scband-feature-imputer-2619930050609 (READ-ONLY COPY).

The authoritative reference and input builder live on the scoring server;
editing this copy changes nothing except your own understanding.
"""

import jax, jax.numpy as jnp
import numpy as np

N_NODES = 10000

def gcn_conv(x, src, dst, W, b, num_nodes):
    # PyG GCNConv: x @ W, gcn_norm with self-loops, scatter-add aggregation, + bias
    loop = jnp.arange(num_nodes, dtype=src.dtype)
    s = jnp.concatenate([src, loop])
    d = jnp.concatenate([dst, loop])
    ew = jnp.ones(s.shape[0], dtype=x.dtype)
    deg = jax.ops.segment_sum(ew, d, num_segments=num_nodes)
    dinv = jnp.where(deg > 0, deg ** -0.5, 0.0)
    norm = dinv[s] * ew * dinv[d]
    xw = x @ W
    msg = xw[s] * norm[:, None]
    out = jax.ops.segment_sum(msg, d, num_segments=num_nodes)
    return out + b

def setup_inputs(seed: int = 0) -> dict:
    key = jax.random.key(seed)
    ks = jax.random.split(key, 10)
    in_ch, hid = 128, 256
    x = jax.random.normal(ks[0], (N_NODES, in_ch), dtype=jnp.float32)
    edge_index = jax.random.randint(ks[1], (2, 320000), 0, N_NODES, dtype=jnp.int64)
    mask_flag = jax.random.uniform(ks[2], (N_NODES,), dtype=jnp.float32)
    def glorot(k, shape):
        lim = (6.0 / (shape[0] + shape[1])) ** 0.5
        return jax.random.uniform(k, shape, minval=-lim, maxval=lim, dtype=jnp.float32)
    W1 = glorot(ks[3], (in_ch + 1, hid))
    b1 = jnp.zeros((hid,), dtype=jnp.float32)
    W2 = glorot(ks[4], (hid, hid))
    b2 = jnp.zeros((hid,), dtype=jnp.float32)
    Wo = glorot(ks[5], (hid, 3))
    bo = jnp.zeros((3,), dtype=jnp.float32)
    return {"x": x, "edge_index": edge_index, "mask_flag": mask_flag,
            "W1": W1, "b1": b1, "W2": W2, "b2": b2, "Wo": Wo, "bo": bo}

def reference(x, edge_index, mask_flag, W1, b1, W2, b2, Wo, bo):
    src, dst = edge_index[0], edge_index[1]
    h = jnp.concatenate([x, mask_flag[:, None]], axis=1)
    h = jax.nn.relu(gcn_conv(h, src, dst, W1, b1, N_NODES))
    h = jax.nn.relu(gcn_conv(h, src, dst, W2, b2, N_NODES))
    return h @ Wo + bo

if __name__ == "__main__":
    import jax
    _d = setup_inputs()
    print(jax.jit(kernel)(*tuple(_d.values())))

</pallas_src>

<mosaic_0001>
#map = affine_map<(d0, d1) -> (0, 0)>
module attributes {stable_mosaic.version = 14 : i64} {
  func.func @_gs_kernel(%arg0: i32, %arg1: i32, %arg2: memref<6400x100xi32, #tpu.memory_space<hbm>>, %arg3: memref<3200x100xi32, #tpu.memory_space<hbm>>, %arg4: memref<20000x128xf32, #tpu.memory_space<hbm>>, %arg5: memref<20000x128xf32, #tpu.memory_space<hbm>>, %arg6: memref<20x100xi32, #tpu.memory_space<vmem>>, %arg7: memref<20x100xi32, #tpu.memory_space<vmem>>, %arg8: memref<20x100xi32, #tpu.memory_space<vmem>>, %arg9: memref<20x100xi32, #tpu.memory_space<vmem>>, %arg10: memref<100x128xf32, #tpu.memory_space<vmem>>, %arg11: memref<100x128xf32, #tpu.memory_space<vmem>>, %arg12: memref<100x128xf32, #tpu.memory_space<vmem>>, %arg13: memref<10000x128xf32, #tpu.memory_space<vmem_shared>>, %arg14: memref<!tpu.dma_semaphore, #tpu.memory_space<semaphore_mem>>, %arg15: memref<!tpu.dma_semaphore, #tpu.memory_space<semaphore_mem>>, %arg16: memref<!tpu.dma_semaphore, #tpu.memory_space<semaphore_mem>>, %arg17: memref<!tpu.dma_semaphore, #tpu.memory_space<semaphore_mem>>, %arg18: memref<!tpu.dma_semaphore, #tpu.memory_space<semaphore_mem>>, %arg19: memref<!tpu.dma_semaphore, #tpu.memory_space<semaphore_mem>>, %arg20: memref<!tpu.dma_semaphore, #tpu.memory_space<semaphore_mem>>, %arg21: memref<!tpu.dma_semaphore, #tpu.memory_space<semaphore_mem>>, %arg22: memref<!tpu.dma_semaphore, #tpu.memory_space<semaphore_mem>>) attributes {dimension_semantics = [#tpu.dimension_semantics<core_parallel>, #tpu.dimension_semantics<subcore_parallel>], iteration_bounds = array<i64: 2, 16>, scalar_prefetch = 0 : i64, scratch_operands = 17 : i64, tpu.core_type = #tpu.core_type<sc_vector_subcore>, window_params = [{transform_indices = #map}, {transform_indices = #map}, {transform_indices = #map}, {transform_indices = #map}]} {
    %mul3A = arith.constant 625 : i32
    %mul3A_0 = arith.muli %arg1, %mul3A : i32
    %mul3A_1 = arith.constant 3200 : i32
    %mul3A_2 = arith.muli %arg0, %mul3A_1 : i32
    %mul3A_3 = arith.constant 200 : i32
    %mul3A_4 = arith.muli %arg1, %mul3A_3 : i32
    %add3A = arith.addi %mul3A_2, %mul3A_4 : i32
    %mul3A_5 = arith.constant 200 : i32
    %mul3A_6 = arith.muli %arg1, %mul3A_5 : i32
    %mul3A_7 = arith.constant 10000 : i32
    %mul3A_8 = arith.muli %arg0, %mul3A_7 : i32
    %add3A_9 = arith.addi %mul3A_8, %mul3A_0 : i32
    %dma_start3A = arith.constant 0 : i32
    %dma_start3A_10 = tpu.memref_slice %arg13[%mul3A_0, %dma_start3A] : memref<10000x128xf32, #tpu.memory_space<vmem_shared>> -> memref<625x128xf32, #tpu.memory_space<vmem_shared>>
    %dma_start3A_11 = arith.constant 0 : i32
    %dma_start3A_12 = tpu.memref_slice %arg4[%add3A_9, %dma_start3A_11] : memref<20000x128xf32, #tpu.memory_space<hbm>> -> memref<625x128xf32, #tpu.memory_space<hbm>>
    tpu.enqueue_dma source(%dma_start3A_12 : memref<625x128xf32, #tpu.memory_space<hbm>>) target(%dma_start3A_10 : memref<625x128xf32, #tpu.memory_space<vmem_shared>>) target_semaphore(%arg22 : memref<!tpu.dma_semaphore, #tpu.memory_space<semaphore_mem>>)
    %add3A_13 = arith.constant 0 : i32
    %add3A_14 = arith.addi %add3A, %add3A_13 : i32
    %dma_start3A_15 = arith.constant 0 : i32
    %dma_start3A_16 = tpu.memref_slice %arg2[%add3A_14, %dma_start3A_15] : memref<6400x100xi32, #tpu.memory_space<hbm>> -> memref<20x100xi32, #tpu.memory_space<hbm>>
    %dma_start3A_17 = arith.constant 0 : i32
    %dma_start3A_18 = tpu.memref_slice %arg2[%add3A_14, %dma_start3A_17] : memref<6400x100xi32, #tpu.memory_space<hbm>> -> memref<20x100xi32, #tpu.memory_space<hbm>>
    tpu.enqueue_dma source(%dma_start3A_18 : memref<20x100xi32, #tpu.memory_space<hbm>>) target(%arg6 : memref<20x100xi32, #tpu.memory_space<vmem>>) target_semaphore(%arg20 : memref<!tpu.dma_semaphore, #tpu.memory_space<semaphore_mem>>)
    %add3A_19 = arith.constant 0 : i32
    %add3A_20 = arith.addi %mul3A_6, %add3A_19 : i32
    %dma_start3A_21 = arith.constant 0 : i32
    %dma_start3A_22 = tpu.memref_slice %arg3[%add3A_20, %dma_start3A_21] : memref<3200x100xi32, #tpu.memory_space<hbm>> -> memref<20x100xi32, #tpu.memory_space<hbm>>
    %dma_start3A_23 = arith.constant 0 : i32
    %dma_start3A_24 = tpu.memref_slice %arg3[%add3A_20, %dma_start3A_23] : memref<3200x100xi32, #tpu.memory_space<hbm>> -> memref<20x100xi32, #tpu.memory_space<hbm>>
    tpu.enqueue_dma source(%dma_start3A_24 : memref<20x100xi32, #tpu.memory_space<hbm>>) target(%arg7 : memref<20x100xi32, #tpu.memory_space<vmem>>) target_semaphore(%arg20 : memref<!tpu.dma_semaphore, #tpu.memory_space<semaphore_mem>>)
    %add3A_25 = arith.constant 20 : i32
    %add3A_26 = arith.addi %add3A, %add3A_25 : i32
    %dma_start3A_27 = arith.constant 0 : i32
    %dma_start3A_28 = tpu.memref_slice %arg2[%add3A_26, %dma_start3A_27] : memref<6400x100xi32, #tpu.memory_space<hbm>> -> memref<20x100xi32, #tpu.memory_space<hbm>>
    %dma_start3A_29 = arith.constant 0 : i32
    %dma_start3A_30 = tpu.memref_slice %arg2[%add3A_26, %dma_start3A_29] : memref<6400x100xi32, #tpu.memory_space<hbm>> -> memref<20x100xi32, #tpu.memory_space<hbm>>
    tpu.enqueue_dma source(%dma_start3A_30 : memref<20x100xi32, #tpu.memory_space<hbm>>) target(%arg8 : memref<20x100xi32, #tpu.memory_space<vmem>>) target_semaphore(%arg21 : memref<!tpu.dma_semaphore, #tpu.memory_space<semaphore_mem>>)
    %add3A_31 = arith.constant 20 : i32
    %add3A_32 = arith.addi %mul3A_6, %add3A_31 : i32
    %dma_start3A_33 = arith.constant 0 : i32
    %dma_start3A_34 = tpu.memref_slice %arg3[%add3A_32, %dma_start3A_33] : memref<3200x100xi32, #tpu.memory_space<hbm>> -> memref<20x100xi32, #tpu.memory_space<hbm>>
    %dma_start3A_35 = arith.constant 0 : i32
    %dma_start3A_36 = tpu.memref_slice %arg3[%add3A_32, %dma_start3A_35] : memref<3200x100xi32, #tpu.memory_space<hbm>> -> memref<20x100xi32, #tpu.memory_space<hbm>>
    tpu.enqueue_dma source(%dma_start3A_36 : memref<20x100xi32, #tpu.memory_space<hbm>>) target(%arg9 : memref<20x100xi32, #tpu.memory_space<vmem>>) target_semaphore(%arg21 : memref<!tpu.dma_semaphore, #tpu.memory_space<semaphore_mem>>)
    %dma_wait3A = arith.constant 0 : i32
    %dma_wait3A_37 = arith.constant 0 : i32
    %dma_wait3A_38 = tpu.memref_slice %arg2[%dma_wait3A, %dma_wait3A_37] : memref<6400x100xi32, #tpu.memory_space<hbm>> -> memref<20x100xi32, #tpu.memory_space<hbm>>
    %dma_wait3A_39 = arith.constant 0 : i32
    %dma_wait3A_40 = arith.constant 0 : i32
    %dma_wait3A_41 = tpu.memref_slice %arg2[%dma_wait3A_39, %dma_wait3A_40] : memref<6400x100xi32, #tpu.memory_space<hbm>> -> memref<20x100xi32, #tpu.memory_space<hbm>>
    tpu.wait_dma2 semaphore(%arg20 : memref<!tpu.dma_semaphore, #tpu.memory_space<semaphore_mem>>) src(%dma_wait3A_41 : memref<20x100xi32, #tpu.memory_space<hbm>>) dst(%arg6 : memref<20x100xi32, #tpu.memory_space<vmem>>)
    %dma_wait3A_42 = arith.constant 0 : i32
    %dma_wait3A_43 = arith.constant 0 : i32
    %dma_wait3A_44 = tpu.memref_slice %arg3[%dma_wait3A_42, %dma_wait3A_43] : memref<3200x100xi32, #tpu.memory_space<hbm>> -> memref<20x100xi32, #tpu.memory_space<hbm>>
    %dma_wait3A_45 = arith.constant 0 : i32
    %dma_wait3A_46 = arith.constant 0 : i32
    %dma_wait3A_47 = tpu.memref_slice %arg3[%dma_wait3A_45, %dma_wait3A_46] : memref<3200x100xi32, #tpu.memory_space<hbm>> -> memref<20x100xi32, #tpu.memory_space<hbm>>
    tpu.wait_dma2 semaphore(%arg20 : memref<!tpu.dma_semaphore, #tpu.memory_space<semaphore_mem>>) src(%dma_wait3A_47 : memref<20x100xi32, #tpu.memory_space<hbm>>) dst(%arg7 : memref<20x100xi32, #tpu.memory_space<vmem>>)
    %dma_start3A_48 = arith.constant 0 : i32
    %dma_start3A_49 = arith.constant 0 : i32
    %dma_start3A_50 = tpu.memref_slice %arg6[%dma_start3A_48, %dma_start3A_49] : memref<20x100xi32, #tpu.memory_space<vmem>> -> memref<1x100xi32, #tpu.memory_space<vmem>>
    %dma_start3A_51 = tpu.memref_squeeze %dma_start3A_50 : memref<1x100xi32, #tpu.memory_space<vmem>> -> memref<100xi32, #tpu.memory_space<vmem>>
    %dma_start3A_52 = arith.constant 0 : i32
    %dma_start3A_53 = arith.constant 0 : i32
    %dma_start3A_54 = tpu.memref_slice %arg4[%dma_start3A_52, %dma_start3A_53] : memref<20000x128xf32, #tpu.memory_space<hbm>> -> memref<20000x128xf32, #tpu.memory_space<hbm>>
    tpu.enqueue_indirect_dma source(%dma_start3A_54 : memref<20000x128xf32, #tpu.memory_space<hbm>>) target(%arg10 : memref<100x128xf32, #tpu.memory_space<vmem>>) offsets(%dma_start3A_51 : memref<100xi32, #tpu.memory_space<vmem>>) semaphore(%arg14 : memref<!tpu.dma_semaphore, #tpu.memory_space<semaphore_mem>>)
    %dma_start3A_55 = arith.constant 1 : i32
    %dma_start3A_56 = arith.constant 0 : i32
    %dma_start3A_57 = tpu.memref_slice %arg6[%dma_start3A_55, %dma_start3A_56] : memref<20x100xi32, #tpu.memory_space<vmem>> -> memref<1x100xi32, #tpu.memory_space<vmem>>
    %dma_start3A_58 = tpu.memref_squeeze %dma_start3A_57 : memref<1x100xi32, #tpu.memory_space<vmem>> -> memref<100xi32, #tpu.memory_space<vmem>>
    %dma_start3A_59 = arith.constant 0 : i32
    %dma_start3A_60 = arith.constant 0 : i32
    %dma_start3A_61 = tpu.memref_slice %arg4[%dma_start3A_59, %dma_start3A_60] : memref<20000x128xf32, #tpu.memory_space<hbm>> -> memref<20000x128xf32, #tpu.memory_space<hbm>>
    tpu.enqueue_indirect_dma source(%dma_start3A_61 : memref<20000x128xf32, #tpu.memory_space<hbm>>) target(%arg11 : memref<100x128xf32, #tpu.memory_space<vmem>>) offsets(%dma_start3A_58 : memref<100xi32, #tpu.memory_space<vmem>>) semaphore(%arg15 : memref<!tpu.dma_semaphore, #tpu.memory_space<semaphore_mem>>)
    %dma_wait3A_62 = arith.constant 0 : i32
    %dma_wait3A_63 = tpu.memref_slice %arg13[%mul3A_0, %dma_wait3A_62] : memref<10000x128xf32, #tpu.memory_space<vmem_shared>> -> memref<625x128xf32, #tpu.memory_space<vmem_shared>>
    %dma_wait3A_64 = arith.constant 0 : i32
    %dma_wait3A_65 = tpu.memref_slice %arg4[%add3A_9, %dma_wait3A_64] : memref<20000x128xf32, #tpu.memory_space<hbm>> -> memref<625x128xf32, #tpu.memory_space<hbm>>
    tpu.wait_dma2 semaphore(%arg22 : memref<!tpu.dma_semaphore, #tpu.memory_space<semaphore_mem>>) src(%dma_wait3A_65 : memref<625x128xf32, #tpu.memory_space<hbm>>) dst(%dma_wait3A_63 : memref<625x128xf32, #tpu.memory_space<vmem_shared>>)
    %barrier3A = arith.constant 0 : index
    tpu.barrier barrier_id(%barrier3A)
    %scan3A = arith.constant 0 : i32
    %scan3A_66 = arith.constant 0 : i32
    %scan3A_67 = arith.constant 5 : i32
    %scan3A_68 = arith.addi %scan3A_66, %scan3A_67 : i32
    %scan3A_69 = arith.constant 1 : i32
    scf.for %scan3A_99 = %scan3A_66 to %scan3A_68 step %scan3A_69  : i32 {
      %scan3A_100 = arith.constant 0 : i32
      %scan3A_101 = arith.constant 0 : i32
      %scan3A_102 = arith.constant 6 : i32
      %scan3A_103 = arith.addi %scan3A_101, %scan3A_102 : i32
      %scan3A_104 = arith.constant 1 : i32
      scf.for %scan3A_279 = %scan3A_101 to %scan3A_103 step %scan3A_104  : i32 {
        %mul3A_280 = arith.constant 3 : i32
        %mul3A_281 = arith.muli %mul3A_280, %scan3A_279 : i32
        %dma_wait3A_282 = arith.constant 0 : i32
        %dma_wait3A_283 = arith.constant 0 : i32
        %dma_wait3A_284 = tpu.memref_slice %arg4[%dma_wait3A_282, %dma_wait3A_283] : memref<20000x128xf32, #tpu.memory_space<hbm>> -> memref<100x128xf32, #tpu.memory_space<hbm>>
        %dma_wait3A_285 = arith.constant 0 : i32
        %dma_wait3A_286 = arith.constant 0 : i32
        %dma_wait3A_287 = tpu.memref_slice %arg4[%dma_wait3A_285, %dma_wait3A_286] : memref<20000x128xf32, #tpu.memory_space<hbm>> -> memref<100x128xf32, #tpu.memory_space<hbm>>
        tpu.wait_dma2 semaphore(%arg14 : memref<!tpu.dma_semaphore, #tpu.memory_space<semaphore_mem>>) src(%dma_wait3A_287 : memref<100x128xf32, #tpu.memory_space<hbm>>) dst(%arg10 : memref<100x128xf32, #tpu.memory_space<vmem>>)
        %dma_start3A_288 = arith.constant 0 : i32
        %dma_start3A_289 = tpu.memref_slice %arg7[%mul3A_281, %dma_start3A_288] : memref<20x100xi32, #tpu.memory_space<vmem>> -> memref<1x100xi32, #tpu.memory_space<vmem>>
        %dma_start3A_290 = tpu.memref_squeeze %dma_start3A_289 : memref<1x100xi32, #tpu.memory_space<vmem>> -> memref<100xi32, #tpu.memory_space<vmem>>
        %dma_start3A_291 = arith.constant 0 : i32
        %dma_start3A_292 = arith.constant 0 : i32
        %dma_start3A_293 = tpu.memref_slice %arg13[%dma_start3A_291, %dma_start3A_292] : memref<10000x128xf32, #tpu.memory_space<vmem_shared>> -> memref<10000x128xf32, #tpu.memory_space<vmem_shared>>
        tpu.enqueue_indirect_dma source(%arg10 : memref<100x128xf32, #tpu.memory_space<vmem>>) target(%dma_start3A_293 : memref<10000x128xf32, #tpu.memory_space<vmem_shared>>) offsets(%dma_start3A_290 : memref<100xi32, #tpu.memory_space<vmem>>) semaphore(%arg17 : memref<!tpu.dma_semaphore, #tpu.memory_space<semaphore_mem>>) {add = true}
        %add3A_294 = arith.constant 2 : i32
        %add3A_295 = arith.addi %mul3A_281, %add3A_294 : i32
        %dma_start3A_296 = arith.constant 0 : i32
        %dma_start3A_297 = tpu.memref_slice %arg6[%add3A_295, %dma_start3A_296] : memref<20x100xi32, #tpu.memory_space<vmem>> -> memref<1x100xi32, #tpu.memory_space<vmem>>
        %dma_start3A_298 = tpu.memref_squeeze %dma_start3A_297 : memref<1x100xi32, #tpu.memory_space<vmem>> -> memref<100xi32, #tpu.memory_space<vmem>>
        %dma_start3A_299 = arith.constant 0 : i32
        %dma_start3A_300 = arith.constant 0 : i32
        %dma_start3A_301 = tpu.memref_slice %arg4[%dma_start3A_299, %dma_start3A_300] : memref<20000x128xf32, #tpu.memory_space<hbm>> -> memref<20000x128xf32, #tpu.memory_space<hbm>>
        tpu.enqueue_indirect_dma source(%dma_start3A_301 : memref<20000x128xf32, #tpu.memory_space<hbm>>) target(%arg12 : memref<100x128xf32, #tpu.memory_space<vmem>>) offsets(%dma_start3A_298 : memref<100xi32, #tpu.memory_space<vmem>>) semaphore(%arg16 : memref<!tpu.dma_semaphore, #tpu.memory_space<semaphore_mem>>)
        %dma_wait3A_302 = arith.constant 0 : i32
        %dma_wait3A_303 = arith.constant 0 : i32
        %dma_wait3A_304 = tpu.memref_slice %arg4[%dma_wait3A_302, %dma_wait3A_303] : memref<20000x128xf32, #tpu.memory_space<hbm>> -> memref<100x128xf32, #tpu.memory_space<hbm>>
        %dma_wait3A_305 = arith.constant 0 : i32
        %dma_wait3A_306 = arith.constant 0 : i32
        %dma_wait3A_307 = tpu.memref_slice %arg4[%dma_wait3A_305, %dma_wait3A_306] : memref<20000x128xf32, #tpu.memory_space<hbm>> -> memref<100x128xf32, #tpu.memory_space<hbm>>
        tpu.wait_dma2 semaphore(%arg15 : memref<!tpu.dma_semaphore, #tpu.memory_space<semaphore_mem>>) src(%dma_wait3A_307 : memref<100x128xf32, #tpu.memory_space<hbm>>) dst(%arg11 : memref<100x128xf32, #tpu.memory_space<vmem>>)
        %dma_wait3A_308 = arith.constant 0 : i32
        %dma_wait3A_309 = arith.constant 0 : i32
        %dma_wait3A_310 = tpu.memref_slice %arg13[%dma_wait3A_308, %dma_wait3A_309] : memref<10000x128xf32, #tpu.memory_space<vmem_shared>> -> memref<100x128xf32, #tpu.memory_space<vmem_shared>>
        %dma_wait3A_311 = arith.constant 0 : i32
        %dma_wait3A_312 = arith.constant 0 : i32
        %dma_wait3A_313 = tpu.memref_slice %arg13[%dma_wait3A_311, %dma_wait3A_312] : memref<10000x128xf32, #tpu.memory_space<vmem_shared>> -> memref<100x128xf32, #tpu.memory_space<vmem_shared>>
        tpu.wait_dma2 semaphore(%arg17 : memref<!tpu.dma_semaphore, #tpu.memory_space<semaphore_mem>>) src(%arg10 : memref<100x128xf32, #tpu.memory_space<vmem>>) dst(%dma_wait3A_313 : memref<100x128xf32, #tpu.memory_space<vmem_shared>>)
        %add3A_314 = arith.constant 3 : i32
        %add3A_315 = arith.addi %mul3A_281, %add3A_314 : i32
        %dma_start3A_316 = arith.constant 0 : i32
        %dma_start3A_317 = tpu.memref_slice %arg6[%add3A_315, %dma_start3A_316] : memref<20x100xi32, #tpu.memory_space<vmem>> -> memref<1x100xi32, #tpu.memory_space<vmem>>
        %dma_start3A_318 = tpu.memref_squeeze %dma_start3A_317 : memref<1x100xi32, #tpu.memory_space<vmem>> -> memref<100xi32, #tpu.memory_space<vmem>>
        %dma_start3A_319 = arith.constant 0 : i32
        %dma_start3A_320 = arith.constant 0 : i32
        %dma_start3A_321 = tpu.memref_slice %arg4[%dma_start3A_319, %dma_start3A_320] : memref<20000x128xf32, #tpu.memory_space<hbm>> -> memref<20000x128xf32, #tpu.memory_space<hbm>>
        tpu.enqueue_indirect_dma source(%dma_start3A_321 : memref<20000x128xf32, #tpu.memory_space<hbm>>) target(%arg10 : memref<100x128xf32, #tpu.memory_space<vmem>>) offsets(%dma_start3A_318 : memref<100xi32, #tpu.memory_space<vmem>>) semaphore(%arg14 : memref<!tpu.dma_semaphore, #tpu.memory_space<semaphore_mem>>)
        %add3A_322 = arith.constant 1 : i32
        %add3A_323 = arith.addi %mul3A_281, %add3A_322 : i32
        %dma_start3A_324 = arith.constant 0 : i32
        %dma_start3A_325 = tpu.memref_slice %arg7[%add3A_323, %dma_start3A_324] : memref<20x100xi32, #tpu.memory_space<vmem>> -> memref<1x100xi32, #tpu.memory_space<vmem>>
        %dma_start3A_326 = tpu.memref_squeeze %dma_start3A_325 : memref<1x100xi32, #tpu.memory_space<vmem>> -> memref<100xi32, #tpu.memory_space<vmem>>
        %dma_start3A_327 = arith.constant 0 : i32
        %dma_start3A_328 = arith.constant 0 : i32
        %dma_start3A_329 = tpu.memref_slice %arg13[%dma_start3A_327, %dma_start3A_328] : memref<10000x128xf32, #tpu.memory_space<vmem_shared>> -> memref<10000x128xf32, #tpu.memory_space<vmem_shared>>
        tpu.enqueue_indirect_dma source(%arg11 : memref<100x128xf32, #tpu.memory_space<vmem>>) target(%dma_start3A_329 : memref<10000x128xf32, #tpu.memory_space<vmem_shared>>) offsets(%dma_start3A_326 : memref<100xi32, #tpu.memory_space<vmem>>) semaphore(%arg18 : memref<!tpu.dma_semaphore, #tpu.memory_space<semaphore_mem>>) {add = true}
        %dma_wait3A_330 = arith.constant 0 : i32
        %dma_wait3A_331 = arith.constant 0 : i32
        %dma_wait3A_332 = tpu.memref_slice %arg13[%dma_wait3A_330, %dma_wait3A_331] : memref<10000x128xf32, #tpu.memory_space<vmem_shared>> -> memref<100x128xf32, #tpu.memory_space<vmem_shared>>
        %dma_wait3A_333 = arith.constant 0 : i32
        %dma_wait3A_334 = arith.constant 0 : i32
        %dma_wait3A_335 = tpu.memref_slice %arg13[%dma_wait3A_333, %dma_wait3A_334] : memref<10000x128xf32, #tpu.memory_space<vmem_shared>> -> memref<100x128xf32, #tpu.memory_space<vmem_shared>>
        tpu.wait_dma2 semaphore(%arg18 : memref<!tpu.dma_semaphore, #tpu.memory_space<semaphore_mem>>) src(%arg11 : memref<100x128xf32, #tpu.memory_space<vmem>>) dst(%dma_wait3A_335 : memref<100x128xf32, #tpu.memory_space<vmem_shared>>)
        %add3A_336 = arith.constant 4 : i32
        %add3A_337 = arith.addi %mul3A_281, %add3A_336 : i32
        %dma_start3A_338 = arith.constant 0 : i32
        %dma_start3A_339 = tpu.memref_slice %arg6[%add3A_337, %dma_start3A_338] : memref<20x100xi32, #tpu.memory_space<vmem>> -> memref<1x100xi32, #tpu.memory_space<vmem>>
        %dma_start3A_340 = tpu.memref_squeeze %dma_start3A_339 : memref<1x100xi32, #tpu.memory_space<vmem>> -> memref<100xi32, #tpu.memory_space<vmem>>
        %dma_start3A_341 = arith.constant 0 : i32
        %dma_start3A_342 = arith.constant 0 : i32
        %dma_start3A_343 = tpu.memref_slice %arg4[%dma_start3A_341, %dma_start3A_342] : memref<20000x128xf32, #tpu.memory_space<hbm>> -> memref<20000x128xf32, #tpu.memory_space<hbm>>
        tpu.enqueue_indirect_dma source(%dma_start3A_343 : memref<20000x128xf32, #tpu.memory_space<hbm>>) target(%arg11 : memref<100x128xf32, #tpu.memory_space<vmem>>) offsets(%dma_start3A_340 : memref<100xi32, #tpu.memory_space<vmem>>) semaphore(%arg15 : memref<!tpu.dma_semaphore, #tpu.memory_space<semaphore_mem>>)
        %dma_wait3A_344 = arith.constant 0 : i32
        %dma_wait3A_345 = arith.constant 0 : i32
        %dma_wait3A_346 = tpu.memref_slice %arg4[%dma_wait3A_344, %dma_wait3A_345] : memref<20000x128xf32, #tpu.memory_space<hbm>> -> memref<100x128xf32, #tpu.memory_space<hbm>>
        %dma_wait3A_347 = arith.constant 0 : i32
        %dma_wait3A_348 = arith.constant 0 : i32
        %dma_wait3A_349 = tpu.memref_slice %arg4[%dma_wait3A_347, %dma_wait3A_348] : memref<20000x128xf32, #tpu.memory_space<hbm>> -> memref<100x128xf32, #tpu.memory_space<hbm>>
        tpu.wait_dma2 semaphore(%arg16 : memref<!tpu.dma_semaphore, #tpu.memory_space<semaphore_mem>>) src(%dma_wait3A_349 : memref<100x128xf32, #tpu.memory_space<hbm>>) dst(%arg12 : memref<100x128xf32, #tpu.memory_space<vmem>>)
        %add3A_350 = arith.constant 2 : i32
        %add3A_351 = arith.addi %mul3A_281, %add3A_350 : i32
        %dma_start3A_352 = arith.constant 0 : i32
        %dma_start3A_353 = tpu.memref_slice %arg7[%add3A_351, %dma_start3A_352] : memref<20x100xi32, #tpu.memory_space<vmem>> -> memref<1x100xi32, #tpu.memory_space<vmem>>
        %dma_start3A_354 = tpu.memref_squeeze %dma_start3A_353 : memref<1x100xi32, #tpu.memory_space<vmem>> -> memref<100xi32, #tpu.memory_space<vmem>>
        %dma_start3A_355 = arith.constant 0 : i32
        %dma_start3A_356 = arith.constant 0 : i32
        %dma_start3A_357 = tpu.memref_slice %arg13[%dma_start3A_355, %dma_start3A_356] : memref<10000x128xf32, #tpu.memory_space<vmem_shared>> -> memref<10000x128xf32, #tpu.memory_space<vmem_shared>>
        tpu.enqueue_indirect_dma source(%arg12 : memref<100x128xf32, #tpu.memory_space<vmem>>) target(%dma_start3A_357 : memref<10000x128xf32, #tpu.memory_space<vmem_shared>>) offsets(%dma_start3A_354 : memref<100xi32, #tpu.memory_space<vmem>>) semaphore(%arg19 : memref<!tpu.dma_semaphore, #tpu.memory_space<semaphore_mem>>) {add = true}
        %dma_wait3A_358 = arith.constant 0 : i32
        %dma_wait3A_359 = arith.constant 0 : i32
        %dma_wait3A_360 = tpu.memref_slice %arg13[%dma_wait3A_358, %dma_wait3A_359] : memref<10000x128xf32, #tpu.memory_space<vmem_shared>> -> memref<100x128xf32, #tpu.memory_space<vmem_shared>>
        %dma_wait3A_361 = arith.constant 0 : i32
        %dma_wait3A_362 = arith.constant 0 : i32
        %dma_wait3A_363 = tpu.memref_slice %arg13[%dma_wait3A_361, %dma_wait3A_362] : memref<10000x128xf32, #tpu.memory_space<vmem_shared>> -> memref<100x128xf32, #tpu.memory_space<vmem_shared>>
        tpu.wait_dma2 semaphore(%arg19 : memref<!tpu.dma_semaphore, #tpu.memory_space<semaphore_mem>>) src(%arg12 : memref<100x128xf32, #tpu.memory_space<vmem>>) dst(%dma_wait3A_363 : memref<100x128xf32, #tpu.memory_space<vmem_shared>>)
      }
      %scan3A_105 = arith.constant 6 : i32
      %dma_wait3A_106 = arith.constant 0 : i32
      %dma_wait3A_107 = arith.constant 0 : i32
      %dma_wait3A_108 = tpu.memref_slice %arg4[%dma_wait3A_106, %dma_wait3A_107] : memref<20000x128xf32, #tpu.memory_space<hbm>> -> memref<100x128xf32, #tpu.memory_space<hbm>>
      %dma_wait3A_109 = arith.constant 0 : i32
      %dma_wait3A_110 = arith.constant 0 : i32
      %dma_wait3A_111 = tpu.memref_slice %arg4[%dma_wait3A_109, %dma_wait3A_110] : memref<20000x128xf32, #tpu.memory_space<hbm>> -> memref<100x128xf32, #tpu.memory_space<hbm>>
      tpu.wait_dma2 semaphore(%arg14 : memref<!tpu.dma_semaphore, #tpu.memory_space<semaphore_mem>>) src(%dma_wait3A_111 : memref<100x128xf32, #tpu.memory_space<hbm>>) dst(%arg10 : memref<100x128xf32, #tpu.memory_space<vmem>>)
      %dma_start3A_112 = arith.constant 18 : i32
      %dma_start3A_113 = arith.constant 0 : i32
      %dma_start3A_114 = tpu.memref_slice %arg7[%dma_start3A_112, %dma_start3A_113] : memref<20x100xi32, #tpu.memory_space<vmem>> -> memref<1x100xi32, #tpu.memory_space<vmem>>
      %dma_start3A_115 = tpu.memref_squeeze %dma_start3A_114 : memref<1x100xi32, #tpu.memory_space<vmem>> -> memref<100xi32, #tpu.memory_space<vmem>>
      %dma_start3A_116 = arith.constant 0 : i32
      %dma_start3A_117 = arith.constant 0 : i32
      %dma_start3A_118 = tpu.memref_slice %arg13[%dma_start3A_116, %dma_start3A_117] : memref<10000x128xf32, #tpu.memory_space<vmem_shared>> -> memref<10000x128xf32, #tpu.memory_space<vmem_shared>>
      tpu.enqueue_indirect_dma source(%arg10 : memref<100x128xf32, #tpu.memory_space<vmem>>) target(%dma_start3A_118 : memref<10000x128xf32, #tpu.memory_space<vmem_shared>>) offsets(%dma_start3A_115 : memref<100xi32, #tpu.memory_space<vmem>>) semaphore(%arg17 : memref<!tpu.dma_semaphore, #tpu.memory_space<semaphore_mem>>) {add = true}
      %dma_wait3A_119 = arith.constant 0 : i32
      %dma_wait3A_120 = arith.constant 0 : i32
      %dma_wait3A_121 = tpu.memref_slice %arg2[%dma_wait3A_119, %dma_wait3A_120] : memref<6400x100xi32, #tpu.memory_space<hbm>> -> memref<20x100xi32, #tpu.memory_space<hbm>>
      %dma_wait3A_122 = arith.constant 0 : i32
      %dma_wait3A_123 = arith.constant 0 : i32
      %dma_wait3A_124 = tpu.memref_slice %arg2[%dma_wait3A_122, %dma_wait3A_123] : memref<6400x100xi32, #tpu.memory_space<hbm>> -> memref<20x100xi32, #tpu.memory_space<hbm>>
      tpu.wait_dma2 semaphore(%arg21 : memref<!tpu.dma_semaphore, #tpu.memory_space<semaphore_mem>>) src(%dma_wait3A_124 : memref<20x100xi32, #tpu.memory_space<hbm>>) dst(%arg8 : memref<20x100xi32, #tpu.memory_space<vmem>>)
      %dma_wait3A_125 = arith.constant 0 : i32
      %dma_wait3A_126 = arith.constant 0 : i32
      %dma_wait3A_127 = tpu.memref_slice %arg3[%dma_wait3A_125, %dma_wait3A_126] : memref<3200x100xi32, #tpu.memory_space<hbm>> -> memref<20x100xi32, #tpu.memory_space<hbm>>
      %dma_wait3A_128 = arith.constant 0 : i32
      %dma_wait3A_129 = arith.constant 0 : i32
      %dma_wait3A_130 = tpu.memref_slice %arg3[%dma_wait3A_128, %dma_wait3A_129] : memref<3200x100xi32, #tpu.memory_space<hbm>> -> memref<20x100xi32, #tpu.memory_space<hbm>>
      tpu.wait_dma2 semaphore(%arg21 : memref<!tpu.dma_semaphore, #tpu.memory_space<semaphore_mem>>) src(%dma_wait3A_130 : memref<20x100xi32, #tpu.memory_space<hbm>>) dst(%arg9 : memref<20x100xi32, #tpu.memory_space<vmem>>)
      %dma_wait3A_131 = arith.constant 0 : i32
      %dma_wait3A_132 = arith.constant 0 : i32
      %dma_wait3A_133 = tpu.memref_slice %arg4[%dma_wait3A_131, %dma_wait3A_132] : memref<20000x128xf32, #tpu.memory_space<hbm>> -> memref<100x128xf32, #tpu.memory_space<hbm>>
      %dma_wait3A_134 = arith.constant 0 : i32
      %dma_wait3A_135 = arith.constant 0 : i32
      %dma_wait3A_136 = tpu.memref_slice %arg4[%dma_wait3A_134, %dma_wait3A_135] : memref<20000x128xf32, #tpu.memory_space<hbm>> -> memref<100x128xf32, #tpu.memory_space<hbm>>
      tpu.wait_dma2 semaphore(%arg15 : memref<!tpu.dma_semaphore, #tpu.memory_space<semaphore_mem>>) src(%dma_wait3A_136 : memref<100x128xf32, #tpu.memory_space<hbm>>) dst(%arg11 : memref<100x128xf32, #tpu.memory_space<vmem>>)
      %dma_start3A_137 = arith.constant 19 : i32
      %dma_start3A_138 = arith.constant 0 : i32
      %dma_start3A_139 = tpu.memref_slice %arg7[%dma_start3A_137, %dma_start3A_138] : memref<20x100xi32, #tpu.memory_space<vmem>> -> memref<1x100xi32, #tpu.memory_space<vmem>>
      %dma_start3A_140 = tpu.memref_squeeze %dma_start3A_139 : memref<1x100xi32, #tpu.memory_space<vmem>> -> memref<100xi32, #tpu.memory_space<vmem>>
      %dma_start3A_141 = arith.constant 0 : i32
      %dma_start3A_142 = arith.constant 0 : i32
      %dma_start3A_143 = tpu.memref_slice %arg13[%dma_start3A_141, %dma_start3A_142] : memref<10000x128xf32, #tpu.memory_space<vmem_shared>> -> memref<10000x128xf32, #tpu.memory_space<vmem_shared>>
      tpu.enqueue_indirect_dma source(%arg11 : memref<100x128xf32, #tpu.memory_space<vmem>>) target(%dma_start3A_143 : memref<10000x128xf32, #tpu.memory_space<vmem_shared>>) offsets(%dma_start3A_140 : memref<100xi32, #tpu.memory_space<vmem>>) semaphore(%arg18 : memref<!tpu.dma_semaphore, #tpu.memory_space<semaphore_mem>>) {add = true}
      %dma_wait3A_144 = arith.constant 0 : i32
      %dma_wait3A_145 = arith.constant 0 : i32
      %dma_wait3A_146 = tpu.memref_slice %arg13[%dma_wait3A_144, %dma_wait3A_145] : memref<10000x128xf32, #tpu.memory_space<vmem_shared>> -> memref<100x128xf32, #tpu.memory_space<vmem_shared>>
      %dma_wait3A_147 = arith.constant 0 : i32
      %dma_wait3A_148 = arith.constant 0 : i32
      %dma_wait3A_149 = tpu.memref_slice %arg13[%dma_wait3A_147, %dma_wait3A_148] : memref<10000x128xf32, #tpu.memory_space<vmem_shared>> -> memref<100x128xf32, #tpu.memory_space<vmem_shared>>
      tpu.wait_dma2 semaphore(%arg17 : memref<!tpu.dma_semaphore, #tpu.memory_space<semaphore_mem>>) src(%arg10 : memref<100x128xf32, #tpu.memory_space<vmem>>) dst(%dma_wait3A_149 : memref<100x128xf32, #tpu.memory_space<vmem_shared>>)
      %dma_start3A_150 = arith.constant 0 : i32
      %dma_start3A_151 = arith.constant 0 : i32
      %dma_start3A_152 = tpu.memref_slice %arg8[%dma_start3A_150, %dma_start3A_151] : memref<20x100xi32, #tpu.memory_space<vmem>> -> memref<1x100xi32, #tpu.memory_space<vmem>>
      %dma_start3A_153 = tpu.memref_squeeze %dma_start3A_152 : memref<1x100xi32, #tpu.memory_space<vmem>> -> memref<100xi32, #tpu.memory_space<vmem>>
      %dma_start3A_154 = arith.constant 0 : i32
      %dma_start3A_155 = arith.constant 0 : i32
      %dma_start3A_156 = tpu.memref_slice %arg4[%dma_start3A_154, %dma_start3A_155] : memref<20000x128xf32, #tpu.memory_space<hbm>> -> memref<20000x128xf32, #tpu.memory_space<hbm>>
      tpu.enqueue_indirect_dma source(%dma_start3A_156 : memref<20000x128xf32, #tpu.memory_space<hbm>>) target(%arg10 : memref<100x128xf32, #tpu.memory_space<vmem>>) offsets(%dma_start3A_153 : memref<100xi32, #tpu.memory_space<vmem>>) semaphore(%arg14 : memref<!tpu.dma_semaphore, #tpu.memory_space<semaphore_mem>>)
      %dma_wait3A_157 = arith.constant 0 : i32
      %dma_wait3A_158 = arith.constant 0 : i32
      %dma_wait3A_159 = tpu.memref_slice %arg13[%dma_wait3A_157, %dma_wait3A_158] : memref<10000x128xf32, #tpu.memory_space<vmem_shared>> -> memref<100x128xf32, #tpu.memory_space<vmem_shared>>
      %dma_wait3A_160 = arith.constant 0 : i32
      %dma_wait3A_161 = arith.constant 0 : i32
      %dma_wait3A_162 = tpu.memref_slice %arg13[%dma_wait3A_160, %dma_wait3A_161] : memref<10000x128xf32, #tpu.memory_space<vmem_shared>> -> memref<100x128xf32, #tpu.memory_space<vmem_shared>>
      tpu.wait_dma2 semaphore(%arg18 : memref<!tpu.dma_semaphore, #tpu.memory_space<semaphore_mem>>) src(%arg11 : memref<100x128xf32, #tpu.memory_space<vmem>>) dst(%dma_wait3A_162 : memref<100x128xf32, #tpu.memory_space<vmem_shared>>)
      %dma_start3A_163 = arith.constant 1 : i32
      %dma_start3A_164 = arith.constant 0 : i32
      %dma_start3A_165 = tpu.memref_slice %arg8[%dma_start3A_163, %dma_start3A_164] : memref<20x100xi32, #tpu.memory_space<vmem>> -> memref<1x100xi32, #tpu.memory_space<vmem>>
      %dma_start3A_166 = tpu.memref_squeeze %dma_start3A_165 : memref<1x100xi32, #tpu.memory_space<vmem>> -> memref<100xi32, #tpu.memory_space<vmem>>
      %dma_start3A_167 = arith.constant 0 : i32
      %dma_start3A_168 = arith.constant 0 : i32
      %dma_start3A_169 = tpu.memref_slice %arg4[%dma_start3A_167, %dma_start3A_168] : memref<20000x128xf32, #tpu.memory_space<hbm>> -> memref<20000x128xf32, #tpu.memory_space<hbm>>
      tpu.enqueue_indirect_dma source(%dma_start3A_169 : memref<20000x128xf32, #tpu.memory_space<hbm>>) target(%arg11 : memref<100x128xf32, #tpu.memory_space<vmem>>) offsets(%dma_start3A_166 : memref<100xi32, #tpu.memory_space<vmem>>) semaphore(%arg15 : memref<!tpu.dma_semaphore, #tpu.memory_space<semaphore_mem>>)
      %mul3A_170 = arith.constant 2 : i32
      %mul3A_171 = arith.muli %mul3A_170, %scan3A_99 : i32
      %add3A_172 = arith.constant 2 : i32
      %add3A_173 = arith.addi %mul3A_171, %add3A_172 : i32
      %min3A = arith.constant 9 : i32
      %min3A_174 = arith.minsi %add3A_173, %min3A : i32
      %mul3A_175 = arith.constant 20 : i32
      %mul3A_176 = arith.muli %min3A_174, %mul3A_175 : i32
      %add3A_177 = arith.addi %add3A, %mul3A_176 : i32
      %dma_start3A_178 = arith.constant 0 : i32
      %dma_start3A_179 = tpu.memref_slice %arg2[%add3A_177, %dma_start3A_178] : memref<6400x100xi32, #tpu.memory_space<hbm>> -> memref<20x100xi32, #tpu.memory_space<hbm>>
      %dma_start3A_180 = arith.constant 0 : i32
      %dma_start3A_181 = tpu.memref_slice %arg2[%add3A_177, %dma_start3A_180] : memref<6400x100xi32, #tpu.memory_space<hbm>> -> memref<20x100xi32, #tpu.memory_space<hbm>>
      tpu.enqueue_dma source(%dma_start3A_181 : memref<20x100xi32, #tpu.memory_space<hbm>>) target(%arg6 : memref<20x100xi32, #tpu.memory_space<vmem>>) target_semaphore(%arg20 : memref<!tpu.dma_semaphore, #tpu.memory_space<semaphore_mem>>)
      %mul3A_182 = arith.constant 20 : i32
      %mul3A_183 = arith.muli %min3A_174, %mul3A_182 : i32
      %add3A_184 = arith.addi %mul3A_6, %mul3A_183 : i32
      %dma_start3A_185 = arith.constant 0 : i32
      %dma_start3A_186 = tpu.memref_slice %arg3[%add3A_184, %dma_start3A_185] : memref<3200x100xi32, #tpu.memory_space<hbm>> -> memref<20x100xi32, #tpu.memory_space<hbm>>
      %dma_start3A_187 = arith.constant 0 : i32
      %dma_start3A_188 = tpu.memref_slice %arg3[%add3A_184, %dma_start3A_187] : memref<3200x100xi32, #tpu.memory_space<hbm>> -> memref<20x100xi32, #tpu.memory_space<hbm>>
      tpu.enqueue_dma source(%dma_start3A_188 : memref<20x100xi32, #tpu.memory_space<hbm>>) target(%arg7 : memref<20x100xi32, #tpu.memory_space<vmem>>) target_semaphore(%arg20 : memref<!tpu.dma_semaphore, #tpu.memory_space<semaphore_mem>>)
      %scan3A_189 = arith.constant 0 : i32
      %scan3A_190 = arith.constant 0 : i32
      %scan3A_191 = arith.constant 6 : i32
      %scan3A_192 = arith.addi %scan3A_190, %scan3A_191 : i32
      %scan3A_193 = arith.constant 1 : i32
      scf.for %scan3A_279 = %scan3A_190 to %scan3A_192 step %scan3A_193  : i32 {
        %mul3A_280 = arith.constant 3 : i32
        %mul3A_281 = arith.muli %mul3A_280, %scan3A_279 : i32
        %dma_wait3A_282 = arith.constant 0 : i32
        %dma_wait3A_283 = arith.constant 0 : i32
        %dma_wait3A_284 = tpu.memref_slice %arg4[%dma_wait3A_282, %dma_wait3A_283] : memref<20000x128xf32, #tpu.memory_space<hbm>> -> memref<100x128xf32, #tpu.memory_space<hbm>>
        %dma_wait3A_285 = arith.constant 0 : i32
        %dma_wait3A_286 = arith.constant 0 : i32
        %dma_wait3A_287 = tpu.memref_slice %arg4[%dma_wait3A_285, %dma_wait3A_286] : memref<20000x128xf32, #tpu.memory_space<hbm>> -> memref<100x128xf32, #tpu.memory_space<hbm>>
        tpu.wait_dma2 semaphore(%arg14 : memref<!tpu.dma_semaphore, #tpu.memory_space<semaphore_mem>>) src(%dma_wait3A_287 : memref<100x128xf32, #tpu.memory_space<hbm>>) dst(%arg10 : memref<100x128xf32, #tpu.memory_space<vmem>>)
        %dma_start3A_288 = arith.constant 0 : i32
        %dma_start3A_289 = tpu.memref_slice %arg9[%mul3A_281, %dma_start3A_288] : memref<20x100xi32, #tpu.memory_space<vmem>> -> memref<1x100xi32, #tpu.memory_space<vmem>>
        %dma_start3A_290 = tpu.memref_squeeze %dma_start3A_289 : memref<1x100xi32, #tpu.memory_space<vmem>> -> memref<100xi32, #tpu.memory_space<vmem>>
        %dma_start3A_291 = arith.constant 0 : i32
        %dma_start3A_292 = arith.constant 0 : i32
        %dma_start3A_293 = tpu.memref_slice %arg13[%dma_start3A_291, %dma_start3A_292] : memref<10000x128xf32, #tpu.memory_space<vmem_shared>> -> memref<10000x128xf32, #tpu.memory_space<vmem_shared>>
        tpu.enqueue_indirect_dma source(%arg10 : memref<100x128xf32, #tpu.memory_space<vmem>>) target(%dma_start3A_293 : memref<10000x128xf32, #tpu.memory_space<vmem_shared>>) offsets(%dma_start3A_290 : memref<100xi32, #tpu.memory_space<vmem>>) semaphore(%arg17 : memref<!tpu.dma_semaphore, #tpu.memory_space<semaphore_mem>>) {add = true}
        %add3A_294 = arith.constant 2 : i32
        %add3A_295 = arith.addi %mul3A_281, %add3A_294 : i32
        %dma_start3A_296 = arith.constant 0 : i32
        %dma_start3A_297 = tpu.memref_slice %arg8[%add3A_295, %dma_start3A_296] : memref<20x100xi32, #tpu.memory_space<vmem>> -> memref<1x100xi32, #tpu.memory_space<vmem>>
        %dma_start3A_298 = tpu.memref_squeeze %dma_start3A_297 : memref<1x100xi32, #tpu.memory_space<vmem>> -> memref<100xi32, #tpu.memory_space<vmem>>
        %dma_start3A_299 = arith.constant 0 : i32
        %dma_start3A_300 = arith.constant 0 : i32
        %dma_start3A_301 = tpu.memref_slice %arg4[%dma_start3A_299, %dma_start3A_300] : memref<20000x128xf32, #tpu.memory_space<hbm>> -> memref<20000x128xf32, #tpu.memory_space<hbm>>
        tpu.enqueue_indirect_dma source(%dma_start3A_301 : memref<20000x128xf32, #tpu.memory_space<hbm>>) target(%arg12 : memref<100x128xf32, #tpu.memory_space<vmem>>) offsets(%dma_start3A_298 : memref<100xi32, #tpu.memory_space<vmem>>) semaphore(%arg16 : memref<!tpu.dma_semaphore, #tpu.memory_space<semaphore_mem>>)
        %dma_wait3A_302 = arith.constant 0 : i32
        %dma_wait3A_303 = arith.constant 0 : i32
        %dma_wait3A_304 = tpu.memref_slice %arg4[%dma_wait3A_302, %dma_wait3A_303] : memref<20000x128xf32, #tpu.memory_space<hbm>> -> memref<100x128xf32, #tpu.memory_space<hbm>>
        %dma_wait3A_305 = arith.constant 0 : i32
        %dma_wait3A_306 = arith.constant 0 : i32
        %dma_wait3A_307 = tpu.memref_slice %arg4[%dma_wait3A_305, %dma_wait3A_306] : memref<20000x128xf32, #tpu.memory_space<hbm>> -> memref<100x128xf32, #tpu.memory_space<hbm>>
        tpu.wait_dma2 semaphore(%arg15 : memref<!tpu.dma_semaphore, #tpu.memory_space<semaphore_mem>>) src(%dma_wait3A_307 : memref<100x128xf32, #tpu.memory_space<hbm>>) dst(%arg11 : memref<100x128xf32, #tpu.memory_space<vmem>>)
        %dma_wait3A_308 = arith.constant 0 : i32
        %dma_wait3A_309 = arith.constant 0 : i32
        %dma_wait3A_310 = tpu.memref_slice %arg13[%dma_wait3A_308, %dma_wait3A_309] : memref<10000x128xf32, #tpu.memory_space<vmem_shared>> -> memref<100x128xf32, #tpu.memory_space<vmem_shared>>
        %dma_wait3A_311 = arith.constant 0 : i32
        %dma_wait3A_312 = arith.constant 0 : i32
        %dma_wait3A_313 = tpu.memref_slice %arg13[%dma_wait3A_311, %dma_wait3A_312] : memref<10000x128xf32, #tpu.memory_space<vmem_shared>> -> memref<100x128xf32, #tpu.memory_space<vmem_shared>>
        tpu.wait_dma2 semaphore(%arg17 : memref<!tpu.dma_semaphore, #tpu.memory_space<semaphore_mem>>) src(%arg10 : memref<100x128xf32, #tpu.memory_space<vmem>>) dst(%dma_wait3A_313 : memref<100x128xf32, #tpu.memory_space<vmem_shared>>)
        %add3A_314 = arith.constant 3 : i32
        %add3A_315 = arith.addi %mul3A_281, %add3A_314 : i32
        %dma_start3A_316 = arith.constant 0 : i32
        %dma_start3A_317 = tpu.memref_slice %arg8[%add3A_315, %dma_start3A_316] : memref<20x100xi32, #tpu.memory_space<vmem>> -> memref<1x100xi32, #tpu.memory_space<vmem>>
        %dma_start3A_318 = tpu.memref_squeeze %dma_start3A_317 : memref<1x100xi32, #tpu.memory_space<vmem>> -> memref<100xi32, #tpu.memory_space<vmem>>
        %dma_start3A_319 = arith.constant 0 : i32
        %dma_start3A_320 = arith.constant 0 : i32
        %dma_start3A_321 = tpu.memref_slice %arg4[%dma_start3A_319, %dma_start3A_320] : memref<20000x128xf32, #tpu.memory_space<hbm>> -> memref<20000x128xf32, #tpu.memory_space<hbm>>
        tpu.enqueue_indirect_dma source(%dma_start3A_321 : memref<20000x128xf32, #tpu.memory_space<hbm>>) target(%arg10 : memref<100x128xf32, #tpu.memory_space<vmem>>) offsets(%dma_start3A_318 : memref<100xi32, #tpu.memory_space<vmem>>) semaphore(%arg14 : memref<!tpu.dma_semaphore, #tpu.memory_space<semaphore_mem>>)
        %add3A_322 = arith.constant 1 : i32
        %add3A_323 = arith.addi %mul3A_281, %add3A_322 : i32
        %dma_start3A_324 = arith.constant 0 : i32
        %dma_start3A_325 = tpu.memref_slice %arg9[%add3A_323, %dma_start3A_324] : memref<20x100xi32, #tpu.memory_space<vmem>> -> memref<1x100xi32, #tpu.memory_space<vmem>>
        %dma_start3A_326 = tpu.memref_squeeze %dma_start3A_325 : memref<1x100xi32, #tpu.memory_space<vmem>> -> memref<100xi32, #tpu.memory_space<vmem>>
        %dma_start3A_327 = arith.constant 0 : i32
        %dma_start3A_328 = arith.constant 0 : i32
        %dma_start3A_329 = tpu.memref_slice %arg13[%dma_start3A_327, %dma_start3A_328] : memref<10000x128xf32, #tpu.memory_space<vmem_shared>> -> memref<10000x128xf32, #tpu.memory_space<vmem_shared>>
        tpu.enqueue_indirect_dma source(%arg11 : memref<100x128xf32, #tpu.memory_space<vmem>>) target(%dma_start3A_329 : memref<10000x128xf32, #tpu.memory_space<vmem_shared>>) offsets(%dma_start3A_326 : memref<100xi32, #tpu.memory_space<vmem>>) semaphore(%arg18 : memref<!tpu.dma_semaphore, #tpu.memory_space<semaphore_mem>>) {add = true}
        %dma_wait3A_330 = arith.constant 0 : i32
        %dma_wait3A_331 = arith.constant 0 : i32
        %dma_wait3A_332 = tpu.memref_slice %arg13[%dma_wait3A_330, %dma_wait3A_331] : memref<10000x128xf32, #tpu.memory_space<vmem_shared>> -> memref<100x128xf32, #tpu.memory_space<vmem_shared>>
        %dma_wait3A_333 = arith.constant 0 : i32
        %dma_wait3A_334 = arith.constant 0 : i32
        %dma_wait3A_335 = tpu.memref_slice %arg13[%dma_wait3A_333, %dma_wait3A_334] : memref<10000x128xf32, #tpu.memory_space<vmem_shared>> -> memref<100x128xf32, #tpu.memory_space<vmem_shared>>
        tpu.wait_dma2 semaphore(%arg18 : memref<!tpu.dma_semaphore, #tpu.memory_space<semaphore_mem>>) src(%arg11 : memref<100x128xf32, #tpu.memory_space<vmem>>) dst(%dma_wait3A_335 : memref<100x128xf32, #tpu.memory_space<vmem_shared>>)
        %add3A_336 = arith.constant 4 : i32
        %add3A_337 = arith.addi %mul3A_281, %add3A_336 : i32
        %dma_start3A_338 = arith.constant 0 : i32
        %dma_start3A_339 = tpu.memref_slice %arg8[%add3A_337, %dma_start3A_338] : memref<20x100xi32, #tpu.memory_space<vmem>> -> memref<1x100xi32, #tpu.memory_space<vmem>>
        %dma_start3A_340 = tpu.memref_squeeze %dma_start3A_339 : memref<1x100xi32, #tpu.memory_space<vmem>> -> memref<100xi32, #tpu.memory_space<vmem>>
        %dma_start3A_341 = arith.constant 0 : i32
        %dma_start3A_342 = arith.constant 0 : i32
        %dma_start3A_343 = tpu.memref_slice %arg4[%dma_start3A_341, %dma_start3A_342] : memref<20000x128xf32, #tpu.memory_space<hbm>> -> memref<20000x128xf32, #tpu.memory_space<hbm>>
        tpu.enqueue_indirect_dma source(%dma_start3A_343 : memref<20000x128xf32, #tpu.memory_space<hbm>>) target(%arg11 : memref<100x128xf32, #tpu.memory_space<vmem>>) offsets(%dma_start3A_340 : memref<100xi32, #tpu.memory_space<vmem>>) semaphore(%arg15 : memref<!tpu.dma_semaphore, #tpu.memory_space<semaphore_mem>>)
        %dma_wait3A_344 = arith.constant 0 : i32
        %dma_wait3A_345 = arith.constant 0 : i32
        %dma_wait3A_346 = tpu.memref_slice %arg4[%dma_wait3A_344, %dma_wait3A_345] : memref<20000x128xf32, #tpu.memory_space<hbm>> -> memref<100x128xf32, #tpu.memory_space<hbm>>
        %dma_wait3A_347 = arith.constant 0 : i32
        %dma_wait3A_348 = arith.constant 0 : i32
        %dma_wait3A_349 = tpu.memref_slice %arg4[%dma_wait3A_347, %dma_wait3A_348] : memref<20000x128xf32, #tpu.memory_space<hbm>> -> memref<100x128xf32, #tpu.memory_space<hbm>>
        tpu.wait_dma2 semaphore(%arg16 : memref<!tpu.dma_semaphore, #tpu.memory_space<semaphore_mem>>) src(%dma_wait3A_349 : memref<100x128xf32, #tpu.memory_space<hbm>>) dst(%arg12 : memref<100x128xf32, #tpu.memory_space<vmem>>)
        %add3A_350 = arith.constant 2 : i32
        %add3A_351 = arith.addi %mul3A_281, %add3A_350 : i32
        %dma_start3A_352 = arith.constant 0 : i32
        %dma_start3A_353 = tpu.memref_slice %arg9[%add3A_351, %dma_start3A_352] : memref<20x100xi32, #tpu.memory_space<vmem>> -> memref<1x100xi32, #tpu.memory_space<vmem>>
        %dma_start3A_354 = tpu.memref_squeeze %dma_start3A_353 : memref<1x100xi32, #tpu.memory_space<vmem>> -> memref<100xi32, #tpu.memory_space<vmem>>
        %dma_start3A_355 = arith.constant 0 : i32
        %dma_start3A_356 = arith.constant 0 : i32
        %dma_start3A_357 = tpu.memref_slice %arg13[%dma_start3A_355, %dma_start3A_356] : memref<10000x128xf32, #tpu.memory_space<vmem_shared>> -> memref<10000x128xf32, #tpu.memory_space<vmem_shared>>
        tpu.enqueue_indirect_dma source(%arg12 : memref<100x128xf32, #tpu.memory_space<vmem>>) target(%dma_start3A_357 : memref<10000x128xf32, #tpu.memory_space<vmem_shared>>) offsets(%dma_start3A_354 : memref<100xi32, #tpu.memory_space<vmem>>) semaphore(%arg19 : memref<!tpu.dma_semaphore, #tpu.memory_space<semaphore_mem>>) {add = true}
        %dma_wait3A_358 = arith.constant 0 : i32
        %dma_wait3A_359 = arith.constant 0 : i32
        %dma_wait3A_360 = tpu.memref_slice %arg13[%dma_wait3A_358, %dma_wait3A_359] : memref<10000x128xf32, #tpu.memory_space<vmem_shared>> -> memref<100x128xf32, #tpu.memory_space<vmem_shared>>
        %dma_wait3A_361 = arith.constant 0 : i32
        %dma_wait3A_362 = arith.constant 0 : i32
        %dma_wait3A_363 = tpu.memref_slice %arg13[%dma_wait3A_361, %dma_wait3A_362] : memref<10000x128xf32, #tpu.memory_space<vmem_shared>> -> memref<100x128xf32, #tpu.memory_space<vmem_shared>>
        tpu.wait_dma2 semaphore(%arg19 : memref<!tpu.dma_semaphore, #tpu.memory_space<semaphore_mem>>) src(%arg12 : memref<100x128xf32, #tpu.memory_space<vmem>>) dst(%dma_wait3A_363 : memref<100x128xf32, #tpu.memory_space<vmem_shared>>)
      }
      %scan3A_194 = arith.constant 6 : i32
      %dma_wait3A_195 = arith.constant 0 : i32
      %dma_wait3A_196 = arith.constant 0 : i32
      %dma_wait3A_197 = tpu.memref_slice %arg4[%dma_wait3A_195, %dma_wait3A_196] : memref<20000x128xf32, #tpu.memory_space<hbm>> -> memref<100x128xf32, #tpu.memory_space<hbm>>
      %dma_wait3A_198 = arith.constant 0 : i32
      %dma_wait3A_199 = arith.constant 0 : i32
      %dma_wait3A_200 = tpu.memref_slice %arg4[%dma_wait3A_198, %dma_wait3A_199] : memref<20000x128xf32, #tpu.memory_space<hbm>> -> memref<100x128xf32, #tpu.memory_space<hbm>>
      tpu.wait_dma2 semaphore(%arg14 : memref<!tpu.dma_semaphore, #tpu.memory_space<semaphore_mem>>) src(%dma_wait3A_200 : memref<100x128xf32, #tpu.memory_space<hbm>>) dst(%arg10 : memref<100x128xf32, #tpu.memory_space<vmem>>)
      %dma_start3A_201 = arith.constant 18 : i32
      %dma_start3A_202 = arith.constant 0 : i32
      %dma_start3A_203 = tpu.memref_slice %arg9[%dma_start3A_201, %dma_start3A_202] : memref<20x100xi32, #tpu.memory_space<vmem>> -> memref<1x100xi32, #tpu.memory_space<vmem>>
      %dma_start3A_204 = tpu.memref_squeeze %dma_start3A_203 : memref<1x100xi32, #tpu.memory_space<vmem>> -> memref<100xi32, #tpu.memory_space<vmem>>
      %dma_start3A_205 = arith.constant 0 : i32
      %dma_start3A_206 = arith.constant 0 : i32
      %dma_start3A_207 = tpu.memref_slice %arg13[%dma_start3A_205, %dma_start3A_206] : memref<10000x128xf32, #tpu.memory_space<vmem_shared>> -> memref<10000x128xf32, #tpu.memory_space<vmem_shared>>
      tpu.enqueue_indirect_dma source(%arg10 : memref<100x128xf32, #tpu.memory_space<vmem>>) target(%dma_start3A_207 : memref<10000x128xf32, #tpu.memory_space<vmem_shared>>) offsets(%dma_start3A_204 : memref<100xi32, #tpu.memory_space<vmem>>) semaphore(%arg17 : memref<!tpu.dma_semaphore, #tpu.memory_space<semaphore_mem>>) {add = true}
      %dma_wait3A_208 = arith.constant 0 : i32
      %dma_wait3A_209 = arith.constant 0 : i32
      %dma_wait3A_210 = tpu.memref_slice %arg2[%dma_wait3A_208, %dma_wait3A_209] : memref<6400x100xi32, #tpu.memory_space<hbm>> -> memref<20x100xi32, #tpu.memory_space<hbm>>
      %dma_wait3A_211 = arith.constant 0 : i32
      %dma_wait3A_212 = arith.constant 0 : i32
      %dma_wait3A_213 = tpu.memref_slice %arg2[%dma_wait3A_211, %dma_wait3A_212] : memref<6400x100xi32, #tpu.memory_space<hbm>> -> memref<20x100xi32, #tpu.memory_space<hbm>>
      tpu.wait_dma2 semaphore(%arg20 : memref<!tpu.dma_semaphore, #tpu.memory_space<semaphore_mem>>) src(%dma_wait3A_213 : memref<20x100xi32, #tpu.memory_space<hbm>>) dst(%arg6 : memref<20x100xi32, #tpu.memory_space<vmem>>)
      %dma_wait3A_214 = arith.constant 0 : i32
      %dma_wait3A_215 = arith.constant 0 : i32
      %dma_wait3A_216 = tpu.memref_slice %arg3[%dma_wait3A_214, %dma_wait3A_215] : memref<3200x100xi32, #tpu.memory_space<hbm>> -> memref<20x100xi32, #tpu.memory_space<hbm>>
      %dma_wait3A_217 = arith.constant 0 : i32
      %dma_wait3A_218 = arith.constant 0 : i32
      %dma_wait3A_219 = tpu.memref_slice %arg3[%dma_wait3A_217, %dma_wait3A_218] : memref<3200x100xi32, #tpu.memory_space<hbm>> -> memref<20x100xi32, #tpu.memory_space<hbm>>
      tpu.wait_dma2 semaphore(%arg20 : memref<!tpu.dma_semaphore, #tpu.memory_space<semaphore_mem>>) src(%dma_wait3A_219 : memref<20x100xi32, #tpu.memory_space<hbm>>) dst(%arg7 : memref<20x100xi32, #tpu.memory_space<vmem>>)
      %dma_wait3A_220 = arith.constant 0 : i32
      %dma_wait3A_221 = arith.constant 0 : i32
      %dma_wait3A_222 = tpu.memref_slice %arg4[%dma_wait3A_220, %dma_wait3A_221] : memref<20000x128xf32, #tpu.memory_space<hbm>> -> memref<100x128xf32, #tpu.memory_space<hbm>>
      %dma_wait3A_223 = arith.constant 0 : i32
      %dma_wait3A_224 = arith.constant 0 : i32
      %dma_wait3A_225 = tpu.memref_slice %arg4[%dma_wait3A_223, %dma_wait3A_224] : memref<20000x128xf32, #tpu.memory_space<hbm>> -> memref<100x128xf32, #tpu.memory_space<hbm>>
      tpu.wait_dma2 semaphore(%arg15 : memref<!tpu.dma_semaphore, #tpu.memory_space<semaphore_mem>>) src(%dma_wait3A_225 : memref<100x128xf32, #tpu.memory_space<hbm>>) dst(%arg11 : memref<100x128xf32, #tpu.memory_space<vmem>>)
      %dma_start3A_226 = arith.constant 19 : i32
      %dma_start3A_227 = arith.constant 0 : i32
      %dma_start3A_228 = tpu.memref_slice %arg9[%dma_start3A_226, %dma_start3A_227] : memref<20x100xi32, #tpu.memory_space<vmem>> -> memref<1x100xi32, #tpu.memory_space<vmem>>
      %dma_start3A_229 = tpu.memref_squeeze %dma_start3A_228 : memref<1x100xi32, #tpu.memory_space<vmem>> -> memref<100xi32, #tpu.memory_space<vmem>>
      %dma_start3A_230 = arith.constant 0 : i32
      %dma_start3A_231 = arith.constant 0 : i32
      %dma_start3A_232 = tpu.memref_slice %arg13[%dma_start3A_230, %dma_start3A_231] : memref<10000x128xf32, #tpu.memory_space<vmem_shared>> -> memref<10000x128xf32, #tpu.memory_space<vmem_shared>>
      tpu.enqueue_indirect_dma source(%arg11 : memref<100x128xf32, #tpu.memory_space<vmem>>) target(%dma_start3A_232 : memref<10000x128xf32, #tpu.memory_space<vmem_shared>>) offsets(%dma_start3A_229 : memref<100xi32, #tpu.memory_space<vmem>>) semaphore(%arg18 : memref<!tpu.dma_semaphore, #tpu.memory_space<semaphore_mem>>) {add = true}
      %dma_wait3A_233 = arith.constant 0 : i32
      %dma_wait3A_234 = arith.constant 0 : i32
      %dma_wait3A_235 = tpu.memref_slice %arg13[%dma_wait3A_233, %dma_wait3A_234] : memref<10000x128xf32, #tpu.memory_space<vmem_shared>> -> memref<100x128xf32, #tpu.memory_space<vmem_shared>>
      %dma_wait3A_236 = arith.constant 0 : i32
      %dma_wait3A_237 = arith.constant 0 : i32
      %dma_wait3A_238 = tpu.memref_slice %arg13[%dma_wait3A_236, %dma_wait3A_237] : memref<10000x128xf32, #tpu.memory_space<vmem_shared>> -> memref<100x128xf32, #tpu.memory_space<vmem_shared>>
      tpu.wait_dma2 semaphore(%arg17 : memref<!tpu.dma_semaphore, #tpu.memory_space<semaphore_mem>>) src(%arg10 : memref<100x128xf32, #tpu.memory_space<vmem>>) dst(%dma_wait3A_238 : memref<100x128xf32, #tpu.memory_space<vmem_shared>>)
      %dma_start3A_239 = arith.constant 0 : i32
      %dma_start3A_240 = arith.constant 0 : i32
      %dma_start3A_241 = tpu.memref_slice %arg6[%dma_start3A_239, %dma_start3A_240] : memref<20x100xi32, #tpu.memory_space<vmem>> -> memref<1x100xi32, #tpu.memory_space<vmem>>
      %dma_start3A_242 = tpu.memref_squeeze %dma_start3A_241 : memref<1x100xi32, #tpu.memory_space<vmem>> -> memref<100xi32, #tpu.memory_space<vmem>>
      %dma_start3A_243 = arith.constant 0 : i32
      %dma_start3A_244 = arith.constant 0 : i32
      %dma_start3A_245 = tpu.memref_slice %arg4[%dma_start3A_243, %dma_start3A_244] : memref<20000x128xf32, #tpu.memory_space<hbm>> -> memref<20000x128xf32, #tpu.memory_space<hbm>>
      tpu.enqueue_indirect_dma source(%dma_start3A_245 : memref<20000x128xf32, #tpu.memory_space<hbm>>) target(%arg10 : memref<100x128xf32, #tpu.memory_space<vmem>>) offsets(%dma_start3A_242 : memref<100xi32, #tpu.memory_space<vmem>>) semaphore(%arg14 : memref<!tpu.dma_semaphore, #tpu.memory_space<semaphore_mem>>)
      %dma_wait3A_246 = arith.constant 0 : i32
      %dma_wait3A_247 = arith.constant 0 : i32
      %dma_wait3A_248 = tpu.memref_slice %arg13[%dma_wait3A_246, %dma_wait3A_247] : memref<10000x128xf32, #tpu.memory_space<vmem_shared>> -> memref<100x128xf32, #tpu.memory_space<vmem_shared>>
      %dma_wait3A_249 = arith.constant 0 : i32
      %dma_wait3A_250 = arith.constant 0 : i32
      %dma_wait3A_251 = tpu.memref_slice %arg13[%dma_wait3A_249, %dma_wait3A_250] : memref<10000x128xf32, #tpu.memory_space<vmem_shared>> -> memref<100x128xf32, #tpu.memory_space<vmem_shared>>
      tpu.wait_dma2 semaphore(%arg18 : memref<!tpu.dma_semaphore, #tpu.memory_space<semaphore_mem>>) src(%arg11 : memref<100x128xf32, #tpu.memory_space<vmem>>) dst(%dma_wait3A_251 : memref<100x128xf32, #tpu.memory_space<vmem_shared>>)
      %dma_start3A_252 = arith.constant 1 : i32
      %dma_start3A_253 = arith.constant 0 : i32
      %dma_start3A_254 = tpu.memref_slice %arg6[%dma_start3A_252, %dma_start3A_253] : memref<20x100xi32, #tpu.memory_space<vmem>> -> memref<1x100xi32, #tpu.memory_space<vmem>>
      %dma_start3A_255 = tpu.memref_squeeze %dma_start3A_254 : memref<1x100xi32, #tpu.memory_space<vmem>> -> memref<100xi32, #tpu.memory_space<vmem>>
      %dma_start3A_256 = arith.constant 0 : i32
      %dma_start3A_257 = arith.constant 0 : i32
      %dma_start3A_258 = tpu.memref_slice %arg4[%dma_start3A_256, %dma_start3A_257] : memref<20000x128xf32, #tpu.memory_space<hbm>> -> memref<20000x128xf32, #tpu.memory_space<hbm>>
      tpu.enqueue_indirect_dma source(%dma_start3A_258 : memref<20000x128xf32, #tpu.memory_space<hbm>>) target(%arg11 : memref<100x128xf32, #tpu.memory_space<vmem>>) offsets(%dma_start3A_255 : memref<100xi32, #tpu.memory_space<vmem>>) semaphore(%arg15 : memref<!tpu.dma_semaphore, #tpu.memory_space<semaphore_mem>>)
      %mul3A_259 = arith.constant 2 : i32
      %mul3A_260 = arith.muli %mul3A_259, %scan3A_99 : i32
      %add3A_261 = arith.constant 3 : i32
      %add3A_262 = arith.addi %mul3A_260, %add3A_261 : i32
      %min3A_263 = arith.constant 9 : i32
      %min3A_264 = arith.minsi %add3A_262, %min3A_263 : i32
      %mul3A_265 = arith.constant 20 : i32
      %mul3A_266 = arith.muli %min3A_264, %mul3A_265 : i32
      %add3A_267 = arith.addi %add3A, %mul3A_266 : i32
      %dma_start3A_268 = arith.constant 0 : i32
      %dma_start3A_269 = tpu.memref_slice %arg2[%add3A_267, %dma_start3A_268] : memref<6400x100xi32, #tpu.memory_space<hbm>> -> memref<20x100xi32, #tpu.memory_space<hbm>>
      %dma_start3A_270 = arith.constant 0 : i32
      %dma_start3A_271 = tpu.memref_slice %arg2[%add3A_267, %dma_start3A_270] : memref<6400x100xi32, #tpu.memory_space<hbm>> -> memref<20x100xi32, #tpu.memory_space<hbm>>
      tpu.enqueue_dma source(%dma_start3A_271 : memref<20x100xi32, #tpu.memory_space<hbm>>) target(%arg8 : memref<20x100xi32, #tpu.memory_space<vmem>>) target_semaphore(%arg21 : memref<!tpu.dma_semaphore, #tpu.memory_space<semaphore_mem>>)
      %mul3A_272 = arith.constant 20 : i32
      %mul3A_273 = arith.muli %min3A_264, %mul3A_272 : i32
      %add3A_274 = arith.addi %mul3A_6, %mul3A_273 : i32
      %dma_start3A_275 = arith.constant 0 : i32
      %dma_start3A_276 = tpu.memref_slice %arg3[%add3A_274, %dma_start3A_275] : memref<3200x100xi32, #tpu.memory_space<hbm>> -> memref<20x100xi32, #tpu.memory_space<hbm>>
      %dma_start3A_277 = arith.constant 0 : i32
      %dma_start3A_278 = tpu.memref_slice %arg3[%add3A_274, %dma_start3A_277] : memref<3200x100xi32, #tpu.memory_space<hbm>> -> memref<20x100xi32, #tpu.memory_space<hbm>>
      tpu.enqueue_dma source(%dma_start3A_278 : memref<20x100xi32, #tpu.memory_space<hbm>>) target(%arg9 : memref<20x100xi32, #tpu.memory_space<vmem>>) target_semaphore(%arg21 : memref<!tpu.dma_semaphore, #tpu.memory_space<semaphore_mem>>)
    }
    %scan3A_70 = arith.constant 5 : i32
    %dma_wait3A_71 = arith.constant 0 : i32
    %dma_wait3A_72 = arith.constant 0 : i32
    %dma_wait3A_73 = tpu.memref_slice %arg4[%dma_wait3A_71, %dma_wait3A_72] : memref<20000x128xf32, #tpu.memory_space<hbm>> -> memref<100x128xf32, #tpu.memory_space<hbm>>
    %dma_wait3A_74 = arith.constant 0 : i32
    %dma_wait3A_75 = arith.constant 0 : i32
    %dma_wait3A_76 = tpu.memref_slice %arg4[%dma_wait3A_74, %dma_wait3A_75] : memref<20000x128xf32, #tpu.memory_space<hbm>> -> memref<100x128xf32, #tpu.memory_space<hbm>>
    tpu.wait_dma2 semaphore(%arg14 : memref<!tpu.dma_semaphore, #tpu.memory_space<semaphore_mem>>) src(%dma_wait3A_76 : memref<100x128xf32, #tpu.memory_space<hbm>>) dst(%arg10 : memref<100x128xf32, #tpu.memory_space<vmem>>)
    %dma_wait3A_77 = arith.constant 0 : i32
    %dma_wait3A_78 = arith.constant 0 : i32
    %dma_wait3A_79 = tpu.memref_slice %arg4[%dma_wait3A_77, %dma_wait3A_78] : memref<20000x128xf32, #tpu.memory_space<hbm>> -> memref<100x128xf32, #tpu.memory_space<hbm>>
    %dma_wait3A_80 = arith.constant 0 : i32
    %dma_wait3A_81 = arith.constant 0 : i32
    %dma_wait3A_82 = tpu.memref_slice %arg4[%dma_wait3A_80, %dma_wait3A_81] : memref<20000x128xf32, #tpu.memory_space<hbm>> -> memref<100x128xf32, #tpu.memory_space<hbm>>
    tpu.wait_dma2 semaphore(%arg15 : memref<!tpu.dma_semaphore, #tpu.memory_space<semaphore_mem>>) src(%dma_wait3A_82 : memref<100x128xf32, #tpu.memory_space<hbm>>) dst(%arg11 : memref<100x128xf32, #tpu.memory_space<vmem>>)
    %dma_wait3A_83 = arith.constant 0 : i32
    %dma_wait3A_84 = arith.constant 0 : i32
    %dma_wait3A_85 = tpu.memref_slice %arg2[%dma_wait3A_83, %dma_wait3A_84] : memref<6400x100xi32, #tpu.memory_space<hbm>> -> memref<20x100xi32, #tpu.memory_space<hbm>>
    %dma_wait3A_86 = arith.constant 0 : i32
    %dma_wait3A_87 = arith.constant 0 : i32
    %dma_wait3A_88 = tpu.memref_slice %arg2[%dma_wait3A_86, %dma_wait3A_87] : memref<6400x100xi32, #tpu.memory_space<hbm>> -> memref<20x100xi32, #tpu.memory_space<hbm>>
    tpu.wait_dma2 semaphore(%arg21 : memref<!tpu.dma_semaphore, #tpu.memory_space<semaphore_mem>>) src(%dma_wait3A_88 : memref<20x100xi32, #tpu.memory_space<hbm>>) dst(%arg8 : memref<20x100xi32, #tpu.memory_space<vmem>>)
    %dma_wait3A_89 = arith.constant 0 : i32
    %dma_wait3A_90 = arith.constant 0 : i32
    %dma_wait3A_91 = tpu.memref_slice %arg3[%dma_wait3A_89, %dma_wait3A_90] : memref<3200x100xi32, #tpu.memory_space<hbm>> -> memref<20x100xi32, #tpu.memory_space<hbm>>
    %dma_wait3A_92 = arith.constant 0 : i32
    %dma_wait3A_93 = arith.constant 0 : i32
    %dma_wait3A_94 = tpu.memref_slice %arg3[%dma_wait3A_92, %dma_wait3A_93] : memref<3200x100xi32, #tpu.memory_space<hbm>> -> memref<20x100xi32, #tpu.memory_space<hbm>>
    tpu.wait_dma2 semaphore(%arg21 : memref<!tpu.dma_semaphore, #tpu.memory_space<semaphore_mem>>) src(%dma_wait3A_94 : memref<20x100xi32, #tpu.memory_space<hbm>>) dst(%arg9 : memref<20x100xi32, #tpu.memory_space<vmem>>)
    %barrier3A_95 = arith.constant 0 : index
    tpu.barrier barrier_id(%barrier3A_95)
    %mul3A_96 = arith.constant 10000 : i32
    %mul3A_97 = arith.muli %arg0, %mul3A_96 : i32
    %add3A_98 = arith.addi %mul3A_97, %mul3A_0 : i32
    "tpu.region"() ({
      %run_scoped3A = tpu.sem_alloc : memref<!tpu.dma_semaphore, #tpu.memory_space<semaphore_mem>>
      %dma_start3A_99 = arith.constant 0 : i32
      %dma_start3A_100 = tpu.memref_slice %arg5[%add3A_98, %dma_start3A_99] : memref<20000x128xf32, #tpu.memory_space<hbm>> -> memref<625x128xf32, #tpu.memory_space<hbm>>
      %dma_start3A_101 = arith.constant 0 : i32
      %dma_start3A_102 = tpu.memref_slice %arg13[%mul3A_0, %dma_start3A_101] : memref<10000x128xf32, #tpu.memory_space<vmem_shared>> -> memref<625x128xf32, #tpu.memory_space<vmem_shared>>
      tpu.enqueue_dma source(%dma_start3A_102 : memref<625x128xf32, #tpu.memory_space<vmem_shared>>) target(%dma_start3A_100 : memref<625x128xf32, #tpu.memory_space<hbm>>) target_semaphore(%run_scoped3A : memref<!tpu.dma_semaphore, #tpu.memory_space<semaphore_mem>>)
      %dma_wait3A_103 = arith.constant 0 : i32
      %dma_wait3A_104 = tpu.memref_slice %arg5[%add3A_98, %dma_wait3A_103] : memref<20000x128xf32, #tpu.memory_space<hbm>> -> memref<625x128xf32, #tpu.memory_space<hbm>>
      %dma_wait3A_105 = arith.constant 0 : i32
      %dma_wait3A_106 = tpu.memref_slice %arg13[%mul3A_0, %dma_wait3A_105] : memref<10000x128xf32, #tpu.memory_space<vmem_shared>> -> memref<625x128xf32, #tpu.memory_space<vmem_shared>>
      tpu.wait_dma2 semaphore(%run_scoped3A : memref<!tpu.dma_semaphore, #tpu.memory_space<semaphore_mem>>) src(%dma_wait3A_106 : memref<625x128xf32, #tpu.memory_space<vmem_shared>>) dst(%dma_wait3A_104 : memref<625x128xf32, #tpu.memory_space<hbm>>)
      tpu.yield
    }) : () -> ()
    return
  }
}

#map = affine_map<(d0, d1) -> (0)>
#map1 = affine_map<(d0, d1) -> (0, 0)>
module attributes {stable_mosaic.version = 14 : i64} {
  func.func @_deg_kernel(%arg0: i32, %arg1: i32, %arg2: memref<320000xi32, #tpu.memory_space<hbm>>, %arg3: memref<32x10000xf32, #tpu.memory_space<hbm>>, %arg4: memref<10000xi32, #tpu.memory_space<vmem>>, %arg5: memref<10000xf32, #tpu.memory_space<vmem>>) attributes {dimension_semantics = [#tpu.dimension_semantics<core_parallel>, #tpu.dimension_semantics<subcore_parallel>], iteration_bounds = array<i64: 2, 16>, scalar_prefetch = 0 : i64, scratch_operands = 2 : i64, tpu.core_type = #tpu.core_type<sc_vector_subcore>, window_params = [{transform_indices = #map}, {transform_indices = #map1}]} {
    %mul3A = arith.constant 2 : i32
    %mul3A_0 = arith.muli %arg1, %mul3A : i32
    %add3A = arith.addi %mul3A_0, %arg0 : i32
    %broadcast_in_dim3A = arith.constant 0.000000e+00 : f32
    %broadcast_in_dim3A_1 = vector.broadcast %broadcast_in_dim3A : f32 to vector<16xf32>
    %scan3A = arith.constant 0 : i32
    %scan3A_2 = arith.constant 0 : i32
    %scan3A_3 = arith.constant 625 : i32
    %scan3A_4 = arith.addi %scan3A_2, %scan3A_3 : i32
    %scan3A_5 = arith.constant 1 : i32
    scf.for %scan3A_17 = %scan3A_2 to %scan3A_4 step %scan3A_5  : i32 {
      %mul3A_18 = arith.constant 16 : i32
      %mul3A_19 = arith.muli %scan3A_17, %mul3A_18 : i32
      %swap3A = arith.index_cast %mul3A_19 : i32 to index
      %swap3A_20 = tpu.vector_load %arg5[%swap3A] {strides = array<i32>} : memref<10000xf32, #tpu.memory_space<vmem>>, vector<16xf32>,
      tpu.vector_store %arg5[%swap3A], %broadcast_in_dim3A_1 {strides = array<i32>} : memref<10000xf32, #tpu.memory_space<vmem>>, vector<16xf32>,
    }
    %scan3A_6 = arith.constant 625 : i32
    %mul3A_7 = arith.constant 10000 : i32
    %mul3A_8 = arith.muli %add3A, %mul3A_7 : i32
    "tpu.region"() ({
      %run_scoped3A = tpu.sem_alloc : memref<!tpu.dma_semaphore, #tpu.memory_space<semaphore_mem>>
      %dma_start3A = tpu.memref_slice %arg2[%mul3A_8] : memref<320000xi32, #tpu.memory_space<hbm>> -> memref<10000xi32, #tpu.memory_space<hbm>>
      %dma_start3A_17 = tpu.memref_slice %arg2[%mul3A_8] : memref<320000xi32, #tpu.memory_space<hbm>> -> memref<10000xi32, #tpu.memory_space<hbm>>
      tpu.enqueue_dma source(%dma_start3A_17 : memref<10000xi32, #tpu.memory_space<hbm>>) target(%arg4 : memref<10000xi32, #tpu.memory_space<vmem>>) target_semaphore(%run_scoped3A : memref<!tpu.dma_semaphore, #tpu.memory_space<semaphore_mem>>)
      %dma_wait3A = tpu.memref_slice %arg2[%mul3A_8] : memref<320000xi32, #tpu.memory_space<hbm>> -> memref<10000xi32, #tpu.memory_space<hbm>>
      %dma_wait3A_18 = tpu.memref_slice %arg2[%mul3A_8] : memref<320000xi32, #tpu.memory_space<hbm>> -> memref<10000xi32, #tpu.memory_space<hbm>>
      tpu.wait_dma2 semaphore(%run_scoped3A : memref<!tpu.dma_semaphore, #tpu.memory_space<semaphore_mem>>) src(%dma_wait3A_18 : memref<10000xi32, #tpu.memory_space<hbm>>) dst(%arg4 : memref<10000xi32, #tpu.memory_space<vmem>>)
      tpu.yield
    }) : () -> ()
    %broadcast_in_dim3A_9 = arith.constant 1.000000e+00 : f32
    %broadcast_in_dim3A_10 = vector.broadcast %broadcast_in_dim3A_9 : f32 to vector<16xf32>
    %scan3A_11 = arith.constant 0 : i32
    %scan3A_12 = arith.constant 0 : i32
    %scan3A_13 = arith.constant 625 : i32
    %scan3A_14 = arith.addi %scan3A_12, %scan3A_13 : i32
    %scan3A_15 = arith.constant 1 : i32
    scf.for %scan3A_17 = %scan3A_12 to %scan3A_14 step %scan3A_15  : i32 {
      %mul3A_18 = arith.constant 16 : i32
      %mul3A_19 = arith.muli %scan3A_17, %mul3A_18 : i32
      %get3A = arith.index_cast %mul3A_19 : i32 to index
      %get3A_20 = tpu.vector_load %arg4[%get3A] {strides = array<i32>} : memref<10000xi32, #tpu.memory_space<vmem>>, vector<16xi32>,
      tpu.vector_store_idx %arg5[%get3A_20], %broadcast_in_dim3A_10 {add = true} : memref<10000xf32, #tpu.memory_space<vmem>>[vector<16xi32>], vector<16xf32>,
    }
    %scan3A_16 = arith.constant 625 : i32
    "tpu.region"() ({
      %run_scoped3A = tpu.sem_alloc : memref<!tpu.dma_semaphore, #tpu.memory_space<semaphore_mem>>
      %dma_start3A = arith.constant 0 : i32
      %dma_start3A_17 = tpu.memref_slice %arg3[%add3A, %dma_start3A] : memref<32x10000xf32, #tpu.memory_space<hbm>> -> memref<1x10000xf32, #tpu.memory_space<hbm>>
      %dma_start3A_18 = tpu.memref_squeeze %dma_start3A_17 : memref<1x10000xf32, #tpu.memory_space<hbm>> -> memref<10000xf32, #tpu.memory_space<hbm>>
      %dma_start3A_19 = arith.constant 0 : i32
      %dma_start3A_20 = tpu.memref_slice %arg3[%add3A, %dma_start3A_19] : memref<32x10000xf32, #tpu.memory_space<hbm>> -> memref<1x10000xf32, #tpu.memory_space<hbm>>
      %dma_start3A_21 = tpu.memref_squeeze %dma_start3A_20 : memref<1x10000xf32, #tpu.memory_space<hbm>> -> memref<10000xf32, #tpu.memory_space<hbm>>
      tpu.enqueue_dma source(%arg5 : memref<10000xf32, #tpu.memory_space<vmem>>) target(%dma_start3A_21 : memref<10000xf32, #tpu.memory_space<hbm>>) target_semaphore(%run_scoped3A : memref<!tpu.dma_semaphore, #tpu.memory_space<semaphore_mem>>)
      %dma_wait3A = arith.constant 0 : i32
      %dma_wait3A_22 = tpu.memref_slice %arg3[%add3A, %dma_wait3A] : memref<32x10000xf32, #tpu.memory_space<hbm>> -> memref<1x10000xf32, #tpu.memory_space<hbm>>
      %dma_wait3A_23 = tpu.memref_squeeze %dma_wait3A_22 : memref<1x10000xf32, #tpu.memory_space<hbm>> -> memref<10000xf32, #tpu.memory_space<hbm>>
      %dma_wait3A_24 = arith.constant 0 : i32
      %dma_wait3A_25 = tpu.memref_slice %arg3[%add3A, %dma_wait3A_24] : memref<32x10000xf32, #tpu.memory_space<hbm>> -> memref<1x10000xf32, #tpu.memory_space<hbm>>
      %dma_wait3A_26 = tpu.memref_squeeze %dma_wait3A_25 : memref<1x10000xf32, #tpu.memory_space<hbm>> -> memref<10000xf32, #tpu.memory_space<hbm>>
      tpu.wait_dma2 semaphore(%run_scoped3A : memref<!tpu.dma_semaphore, #tpu.memory_space<semaphore_mem>>) src(%arg5 : memref<10000xf32, #tpu.memory_space<vmem>>) dst(%dma_wait3A_26 : memref<10000xf32, #tpu.memory_space<hbm>>)
      tpu.yield
    }) : () -> ()
    return
  }
}

#map = affine_map<(d0, d1) -> (0, 0)>
module attributes {stable_mosaic.version = 14 : i64} {
  func.func @_gs_kernel(%arg0: i32, %arg1: i32, %arg2: memref<6400x100xi32, #tpu.memory_space<hbm>>, %arg3: memref<3200x100xi32, #tpu.memory_space<hbm>>, %arg4: memref<20000x128xf32, #tpu.memory_space<hbm>>, %arg5: memref<20000x128xf32, #tpu.memory_space<hbm>>, %arg6: memref<20x100xi32, #tpu.memory_space<vmem>>, %arg7: memref<20x100xi32, #tpu.memory_space<vmem>>, %arg8: memref<20x100xi32, #tpu.memory_space<vmem>>, %arg9: memref<20x100xi32, #tpu.memory_space<vmem>>, %arg10: memref<100x128xf32, #tpu.memory_space<vmem>>, %arg11: memref<100x128xf32, #tpu.memory_space<vmem>>, %arg12: memref<100x128xf32, #tpu.memory_space<vmem>>, %arg13: memref<10000x128xf32, #tpu.memory_space<vmem_shared>>, %arg14: memref<!tpu.dma_semaphore, #tpu.memory_space<semaphore_mem>>, %arg15: memref<!tpu.dma_semaphore, #tpu.memory_space<semaphore_mem>>, %arg16: memref<!tpu.dma_semaphore, #tpu.memory_space<semaphore_mem>>, %arg17: memref<!tpu.dma_semaphore, #tpu.memory_space<semaphore_mem>>, %arg18: memref<!tpu.dma_semaphore, #tpu.memory_space<semaphore_mem>>, %arg19: memref<!tpu.dma_semaphore, #tpu.memory_space<semaphore_mem>>, %arg20: memref<!tpu.dma_semaphore, #tpu.memory_space<semaphore_mem>>, %arg21: memref<!tpu.dma_semaphore, #tpu.memory_space<semaphore_mem>>, %arg22: memref<!tpu.dma_semaphore, #tpu.memory_space<semaphore_mem>>) attributes {dimension_semantics = [#tpu.dimension_semantics<core_parallel>, #tpu.dimension_semantics<subcore_parallel>], iteration_bounds = array<i64: 2, 16>, scalar_prefetch = 0 : i64, scratch_operands = 17 : i64, tpu.core_type = #tpu.core_type<sc_vector_subcore>, window_params = [{transform_indices = #map}, {transform_indices = #map}, {transform_indices = #map}, {transform_indices = #map}]} {
    %mul3A = arith.constant 625 : i32
    %mul3A_0 = arith.muli %arg1, %mul3A : i32
    %mul3A_1 = arith.constant 3200 : i32
    %mul3A_2 = arith.muli %arg0, %mul3A_1 : i32
    %mul3A_3 = arith.constant 200 : i32
    %mul3A_4 = arith.muli %arg1, %mul3A_3 : i32
    %add3A = arith.addi %mul3A_2, %mul3A_4 : i32
    %mul3A_5 = arith.constant 200 : i32
    %mul3A_6 = arith.muli %arg1, %mul3A_5 : i32
    %mul3A_7 = arith.constant 10000 : i32
    %mul3A_8 = arith.muli %arg0, %mul3A_7 : i32
    %add3A_9 = arith.addi %mul3A_8, %mul3A_0 : i32
    %dma_start3A = arith.constant 0 : i32
    %dma_start3A_10 = tpu.memref_slice %arg13[%mul3A_0, %dma_start3A] : memref<10000x128xf32, #tpu.memory_space<vmem_shared>> -> memref<625x128xf32, #tpu.memory_space<vmem_shared>>
    %dma_start3A_11 = arith.constant 0 : i32
    %dma_start3A_12 = tpu.memref_slice %arg4[%add3A_9, %dma_start3A_11] : memref<20000x128xf32, #tpu.memory_space<hbm>> -> memref<625x128xf32, #tpu.memory_space<hbm>>
    tpu.enqueue_dma source(%dma_start3A_12 : memref<625x128xf32, #tpu.memory_space<hbm>>) target(%dma_start3A_10 : memref<625x128xf32, #tpu.memory_space<vmem_shared>>) target_semaphore(%arg22 : memref<!tpu.dma_semaphore, #tpu.memory_space<semaphore_mem>>)
    %add3A_13 = arith.constant 0 : i32
    %add3A_14 = arith.addi %add3A, %add3A_13 : i32
    %dma_start3A_15 = arith.constant 0 : i32
    %dma_start3A_16 = tpu.memref_slice %arg2[%add3A_14, %dma_start3A_15] : memref<6400x100xi32, #tpu.memory_space<hbm>> -> memref<20x100xi32, #tpu.memory_space<hbm>>
    %dma_start3A_17 = arith.constant 0 : i32
    %dma_start3A_18 = tpu.memref_slice %arg2[%add3A_14, %dma_start3A_17] : memref<6400x100xi32, #tpu.memory_space<hbm>> -> memref<20x100xi32, #tpu.memory_space<hbm>>
    tpu.enqueue_dma source(%dma_start3A_18 : memref<20x100xi32, #tpu.memory_space<hbm>>) target(%arg6 : memref<20x100xi32, #tpu.memory_space<vmem>>) target_semaphore(%arg20 : memref<!tpu.dma_semaphore, #tpu.memory_space<semaphore_mem>>)
    %add3A_19 = arith.constant 0 : i32
    %add3A_20 = arith.addi %mul3A_6, %add3A_19 : i32
    %dma_start3A_21 = arith.constant 0 : i32
    %dma_start3A_22 = tpu.memref_slice %arg3[%add3A_20, %dma_start3A_21] : memref<3200x100xi32, #tpu.memory_space<hbm>> -> memref<20x100xi32, #tpu.memory_space<hbm>>
    %dma_start3A_23 = arith.constant 0 : i32
    %dma_start3A_24 = tpu.memref_slice %arg3[%add3A_20, %dma_start3A_23] : memref<3200x100xi32, #tpu.memory_space<hbm>> -> memref<20x100xi32, #tpu.memory_space<hbm>>
    tpu.enqueue_dma source(%dma_start3A_24 : memref<20x100xi32, #tpu.memory_space<hbm>>) target(%arg7 : memref<20x100xi32, #tpu.memory_space<vmem>>) target_semaphore(%arg20 : memref<!tpu.dma_semaphore, #tpu.memory_space<semaphore_mem>>)
    %add3A_25 = arith.constant 20 : i32
    %add3A_26 = arith.addi %add3A, %add3A_25 : i32
    %dma_start3A_27 = arith.constant 0 : i32
    %dma_start3A_28 = tpu.memref_slice %arg2[%add3A_26, %dma_start3A_27] : memref<6400x100xi32, #tpu.memory_space<hbm>> -> memref<20x100xi32, #tpu.memory_space<hbm>>
    %dma_start3A_29 = arith.constant 0 : i32
    %dma_start3A_30 = tpu.memref_slice %arg2[%add3A_26, %dma_start3A_29] : memref<6400x100xi32, #tpu.memory_space<hbm>> -> memref<20x100xi32, #tpu.memory_space<hbm>>
    tpu.enqueue_dma source(%dma_start3A_30 : memref<20x100xi32, #tpu.memory_space<hbm>>) target(%arg8 : memref<20x100xi32, #tpu.memory_space<vmem>>) target_semaphore(%arg21 : memref<!tpu.dma_semaphore, #tpu.memory_space<semaphore_mem>>)
    %add3A_31 = arith.constant 20 : i32
    %add3A_32 = arith.addi %mul3A_6, %add3A_31 : i32
    %dma_start3A_33 = arith.constant 0 : i32
    %dma_start3A_34 = tpu.memref_slice %arg3[%add3A_32, %dma_start3A_33] : memref<3200x100xi32, #tpu.memory_space<hbm>> -> memref<20x100xi32, #tpu.memory_space<hbm>>
    %dma_start3A_35 = arith.constant 0 : i32
    %dma_start3A_36 = tpu.memref_slice %arg3[%add3A_32, %dma_start3A_35] : memref<3200x100xi32, #tpu.memory_space<hbm>> -> memref<20x100xi32, #tpu.memory_space<hbm>>
    tpu.enqueue_dma source(%dma_start3A_36 : memref<20x100xi32, #tpu.memory_space<hbm>>) target(%arg9 : memref<20x100xi32, #tpu.memory_space<vmem>>) target_semaphore(%arg21 : memref<!tpu.dma_semaphore, #tpu.memory_space<semaphore_mem>>)
    %dma_wait3A = arith.constant 0 : i32
    %dma_wait3A_37 = arith.constant 0 : i32
    %dma_wait3A_38 = tpu.memref_slice %arg2[%dma_wait3A, %dma_wait3A_37] : memref<6400x100xi32, #tpu.memory_space<hbm>> -> memref<20x100xi32, #tpu.memory_space<hbm>>
    %dma_wait3A_39 = arith.constant 0 : i32
    %dma_wait3A_40 = arith.constant 0 : i32
    %dma_wait3A_41 = tpu.memref_slice %arg2[%dma_wait3A_39, %dma_wait3A_40] : memref<6400x100xi32, #tpu.memory_space<hbm>> -> memref<20x100xi32, #tpu.memory_space<hbm>>
    tpu.wait_dma2 semaphore(%arg20 : memref<!tpu.dma_semaphore, #tpu.memory_space<semaphore_mem>>) src(%dma_wait3A_41 : memref<20x100xi32, #tpu.memory_space<hbm>>) dst(%arg6 : memref<20x100xi32, #tpu.memory_space<vmem>>)
    %dma_wait3A_42 = arith.constant 0 : i32
    %dma_wait3A_43 = arith.constant 0 : i32
    %dma_wait3A_44 = tpu.memref_slice %arg3[%dma_wait3A_42, %dma_wait3A_43] : memref<3200x100xi32, #tpu.memory_space<hbm>> -> memref<20x100xi32, #tpu.memory_space<hbm>>
    %dma_wait3A_45 = arith.constant 0 : i32
    %dma_wait3A_46 = arith.constant 0 : i32
    %dma_wait3A_47 = tpu.memref_slice %arg3[%dma_wait3A_45, %dma_wait3A_46] : memref<3200x100xi32, #tpu.memory_space<hbm>> -> memref<20x100xi32, #tpu.memory_space<hbm>>
    tpu.wait_dma2 semaphore(%arg20 : memref<!tpu.dma_semaphore, #tpu.memory_space<semaphore_mem>>) src(%dma_wait3A_47 : memref<20x100xi32, #tpu.memory_space<hbm>>) dst(%arg7 : memref<20x100xi32, #tpu.memory_space<vmem>>)
    %dma_start3A_48 = arith.constant 0 : i32
    %dma_start3A_49 = arith.constant 0 : i32
    %dma_start3A_50 = tpu.memref_slice %arg6[%dma_start3A_48, %dma_start3A_49] : memref<20x100xi32, #tpu.memory_space<vmem>> -> memref<1x100xi32, #tpu.memory_space<vmem>>
    %dma_start3A_51 = tpu.memref_squeeze %dma_start3A_50 : memref<1x100xi32, #tpu.memory_space<vmem>> -> memref<100xi32, #tpu.memory_space<vmem>>
    %dma_start3A_52 = arith.constant 0 : i32
    %dma_start3A_53 = arith.constant 0 : i32
    %dma_start3A_54 = tpu.memref_slice %arg4[%dma_start3A_52, %dma_start3A_53] : memref<20000x128xf32, #tpu.memory_space<hbm>> -> memref<20000x128xf32, #tpu.memory_space<hbm>>
    tpu.enqueue_indirect_dma source(%dma_start3A_54 : memref<20000x128xf32, #tpu.memory_space<hbm>>) target(%arg10 : memref<100x128xf32, #tpu.memory_space<vmem>>) offsets(%dma_start3A_51 : memref<100xi32, #tpu.memory_space<vmem>>) semaphore(%arg14 : memref<!tpu.dma_semaphore, #tpu.memory_space<semaphore_mem>>)
    %dma_start3A_55 = arith.constant 1 : i32
    %dma_start3A_56 = arith.constant 0 : i32
    %dma_start3A_57 = tpu.memref_slice %arg6[%dma_start3A_55, %dma_start3A_56] : memref<20x100xi32, #tpu.memory_space<vmem>> -> memref<1x100xi32, #tpu.memory_space<vmem>>
    %dma_start3A_58 = tpu.memref_squeeze %dma_start3A_57 : memref<1x100xi32, #tpu.memory_space<vmem>> -> memref<100xi32, #tpu.memory_space<vmem>>
    %dma_start3A_59 = arith.constant 0 : i32
    %dma_start3A_60 = arith.constant 0 : i32
    %dma_start3A_61 = tpu.memref_slice %arg4[%dma_start3A_59, %dma_start3A_60] : memref<20000x128xf32, #tpu.memory_space<hbm>> -> memref<20000x128xf32, #tpu.memory_space<hbm>>
    tpu.enqueue_indirect_dma source(%dma_start3A_61 : memref<20000x128xf32, #tpu.memory_space<hbm>>) target(%arg11 : memref<100x128xf32, #tpu.memory_space<vmem>>) offsets(%dma_start3A_58 : memref<100xi32, #tpu.memory_space<vmem>>) semaphore(%arg15 : memref<!tpu.dma_semaphore, #tpu.memory_space<semaphore_mem>>)
    %dma_wait3A_62 = arith.constant 0 : i32
    %dma_wait3A_63 = tpu.memref_slice %arg13[%mul3A_0, %dma_wait3A_62] : memref<10000x128xf32, #tpu.memory_space<vmem_shared>> -> memref<625x128xf32, #tpu.memory_space<vmem_shared>>
    %dma_wait3A_64 = arith.constant 0 : i32
    %dma_wait3A_65 = tpu.memref_slice %arg4[%add3A_9, %dma_wait3A_64] : memref<20000x128xf32, #tpu.memory_space<hbm>> -> memref<625x128xf32, #tpu.memory_space<hbm>>
    tpu.wait_dma2 semaphore(%arg22 : memref<!tpu.dma_semaphore, #tpu.memory_space<semaphore_mem>>) src(%dma_wait3A_65 : memref<625x128xf32, #tpu.memory_space<hbm>>) dst(%dma_wait3A_63 : memref<625x128xf32, #tpu.memory_space<vmem_shared>>)
    %barrier3A = arith.constant 0 : index
    tpu.barrier barrier_id(%barrier3A)
    %scan3A = arith.constant 0 : i32
    %scan3A_66 = arith.constant 0 : i32
    %scan3A_67 = arith.constant 5 : i32
    %scan3A_68 = arith.addi %scan3A_66, %scan3A_67 : i32
    %scan3A_69 = arith.constant 1 : i32
    scf.for %scan3A_99 = %scan3A_66 to %scan3A_68 step %scan3A_69  : i32 {
      %scan3A_100 = arith.constant 0 : i32
      %scan3A_101 = arith.constant 0 : i32
      %scan3A_102 = arith.constant 6 : i32
      %scan3A_103 = arith.addi %scan3A_101, %scan3A_102 : i32
      %scan3A_104 = arith.constant 1 : i32
      scf.for %scan3A_279 = %scan3A_101 to %scan3A_103 step %scan3A_104  : i32 {
        %mul3A_280 = arith.constant 3 : i32
        %mul3A_281 = arith.muli %mul3A_280, %scan3A_279 : i32
        %dma_wait3A_282 = arith.constant 0 : i32
        %dma_wait3A_283 = arith.constant 0 : i32
        %dma_wait3A_284 = tpu.memref_slice %arg4[%dma_wait3A_282, %dma_wait3A_283] : memref<20000x128xf32, #tpu.memory_space<hbm>> -> memref<100x128xf32, #tpu.memory_space<hbm>>
        %dma_wait3A_285 = arith.constant 0 : i32
        %dma_wait3A_286 = arith.constant 0 : i32
        %dma_wait3A_287 = tpu.memref_slice %arg4[%dma_wait3A_285, %dma_wait3A_286] : memref<20000x128xf32, #tpu.memory_space<hbm>> -> memref<100x128xf32, #tpu.memory_space<hbm>>
        tpu.wait_dma2 semaphore(%arg14 : memref<!tpu.dma_semaphore, #tpu.memory_space<semaphore_mem>>) src(%dma_wait3A_287 : memref<100x128xf32, #tpu.memory_space<hbm>>) dst(%arg10 : memref<100x128xf32, #tpu.memory_space<vmem>>)
        %dma_start3A_288 = arith.constant 0 : i32
        %dma_start3A_289 = tpu.memref_slice %arg7[%mul3A_281, %dma_start3A_288] : memref<20x100xi32, #tpu.memory_space<vmem>> -> memref<1x100xi32, #tpu.memory_space<vmem>>
        %dma_start3A_290 = tpu.memref_squeeze %dma_start3A_289 : memref<1x100xi32, #tpu.memory_space<vmem>> -> memref<100xi32, #tpu.memory_space<vmem>>
        %dma_start3A_291 = arith.constant 0 : i32
        %dma_start3A_292 = arith.constant 0 : i32
        %dma_start3A_293 = tpu.memref_slice %arg13[%dma_start3A_291, %dma_start3A_292] : memref<10000x128xf32, #tpu.memory_space<vmem_shared>> -> memref<10000x128xf32, #tpu.memory_space<vmem_shared>>
        tpu.enqueue_indirect_dma source(%arg10 : memref<100x128xf32, #tpu.memory_space<vmem>>) target(%dma_start3A_293 : memref<10000x128xf32, #tpu.memory_space<vmem_shared>>) offsets(%dma_start3A_290 : memref<100xi32, #tpu.memory_space<vmem>>) semaphore(%arg17 : memref<!tpu.dma_semaphore, #tpu.memory_space<semaphore_mem>>) {add = true}
        %add3A_294 = arith.constant 2 : i32
        %add3A_295 = arith.addi %mul3A_281, %add3A_294 : i32
        %dma_start3A_296 = arith.constant 0 : i32
        %dma_start3A_297 = tpu.memref_slice %arg6[%add3A_295, %dma_start3A_296] : memref<20x100xi32, #tpu.memory_space<vmem>> -> memref<1x100xi32, #tpu.memory_space<vmem>>
        %dma_start3A_298 = tpu.memref_squeeze %dma_start3A_297 : memref<1x100xi32, #tpu.memory_space<vmem>> -> memref<100xi32, #tpu.memory_space<vmem>>
        %dma_start3A_299 = arith.constant 0 : i32
        %dma_start3A_300 = arith.constant 0 : i32
        %dma_start3A_301 = tpu.memref_slice %arg4[%dma_start3A_299, %dma_start3A_300] : memref<20000x128xf32, #tpu.memory_space<hbm>> -> memref<20000x128xf32, #tpu.memory_space<hbm>>
        tpu.enqueue_indirect_dma source(%dma_start3A_301 : memref<20000x128xf32, #tpu.memory_space<hbm>>) target(%arg12 : memref<100x128xf32, #tpu.memory_space<vmem>>) offsets(%dma_start3A_298 : memref<100xi32, #tpu.memory_space<vmem>>) semaphore(%arg16 : memref<!tpu.dma_semaphore, #tpu.memory_space<semaphore_mem>>)
        %dma_wait3A_302 = arith.constant 0 : i32
        %dma_wait3A_303 = arith.constant 0 : i32
        %dma_wait3A_304 = tpu.memref_slice %arg4[%dma_wait3A_302, %dma_wait3A_303] : memref<20000x128xf32, #tpu.memory_space<hbm>> -> memref<100x128xf32, #tpu.memory_space<hbm>>
        %dma_wait3A_305 = arith.constant 0 : i32
        %dma_wait3A_306 = arith.constant 0 : i32
        %dma_wait3A_307 = tpu.memref_slice %arg4[%dma_wait3A_305, %dma_wait3A_306] : memref<20000x128xf32, #tpu.memory_space<hbm>> -> memref<100x128xf32, #tpu.memory_space<hbm>>
        tpu.wait_dma2 semaphore(%arg15 : memref<!tpu.dma_semaphore, #tpu.memory_space<semaphore_mem>>) src(%dma_wait3A_307 : memref<100x128xf32, #tpu.memory_space<hbm>>) dst(%arg11 : memref<100x128xf32, #tpu.memory_space<vmem>>)
        %dma_wait3A_308 = arith.constant 0 : i32
        %dma_wait3A_309 = arith.constant 0 : i32
        %dma_wait3A_310 = tpu.memref_slice %arg13[%dma_wait3A_308, %dma_wait3A_309] : memref<10000x128xf32, #tpu.memory_space<vmem_shared>> -> memref<100x128xf32, #tpu.memory_space<vmem_shared>>
        %dma_wait3A_311 = arith.constant 0 : i32
        %dma_wait3A_312 = arith.constant 0 : i32
        %dma_wait3A_313 = tpu.memref_slice %arg13[%dma_wait3A_311, %dma_wait3A_312] : memref<10000x128xf32, #tpu.memory_space<vmem_shared>> -> memref<100x128xf32, #tpu.memory_space<vmem_shared>>
        tpu.wait_dma2 semaphore(%arg17 : memref<!tpu.dma_semaphore, #tpu.memory_space<semaphore_mem>>) src(%arg10 : memref<100x128xf32, #tpu.memory_space<vmem>>) dst(%dma_wait3A_313 : memref<100x128xf32, #tpu.memory_space<vmem_shared>>)
        %add3A_314 = arith.constant 3 : i32
        %add3A_315 = arith.addi %mul3A_281, %add3A_314 : i32
        %dma_start3A_316 = arith.constant 0 : i32
        %dma_start3A_317 = tpu.memref_slice %arg6[%add3A_315, %dma_start3A_316] : memref<20x100xi32, #tpu.memory_space<vmem>> -> memref<1x100xi32, #tpu.memory_space<vmem>>
        %dma_start3A_318 = tpu.memref_squeeze %dma_start3A_317 : memref<1x100xi32, #tpu.memory_space<vmem>> -> memref<100xi32, #tpu.memory_space<vmem>>
        %dma_start3A_319 = arith.constant 0 : i32
        %dma_start3A_320 = arith.constant 0 : i32
        %dma_start3A_321 = tpu.memref_slice %arg4[%dma_start3A_319, %dma_start3A_320] : memref<20000x128xf32, #tpu.memory_space<hbm>> -> memref<20000x128xf32, #tpu.memory_space<hbm>>
        tpu.enqueue_indirect_dma source(%dma_start3A_321 : memref<20000x128xf32, #tpu.memory_space<hbm>>) target(%arg10 : memref<100x128xf32, #tpu.memory_space<vmem>>) offsets(%dma_start3A_318 : memref<100xi32, #tpu.memory_space<vmem>>) semaphore(%arg14 : memref<!tpu.dma_semaphore, #tpu.memory_space<semaphore_mem>>)
        %add3A_322 = arith.constant 1 : i32
        %add3A_323 = arith.addi %mul3A_281, %add3A_322 : i32
        %dma_start3A_324 = arith.constant 0 : i32
        %dma_start3A_325 = tpu.memref_slice %arg7[%add3A_323, %dma_start3A_324] : memref<20x100xi32, #tpu.memory_space<vmem>> -> memref<1x100xi32, #tpu.memory_space<vmem>>
        %dma_start3A_326 = tpu.memref_squeeze %dma_start3A_325 : memref<1x100xi32, #tpu.memory_space<vmem>> -> memref<100xi32, #tpu.memory_space<vmem>>
        %dma_start3A_327 = arith.constant 0 : i32
        %dma_start3A_328 = arith.constant 0 : i32
        %dma_start3A_329 = tpu.memref_slice %arg13[%dma_start3A_327, %dma_start3A_328] : memref<10000x128xf32, #tpu.memory_space<vmem_shared>> -> memref<10000x128xf32, #tpu.memory_space<vmem_shared>>
        tpu.enqueue_indirect_dma source(%arg11 : memref<100x128xf32, #tpu.memory_space<vmem>>) target(%dma_start3A_329 : memref<10000x128xf32, #tpu.memory_space<vmem_shared>>) offsets(%dma_start3A_326 : memref<100xi32, #tpu.memory_space<vmem>>) semaphore(%arg18 : memref<!tpu.dma_semaphore, #tpu.memory_space<semaphore_mem>>) {add = true}
        %dma_wait3A_330 = arith.constant 0 : i32
        %dma_wait3A_331 = arith.constant 0 : i32
        %dma_wait3A_332 = tpu.memref_slice %arg13[%dma_wait3A_330, %dma_wait3A_331] : memref<10000x128xf32, #tpu.memory_space<vmem_shared>> -> memref<100x128xf32, #tpu.memory_space<vmem_shared>>
        %dma_wait3A_333 = arith.constant 0 : i32
        %dma_wait3A_334 = arith.constant 0 : i32
        %dma_wait3A_335 = tpu.memref_slice %arg13[%dma_wait3A_333, %dma_wait3A_334] : memref<10000x128xf32, #tpu.memory_space<vmem_shared>> -> memref<100x128xf32, #tpu.memory_space<vmem_shared>>
        tpu.wait_dma2 semaphore(%arg18 : memref<!tpu.dma_semaphore, #tpu.memory_space<semaphore_mem>>) src(%arg11 : memref<100x128xf32, #tpu.memory_space<vmem>>) dst(%dma_wait3A_335 : memref<100x128xf32, #tpu.memory_space<vmem_shared>>)
        %add3A_336 = arith.constant 4 : i32
        %add3A_337 = arith.addi %mul3A_281, %add3A_336 : i32
        %dma_start3A_338 = arith.constant 0 : i32
        %dma_start3A_339 = tpu.memref_slice %arg6[%add3A_337, %dma_start3A_338] : memref<20x100xi32, #tpu.memory_space<vmem>> -> memref<1x100xi32, #tpu.memory_space<vmem>>
        %dma_start3A_340 = tpu.memref_squeeze %dma_start3A_339 : memref<1x100xi32, #tpu.memory_space<vmem>> -> memref<100xi32, #tpu.memory_space<vmem>>
        %dma_start3A_341 = arith.constant 0 : i32
        %dma_start3A_342 = arith.constant 0 : i32
        %dma_start3A_343 = tpu.memref_slice %arg4[%dma_start3A_341, %dma_start3A_342] : memref<20000x128xf32, #tpu.memory_space<hbm>> -> memref<20000x128xf32, #tpu.memory_space<hbm>>
        tpu.enqueue_indirect_dma source(%dma_start3A_343 : memref<20000x128xf32, #tpu.memory_space<hbm>>) target(%arg11 : memref<100x128xf32, #tpu.memory_space<vmem>>) offsets(%dma_start3A_340 : memref<100xi32, #tpu.memory_space<vmem>>) semaphore(%arg15 : memref<!tpu.dma_semaphore, #tpu.memory_space<semaphore_mem>>)
        %dma_wait3A_344 = arith.constant 0 : i32
        %dma_wait3A_345 = arith.constant 0 : i32
        %dma_wait3A_346 = tpu.memref_slice %arg4[%dma_wait3A_344, %dma_wait3A_345] : memref<20000x128xf32, #tpu.memory_space<hbm>> -> memref<100x128xf32, #tpu.memory_space<hbm>>
        %dma_wait3A_347 = arith.constant 0 : i32
        %dma_wait3A_348 = arith.constant 0 : i32
        %dma_wait3A_349 = tpu.memref_slice %arg4[%dma_wait3A_347, %dma_wait3A_348] : memref<20000x128xf32, #tpu.memory_space<hbm>> -> memref<100x128xf32, #tpu.memory_space<hbm>>
        tpu.wait_dma2 semaphore(%arg16 : memref<!tpu.dma_semaphore, #tpu.memory_space<semaphore_mem>>) src(%dma_wait3A_349 : memref<100x128xf32, #tpu.memory_space<hbm>>) dst(%arg12 : memref<100x128xf32, #tpu.memory_space<vmem>>)
        %add3A_350 = arith.constant 2 : i32
        %add3A_351 = arith.addi %mul3A_281, %add3A_350 : i32
        %dma_start3A_352 = arith.constant 0 : i32
        %dma_start3A_353 = tpu.memref_slice %arg7[%add3A_351, %dma_start3A_352] : memref<20x100xi32, #tpu.memory_space<vmem>> -> memref<1x100xi32, #tpu.memory_space<vmem>>
        %dma_start3A_354 = tpu.memref_squeeze %dma_start3A_353 : memref<1x100xi32, #tpu.memory_space<vmem>> -> memref<100xi32, #tpu.memory_space<vmem>>
        %dma_start3A_355 = arith.constant 0 : i32
        %dma_start3A_356 = arith.constant 0 : i32
        %dma_start3A_357 = tpu.memref_slice %arg13[%dma_start3A_355, %dma_start3A_356] : memref<10000x128xf32, #tpu.memory_space<vmem_shared>> -> memref<10000x128xf32, #tpu.memory_space<vmem_shared>>
        tpu.enqueue_indirect_dma source(%arg12 : memref<100x128xf32, #tpu.memory_space<vmem>>) target(%dma_start3A_357 : memref<10000x128xf32, #tpu.memory_space<vmem_shared>>) offsets(%dma_start3A_354 : memref<100xi32, #tpu.memory_space<vmem>>) semaphore(%arg19 : memref<!tpu.dma_semaphore, #tpu.memory_space<semaphore_mem>>) {add = true}
        %dma_wait3A_358 = arith.constant 0 : i32
        %dma_wait3A_359 = arith.constant 0 : i32
        %dma_wait3A_360 = tpu.memref_slice %arg13[%dma_wait3A_358, %dma_wait3A_359] : memref<10000x128xf32, #tpu.memory_space<vmem_shared>> -> memref<100x128xf32, #tpu.memory_space<vmem_shared>>
        %dma_wait3A_361 = arith.constant 0 : i32
        %dma_wait3A_362 = arith.constant 0 : i32
        %dma_wait3A_363 = tpu.memref_slice %arg13[%dma_wait3A_361, %dma_wait3A_362] : memref<10000x128xf32, #tpu.memory_space<vmem_shared>> -> memref<100x128xf32, #tpu.memory_space<vmem_shared>>
        tpu.wait_dma2 semaphore(%arg19 : memref<!tpu.dma_semaphore, #tpu.memory_space<semaphore_mem>>) src(%arg12 : memref<100x128xf32, #tpu.memory_space<vmem>>) dst(%dma_wait3A_363 : memref<100x128xf32, #tpu.memory_space<vmem_shared>>)
      }
      %scan3A_105 = arith.constant 6 : i32
      %dma_wait3A_106 = arith.constant 0 : i32
      %dma_wait3A_107 = arith.constant 0 : i32
      %dma_wait3A_108 = tpu.memref_slice %arg4[%dma_wait3A_106, %dma_wait3A_107] : memref<20000x128xf32, #tpu.memory_space<hbm>> -> memref<100x128xf32, #tpu.memory_space<hbm>>
      %dma_wait3A_109 = arith.constant 0 : i32
      %dma_wait3A_110 = arith.constant 0 : i32
      %dma_wait3A_111 = tpu.memref_slice %arg4[%dma_wait3A_109, %dma_wait3A_110] : memref<20000x128xf32, #tpu.memory_space<hbm>> -> memref<100x128xf32, #tpu.memory_space<hbm>>
      tpu.wait_dma2 semaphore(%arg14 : memref<!tpu.dma_semaphore, #tpu.memory_space<semaphore_mem>>) src(%dma_wait3A_111 : memref<100x128xf32, #tpu.memory_space<hbm>>) dst(%arg10 : memref<100x128xf32, #tpu.memory_space<vmem>>)
      %dma_start3A_112 = arith.constant 18 : i32
      %dma_start3A_113 = arith.constant 0 : i32
      %dma_start3A_114 = tpu.memref_slice %arg7[%dma_start3A_112, %dma_start3A_113] : memref<20x100xi32, #tpu.memory_space<vmem>> -> memref<1x100xi32, #tpu.memory_space<vmem>>
      %dma_start3A_115 = tpu.memref_squeeze %dma_start3A_114 : memref<1x100xi32, #tpu.memory_space<vmem>> -> memref<100xi32, #tpu.memory_space<vmem>>
      %dma_start3A_116 = arith.constant 0 : i32
      %dma_start3A_117 = arith.constant 0 : i32
      %dma_start3A_118 = tpu.memref_slice %arg13[%dma_start3A_116, %dma_start3A_117] : memref<10000x128xf32, #tpu.memory_space<vmem_shared>> -> memref<10000x128xf32, #tpu.memory_space<vmem_shared>>
      tpu.enqueue_indirect_dma source(%arg10 : memref<100x128xf32, #tpu.memory_space<vmem>>) target(%dma_start3A_118 : memref<10000x128xf32, #tpu.memory_space<vmem_shared>>) offsets(%dma_start3A_115 : memref<100xi32, #tpu.memory_space<vmem>>) semaphore(%arg17 : memref<!tpu.dma_semaphore, #tpu.memory_space<semaphore_mem>>) {add = true}
      %dma_wait3A_119 = arith.constant 0 : i32
      %dma_wait3A_120 = arith.constant 0 : i32
      %dma_wait3A_121 = tpu.memref_slice %arg2[%dma_wait3A_119, %dma_wait3A_120] : memref<6400x100xi32, #tpu.memory_space<hbm>> -> memref<20x100xi32, #tpu.memory_space<hbm>>
      %dma_wait3A_122 = arith.constant 0 : i32
      %dma_wait3A_123 = arith.constant 0 : i32
      %dma_wait3A_124 = tpu.memref_slice %arg2[%dma_wait3A_122, %dma_wait3A_123] : memref<6400x100xi32, #tpu.memory_space<hbm>> -> memref<20x100xi32, #tpu.memory_space<hbm>>
      tpu.wait_dma2 semaphore(%arg21 : memref<!tpu.dma_semaphore, #tpu.memory_space<semaphore_mem>>) src(%dma_wait3A_124 : memref<20x100xi32, #tpu.memory_space<hbm>>) dst(%arg8 : memref<20x100xi32, #tpu.memory_space<vmem>>)
      %dma_wait3A_125 = arith.constant 0 : i32
      %dma_wait3A_126 = arith.constant 0 : i32
      %dma_wait3A_127 = tpu.memref_slice %arg3[%dma_wait3A_125, %dma_wait3A_126] : memref<3200x100xi32, #tpu.memory_space<hbm>> -> memref<20x100xi32, #tpu.memory_space<hbm>>
      %dma_wait3A_128 = arith.constant 0 : i32
      %dma_wait3A_129 = arith.constant 0 : i32
      %dma_wait3A_130 = tpu.memref_slice %arg3[%dma_wait3A_128, %dma_wait3A_129] : memref<3200x100xi32, #tpu.memory_space<hbm>> -> memref<20x100xi32, #tpu.memory_space<hbm>>
      tpu.wait_dma2 semaphore(%arg21 : memref<!tpu.dma_semaphore, #tpu.memory_space<semaphore_mem>>) src(%dma_wait3A_130 : memref<20x100xi32, #tpu.memory_space<hbm>>) dst(%arg9 : memref<20x100xi32, #tpu.memory_space<vmem>>)
      %dma_wait3A_131 = arith.constant 0 : i32
      %dma_wait3A_132 = arith.constant 0 : i32
      %dma_wait3A_133 = tpu.memref_slice %arg4[%dma_wait3A_131, %dma_wait3A_132] : memref<20000x128xf32, #tpu.memory_space<hbm>> -> memref<100x128xf32, #tpu.memory_space<hbm>>
      %dma_wait3A_134 = arith.constant 0 : i32
      %dma_wait3A_135 = arith.constant 0 : i32
      %dma_wait3A_136 = tpu.memref_slice %arg4[%dma_wait3A_134, %dma_wait3A_135] : memref<20000x128xf32, #tpu.memory_space<hbm>> -> memref<100x128xf32, #tpu.memory_space<hbm>>
      tpu.wait_dma2 semaphore(%arg15 : memref<!tpu.dma_semaphore, #tpu.memory_space<semaphore_mem>>) src(%dma_wait3A_136 : memref<100x128xf32, #tpu.memory_space<hbm>>) dst(%arg11 : memref<100x128xf32, #tpu.memory_space<vmem>>)
      %dma_start3A_137 = arith.constant 19 : i32
      %dma_start3A_138 = arith.constant 0 : i32
      %dma_start3A_139 = tpu.memref_slice %arg7[%dma_start3A_137, %dma_start3A_138] : memref<20x100xi32, #tpu.memory_space<vmem>> -> memref<1x100xi32, #tpu.memory_space<vmem>>
      %dma_start3A_140 = tpu.memref_squeeze %dma_start3A_139 : memref<1x100xi32, #tpu.memory_space<vmem>> -> memref<100xi32, #tpu.memory_space<vmem>>
      %dma_start3A_141 = arith.constant 0 : i32
      %dma_start3A_142 = arith.constant 0 : i32
      %dma_start3A_143 = tpu.memref_slice %arg13[%dma_start3A_141, %dma_start3A_142] : memref<10000x128xf32, #tpu.memory_space<vmem_shared>> -> memref<10000x128xf32, #tpu.memory_space<vmem_shared>>
      tpu.enqueue_indirect_dma source(%arg11 : memref<100x128xf32, #tpu.memory_space<vmem>>) target(%dma_start3A_143 : memref<10000x128xf32, #tpu.memory_space<vmem_shared>>) offsets(%dma_start3A_140 : memref<100xi32, #tpu.memory_space<vmem>>) semaphore(%arg18 : memref<!tpu.dma_semaphore, #tpu.memory_space<semaphore_mem>>) {add = true}
      %dma_wait3A_144 = arith.constant 0 : i32
      %dma_wait3A_145 = arith.constant 0 : i32
      %dma_wait3A_146 = tpu.memref_slice %arg13[%dma_wait3A_144, %dma_wait3A_145] : memref<10000x128xf32, #tpu.memory_space<vmem_shared>> -> memref<100x128xf32, #tpu.memory_space<vmem_shared>>
      %dma_wait3A_147 = arith.constant 0 : i32
      %dma_wait3A_148 = arith.constant 0 : i32
      %dma_wait3A_149 = tpu.memref_slice %arg13[%dma_wait3A_147, %dma_wait3A_148] : memref<10000x128xf32, #tpu.memory_space<vmem_shared>> -> memref<100x128xf32, #tpu.memory_space<vmem_shared>>
      tpu.wait_dma2 semaphore(%arg17 : memref<!tpu.dma_semaphore, #tpu.memory_space<semaphore_mem>>) src(%arg10 : memref<100x128xf32, #tpu.memory_space<vmem>>) dst(%dma_wait3A_149 : memref<100x128xf32, #tpu.memory_space<vmem_shared>>)
      %dma_start3A_150 = arith.constant 0 : i32
      %dma_start3A_151 = arith.constant 0 : i32
      %dma_start3A_152 = tpu.memref_slice %arg8[%dma_start3A_150, %dma_start3A_151] : memref<20x100xi32, #tpu.memory_space<vmem>> -> memref<1x100xi32, #tpu.memory_space<vmem>>
      %dma_start3A_153 = tpu.memref_squeeze %dma_start3A_152 : memref<1x100xi32, #tpu.memory_space<vmem>> -> memref<100xi32, #tpu.memory_space<vmem>>
      %dma_start3A_154 = arith.constant 0 : i32
      %dma_start3A_155 = arith.constant 0 : i32
      %dma_start3A_156 = tpu.memref_slice %arg4[%dma_start3A_154, %dma_start3A_155] : memref<20000x128xf32, #tpu.memory_space<hbm>> -> memref<20000x128xf32, #tpu.memory_space<hbm>>
      tpu.enqueue_indirect_dma source(%dma_start3A_156 : memref<20000x128xf32, #tpu.memory_space<hbm>>) target(%arg10 : memref<100x128xf32, #tpu.memory_space<vmem>>) offsets(%dma_start3A_153 : memref<100xi32, #tpu.memory_space<vmem>>) semaphore(%arg14 : memref<!tpu.dma_semaphore, #tpu.memory_space<semaphore_mem>>)
      %dma_wait3A_157 = arith.constant 0 : i32
      %dma_wait3A_158 = arith.constant 0 : i32
      %dma_wait3A_159 = tpu.memref_slice %arg13[%dma_wait3A_157, %dma_wait3A_158] : memref<10000x128xf32, #tpu.memory_space<vmem_shared>> -> memref<100x128xf32, #tpu.memory_space<vmem_shared>>
      %dma_wait3A_160 = arith.constant 0 : i32
      %dma_wait3A_161 = arith.constant 0 : i32
      %dma_wait3A_162 = tpu.memref_slice %arg13[%dma_wait3A_160, %dma_wait3A_161] : memref<10000x128xf32, #tpu.memory_space<vmem_shared>> -> memref<100x128xf32, #tpu.memory_space<vmem_shared>>
      tpu.wait_dma2 semaphore(%arg18 : memref<!tpu.dma_semaphore, #tpu.memory_space<semaphore_mem>>) src(%arg11 : memref<100x128xf32, #tpu.memory_space<vmem>>) dst(%dma_wait3A_162 : memref<100x128xf32, #tpu.memory_space<vmem_shared>>)
      %dma_start3A_163 = arith.constant 1 : i32
      %dma_start3A_164 = arith.constant 0 : i32
      %dma_start3A_165 = tpu.memref_slice %arg8[%dma_start3A_163, %dma_start3A_164] : memref<20x100xi32, #tpu.memory_space<vmem>> -> memref<1x100xi32, #tpu.memory_space<vmem>>
      %dma_start3A_166 = tpu.memref_squeeze %dma_start3A_165 : memref<1x100xi32, #tpu.memory_space<vmem>> -> memref<100xi32, #tpu.memory_space<vmem>>
      %dma_start3A_167 = arith.constant 0 : i32
      %dma_start3A_168 = arith.constant 0 : i32
      %dma_start3A_169 = tpu.memref_slice %arg4[%dma_start3A_167, %dma_start3A_168] : memref<20000x128xf32, #tpu.memory_space<hbm>> -> memref<20000x128xf32, #tpu.memory_space<hbm>>
      tpu.enqueue_indirect_dma source(%dma_start3A_169 : memref<20000x128xf32, #tpu.memory_space<hbm>>) target(%arg11 : memref<100x128xf32, #tpu.memory_space<vmem>>) offsets(%dma_start3A_166 : memref<100xi32, #tpu.memory_space<vmem>>) semaphore(%arg15 : memref<!tpu.dma_semaphore, #tpu.memory_space<semaphore_mem>>)
      %mul3A_170 = arith.constant 2 : i32
      %mul3A_171 = arith.muli %mul3A_170, %scan3A_99 : i32
      %add3A_172 = arith.constant 2 : i32
      %add3A_173 = arith.addi %mul3A_171, %add3A_172 : i32
      %min3A = arith.constant 9 : i32
      %min3A_174 = arith.minsi %add3A_173, %min3A : i32
      %mul3A_175 = arith.constant 20 : i32
      %mul3A_176 = arith.muli %min3A_174, %mul3A_175 : i32
      %add3A_177 = arith.addi %add3A, %mul3A_176 : i32
      %dma_start3A_178 = arith.constant 0 : i32
      %dma_start3A_179 = tpu.memref_slice %arg2[%add3A_177, %dma_start3A_178] : memref<6400x100xi32, #tpu.memory_space<hbm>> -> memref<20x100xi32, #tpu.memory_space<hbm>>
      %dma_start3A_180 = arith.constant 0 : i32
      %dma_start3A_181 = tpu.memref_slice %arg2[%add3A_177, %dma_start3A_180] : memref<6400x100xi32, #tpu.memory_space<hbm>> -> memref<20x100xi32, #tpu.memory_space<hbm>>
      tpu.enqueue_dma source(%dma_start3A_181 : memref<20x100xi32, #tpu.memory_space<hbm>>) target(%arg6 : memref<20x100xi32, #tpu.memory_space<vmem>>) target_semaphore(%arg20 : memref<!tpu.dma_semaphore, #tpu.memory_space<semaphore_mem>>)
      %mul3A_182 = arith.constant 20 : i32
      %mul3A_183 = arith.muli %min3A_174, %mul3A_182 : i32
      %add3A_184 = arith.addi %mul3A_6, %mul3A_183 : i32
      %dma_start3A_185 = arith.constant 0 : i32
      %dma_start3A_186 = tpu.memref_slice %arg3[%add3A_184, %dma_start3A_185] : memref<3200x100xi32, #tpu.memory_space<hbm>> -> memref<20x100xi32, #tpu.memory_space<hbm>>
      %dma_start3A_187 = arith.constant 0 : i32
      %dma_start3A_188 = tpu.memref_slice %arg3[%add3A_184, %dma_start3A_187] : memref<3200x100xi32, #tpu.memory_space<hbm>> -> memref<20x100xi32, #tpu.memory_space<hbm>>
      tpu.enqueue_dma source(%dma_start3A_188 : memref<20x100xi32, #tpu.memory_space<hbm>>) target(%arg7 : memref<20x100xi32, #tpu.memory_space<vmem>>) target_semaphore(%arg20 : memref<!tpu.dma_semaphore, #tpu.memory_space<semaphore_mem>>)
      %scan3A_189 = arith.constant 0 : i32
      %scan3A_190 = arith.constant 0 : i32
      %scan3A_191 = arith.constant 6 : i32
      %scan3A_192 = arith.addi %scan3A_190, %scan3A_191 : i32
      %scan3A_193 = arith.constant 1 : i32
      scf.for %scan3A_279 = %scan3A_190 to %scan3A_192 step %scan3A_193  : i32 {
        %mul3A_280 = arith.constant 3 : i32
        %mul3A_281 = arith.muli %mul3A_280, %scan3A_279 : i32
        %dma_wait3A_282 = arith.constant 0 : i32
        %dma_wait3A_283 = arith.constant 0 : i32
        %dma_wait3A_284 = tpu.memref_slice %arg4[%dma_wait3A_282, %dma_wait3A_283] : memref<20000x128xf32, #tpu.memory_space<hbm>> -> memref<100x128xf32, #tpu.memory_space<hbm>>
        %dma_wait3A_285 = arith.constant 0 : i32
        %dma_wait3A_286 = arith.constant 0 : i32
        %dma_wait3A_287 = tpu.memref_slice %arg4[%dma_wait3A_285, %dma_wait3A_286] : memref<20000x128xf32, #tpu.memory_space<hbm>> -> memref<100x128xf32, #tpu.memory_space<hbm>>
        tpu.wait_dma2 semaphore(%arg14 : memref<!tpu.dma_semaphore, #tpu.memory_space<semaphore_mem>>) src(%dma_wait3A_287 : memref<100x128xf32, #tpu.memory_space<hbm>>) dst(%arg10 : memref<100x128xf32, #tpu.memory_space<vmem>>)
        %dma_start3A_288 = arith.constant 0 : i32
        %dma_start3A_289 = tpu.memref_slice %arg9[%mul3A_281, %dma_start3A_288] : memref<20x100xi32, #tpu.memory_space<vmem>> -> memref<1x100xi32, #tpu.memory_space<vmem>>
        %dma_start3A_290 = tpu.memref_squeeze %dma_start3A_289 : memref<1x100xi32, #tpu.memory_space<vmem>> -> memref<100xi32, #tpu.memory_space<vmem>>
        %dma_start3A_291 = arith.constant 0 : i32
        %dma_start3A_292 = arith.constant 0 : i32
        %dma_start3A_293 = tpu.memref_slice %arg13[%dma_start3A_291, %dma_start3A_292] : memref<10000x128xf32, #tpu.memory_space<vmem_shared>> -> memref<10000x128xf32, #tpu.memory_space<vmem_shared>>
        tpu.enqueue_indirect_dma source(%arg10 : memref<100x128xf32, #tpu.memory_space<vmem>>) target(%dma_start3A_293 : memref<10000x128xf32, #tpu.memory_space<vmem_shared>>) offsets(%dma_start3A_290 : memref<100xi32, #tpu.memory_space<vmem>>) semaphore(%arg17 : memref<!tpu.dma_semaphore, #tpu.memory_space<semaphore_mem>>) {add = true}
        %add3A_294 = arith.constant 2 : i32
        %add3A_295 = arith.addi %mul3A_281, %add3A_294 : i32
        %dma_start3A_296 = arith.constant 0 : i32
        %dma_start3A_297 = tpu.memref_slice %arg8[%add3A_295, %dma_start3A_296] : memref<20x100xi32, #tpu.memory_space<vmem>> -> memref<1x100xi32, #tpu.memory_space<vmem>>
        %dma_start3A_298 = tpu.memref_squeeze %dma_start3A_297 : memref<1x100xi32, #tpu.memory_space<vmem>> -> memref<100xi32, #tpu.memory_space<vmem>>
        %dma_start3A_299 = arith.constant 0 : i32
        %dma_start3A_300 = arith.constant 0 : i32
        %dma_start3A_301 = tpu.memref_slice %arg4[%dma_start3A_299, %dma_start3A_300] : memref<20000x128xf32, #tpu.memory_space<hbm>> -> memref<20000x128xf32, #tpu.memory_space<hbm>>
        tpu.enqueue_indirect_dma source(%dma_start3A_301 : memref<20000x128xf32, #tpu.memory_space<hbm>>) target(%arg12 : memref<100x128xf32, #tpu.memory_space<vmem>>) offsets(%dma_start3A_298 : memref<100xi32, #tpu.memory_space<vmem>>) semaphore(%arg16 : memref<!tpu.dma_semaphore, #tpu.memory_space<semaphore_mem>>)
        %dma_wait3A_302 = arith.constant 0 : i32
        %dma_wait3A_303 = arith.constant 0 : i32
        %dma_wait3A_304 = tpu.memref_slice %arg4[%dma_wait3A_302, %dma_wait3A_303] : memref<20000x128xf32, #tpu.memory_space<hbm>> -> memref<100x128xf32, #tpu.memory_space<hbm>>
        %dma_wait3A_305 = arith.constant 0 : i32
        %dma_wait3A_306 = arith.constant 0 : i32
        %dma_wait3A_307 = tpu.memref_slice %arg4[%dma_wait3A_305, %dma_wait3A_306] : memref<20000x128xf32, #tpu.memory_space<hbm>> -> memref<100x128xf32, #tpu.memory_space<hbm>>
        tpu.wait_dma2 semaphore(%arg15 : memref<!tpu.dma_semaphore, #tpu.memory_space<semaphore_mem>>) src(%dma_wait3A_307 : memref<100x128xf32, #tpu.memory_space<hbm>>) dst(%arg11 : memref<100x128xf32, #tpu.memory_space<vmem>>)
        %dma_wait3A_308 = arith.constant 0 : i32
        %dma_wait3A_309 = arith.constant 0 : i32
        %dma_wait3A_310 = tpu.memref_slice %arg13[%dma_wait3A_308, %dma_wait3A_309] : memref<10000x128xf32, #tpu.memory_space<vmem_shared>> -> memref<100x128xf32, #tpu.memory_space<vmem_shared>>
        %dma_wait3A_311 = arith.constant 0 : i32
        %dma_wait3A_312 = arith.constant 0 : i32
        %dma_wait3A_313 = tpu.memref_slice %arg13[%dma_wait3A_311, %dma_wait3A_312] : memref<10000x128xf32, #tpu.memory_space<vmem_shared>> -> memref<100x128xf32, #tpu.memory_space<vmem_shared>>
        tpu.wait_dma2 semaphore(%arg17 : memref<!tpu.dma_semaphore, #tpu.memory_space<semaphore_mem>>) src(%arg10 : memref<100x128xf32, #tpu.memory_space<vmem>>) dst(%dma_wait3A_313 : memref<100x128xf32, #tpu.memory_space<vmem_shared>>)
        %add3A_314 = arith.constant 3 : i32
        %add3A_315 = arith.addi %mul3A_281, %add3A_314 : i32
        %dma_start3A_316 = arith.constant 0 : i32
        %dma_start3A_317 = tpu.memref_slice %arg8[%add3A_315, %dma_start3A_316] : memref<20x100xi32, #tpu.memory_space<vmem>> -> memref<1x100xi32, #tpu.memory_space<vmem>>
        %dma_start3A_318 = tpu.memref_squeeze %dma_start3A_317 : memref<1x100xi32, #tpu.memory_space<vmem>> -> memref<100xi32, #tpu.memory_space<vmem>>
        %dma_start3A_319 = arith.constant 0 : i32
        %dma_start3A_320 = arith.constant 0 : i32
        %dma_start3A_321 = tpu.memref_slice %arg4[%dma_start3A_319, %dma_start3A_320] : memref<20000x128xf32, #tpu.memory_space<hbm>> -> memref<20000x128xf32, #tpu.memory_space<hbm>>
        tpu.enqueue_indirect_dma source(%dma_start3A_321 : memref<20000x128xf32, #tpu.memory_space<hbm>>) target(%arg10 : memref<100x128xf32, #tpu.memory_space<vmem>>) offsets(%dma_start3A_318 : memref<100xi32, #tpu.memory_space<vmem>>) semaphore(%arg14 : memref<!tpu.dma_semaphore, #tpu.memory_space<semaphore_mem>>)
        %add3A_322 = arith.constant 1 : i32
        %add3A_323 = arith.addi %mul3A_281, %add3A_322 : i32
        %dma_start3A_324 = arith.constant 0 : i32
        %dma_start3A_325 = tpu.memref_slice %arg9[%add3A_323, %dma_start3A_324] : memref<20x100xi32, #tpu.memory_space<vmem>> -> memref<1x100xi32, #tpu.memory_space<vmem>>
        %dma_start3A_326 = tpu.memref_squeeze %dma_start3A_325 : memref<1x100xi32, #tpu.memory_space<vmem>> -> memref<100xi32, #tpu.memory_space<vmem>>
        %dma_start3A_327 = arith.constant 0 : i32
        %dma_start3A_328 = arith.constant 0 : i32
        %dma_start3A_329 = tpu.memref_slice %arg13[%dma_start3A_327, %dma_start3A_328] : memref<10000x128xf32, #tpu.memory_space<vmem_shared>> -> memref<10000x128xf32, #tpu.memory_space<vmem_shared>>
        tpu.enqueue_indirect_dma source(%arg11 : memref<100x128xf32, #tpu.memory_space<vmem>>) target(%dma_start3A_329 : memref<10000x128xf32, #tpu.memory_space<vmem_shared>>) offsets(%dma_start3A_326 : memref<100xi32, #tpu.memory_space<vmem>>) semaphore(%arg18 : memref<!tpu.dma_semaphore, #tpu.memory_space<semaphore_mem>>) {add = true}
        %dma_wait3A_330 = arith.constant 0 : i32
        %dma_wait3A_331 = arith.constant 0 : i32
        %dma_wait3A_332 = tpu.memref_slice %arg13[%dma_wait3A_330, %dma_wait3A_331] : memref<10000x128xf32, #tpu.memory_space<vmem_shared>> -> memref<100x128xf32, #tpu.memory_space<vmem_shared>>
        %dma_wait3A_333 = arith.constant 0 : i32
        %dma_wait3A_334 = arith.constant 0 : i32
        %dma_wait3A_335 = tpu.memref_slice %arg13[%dma_wait3A_333, %dma_wait3A_334] : memref<10000x128xf32, #tpu.memory_space<vmem_shared>> -> memref<100x128xf32, #tpu.memory_space<vmem_shared>>
        tpu.wait_dma2 semaphore(%arg18 : memref<!tpu.dma_semaphore, #tpu.memory_space<semaphore_mem>>) src(%arg11 : memref<100x128xf32, #tpu.memory_space<vmem>>) dst(%dma_wait3A_335 : memref<100x128xf32, #tpu.memory_space<vmem_shared>>)
        %add3A_336 = arith.constant 4 : i32
        %add3A_337 = arith.addi %mul3A_281, %add3A_336 : i32
        %dma_start3A_338 = arith.constant 0 : i32
        %dma_start3A_339 = tpu.memref_slice %arg8[%add3A_337, %dma_start3A_338] : memref<20x100xi32, #tpu.memory_space<vmem>> -> memref<1x100xi32, #tpu.memory_space<vmem>>
        %dma_start3A_340 = tpu.memref_squeeze %dma_start3A_339 : memref<1x100xi32, #tpu.memory_space<vmem>> -> memref<100xi32, #tpu.memory_space<vmem>>
        %dma_start3A_341 = arith.constant 0 : i32
        %dma_start3A_342 = arith.constant 0 : i32
        %dma_start3A_343 = tpu.memref_slice %arg4[%dma_start3A_341, %dma_start3A_342] : memref<20000x128xf32, #tpu.memory_space<hbm>> -> memref<20000x128xf32, #tpu.memory_space<hbm>>
        tpu.enqueue_indirect_dma source(%dma_start3A_343 : memref<20000x128xf32, #tpu.memory_space<hbm>>) target(%arg11 : memref<100x128xf32, #tpu.memory_space<vmem>>) offsets(%dma_start3A_340 : memref<100xi32, #tpu.memory_space<vmem>>) semaphore(%arg15 : memref<!tpu.dma_semaphore, #tpu.memory_space<semaphore_mem>>)
        %dma_wait3A_344 = arith.constant 0 : i32
        %dma_wait3A_345 = arith.constant 0 : i32
        %dma_wait3A_346 = tpu.memref_slice %arg4[%dma_wait3A_344, %dma_wait3A_345] : memref<20000x128xf32, #tpu.memory_space<hbm>> -> memref<100x128xf32, #tpu.memory_space<hbm>>
        %dma_wait3A_347 = arith.constant 0 : i32
        %dma_wait3A_348 = arith.constant 0 : i32
        %dma_wait3A_349 = tpu.memref_slice %arg4[%dma_wait3A_347, %dma_wait3A_348] : memref<20000x128xf32, #tpu.memory_space<hbm>> -> memref<100x128xf32, #tpu.memory_space<hbm>>
        tpu.wait_dma2 semaphore(%arg16 : memref<!tpu.dma_semaphore, #tpu.memory_space<semaphore_mem>>) src(%dma_wait3A_349 : memref<100x128xf32, #tpu.memory_space<hbm>>) dst(%arg12 : memref<100x128xf32, #tpu.memory_space<vmem>>)
        %add3A_350 = arith.constant 2 : i32
        %add3A_351 = arith.addi %mul3A_281, %add3A_350 : i32
        %dma_start3A_352 = arith.constant 0 : i32
        %dma_start3A_353 = tpu.memref_slice %arg9[%add3A_351, %dma_start3A_352] : memref<20x100xi32, #tpu.memory_space<vmem>> -> memref<1x100xi32, #tpu.memory_space<vmem>>
        %dma_start3A_354 = tpu.memref_squeeze %dma_start3A_353 : memref<1x100xi32, #tpu.memory_space<vmem>> -> memref<100xi32, #tpu.memory_space<vmem>>
        %dma_start3A_355 = arith.constant 0 : i32
        %dma_start3A_356 = arith.constant 0 : i32
        %dma_start3A_357 = tpu.memref_slice %arg13[%dma_start3A_355, %dma_start3A_356] : memref<10000x128xf32, #tpu.memory_space<vmem_shared>> -> memref<10000x128xf32, #tpu.memory_space<vmem_shared>>
        tpu.enqueue_indirect_dma source(%arg12 : memref<100x128xf32, #tpu.memory_space<vmem>>) target(%dma_start3A_357 : memref<10000x128xf32, #tpu.memory_space<vmem_shared>>) offsets(%dma_start3A_354 : memref<100xi32, #tpu.memory_space<vmem>>) semaphore(%arg19 : memref<!tpu.dma_semaphore, #tpu.memory_space<semaphore_mem>>) {add = true}
        %dma_wait3A_358 = arith.constant 0 : i32
        %dma_wait3A_359 = arith.constant 0 : i32
        %dma_wait3A_360 = tpu.memref_slice %arg13[%dma_wait3A_358, %dma_wait3A_359] : memref<10000x128xf32, #tpu.memory_space<vmem_shared>> -> memref<100x128xf32, #tpu.memory_space<vmem_shared>>
        %dma_wait3A_361 = arith.constant 0 : i32
        %dma_wait3A_362 = arith.constant 0 : i32
        %dma_wait3A_363 = tpu.memref_slice %arg13[%dma_wait3A_361, %dma_wait3A_362] : memref<10000x128xf32, #tpu.memory_space<vmem_shared>> -> memref<100x128xf32, #tpu.memory_space<vmem_shared>>
        tpu.wait_dma2 semaphore(%arg19 : memref<!tpu.dma_semaphore, #tpu.memory_space<semaphore_mem>>) src(%arg12 : memref<100x128xf32, #tpu.memory_space<vmem>>) dst(%dma_wait3A_363 : memref<100x128xf32, #tpu.memory_space<vmem_shared>>)
      }
      %scan3A_194 = arith.constant 6 : i32
      %dma_wait3A_195 = arith.constant 0 : i32
      %dma_wait3A_196 = arith.constant 0 : i32
      %dma_wait3A_197 = tpu.memref_slice %arg4[%dma_wait3A_195, %dma_wait3A_196] : memref<20000x128xf32, #tpu.memory_space<hbm>> -> memref<100x128xf32, #tpu.memory_space<hbm>>
      %dma_wait3A_198 = arith.constant 0 : i32
      %dma_wait3A_199 = arith.constant 0 : i32
      %dma_wait3A_200 = tpu.memref_slice %arg4[%dma_wait3A_198, %dma_wait3A_199] : memref<20000x128xf32, #tpu.memory_space<hbm>> -> memref<100x128xf32, #tpu.memory_space<hbm>>
      tpu.wait_dma2 semaphore(%arg14 : memref<!tpu.dma_semaphore, #tpu.memory_space<semaphore_mem>>) src(%dma_wait3A_200 : memref<100x128xf32, #tpu.memory_space<hbm>>) dst(%arg10 : memref<100x128xf32, #tpu.memory_space<vmem>>)
      %dma_start3A_201 = arith.constant 18 : i32
      %dma_start3A_202 = arith.constant 0 : i32
      %dma_start3A_203 = tpu.memref_slice %arg9[%dma_start3A_201, %dma_start3A_202] : memref<20x100xi32, #tpu.memory_space<vmem>> -> memref<1x100xi32, #tpu.memory_space<vmem>>
      %dma_start3A_204 = tpu.memref_squeeze %dma_start3A_203 : memref<1x100xi32, #tpu.memory_space<vmem>> -> memref<100xi32, #tpu.memory_space<vmem>>
      %dma_start3A_205 = arith.constant 0 : i32
      %dma_start3A_206 = arith.constant 0 : i32
      %dma_start3A_207 = tpu.memref_slice %arg13[%dma_start3A_205, %dma_start3A_206] : memref<10000x128xf32, #tpu.memory_space<vmem_shared>> -> memref<10000x128xf32, #tpu.memory_space<vmem_shared>>
      tpu.enqueue_indirect_dma source(%arg10 : memref<100x128xf32, #tpu.memory_space<vmem>>) target(%dma_start3A_207 : memref<10000x128xf32, #tpu.memory_space<vmem_shared>>) offsets(%dma_start3A_204 : memref<100xi32, #tpu.memory_space<vmem>>) semaphore(%arg17 : memref<!tpu.dma_semaphore, #tpu.memory_space<semaphore_mem>>) {add = true}
      %dma_wait3A_208 = arith.constant 0 : i32
      %dma_wait3A_209 = arith.constant 0 : i32
      %dma_wait3A_210 = tpu.memref_slice %arg2[%dma_wait3A_208, %dma_wait3A_209] : memref<6400x100xi32, #tpu.memory_space<hbm>> -> memref<20x100xi32, #tpu.memory_space<hbm>>
      %dma_wait3A_211 = arith.constant 0 : i32
      %dma_wait3A_212 = arith.constant 0 : i32
      %dma_wait3A_213 = tpu.memref_slice %arg2[%dma_wait3A_211, %dma_wait3A_212] : memref<6400x100xi32, #tpu.memory_space<hbm>> -> memref<20x100xi32, #tpu.memory_space<hbm>>
      tpu.wait_dma2 semaphore(%arg20 : memref<!tpu.dma_semaphore, #tpu.memory_space<semaphore_mem>>) src(%dma_wait3A_213 : memref<20x100xi32, #tpu.memory_space<hbm>>) dst(%arg6 : memref<20x100xi32, #tpu.memory_space<vmem>>)
      %dma_wait3A_214 = arith.constant 0 : i32
      %dma_wait3A_215 = arith.constant 0 : i32
      %dma_wait3A_216 = tpu.memref_slice %arg3[%dma_wait3A_214, %dma_wait3A_215] : memref<3200x100xi32, #tpu.memory_space<hbm>> -> memref<20x100xi32, #tpu.memory_space<hbm>>
      %dma_wait3A_217 = arith.constant 0 : i32
      %dma_wait3A_218 = arith.constant 0 : i32
      %dma_wait3A_219 = tpu.memref_slice %arg3[%dma_wait3A_217, %dma_wait3A_218] : memref<3200x100xi32, #tpu.memory_space<hbm>> -> memref<20x100xi32, #tpu.memory_space<hbm>>
      tpu.wait_dma2 semaphore(%arg20 : memref<!tpu.dma_semaphore, #tpu.memory_space<semaphore_mem>>) src(%dma_wait3A_219 : memref<20x100xi32, #tpu.memory_space<hbm>>) dst(%arg7 : memref<20x100xi32, #tpu.memory_space<vmem>>)
      %dma_wait3A_220 = arith.constant 0 : i32
      %dma_wait3A_221 = arith.constant 0 : i32
      %dma_wait3A_222 = tpu.memref_slice %arg4[%dma_wait3A_220, %dma_wait3A_221] : memref<20000x128xf32, #tpu.memory_space<hbm>> -> memref<100x128xf32, #tpu.memory_space<hbm>>
      %dma_wait3A_223 = arith.constant 0 : i32
      %dma_wait3A_224 = arith.constant 0 : i32
      %dma_wait3A_225 = tpu.memref_slice %arg4[%dma_wait3A_223, %dma_wait3A_224] : memref<20000x128xf32, #tpu.memory_space<hbm>> -> memref<100x128xf32, #tpu.memory_space<hbm>>
      tpu.wait_dma2 semaphore(%arg15 : memref<!tpu.dma_semaphore, #tpu.memory_space<semaphore_mem>>) src(%dma_wait3A_225 : memref<100x128xf32, #tpu.memory_space<hbm>>) dst(%arg11 : memref<100x128xf32, #tpu.memory_space<vmem>>)
      %dma_start3A_226 = arith.constant 19 : i32
      %dma_start3A_227 = arith.constant 0 : i32
      %dma_start3A_228 = tpu.memref_slice %arg9[%dma_start3A_226, %dma_start3A_227] : memref<20x100xi32, #tpu.memory_space<vmem>> -> memref<1x100xi32, #tpu.memory_space<vmem>>
      %dma_start3A_229 = tpu.memref_squeeze %dma_start3A_228 : memref<1x100xi32, #tpu.memory_space<vmem>> -> memref<100xi32, #tpu.memory_space<vmem>>
      %dma_start3A_230 = arith.constant 0 : i32
      %dma_start3A_231 = arith.constant 0 : i32
      %dma_start3A_232 = tpu.memref_slice %arg13[%dma_start3A_230, %dma_start3A_231] : memref<10000x128xf32, #tpu.memory_space<vmem_shared>> -> memref<10000x128xf32, #tpu.memory_space<vmem_shared>>
      tpu.enqueue_indirect_dma source(%arg11 : memref<100x128xf32, #tpu.memory_space<vmem>>) target(%dma_start3A_232 : memref<10000x128xf32, #tpu.memory_space<vmem_shared>>) offsets(%dma_start3A_229 : memref<100xi32, #tpu.memory_space<vmem>>) semaphore(%arg18 : memref<!tpu.dma_semaphore, #tpu.memory_space<semaphore_mem>>) {add = true}
      %dma_wait3A_233 = arith.constant 0 : i32
      %dma_wait3A_234 = arith.constant 0 : i32
      %dma_wait3A_235 = tpu.memref_slice %arg13[%dma_wait3A_233, %dma_wait3A_234] : memref<10000x128xf32, #tpu.memory_space<vmem_shared>> -> memref<100x128xf32, #tpu.memory_space<vmem_shared>>
      %dma_wait3A_236 = arith.constant 0 : i32
      %dma_wait3A_237 = arith.constant 0 : i32
      %dma_wait3A_238 = tpu.memref_slice %arg13[%dma_wait3A_236, %dma_wait3A_237] : memref<10000x128xf32, #tpu.memory_space<vmem_shared>> -> memref<100x128xf32, #tpu.memory_space<vmem_shared>>
      tpu.wait_dma2 semaphore(%arg17 : memref<!tpu.dma_semaphore, #tpu.memory_space<semaphore_mem>>) src(%arg10 : memref<100x128xf32, #tpu.memory_space<vmem>>) dst(%dma_wait3A_238 : memref<100x128xf32, #tpu.memory_space<vmem_shared>>)
      %dma_start3A_239 = arith.constant 0 : i32
      %dma_start3A_240 = arith.constant 0 : i32
      %dma_start3A_241 = tpu.memref_slice %arg6[%dma_start3A_239, %dma_start3A_240] : memref<20x100xi32, #tpu.memory_space<vmem>> -> memref<1x100xi32, #tpu.memory_space<vmem>>
      %dma_start3A_242 = tpu.memref_squeeze %dma_start3A_241 : memref<1x100xi32, #tpu.memory_space<vmem>> -> memref<100xi32, #tpu.memory_space<vmem>>
      %dma_start3A_243 = arith.constant 0 : i32
      %dma_start3A_244 = arith.constant 0 : i32
      %dma_start3A_245 = tpu.memref_slice %arg4[%dma_start3A_243, %dma_start3A_244] : memref<20000x128xf32, #tpu.memory_space<hbm>> -> memref<20000x128xf32, #tpu.memory_space<hbm>>
      tpu.enqueue_indirect_dma source(%dma_start3A_245 : memref<20000x128xf32, #tpu.memory_space<hbm>>) target(%arg10 : memref<100x128xf32, #tpu.memory_space<vmem>>) offsets(%dma_start3A_242 : memref<100xi32, #tpu.memory_space<vmem>>) semaphore(%arg14 : memref<!tpu.dma_semaphore, #tpu.memory_space<semaphore_mem>>)
      %dma_wait3A_246 = arith.constant 0 : i32
      %dma_wait3A_247 = arith.constant 0 : i32
      %dma_wait3A_248 = tpu.memref_slice %arg13[%dma_wait3A_246, %dma_wait3A_247] : memref<10000x128xf32, #tpu.memory_space<vmem_shared>> -> memref<100x128xf32, #tpu.memory_space<vmem_shared>>
      %dma_wait3A_249 = arith.constant 0 : i32
      %dma_wait3A_250 = arith.constant 0 : i32
      %dma_wait3A_251 = tpu.memref_slice %arg13[%dma_wait3A_249, %dma_wait3A_250] : memref<10000x128xf32, #tpu.memory_space<vmem_shared>> -> memref<100x128xf32, #tpu.memory_space<vmem_shared>>
      tpu.wait_dma2 semaphore(%arg18 : memref<!tpu.dma_semaphore, #tpu.memory_space<semaphore_mem>>) src(%arg11 : memref<100x128xf32, #tpu.memory_space<vmem>>) dst(%dma_wait3A_251 : memref<100x128xf32, #tpu.memory_space<vmem_shared>>)
      %dma_start3A_252 = arith.constant 1 : i32
      %dma_start3A_253 = arith.constant 0 : i32
      %dma_start3A_254 = tpu.memref_slice %arg6[%dma_start3A_252, %dma_start3A_253] : memref<20x100xi32, #tpu.memory_space<vmem>> -> memref<1x100xi32, #tpu.memory_space<vmem>>
      %dma_start3A_255 = tpu.memref_squeeze %dma_start3A_254 : memref<1x100xi32, #tpu.memory_space<vmem>> -> memref<100xi32, #tpu.memory_space<vmem>>
      %dma_start3A_256 = arith.constant 0 : i32
      %dma_start3A_257 = arith.constant 0 : i32
      %dma_start3A_258 = tpu.memref_slice %arg4[%dma_start3A_256, %dma_start3A_257] : memref<20000x128xf32, #tpu.memory_space<hbm>> -> memref<20000x128xf32, #tpu.memory_space<hbm>>
      tpu.enqueue_indirect_dma source(%dma_start3A_258 : memref<20000x128xf32, #tpu.memory_space<hbm>>) target(%arg11 : memref<100x128xf32, #tpu.memory_space<vmem>>) offsets(%dma_start3A_255 : memref<100xi32, #tpu.memory_space<vmem>>) semaphore(%arg15 : memref<!tpu.dma_semaphore, #tpu.memory_space<semaphore_mem>>)
      %mul3A_259 = arith.constant 2 : i32
      %mul3A_260 = arith.muli %mul3A_259, %scan3A_99 : i32
      %add3A_261 = arith.constant 3 : i32
      %add3A_262 = arith.addi %mul3A_260, %add3A_261 : i32
      %min3A_263 = arith.constant 9 : i32
      %min3A_264 = arith.minsi %add3A_262, %min3A_263 : i32
      %mul3A_265 = arith.constant 20 : i32
      %mul3A_266 = arith.muli %min3A_264, %mul3A_265 : i32
      %add3A_267 = arith.addi %add3A, %mul3A_266 : i32
      %dma_start3A_268 = arith.constant 0 : i32
      %dma_start3A_269 = tpu.memref_slice %arg2[%add3A_267, %dma_start3A_268] : memref<6400x100xi32, #tpu.memory_space<hbm>> -> memref<20x100xi32, #tpu.memory_space<hbm>>
      %dma_start3A_270 = arith.constant 0 : i32
      %dma_start3A_271 = tpu.memref_slice %arg2[%add3A_267, %dma_start3A_270] : memref<6400x100xi32, #tpu.memory_space<hbm>> -> memref<20x100xi32, #tpu.memory_space<hbm>>
      tpu.enqueue_dma source(%dma_start3A_271 : memref<20x100xi32, #tpu.memory_space<hbm>>) target(%arg8 : memref<20x100xi32, #tpu.memory_space<vmem>>) target_semaphore(%arg21 : memref<!tpu.dma_semaphore, #tpu.memory_space<semaphore_mem>>)
      %mul3A_272 = arith.constant 20 : i32
      %mul3A_273 = arith.muli %min3A_264, %mul3A_272 : i32
      %add3A_274 = arith.addi %mul3A_6, %mul3A_273 : i32
      %dma_start3A_275 = arith.constant 0 : i32
      %dma_start3A_276 = tpu.memref_slice %arg3[%add3A_274, %dma_start3A_275] : memref<3200x100xi32, #tpu.memory_space<hbm>> -> memref<20x100xi32, #tpu.memory_space<hbm>>
      %dma_start3A_277 = arith.constant 0 : i32
      %dma_start3A_278 = tpu.memref_slice %arg3[%add3A_274, %dma_start3A_277] : memref<3200x100xi32, #tpu.memory_space<hbm>> -> memref<20x100xi32, #tpu.memory_space<hbm>>
      tpu.enqueue_dma source(%dma_start3A_278 : memref<20x100xi32, #tpu.memory_space<hbm>>) target(%arg9 : memref<20x100xi32, #tpu.memory_space<vmem>>) target_semaphore(%arg21 : memref<!tpu.dma_semaphore, #tpu.memory_space<semaphore_mem>>)
    }
    %scan3A_70 = arith.constant 5 : i32
    %dma_wait3A_71 = arith.constant 0 : i32
    %dma_wait3A_72 = arith.constant 0 : i32
    %dma_wait3A_73 = tpu.memref_slice %arg4[%dma_wait3A_71, %dma_wait3A_72] : memref<20000x128xf32, #tpu.memory_space<hbm>> -> memref<100x128xf32, #tpu.memory_space<hbm>>
    %dma_wait3A_74 = arith.constant 0 : i32
    %dma_wait3A_75 = arith.constant 0 : i32
    %dma_wait3A_76 = tpu.memref_slice %arg4[%dma_wait3A_74, %dma_wait3A_75] : memref<20000x128xf32, #tpu.memory_space<hbm>> -> memref<100x128xf32, #tpu.memory_space<hbm>>
    tpu.wait_dma2 semaphore(%arg14 : memref<!tpu.dma_semaphore, #tpu.memory_space<semaphore_mem>>) src(%dma_wait3A_76 : memref<100x128xf32, #tpu.memory_space<hbm>>) dst(%arg10 : memref<100x128xf32, #tpu.memory_space<vmem>>)
    %dma_wait3A_77 = arith.constant 0 : i32
    %dma_wait3A_78 = arith.constant 0 : i32
    %dma_wait3A_79 = tpu.memref_slice %arg4[%dma_wait3A_77, %dma_wait3A_78] : memref<20000x128xf32, #tpu.memory_space<hbm>> -> memref<100x128xf32, #tpu.memory_space<hbm>>
    %dma_wait3A_80 = arith.constant 0 : i32
    %dma_wait3A_81 = arith.constant 0 : i32
    %dma_wait3A_82 = tpu.memref_slice %arg4[%dma_wait3A_80, %dma_wait3A_81] : memref<20000x128xf32, #tpu.memory_space<hbm>> -> memref<100x128xf32, #tpu.memory_space<hbm>>
    tpu.wait_dma2 semaphore(%arg15 : memref<!tpu.dma_semaphore, #tpu.memory_space<semaphore_mem>>) src(%dma_wait3A_82 : memref<100x128xf32, #tpu.memory_space<hbm>>) dst(%arg11 : memref<100x128xf32, #tpu.memory_space<vmem>>)
    %dma_wait3A_83 = arith.constant 0 : i32
    %dma_wait3A_84 = arith.constant 0 : i32
    %dma_wait3A_85 = tpu.memref_slice %arg2[%dma_wait3A_83, %dma_wait3A_84] : memref<6400x100xi32, #tpu.memory_space<hbm>> -> memref<20x100xi32, #tpu.memory_space<hbm>>
    %dma_wait3A_86 = arith.constant 0 : i32
    %dma_wait3A_87 = arith.constant 0 : i32
    %dma_wait3A_88 = tpu.memref_slice %arg2[%dma_wait3A_86, %dma_wait3A_87] : memref<6400x100xi32, #tpu.memory_space<hbm>> -> memref<20x100xi32, #tpu.memory_space<hbm>>
    tpu.wait_dma2 semaphore(%arg21 : memref<!tpu.dma_semaphore, #tpu.memory_space<semaphore_mem>>) src(%dma_wait3A_88 : memref<20x100xi32, #tpu.memory_space<hbm>>) dst(%arg8 : memref<20x100xi32, #tpu.memory_space<vmem>>)
    %dma_wait3A_89 = arith.constant 0 : i32
    %dma_wait3A_90 = arith.constant 0 : i32
    %dma_wait3A_91 = tpu.memref_slice %arg3[%dma_wait3A_89, %dma_wait3A_90] : memref<3200x100xi32, #tpu.memory_space<hbm>> -> memref<20x100xi32, #tpu.memory_space<hbm>>
    %dma_wait3A_92 = arith.constant 0 : i32
    %dma_wait3A_93 = arith.constant 0 : i32
    %dma_wait3A_94 = tpu.memref_slice %arg3[%dma_wait3A_92, %dma_wait3A_93] : memref<3200x100xi32, #tpu.memory_space<hbm>> -> memref<20x100xi32, #tpu.memory_space<hbm>>
    tpu.wait_dma2 semaphore(%arg21 : memref<!tpu.dma_semaphore, #tpu.memory_space<semaphore_mem>>) src(%dma_wait3A_94 : memref<20x100xi32, #tpu.memory_space<hbm>>) dst(%arg9 : memref<20x100xi32, #tpu.memory_space<vmem>>)
    %barrier3A_95 = arith.constant 0 : index
    tpu.barrier barrier_id(%barrier3A_95)
    %mul3A_96 = arith.constant 10000 : i32
    %mul3A_97 = arith.muli %arg0, %mul3A_96 : i32
    %add3A_98 = arith.addi %mul3A_97, %mul3A_0 : i32
    "tpu.region"() ({
      %run_scoped3A = tpu.sem_alloc : memref<!tpu.dma_semaphore, #tpu.memory_space<semaphore_mem>>
      %dma_start3A_99 = arith.constant 0 : i32
      %dma_start3A_100 = tpu.memref_slice %arg5[%add3A_98, %dma_start3A_99] : memref<20000x128xf32, #tpu.memory_space<hbm>> -> memref<625x128xf32, #tpu.memory_space<hbm>>
      %dma_start3A_101 = arith.constant 0 : i32
      %dma_start3A_102 = tpu.memref_slice %arg13[%mul3A_0, %dma_start3A_101] : memref<10000x128xf32, #tpu.memory_space<vmem_shared>> -> memref<625x128xf32, #tpu.memory_space<vmem_shared>>
      tpu.enqueue_dma source(%dma_start3A_102 : memref<625x128xf32, #tpu.memory_space<vmem_shared>>) target(%dma_start3A_100 : memref<625x128xf32, #tpu.memory_space<hbm>>) target_semaphore(%run_scoped3A : memref<!tpu.dma_semaphore, #tpu.memory_space<semaphore_mem>>)
      %dma_wait3A_103 = arith.constant 0 : i32
      %dma_wait3A_104 = tpu.memref_slice %arg5[%add3A_98, %dma_wait3A_103] : memref<20000x128xf32, #tpu.memory_space<hbm>> -> memref<625x128xf32, #tpu.memory_space<hbm>>
      %dma_wait3A_105 = arith.constant 0 : i32
      %dma_wait3A_106 = tpu.memref_slice %arg13[%mul3A_0, %dma_wait3A_105] : memref<10000x128xf32, #tpu.memory_space<vmem_shared>> -> memref<625x128xf32, #tpu.memory_space<vmem_shared>>
      tpu.wait_dma2 semaphore(%run_scoped3A : memref<!tpu.dma_semaphore, #tpu.memory_space<semaphore_mem>>) src(%dma_wait3A_106 : memref<625x128xf32, #tpu.memory_space<vmem_shared>>) dst(%dma_wait3A_104 : memref<625x128xf32, #tpu.memory_space<hbm>>)
      tpu.yield
    }) : () -> ()
    return
  }
}

module attributes {stable_mosaic.version = 14 : i64} {
  func.func @_mm1_body(%arg0: i32, %arg1: memref<1000x128xf32, #tpu.memory_space<vmem>>, %arg2: memref<1000x1xf32, #tpu.memory_space<vmem>>, %arg3: memref<128x256xf32, #tpu.memory_space<vmem>>, %arg4: memref<1x256xf32, #tpu.memory_space<vmem>>, %arg5: memref<1000x32xf32, #tpu.memory_space<vmem>>, %arg6: memref<2x1000x128xf32, #tpu.memory_space<vmem>>) attributes {dimension_semantics = [#tpu.dimension_semantics<arbitrary>], iteration_bounds = array<i64: 10>, scalar_prefetch = 0 : i64, scratch_operands = 0 : i64, tpu.core_type = #tpu.core_type<tc>, window_params = [{transform_indices = @transform_0, window_bounds = array<i64: 1000, 128>}, {transform_indices = @transform_1, window_bounds = array<i64: 1000, 1>}, {pipeline_mode = #tpu.pipeline_mode<synchronous>, transform_indices = @transform_2, window_bounds = array<i64: 128, 256>}, {pipeline_mode = #tpu.pipeline_mode<synchronous>, transform_indices = @transform_3, window_bounds = array<i64: 1, 256>}, {transform_indices = @transform_4, window_bounds = array<i64: 1000, 32>}, {transform_indices = @transform_5, window_bounds = array<i64: 2, 1000, 128>}]} {
    %get3A = arith.constant 0 : index
    %get3A_0 = arith.constant 0 : index
    %get3A_1 = vector.load %arg5[%get3A, %get3A_0] : memref<1000x32xf32, #tpu.memory_space<vmem>>, vector<1000x32xf32>
    %reduce_sum3A = arith.constant dense<0.000000e+00> : vector<1000xf32>
    %reduce_sum3A_2 = vector.multi_reduction <add>, %get3A_1, %reduce_sum3A [1] : vector<1000x32xf32> to vector<1000xf32>
    %add3A = arith.constant 1.000000e+00 : f32
    %add3A_3 = vector.broadcast %add3A : f32 to vector<1000xf32>
    %add3A_4 = arith.addf %reduce_sum3A_2, %add3A_3 : vector<1000xf32>
    %rsqrt3A = math.rsqrt %add3A_4 : vector<1000xf32>
    %broadcast_in_dim3A = vector.shape_cast %rsqrt3A : vector<1000xf32> to vector<1000x1xf32>
    %get3A_5 = arith.constant 0 : index
    %get3A_6 = arith.constant 0 : index
    %get3A_7 = vector.load %arg1[%get3A_5, %get3A_6] : memref<1000x128xf32, #tpu.memory_space<vmem>>, vector<1000x128xf32>
    %get3A_8 = arith.constant 0 : index
    %get3A_9 = arith.constant 0 : index
    %get3A_10 = vector.load %arg3[%get3A_8, %get3A_9] : memref<128x256xf32, #tpu.memory_space<vmem>>, vector<128x256xf32>
    %dot_general3A = arith.constant dense<0.000000e+00> : vector<1000x256xf32>
    %dot_general3A_11 = tpu.matmul %get3A_7, %get3A_10, %dot_general3A {dimension_numbers = #tpu.dot_dimension_numbers<[1], [0], [0], [1], [0, 0, 1, 1], [], []>, transpose_lhs_hint = false} : vector<1000x128xf32>, vector<128x256xf32>, vector<1000x256xf32> -> vector<1000x256xf32>
    %get3A_12 = arith.constant 0 : index
    %get3A_13 = arith.constant 0 : index
    %get3A_14 = vector.load %arg2[%get3A_12, %get3A_13] : memref<1000x1xf32, #tpu.memory_space<vmem>>, vector<1000x1xf32>
    %get3A_15 = arith.constant 0 : index
    %get3A_16 = arith.constant 0 : index
    %get3A_17 = vector.load %arg4[%get3A_15, %get3A_16] : memref<1x256xf32, #tpu.memory_space<vmem>>, vector<1x256xf32>
    %mul3A = vector.broadcast %get3A_14 : vector<1000x1xf32> to vector<1000x256xf32>
    %mul3A_18 = vector.broadcast %get3A_17 : vector<1x256xf32> to vector<1000x256xf32>
    %mul3A_19 = arith.mulf %mul3A, %mul3A_18 : vector<1000x256xf32>
    %add3A_20 = arith.addf %dot_general3A_11, %mul3A_19 : vector<1000x256xf32>
    %mul3A_21 = vector.broadcast %broadcast_in_dim3A : vector<1000x1xf32> to vector<1000x256xf32>
    %mul3A_22 = arith.mulf %add3A_20, %mul3A_21 : vector<1000x256xf32>
    %slice3A = vector.extract_strided_slice %mul3A_22 {offsets = [0, 0], sizes = [1000, 128], strides = [1, 1]} : vector<1000x256xf32> to vector<1000x128xf32>
    %swap3A = arith.constant 0 : index
    %swap3A_23 = arith.constant 0 : index
    %swap3A_24 = arith.constant 0 : index
    %swap3A_25 = vector.load %arg6[%swap3A, %swap3A_23, %swap3A_24] : memref<2x1000x128xf32, #tpu.memory_space<vmem>>, vector<1x1000x128xf32>
    %swap3A_26 = vector.shape_cast %swap3A_25 : vector<1x1000x128xf32> to vector<1000x128xf32>
    %swap3A_27 = vector.shape_cast %slice3A : vector<1000x128xf32> to vector<1x1000x128xf32>
    tpu.vector_store %arg6[%swap3A, %swap3A_23, %swap3A_24], %swap3A_27 {strides = array<i32>} : memref<2x1000x128xf32, #tpu.memory_space<vmem>>, vector<1x1000x128xf32>,
    %slice3A_28 = vector.extract_strided_slice %mul3A_22 {offsets = [0, 128], sizes = [1000, 128], strides = [1, 1]} : vector<1000x256xf32> to vector<1000x128xf32>
    %swap3A_29 = arith.constant 1 : index
    %swap3A_30 = arith.constant 0 : index
    %swap3A_31 = arith.constant 0 : index
    %swap3A_32 = vector.load %arg6[%swap3A_29, %swap3A_30, %swap3A_31] : memref<2x1000x128xf32, #tpu.memory_space<vmem>>, vector<1x1000x128xf32>
    %swap3A_33 = vector.shape_cast %swap3A_32 : vector<1x1000x128xf32> to vector<1000x128xf32>
    %swap3A_34 = vector.shape_cast %slice3A_28 : vector<1000x128xf32> to vector<1x1000x128xf32>
    tpu.vector_store %arg6[%swap3A_29, %swap3A_30, %swap3A_31], %swap3A_34 {strides = array<i32>} : memref<2x1000x128xf32, #tpu.memory_space<vmem>>, vector<1x1000x128xf32>,
    return
  }
  func.func @transform_0(%arg0: i32) -> (i32, i32) {
    %c0_i32 = arith.constant 0 : i32
    %c0_i32_0 = arith.constant 0 : i32
    return %arg0, %c0_i32 : i32, i32
  }
  func.func @transform_1(%arg0: i32) -> (i32, i32) {
    %c0_i32 = arith.constant 0 : i32
    %c0_i32_0 = arith.constant 0 : i32
    return %arg0, %c0_i32 : i32, i32
  }
  func.func @transform_2(%arg0: i32) -> (i32, i32) {
    %c0_i32 = arith.constant 0 : i32
    %c0_i32_0 = arith.constant 0 : i32
    %c0_i32_1 = arith.constant 0 : i32
    return %c0_i32, %c0_i32_0 : i32, i32
  }
  func.func @transform_3(%arg0: i32) -> (i32, i32) {
    %c0_i32 = arith.constant 0 : i32
    %c0_i32_0 = arith.constant 0 : i32
    %c0_i32_1 = arith.constant 0 : i32
    return %c0_i32, %c0_i32_0 : i32, i32
  }
  func.func @transform_4(%arg0: i32) -> (i32, i32) {
    %c0_i32 = arith.constant 0 : i32
    %c0_i32_0 = arith.constant 0 : i32
    return %arg0, %c0_i32 : i32, i32
  }
  func.func @transform_5(%arg0: i32) -> (i32, i32, i32) {
    %c0_i32 = arith.constant 0 : i32
    %c0_i32_0 = arith.constant 0 : i32
    %c0_i32_1 = arith.constant 0 : i32
    return %c0_i32, %arg0, %c0_i32_0 : i32, i32, i32
  }
}

module attributes {stable_mosaic.version = 14 : i64} {
  func.func @_mid_body(%arg0: i32, %arg1: memref<2x1000x128xf32, #tpu.memory_space<vmem>>, %arg2: memref<1000x32xf32, #tpu.memory_space<vmem>>, %arg3: memref<256x256xf32, #tpu.memory_space<vmem>>, %arg4: memref<1x256xf32, #tpu.memory_space<vmem>>, %arg5: memref<2x1000x128xf32, #tpu.memory_space<vmem>>) attributes {dimension_semantics = [#tpu.dimension_semantics<arbitrary>], iteration_bounds = array<i64: 10>, scalar_prefetch = 0 : i64, scratch_operands = 0 : i64, tpu.core_type = #tpu.core_type<tc>, window_params = [{transform_indices = @transform_0, window_bounds = array<i64: 2, 1000, 128>}, {transform_indices = @transform_1, window_bounds = array<i64: 1000, 32>}, {pipeline_mode = #tpu.pipeline_mode<synchronous>, transform_indices = @transform_2, window_bounds = array<i64: 256, 256>}, {pipeline_mode = #tpu.pipeline_mode<synchronous>, transform_indices = @transform_3, window_bounds = array<i64: 1, 256>}, {transform_indices = @transform_4, window_bounds = array<i64: 2, 1000, 128>}]} {
    %get3A = arith.constant 0 : index
    %get3A_0 = arith.constant 0 : index
    %get3A_1 = vector.load %arg2[%get3A, %get3A_0] : memref<1000x32xf32, #tpu.memory_space<vmem>>, vector<1000x32xf32>
    %reduce_sum3A = arith.constant dense<0.000000e+00> : vector<1000xf32>
    %reduce_sum3A_2 = vector.multi_reduction <add>, %get3A_1, %reduce_sum3A [1] : vector<1000x32xf32> to vector<1000xf32>
    %add3A = arith.constant 1.000000e+00 : f32
    %add3A_3 = vector.broadcast %add3A : f32 to vector<1000xf32>
    %add3A_4 = arith.addf %reduce_sum3A_2, %add3A_3 : vector<1000xf32>
    %rsqrt3A = math.rsqrt %add3A_4 : vector<1000xf32>
    %broadcast_in_dim3A = vector.shape_cast %rsqrt3A : vector<1000xf32> to vector<1000x1xf32>
    %get3A_5 = arith.constant 0 : index
    %get3A_6 = arith.constant 0 : index
    %get3A_7 = arith.constant 0 : index
    %get3A_8 = vector.load %arg1[%get3A_5, %get3A_6, %get3A_7] : memref<2x1000x128xf32, #tpu.memory_space<vmem>>, vector<1x1000x128xf32>
    %get3A_9 = vector.shape_cast %get3A_8 : vector<1x1000x128xf32> to vector<1000x128xf32>
    %get3A_10 = arith.constant 1 : index
    %get3A_11 = arith.constant 0 : index
    %get3A_12 = arith.constant 0 : index
    %get3A_13 = vector.load %arg1[%get3A_10, %get3A_11, %get3A_12] : memref<2x1000x128xf32, #tpu.memory_space<vmem>>, vector<1x1000x128xf32>
    %get3A_14 = vector.shape_cast %get3A_13 : vector<1x1000x128xf32> to vector<1000x128xf32>
    %concatenate3A = tpu.concatenate %get3A_9, %get3A_14 in 1 : vector<1000x128xf32>, vector<1000x128xf32> -> vector<1000x256xf32>
    %mul3A = vector.broadcast %broadcast_in_dim3A : vector<1000x1xf32> to vector<1000x256xf32>
    %mul3A_15 = arith.mulf %concatenate3A, %mul3A : vector<1000x256xf32>
    %get3A_16 = arith.constant 0 : index
    %get3A_17 = arith.constant 0 : index
    %get3A_18 = vector.load %arg4[%get3A_16, %get3A_17] : memref<1x256xf32, #tpu.memory_space<vmem>>, vector<1x256xf32>
    %add3A_19 = vector.broadcast %get3A_18 : vector<1x256xf32> to vector<1000x256xf32>
    %add3A_20 = arith.addf %mul3A_15, %add3A_19 : vector<1000x256xf32>
    %max3A = arith.constant 0.000000e+00 : f32
    %max3A_21 = vector.broadcast %max3A : f32 to vector<1000x256xf32>
    %max3A_22 = arith.maximumf %add3A_20, %max3A_21 : vector<1000x256xf32>
    %get3A_23 = arith.constant 0 : index
    %get3A_24 = arith.constant 0 : index
    %get3A_25 = vector.load %arg3[%get3A_23, %get3A_24] : memref<256x256xf32, #tpu.memory_space<vmem>>, vector<256x256xf32>
    %dot_general3A = arith.constant dense<0.000000e+00> : vector<1000x256xf32>
    %dot_general3A_26 = tpu.matmul %max3A_22, %get3A_25, %dot_general3A {dimension_numbers = #tpu.dot_dimension_numbers<[1], [0], [0], [1], [0, 0, 1, 1], [], []>, transpose_lhs_hint = false} : vector<1000x256xf32>, vector<256x256xf32>, vector<1000x256xf32> -> vector<1000x256xf32>
    %mul3A_27 = vector.broadcast %broadcast_in_dim3A : vector<1000x1xf32> to vector<1000x256xf32>
    %mul3A_28 = arith.mulf %dot_general3A_26, %mul3A_27 : vector<1000x256xf32>
    %slice3A = vector.extract_strided_slice %mul3A_28 {offsets = [0, 0], sizes = [1000, 128], strides = [1, 1]} : vector<1000x256xf32> to vector<1000x128xf32>
    %swap3A = arith.constant 0 : index
    %swap3A_29 = arith.constant 0 : index
    %swap3A_30 = arith.constant 0 : index
    %swap3A_31 = vector.load %arg5[%swap3A, %swap3A_29, %swap3A_30] : memref<2x1000x128xf32, #tpu.memory_space<vmem>>, vector<1x1000x128xf32>
    %swap3A_32 = vector.shape_cast %swap3A_31 : vector<1x1000x128xf32> to vector<1000x128xf32>
    %swap3A_33 = vector.shape_cast %slice3A : vector<1000x128xf32> to vector<1x1000x128xf32>
    tpu.vector_store %arg5[%swap3A, %swap3A_29, %swap3A_30], %swap3A_33 {strides = array<i32>} : memref<2x1000x128xf32, #tpu.memory_space<vmem>>, vector<1x1000x128xf32>,
    %slice3A_34 = vector.extract_strided_slice %mul3A_28 {offsets = [0, 128], sizes = [1000, 128], strides = [1, 1]} : vector<1000x256xf32> to vector<1000x128xf32>
    %swap3A_35 = arith.constant 1 : index
    %swap3A_36 = arith.constant 0 : index
    %swap3A_37 = arith.constant 0 : index
    %swap3A_38 = vector.load %arg5[%swap3A_35, %swap3A_36, %swap3A_37] : memref<2x1000x128xf32, #tpu.memory_space<vmem>>, vector<1x1000x128xf32>
    %swap3A_39 = vector.shape_cast %swap3A_38 : vector<1x1000x128xf32> to vector<1000x128xf32>
    %swap3A_40 = vector.shape_cast %slice3A_34 : vector<1000x128xf32> to vector<1x1000x128xf32>
    tpu.vector_store %arg5[%swap3A_35, %swap3A_36, %swap3A_37], %swap3A_40 {strides = array<i32>} : memref<2x1000x128xf32, #tpu.memory_space<vmem>>, vector<1x1000x128xf32>,
    return
  }
  func.func @transform_0(%arg0: i32) -> (i32, i32, i32) {
    %c0_i32 = arith.constant 0 : i32
    %c0_i32_0 = arith.constant 0 : i32
    %c0_i32_1 = arith.constant 0 : i32
    return %c0_i32, %arg0, %c0_i32_0 : i32, i32, i32
  }
  func.func @transform_1(%arg0: i32) -> (i32, i32) {
    %c0_i32 = arith.constant 0 : i32
    %c0_i32_0 = arith.constant 0 : i32
    return %arg0, %c0_i32 : i32, i32
  }
  func.func @transform_2(%arg0: i32) -> (i32, i32) {
    %c0_i32 = arith.constant 0 : i32
    %c0_i32_0 = arith.constant 0 : i32
    %c0_i32_1 = arith.constant 0 : i32
    return %c0_i32, %c0_i32_0 : i32, i32
  }
  func.func @transform_3(%arg0: i32) -> (i32, i32) {
    %c0_i32 = arith.constant 0 : i32
    %c0_i32_0 = arith.constant 0 : i32
    %c0_i32_1 = arith.constant 0 : i32
    return %c0_i32, %c0_i32_0 : i32, i32
  }
  func.func @transform_4(%arg0: i32) -> (i32, i32, i32) {
    %c0_i32 = arith.constant 0 : i32
    %c0_i32_0 = arith.constant 0 : i32
    %c0_i32_1 = arith.constant 0 : i32
    return %c0_i32, %arg0, %c0_i32_0 : i32, i32, i32
  }
}

module attributes {stable_mosaic.version = 14 : i64} {
  func.func @_out_body(%arg0: i32, %arg1: memref<2x1000x128xf32, #tpu.memory_space<vmem>>, %arg2: memref<1000x32xf32, #tpu.memory_space<vmem>>, %arg3: memref<1x256xf32, #tpu.memory_space<vmem>>, %arg4: memref<256x3xf32, #tpu.memory_space<vmem>>, %arg5: memref<1x3xf32, #tpu.memory_space<vmem>>, %arg6: memref<1000x3xf32, #tpu.memory_space<vmem>>) attributes {dimension_semantics = [#tpu.dimension_semantics<arbitrary>], iteration_bounds = array<i64: 10>, scalar_prefetch = 0 : i64, scratch_operands = 0 : i64, tpu.core_type = #tpu.core_type<tc>, window_params = [{transform_indices = @transform_0, window_bounds = array<i64: 2, 1000, 128>}, {transform_indices = @transform_1, window_bounds = array<i64: 1000, 32>}, {pipeline_mode = #tpu.pipeline_mode<synchronous>, transform_indices = @transform_2, window_bounds = array<i64: 1, 256>}, {pipeline_mode = #tpu.pipeline_mode<synchronous>, transform_indices = @transform_3, window_bounds = array<i64: 256, 3>}, {pipeline_mode = #tpu.pipeline_mode<synchronous>, transform_indices = @transform_4, window_bounds = array<i64: 1, 3>}, {transform_indices = @transform_5, window_bounds = array<i64: 1000, 3>}]} {
    %get3A = arith.constant 0 : index
    %get3A_0 = arith.constant 0 : index
    %get3A_1 = vector.load %arg2[%get3A, %get3A_0] : memref<1000x32xf32, #tpu.memory_space<vmem>>, vector<1000x32xf32>
    %reduce_sum3A = arith.constant dense<0.000000e+00> : vector<1000xf32>
    %reduce_sum3A_2 = vector.multi_reduction <add>, %get3A_1, %reduce_sum3A [1] : vector<1000x32xf32> to vector<1000xf32>
    %add3A = arith.constant 1.000000e+00 : f32
    %add3A_3 = vector.broadcast %add3A : f32 to vector<1000xf32>
    %add3A_4 = arith.addf %reduce_sum3A_2, %add3A_3 : vector<1000xf32>
    %rsqrt3A = math.rsqrt %add3A_4 : vector<1000xf32>
    %broadcast_in_dim3A = vector.shape_cast %rsqrt3A : vector<1000xf32> to vector<1000x1xf32>
    %get3A_5 = arith.constant 0 : index
    %get3A_6 = arith.constant 0 : index
    %get3A_7 = arith.constant 0 : index
    %get3A_8 = vector.load %arg1[%get3A_5, %get3A_6, %get3A_7] : memref<2x1000x128xf32, #tpu.memory_space<vmem>>, vector<1x1000x128xf32>
    %get3A_9 = vector.shape_cast %get3A_8 : vector<1x1000x128xf32> to vector<1000x128xf32>
    %get3A_10 = arith.constant 1 : index
    %get3A_11 = arith.constant 0 : index
    %get3A_12 = arith.constant 0 : index
    %get3A_13 = vector.load %arg1[%get3A_10, %get3A_11, %get3A_12] : memref<2x1000x128xf32, #tpu.memory_space<vmem>>, vector<1x1000x128xf32>
    %get3A_14 = vector.shape_cast %get3A_13 : vector<1x1000x128xf32> to vector<1000x128xf32>
    %concatenate3A = tpu.concatenate %get3A_9, %get3A_14 in 1 : vector<1000x128xf32>, vector<1000x128xf32> -> vector<1000x256xf32>
    %mul3A = vector.broadcast %broadcast_in_dim3A : vector<1000x1xf32> to vector<1000x256xf32>
    %mul3A_15 = arith.mulf %concatenate3A, %mul3A : vector<1000x256xf32>
    %get3A_16 = arith.constant 0 : index
    %get3A_17 = arith.constant 0 : index
    %get3A_18 = vector.load %arg3[%get3A_16, %get3A_17] : memref<1x256xf32, #tpu.memory_space<vmem>>, vector<1x256xf32>
    %add3A_19 = vector.broadcast %get3A_18 : vector<1x256xf32> to vector<1000x256xf32>
    %add3A_20 = arith.addf %mul3A_15, %add3A_19 : vector<1000x256xf32>
    %max3A = arith.constant 0.000000e+00 : f32
    %max3A_21 = vector.broadcast %max3A : f32 to vector<1000x256xf32>
    %max3A_22 = arith.maximumf %add3A_20, %max3A_21 : vector<1000x256xf32>
    %get3A_23 = arith.constant 0 : index
    %get3A_24 = arith.constant 0 : index
    %get3A_25 = vector.load %arg4[%get3A_23, %get3A_24] : memref<256x3xf32, #tpu.memory_space<vmem>>, vector<256x3xf32>
    %dot_general3A = arith.constant dense<0.000000e+00> : vector<1000x3xf32>
    %dot_general3A_26 = tpu.matmul %max3A_22, %get3A_25, %dot_general3A {dimension_numbers = #tpu.dot_dimension_numbers<[1], [0], [0], [1], [0, 0, 1, 1], [], []>, transpose_lhs_hint = false} : vector<1000x256xf32>, vector<256x3xf32>, vector<1000x3xf32> -> vector<1000x3xf32>
    %get3A_27 = arith.constant 0 : index
    %get3A_28 = arith.constant 0 : index
    %get3A_29 = vector.load %arg5[%get3A_27, %get3A_28] : memref<1x3xf32, #tpu.memory_space<vmem>>, vector<1x3xf32>
    %add3A_30 = vector.broadcast %get3A_29 : vector<1x3xf32> to vector<1000x3xf32>
    %add3A_31 = arith.addf %dot_general3A_26, %add3A_30 : vector<1000x3xf32>
    %swap3A = arith.constant 0 : index
    %swap3A_32 = arith.constant 0 : index
    %swap3A_33 = vector.load %arg6[%swap3A, %swap3A_32] : memref<1000x3xf32, #tpu.memory_space<vmem>>, vector<1000x3xf32>
    tpu.vector_store %arg6[%swap3A, %swap3A_32], %add3A_31 {strides = array<i32>} : memref<1000x3xf32, #tpu.memory_space<vmem>>, vector<1000x3xf32>,
    return
  }
  func.func @transform_0(%arg0: i32) -> (i32, i32, i32) {
    %c0_i32 = arith.constant 0 : i32
    %c0_i32_0 = arith.constant 0 : i32
    %c0_i32_1 = arith.constant 0 : i32
    return %c0_i32, %arg0, %c0_i32_0 : i32, i32, i32
  }
  func.func @transform_1(%arg0: i32) -> (i32, i32) {
    %c0_i32 = arith.constant 0 : i32
    %c0_i32_0 = arith.constant 0 : i32
    return %arg0, %c0_i32 : i32, i32
  }
  func.func @transform_2(%arg0: i32) -> (i32, i32) {
    %c0_i32 = arith.constant 0 : i32
    %c0_i32_0 = arith.constant 0 : i32
    %c0_i32_1 = arith.constant 0 : i32
    return %c0_i32, %c0_i32_0 : i32, i32
  }
  func.func @transform_3(%arg0: i32) -> (i32, i32) {
    %c0_i32 = arith.constant 0 : i32
    %c0_i32_0 = arith.constant 0 : i32
    %c0_i32_1 = arith.constant 0 : i32
    return %c0_i32, %c0_i32_0 : i32, i32
  }
  func.func @transform_4(%arg0: i32) -> (i32, i32) {
    %c0_i32 = arith.constant 0 : i32
    %c0_i32_0 = arith.constant 0 : i32
    %c0_i32_1 = arith.constant 0 : i32
    return %c0_i32, %c0_i32_0 : i32, i32
  }
  func.func @transform_5(%arg0: i32) -> (i32, i32) {
    %c0_i32 = arith.constant 0 : i32
    %c0_i32_0 = arith.constant 0 : i32
    return %arg0, %c0_i32 : i32, i32
  }
}

</mosaic_0001>

<sc_bundles>
// kernel: kernel.11.cloned.1.call-start
scs
__scs_entry_jumppad:
0x0: {  	(pc) =	sbr.rel $0x88, $3  }
0x1: {  	(tag) =	ssettag $0x0;
	lr =	simm.s32 $0x1  }
0x2: {  	[smem:$0x3F98] =	sst lr;
	_ =	strace $0xD0000000  }
0x3: {  	_ = 	snop  }
0x4: {  	_ = 	snop  }
0x5: {  	_ = 	snop  }
0x6: {  	_ = 	snop  }
0x7: {  	_ = 	snop  }
__scs_overlays_trampoline_lowered:
0x8: {  	[smem:$0x3FA7] =	sst s0  }
0x9: {  	[smem:$0x3FA8] =	sst s1  }
0xa: {  	[smem:$0x3FA9] =	sst s2  }
0xb: {  	[smem:$0x3FAA] =	sst s3  }
0xc: {  	[smem:$0x3FAB] =	sst s4  }
0xd: {  	[smem:$0x3FAC] =	sst s5  }
0xe: {  	[smem:$0x3FAD] =	sst s6  }
0xf: {  	[smem:$0x3FAE] =	sst s7  }
0x10: {  	[smem:$0x3FAF] =	sst s8  }
0x11: {  	[smem:$0x3FB0] =	sst s9;
	s0 =	simm.s32 @!p0 $0x0  }
0x12: {  	s1 =	sld [smem:$0x3F96];
	s0 =	simm.s32 @p0 $0x1  }
0x13: {  	[smem:$0x3FB1] =	sst s0;
	s0 =	simm.s32 @!p1 $0x0  }
0x14: {  	s2 =	sld [smem:$0x3F95];
	s0 =	simm.s32 @p1 $0x1  }
0x15: {  	[smem:$0x3FB2] =	sst s0;
	s0 =	simm.s32 @!p2 $0x0  }
0x16: {  	s3 =	sld [smem:$0x3FDB];
	s0 =	simm.s32 @p2 $0x1  }
0x17: {  	s4 =	simm.s32 $0x1BF5;
	[smem:$0x3FB4] =	sst s0  }
0x18: {  	s0 =	sld [smem:$0x3F97];
	_ =	swait.ge [sflag:s4], $0x0  }
0x19: {  	s7 =	sld [smem:$0x3F98]  }
0x1a: {  	s8 =	sadd.s32 $0xFFFFE003, lr  }
0x1b: {  	s9 =	sadd.s32 $0xFFFFFEF7, lr;
	s5 =	simm.s32 $0xFFFFFFFF;
	p2 =	slt.u32 s8, $0xFFFFF086  }
0x1c: {  	p1 =	slt.u32 s9, $0xF7A;
	s5 =	simm.s32 @!p2 $0x0  }
0x1d: {  	s5 =	simm.s32 @p1 $0x1;
	p0 =	seq.s32 s7, s2  }
0x1e: {  	s7 =	smul.u32 @!p0 $0xF7A, s2;
	p2 =	seq.s32 @!p0 s5, $0x0  }
0x1f: {  	s9 =	smul.u32 $0xF7A, s1;
	s8 =	simm.s32 @!p0 $0x1BF5;
	p2 =	por !p2, p0  }
0x20: {  	[sflag:s8] =	ssyncset.s32 @!p0 $0xFFFFF086;
	s6 =	sadd.s32 @!p0 s3, s7;
	s7 =	simm.s32 @!p0 $0x108  }
0x21: {  	s3 =	sadd.s32 s3, s9;
	s6 =	sadd.s32 @!p0 $0x88, s6;
	s7 =	simm.s32 @p2 $0x1082  }
0x22: {  	[simem:s7], [sflag:s8] =	dma.local @!p0 [hbm:s6], $0xF7A  }
0x23: {  	s9 =	sor.u32 $0xD0000000, s2;
	s6 =	simm.s32 $0x108;
	_ =	swait.ge @!p0 [sflag:s8], $0x0  }
0x24: {  	s3 =	sadd.s32 $0x88, s3;
	s6 =	simm.s32 @!p1 $0x1082;
	[sflag:s4] =	ssyncset.s32 $0xFFFFF086  }
0x25: {  	[simem:s6], [sflag:s4] =	dma.local [hbm:s3], $0xF7A  }
0x26: {  	[smem:$0x3F98] =	sst s1;
	(tag) =	ssettag s2;
	_ =	strace s9  }
0x27: {  	s1 =	sld [smem:$0x3FA8]  }
0x28: {  	s2 =	sld [smem:$0x3FA9]  }
0x29: {  	s4 =	sld [smem:$0x3FAB]  }
0x2a: {  	p0 =	seq.s32 s5, $0x0;
	s5 =	sld [smem:$0x3FAC]  }
0x2b: {  	s6 =	sld [smem:$0x3FAD]  }
0x2c: {  	s7 =	sld [smem:$0x3FAE]  }
0x2d: {  	s3 =	simm.s32 $0x108;
	s8 =	sld [smem:$0x3FAF]  }
0x2e: {  	s3 =	simm.s32 @!p0 $0x1082;
	s9 =	sld [smem:$0x3FB0]  }
0x2f: {  	lr =	sadd.s32 s0, s3;
	s0 =	sld [smem:$0x3FA7]  }
0x30: {  	s3 =	sld [smem:$0x3FAA]  }
0x31: {  	[smem:$0x3FB3] =	sst s10  }
0x32: {  	s10 =	sld [smem:$0x3FB1];
	_ =	sdelay $0x3  }
0x33: {  	p0 =	seq.s32 s10, $0x1;
	s10 =	sld [smem:$0x3FB3];
	_ =	sdelay $0x3  }
0x34: {  	[smem:$0x3FB3] =	sst s10  }
0x35: {  	s10 =	sld [smem:$0x3FB2];
	_ =	sdelay $0x3  }
0x36: {  	p1 =	seq.s32 s10, $0x1;
	s10 =	sld [smem:$0x3FB3];
	_ =	sdelay $0x3  }
0x37: {  	[smem:$0x3FB3] =	sst s10  }
0x38: {  	s10 =	sld [smem:$0x3FB4]  }
0x39: {  	_ = 	snop;
	(pc) =	sbr.ind lr, $3  }
0x3a: {  	_ = 	snop  }
0x3b: {  	_ = 	snop  }
0x3c: {  	p2 =	seq.s32 s10, $0x1;
	s10 =	sld [smem:$0x3FB3]  }
0x3d: {  	_ =	shalt  }
0x3e: {  	_ =	shalt  }
0x3f: {  	_ =	shalt  }
0x40: {  	_ =	shalt  }
0x41: {  	_ =	shalt  }
0x42: {  	_ =	shalt  }
0x43: {  	_ =	shalt  }
0x44: {  	_ =	shalt  }
0x45: {  	_ =	shalt  }
0x46: {  	_ =	shalt  }
0x47: {  	_ =	shalt  }
0x48: {  	_ =	shalt  }
0x49: {  	_ =	shalt  }
0x4a: {  	_ =	shalt  }
0x4b: {  	_ =	shalt  }
0x4c: {  	_ =	shalt  }
0x4d: {  	_ =	shalt  }
0x4e: {  	_ =	shalt  }
0x4f: {  	_ =	shalt  }
0x50: {  	_ =	shalt  }
0x51: {  	_ =	shalt  }
0x52: {  	_ =	shalt  }
0x53: {  	_ =	shalt  }
0x54: {  	_ =	shalt  }
0x55: {  	_ =	shalt  }
0x56: {  	_ =	shalt  }
0x57: {  	_ =	shalt  }
0x58: {  	_ =	shalt  }
0x59: {  	_ =	shalt  }
0x5a: {  	_ =	shalt  }
0x5b: {  	_ =	shalt  }
0x5c: {  	_ =	shalt  }
0x5d: {  	_ =	shalt  }
0x5e: {  	_ =	shalt  }
0x5f: {  	_ =	shalt  }
0x60: {  	_ =	shalt  }
0x61: {  	_ =	shalt  }
0x62: {  	_ =	shalt  }
0x63: {  	_ =	shalt  }
0x64: {  	_ =	shalt  }
0x65: {  	_ =	shalt  }
0x66: {  	_ =	shalt  }
0x67: {  	_ =	shalt  }
0x68: {  	_ =	shalt  }
0x69: {  	_ =	shalt  }
0x6a: {  	_ =	shalt  }
0x6b: {  	_ =	shalt  }
0x6c: {  	_ =	shalt  }
0x6d: {  	_ =	shalt  }
0x6e: {  	_ =	shalt  }
0x6f: {  	_ =	shalt  }
0x70: {  	_ =	shalt  }
0x71: {  	_ =	shalt  }
0x72: {  	_ =	shalt  }
0x73: {  	_ =	shalt  }
0x74: {  	_ =	shalt  }
0x75: {  	_ =	shalt  }
0x76: {  	_ =	shalt  }
0x77: {  	_ =	shalt  }
0x78: {  	_ =	shalt  }
0x79: {  	_ =	shalt  }
0x7a: {  	_ =	shalt  }
0x7b: {  	_ =	shalt  }
0x7c: {  	_ =	shalt  }
0x7d: {  	_ =	shalt  }
0x7e: {  	_ =	shalt  }
0x7f: {  	_ =	shalt  }
0x80: {  	_ =	shalt  }
0x81: {  	_ =	shalt  }
0x82: {  	_ =	shalt  }
0x83: {  	_ =	shalt  }
0x84: {  	_ =	shalt  }
0x85: {  	_ =	shalt  }
0x86: {  	_ =	shalt  }
0x87: {  	_ =	shalt  }
.Lfunc_end0:
.L_simem_size_0:
called_computation.1_lowered:
.L_overlay_start_0:
0x88: {  	s2 =	sld [smem:$0x3FD9]  }
0x89: {  	s3 =	sld [smem:$0x3FFE];
	_ =	sdelay $0x1  }
0x8a: {  	s1 =	srdreg.scid  }
0x8b: {  	s0 =	sand.u32 $0x1, s1  }
0x8c: {  	s16 =	sshll.u32 s0, $0xA;
	s2 =	sadd.s32 s3, s2  }
0x8d: {  	s2 =	sadd.s32 s2, s16  }
0x8e: {  	[smem:$0x3FBF] =	sst s2  }
0x8f: {  	_ = 	snop  }
0x90: {  	(tm) =	ssettm $0x1  }
0x91: {  	s17 =	sld [smem:$0x3FFB];
	_ =	sdelay $0x3  }
0x92: {  	_ =	strace s17  }
0x93: {  	s2 =	sld [smem:$0x3FFC];
	_ =	sdelay $0x3  }
0x94: {  	_ =	strace s2  }
0x95: {  	s2 =	sld [smem:$0x3FFD];
	_ =	sdelay $0x3  }
0x96: {  	_ =	strace s2  }
0x97: {  	_ =	strace $0x8FFFFFFF  }
0x98: {  	s18 =	sld [smem:$0x3FDB];
	_ =	sdelay $0x1  }
0x99: {  	s19 =	simm.s32 $_scs_section_size  }
0x9a: {  	s4 =	simm.s32 $_size__tile_overlayer_lowered;
	s5 =	simm.s32 $_tile_overlayer_lowered  }
0x9b: {  	s22 =	simm.s32 $0x1BFF;
	s21 =	sshll.u32 s5, $0x1;
	s2 =	sadd.s32 s19, s18  }
0x9c: {  	s6 =	simm.s32 $0x0;
	s20 =	sshll.u32 s4, $0x1;
	s4 =	sadd.s32 s21, s2  }
0x9d: {  	[timem:s6], [sflag:s22] =	dma.local [hbm:s4], s20  }
0x9e: {  	_ =	swait.ge [sflag:s22], s20  }
0x9f: {  	s3 =	ssub.s32 $0x0, s20;
	[sflag:s22] =	ssyncset.done $0x0  }
0xa0: {  	[sflag:s22] =	ssyncadd.s32 s3;
	_ =	sdelay $0x1  }
0xa1: {  	s23 =	simm.s32 $0x1B8B  }
0xa2: {  	_ =	swait.ge [sflag:s23], $0x1  }
0xa3: {  	[sflag:s23] =	ssyncset.done $0x0  }
0xa4: {  	s25 =	simm.s32 $0x1B8E;
	s24 =	sld [smem:$0x3FFE];
	[sflag:s23] =	ssyncadd.s32 $0xFFFFFFFF  }
0xa5: {  	s26 =	simm.s32 $execute0_lowered;
	[smem:$0x3FD2] =	sst s25  }
0xa6: {  	s4 =	sshll.u32 s26, $0x1;
	_ =	strace $0x80000049;
	[dreg:$0x1] =	wrdreg $0xFFFFFFFF  }
0xa7: {  	s28 =	simm.s32 $_size_execute0_lowered;
	s2 =	sadd.s32 s2, s4;
	[dreg:$0x0] =	wrdreg $0x0  }
0xa8: {  	s4 =	sshll.u32 s28, $0x1;
	[dreg:$0x2] =	wrdreg s2  }
0xa9: {  	[dreg:$0x3] =	wrdreg s4  }
0xaa: {  	[dreg:$0x4] =	wrdreg $0xC0  }
0xab: {  	_ =	task [dreg:s6], $0x5FFFF  }
0xac: {  	[dreg:$0x1] =	wrdreg $0xFFFFFFFF  }
0xad: {  	[dreg:$0x0] =	wrdreg $0x60  }
0xae: {  	[dreg:$0x2] =	wrdreg s24  }
0xaf: {  	[dreg:$0x3] =	wrdreg $0xB6800  }
0xb0: {  	[dreg:$0x4] =	wrdreg $0x9  }
0xb1: {  	_ =	task.clear_ibuf [dreg:s6], $0x5FFFF;
	_ =	strace $0x90000049  }
0xb2: {  	s29 =	simm.s32 $0x9;
	_ =	strace $0x8000004B  }
0xb3: {  	_ =	swait.ge [sflag:s29], $0x1  }
0xb4: {  	[sflag:s29] =	ssyncadd.s32 $0xFFFFFFFF  }
0xb5: {  	_ =	strace $0x9000004B  }
0xb6: {  	_ =	sfence  }
0xb7: {  	s30 =	sld [smem:$0x0];
	_ =	sdelay $0x2  }
0xb8: {  	s31 =	sshll.u32 s1, $0xD;
	s1 =	sshrl.u32 s1, $0x2  }
0xb9: {  	s3 =	sand.u32 $0x4000, s31;
	s1 =	sadd.s32 s1, s30  }
0xba: {  	s0 =	sor.u32 s3, s0;
	s1 =	sshll.u32 s1, $0x11  }
0xbb: {  	s0 =	sor.u32 s1, s0  }
0xbc: {  	s0 =	sadd.s32 $0x8F2B, s0  }
0xbd: {  	[sflag:s0] =	ssyncadd.remote.s32 $0x1  }
0xbe: {  	_ =	sfence.sel $0xFFFF  }
0xbf: {  	[dreg:$0x0] =	wrdreg $0xFFFFFFFF;
	(pc) =	sbr.abs _section_cstart, $3  }
0xc0: {  	[dreg:$0x1] =	wrdreg $0xFFFFFFFF  }
0xc1: {  	_ =	task.clear_ibuf [dreg:s6], $0x2FFFF;
	_ =	strace $0x9FFFFFFF  }
0xc2: {  	(tm) =	ssettm $0x7FFFFFFF  }
0xc3: {  	_ =	shalt  }
tec
execute0_lowered:
.L_overlay_start_1:
0x0: {  	(tag) =	ssettag $0x1  }
0x1: {  	s0 =	rddreg [dreg:$0x0]  }
0x2: {  	s1 =	rddreg [dreg:$0x1];
	s2 =	simm.s32 $0x0  }
0x3: {  	s3 =	simm.s32 $0xD0;
	[smem:$0x7FF] =	sst s2  }
0x4: {  	s26 =	simm.s32 $0x138;
	_ =	strace $0x8000004A;
	[dreg:$0x3] =	wrdreg s3  }
0x5: {  	s28 =	simm.s32 $0x888;
	[dreg:$0x4] =	wrdreg s26  }
0x6: {  	s4 =	simm.s32 $0x1A0;
	[dreg:$0x5] =	wrdreg s28  }
0x7: {  	s5 =	simm.s32 $0x8F0;
	[dreg:$0x6] =	wrdreg s4  }
0x8: {  	s6 =	simm.s32 $0x958;
	[dreg:$0x7] =	wrdreg s5  }
0x9: {  	s7 =	simm.s32 $0x208;
	[dreg:$0x8] =	wrdreg s6  }
0xa: {  	s8 =	simm.s32 $0x270;
	[dreg:$0x9] =	wrdreg s7  }
0xb: {  	s9 =	simm.s32 $0x9C0;
	[dreg:$0xa] =	wrdreg s8  }
0xc: {  	s10 =	simm.s32 $0x2D8;
	[dreg:$0xb] =	wrdreg s9  }
0xd: {  	s11 =	simm.s32 $0xA28;
	[dreg:$0xc] =	wrdreg s10  }
0xe: {  	s12 =	simm.s32 $0xA90;
	[dreg:$0xd] =	wrdreg s11  }
0xf: {  	s13 =	simm.s32 $0x340;
	[dreg:$0xe] =	wrdreg s12  }
0x10: {  	s14 =	simm.s32 $0x3A8;
	[dreg:$0xf] =	wrdreg s13  }
0x11: {  	s15 =	simm.s32 $0xAF8;
	[dreg:$0x10] =	wrdreg s14  }
0x12: {  	s16 =	simm.s32 $0x410;
	[dreg:$0x11] =	wrdreg s15  }
0x13: {  	s17 =	simm.s32 $0xB60;
	[dreg:$0x12] =	wrdreg s16  }
0x14: {  	s18 =	simm.s32 $0xBC8;
	[dreg:$0x13] =	wrdreg s17  }
0x15: {  	s19 =	simm.s32 $0x478;
	[dreg:$0x14] =	wrdreg s18  }
0x16: {  	s20 =	simm.s32 $0x4E0;
	[dreg:$0x15] =	wrdreg s19  }
0x17: {  	s21 =	simm.s32 $0xC30;
	[dreg:$0x16] =	wrdreg s20  }
0x18: {  	s22 =	simm.s32 $0x548;
	[dreg:$0x17] =	wrdreg s21  }
0x19: {  	s23 =	simm.s32 $0xC98;
	[dreg:$0x18] =	wrdreg s22  }
0x1a: {  	s24 =	simm.s32 $0xD00;
	[dreg:$0x19] =	wrdreg s23  }
0x1b: {  	s25 =	simm.s32 $0x5B0;
	[dreg:$0x1a] =	wrdreg s24  }
0x1c: {  	[dreg:$0x1b] =	wrdreg s25;
	s26 =	simm.s32 $0x618  }
0x1d: {  	s28 =	simm.s32 $0xD68;
	[dreg:$0x1c] =	wrdreg s26  }
0x1e: {  	s4 =	simm.s32 $0x680;
	[dreg:$0x1d] =	wrdreg s28  }
0x1f: {  	s5 =	simm.s32 $0xDD0;
	[dreg:$0x1e] =	wrdreg s4  }
0x20: {  	s6 =	simm.s32 $0xE38;
	[dreg:$0x1f] =	wrdreg s5  }
0x21: {  	s7 =	simm.s32 $0x6E8;
	[smem:$0x7C7] =	sst s6  }
0x22: {  	s8 =	simm.s32 $0x7B8;
	[smem:$0x7C8] =	sst s7  }
0x23: {  	s9 =	simm.s32 $0xF08;
	[smem:$0x7CB] =	sst s8  }
0x24: {  	s10 =	simm.s32 $0xF70;
	[smem:$0x7CC] =	sst s9  }
0x25: {  	s11 =	simm.s32 $0xFD8;
	[smem:$0x7CD] =	sst s10  }
0x26: {  	s12 =	simm.s32 $0x10A8;
	[smem:$0x7CE] =	sst s11  }
0x27: {  	s14 =	simm.s32 $0x1110;
	[smem:$0x7CF] =	sst s12  }
0x28: {  	s15 =	simm.s32 $0x1178;
	[smem:$0x7D0] =	sst s14  }
0x29: {  	s16 =	simm.s32 $0x18C8;
	[smem:$0x7D1] =	sst s15  }
0x2a: {  	s17 =	simm.s32 $0x11E0;
	[smem:$0x7D2] =	sst s16  }
0x2b: {  	s18 =	simm.s32 $0x1930;
	[smem:$0x7D3] =	sst s17  }
0x2c: {  	s20 =	simm.s32 $0x1998;
	[smem:$0x7D4] =	sst s18  }
0x2d: {  	s21 =	simm.s32 $0x12B0;
	[smem:$0x7D5] =	sst s20  }
0x2e: {  	s23 =	simm.s32 $0x1A00;
	[smem:$0x7D7] =	sst s21  }
0x2f: {  	s24 =	simm.s32 $0x1318;
	[smem:$0x7D8] =	sst s23  }
0x30: {  	s29 =	simm.s32 $0x1;
	s4 =	simm.s32 $0x750;
	[smem:$0x7D9] =	sst s24  }
0x31: {  	s30 =	simm.s32 $0x8480;
	s5 =	simm.s32 $0xEA0;
	[smem:$0x7C9] =	sst s4  }
0x32: {  	s31 =	simm.s32 $0x2;
	s11 =	simm.s32 $0x1248;
	[smem:$0x7CA] =	sst s5  }
0x33: {  	s3 =	sadd.s32 $0x15C00, s0;
	s12 =	simm.s32 $0x1A68;
	[smem:$0x7D6] =	sst s11  }
0x34: {  	s13 =	stileid.u32;
	s26 =	simm.s32 $0x1AD0;
	[smem:$0x7DA] =	sst s12  }
0x35: {  	s6 =	srdreg.scid;
	s28 =	simm.s32 $0x1380;
	[smem:$0x7DB] =	sst s26  }
0x36: {  	s9 =	smul.u32 $0x271, s13;
	s14 =	simm.s32 $0x1B38;
	[smem:$0x7DC] =	sst s28  }
0x37: {  	s25 =	smul.u32 $0x4E200, s13;
	s16 =	simm.s32 $0x1450;
	[smem:$0x7DF] =	sst s14  }
0x38: {  	s15 =	sshll.u32 s13, $0x6;
	s18 =	simm.s32 $0x1BA0;
	[smem:$0x7E0] =	sst s16  }
0x39: {  	s20 =	simm.s32 $0x14B8;
	s21 =	smul.u32 $0xA28, s13;
	[smem:$0x7E1] =	sst s15  }
0x3a: {  	s24 =	simm.s32 $0x1C70;
	s4 =	sadd.s32 $0x2A200, s0;
	[smem:$0x7E3] =	sst s18  }
0x3b: {  	s7 =	sand.u32 $0x1, s6;
	s6 =	sadd.s32 $0x34600, s0;
	[smem:$0x7E6] =	sst s20  }
0x3c: {  	s12 =	simm.s32 $0x13E8;
	[smem:$0x7E9] =	sst s24;
	s28 =	simm.s32 $0x1CD8  }
0x3d: {  	s14 =	simm.s32 $0x15F0;
	s18 =	simm.s32 $0x16C0;
	s20 =	simm.s32 $0x1E78  }
0x3e: {  	s24 =	simm.s32 $0x17F8;
	s8 =	smul.u32 $0x2710, s7;
	[smem:$0x7DE] =	sst s12  }
0x3f: {  	s19 =	ssub.s32 $0x2, s7;
	s22 =	smul.u32 $0xC80, s7;
	[smem:$0x7EB] =	sst s28  }
0x40: {  	s7 =	smul.u32 $0xC8, s13;
	s11 =	sshrl.u32 s25, $0x2;
	[smem:$0x7EE] =	sst s14  }
0x41: {  	s12 =	sor.u32 $0x1C09, s15;
	s25 =	simm.s32 $0x1588;
	[smem:$0x7F2] =	sst s18  }
0x42: {  	s13 =	smul.u32 $0x5140, s13;
	s15 =	simm.s32 $0x1658;
	[smem:$0x7F6] =	sst s20  }
0x43: {  	s20 =	simm.s32 $0x1040;
	[smem:$0x7FA] =	sst s24;
	s28 =	simm.s32 $0x2018  }
0x44: {  	s24 =	simm.s32 $0x2080;
	s14 =	simm.s32 $0x0;
	[smem:$0x7E2] =	sst s12  }
0x45: {  	s10 =	sshrl.u32 s19, $0x1;
	s11 =	sadd.s32 s11, s1;
	[smem:$0x7EA] =	sst s25  }
0x46: {  	s12 =	simm.s32 $0x1D40;
	[smem:$0x7EF] =	sst s15;
	s25 =	simm.s32 $0x1F48  }
0x47: {  	[smem:$0x7FD] =	sst s28;
	s8 =	sadd.s32 s9, s8;
	s5 =	ssub.s32 s19, s10  }
0x48: {  	s19 =	simm.s32 $0x1C08;
	[smem:$0x7EC] =	sst s12;
	s16 =	sshrl.u32 s13, $0x3  }
0x49: {  	s18 =	sshrl.u32 s11, $0x3;
	[smem:$0x7FB] =	sst s25;
	s25 =	simm.s32 $0x68  }
0x4a: {  	s11 =	simm.s32 $0x6;
	s12 =	simm.s32 $0x8;
	s9 =	sshll.u32 s8, $0x4  }
0x4b: {  	s8 =	sadd.s32 s7, s22;
	[smem:$0x7E5] =	sst s19;
	s22 =	simm.s32 $0x1520  }
0x4c: {  	s13 =	simm.s32 $0xA;
	s19 =	simm.s32 $0x1E10;
	[smem:$0x7E7] =	sst s22  }
0x4d: {  	s5 =	smax.u32 s5, $0x1;
	s0 =	sadd.s32 s9, s0;
	[smem:$0x7F4] =	sst s19  }
0x4e: {  	s9 =	sadd.s32 s6, s9;
	s17 =	smul.u32 $0xD, s8;
	[smem:$0x7F5] =	sst s5  }
0x4f: {  	s23 =	smul.u32 $0x68, s8;
	s22 =	simm.s32 $0x1790;
	[smem:$0x7DD] =	sst s9  }
0x50: {  	s19 =	simm.s32 $0x820;
	s0 =	sadd.s32 $0x82800, s0;
	[smem:$0x7F8] =	sst s22  }
0x51: {  	s5 =	simm.s32 $0x5;
	s10 =	sadd.s32 s3, s17;
	[smem:$0x7F3] =	sst s0  }
0x52: {  	s22 =	simm.s32 $0x7;
	s17 =	simm.s32 $0x1DA8;
	[smem:$0x7E4] =	sst s10  }
0x53: {  	s26 =	sshrl.u32 s23, $0x3;
	s23 =	simm.s32 $0x1EE0;
	[smem:$0x7F0] =	sst s17  }
0x54: {  	s9 =	simm.s32 $0x3;
	s10 =	sadd.s32 s4, s21;
	[smem:$0x7F9] =	sst s23  }
0x55: {  	s21 =	simm.s32 $0x1728;
	[smem:$0x7E8] =	sst s10;
	s10 =	sadd.s32 s3, s26  }
0x56: {  	s0 =	simm.s32 $0x4;
	[smem:$0x7F7] =	sst s21;
	s10 =	sadd.s32 $0x104, s10  }
0x57: {  	s26 =	simm.s32 $0x1FB0;
	[smem:$0x7ED] =	sst s10;
	s10 =	sadd.s32 s4, s16  }
0x58: {  	s23 =	simm.s32 $0x64;
	[smem:$0x7FC] =	sst s26;
	s10 =	sadd.s32 $0x104, s10  }
0x59: {  	s21 =	simm.s32 $0x1860;
	s26 =	simm.s32 $0x5280;
	[smem:$0x7F1] =	sst s10  }
.LBB2_1:
0x5a: {  	s10 =	sld [smem:$0x7DD]  }
0x5b: {  	s15 =	sld [smem:$0x7E2];
	_ =	sdelay $0x2  }
0x5c: {  	[spmem:s18], [sflag:s15] =	dma.local [hbm:s10], $0x2710  }
0x5d: {  	s10 =	sld [smem:$0x7E4];
	_ =	sdelay $0x1  }
0x5e: {  	s16 =	sld [smem:$0x7E8]  }
0x5f: {  	[tilespmem:s2], [sflag:$0x7] =	stream.linear.gather [hbm4b:s10+s2], $0x820, $0x38;
	[tilespmem:$0x1EF00] =	vst v63  }
0x60: {  	s17 =	sld [smem:$0x7ED]  }
0x61: {  	[tilespmem:s19], [sflag:$0x7] =	stream.linear.gather [hbm4b:s16+s2], $0x820, $0x38;
	[tilespmem:$0x1EF00] =	vst v63  }
0x62: {  	s28 =	sld [smem:$0x7F1]  }
0x63: {  	[tilespmem:s20], [sflag:$0x8] =	stream.linear.gather [hbm4b:s17+s2], $0x820, $0x38;
	[tilespmem:$0x1EF00] =	vst v63  }
0x64: {  	_ = 	snop  }
0x65: {  	[tilespmem:s21], [sflag:$0x8] =	stream.linear.gather [hbm4b:s28+s2], $0x820, $0x38;
	[tilespmem:$0x1EF00] =	vst v63  }
0x66: {  	_ =	swait.ge [sflag:s22], $0x820  }
0x67: {  	[sflag:s22] =	ssyncset.done $0x0  }
0x68: {  	[sflag:s22] =	ssyncadd.s32 $0xFFFFF7E0  }
0x69: {  	_ =	swait.ge [sflag:s22], $0x820  }
0x6a: {  	[sflag:s22] =	ssyncset.done $0x0  }
0x6b: {  	[sflag:s22] =	ssyncadd.s32 $0xFFFFF7E0  }
0x6c: {  	[tilespmem:s24], [sflag:$0x1] =	stream.indirect.gather [hbm4b:s6+s23], $0x80, s2, s23, $0xb8;
	[tilespmem:$0x1EF00] =	vst v63  }
0x6d: {  	s15 =	simm.s32 $0x9  }
0x6e: {  	[tilespmem:s26], [sflag:$0x2] =	stream.indirect.gather [hbm4b:s6+s23], $0x80, s25, s23, $0xb8;
	[tilespmem:$0x1EF00] =	vst v63  }
0x6f: {  	_ =	swait.ge [sflag:s15], $0x2710  }
0x70: {  	[sflag:s15] =	ssyncset.done $0x0  }
0x71: {  	[sflag:s15] =	ssyncadd.s32 $0xFFFFD8F0  }
0x72: {  	[bflag:$0x0] =	sbarrier.arrive $0xFFFF  }
0x73: {  	_ =	swait.ge [sflag:s29], $0x3200  }
0x74: {  	[sflag:s29] =	ssyncset.done $0x0  }
0x75: {  	[sflag:s29] =	ssyncadd.s32 $0xFFFFCE00  }
0x76: {  	[spmem:s1] =	stream.indirect.scatter.add.f32 [tilespmem:s24], [sflag:$0x4], $0x80, s19, s23, $0xb8;
	[tilespmem:$0x1EF00] =	vst v63  }
0x77: {  	s16 =	rddreg [dreg:$0x3]  }
0x78: {  	[tilespmem:s30], [sflag:$0x3] =	stream.indirect.gather [hbm4b:s6+s23], $0x80, s16, s23, $0xb8;
	[tilespmem:$0x1EF00] =	vst v63  }
0x79: {  	_ =	swait.ge [sflag:s31], $0x3200  }
0x7a: {  	[sflag:s31] =	ssyncset.done $0x0  }
0x7b: {  	[sflag:s31] =	ssyncadd.s32 $0xFFFFCE00  }
0x7c: {  	_ =	swait.ge [sflag:s0], $0x3200  }
0x7d: {  	[sflag:s0] =	ssyncset.done $0x0  }
0x7e: {  	s17 =	rddreg [dreg:$0x4];
	[sflag:s0] =	ssyncadd.s32 $0xFFFFCE00  }
0x7f: {  	[tilespmem:s24], [sflag:$0x1] =	stream.indirect.gather [hbm4b:s6+s23], $0x80, s17, s23, $0xb8;
	[tilespmem:$0x1EF00] =	vst v63  }
0x80: {  	s28 =	rddreg [dreg:$0x5]  }
0x81: {  	[spmem:s1] =	stream.indirect.scatter.add.f32 [tilespmem:s26], [sflag:$0x5], $0x80, s28, s23, $0xb8;
	[tilespmem:$0x1EF00] =	vst v63  }
0x82: {  	_ =	swait.ge [sflag:s5], $0x3200  }
0x83: {  	[sflag:s5] =	ssyncset.done $0x0  }
0x84: {  	s15 =	rddreg [dreg:$0x6];
	[sflag:s5] =	ssyncadd.s32 $0xFFFFCE00  }
0x85: {  	[tilespmem:s26], [sflag:$0x2] =	stream.indirect.gather [hbm4b:s6+s23], $0x80, s15, s23, $0xb8;
	[tilespmem:$0x1EF00] =	vst v63  }
0x86: {  	_ =	swait.ge [sflag:s9], $0x3200  }
0x87: {  	[sflag:s9] =	ssyncset.done $0x0  }
0x88: {  	s16 =	rddreg [dreg:$0x7];
	[sflag:s9] =	ssyncadd.s32 $0xFFFFCE00  }
0x89: {  	[spmem:s1] =	stream.indirect.scatter.add.f32 [tilespmem:s30], [sflag:$0x6], $0x80, s16, s23, $0xb8;
	[tilespmem:$0x1EF00] =	vst v63  }
0x8a: {  	_ =	swait.ge [sflag:s11], $0x3200  }
0x8b: {  	[sflag:s11] =	ssyncset.done $0x0  }
0x8c: {  	[sflag:s11] =	ssyncadd.s32 $0xFFFFCE00  }
0x8d: {  	_ =	swait.ge [sflag:s29], $0x3200  }
0x8e: {  	[sflag:s29] =	ssyncset.done $0x0  }
0x8f: {  	s17 =	rddreg [dreg:$0x8];
	[sflag:s29] =	ssyncadd.s32 $0xFFFFCE00  }
0x90: {  	[spmem:s1] =	stream.indirect.scatter.add.f32 [tilespmem:s24], [sflag:$0x4], $0x80, s17, s23, $0xb8;
	[tilespmem:$0x1EF00] =	vst v63  }
0x91: {  	s28 =	rddreg [dreg:$0x9]  }
0x92: {  	[tilespmem:s30], [sflag:$0x3] =	stream.indirect.gather [hbm4b:s6+s23], $0x80, s28, s23, $0xb8;
	[tilespmem:$0x1EF00] =	vst v63  }
0x93: {  	_ =	swait.ge [sflag:s31], $0x3200  }
0x94: {  	[sflag:s31] =	ssyncset.done $0x0  }
0x95: {  	[sflag:s31] =	ssyncadd.s32 $0xFFFFCE00  }
0x96: {  	_ =	swait.ge [sflag:s0], $0x3200  }
0x97: {  	[sflag:s0] =	ssyncset.done $0x0  }
0x98: {  	s15 =	rddreg [dreg:$0xa];
	[sflag:s0] =	ssyncadd.s32 $0xFFFFCE00  }
0x99: {  	[tilespmem:s24], [sflag:$0x1] =	stream.indirect.gather [hbm4b:s6+s23], $0x80, s15, s23, $0xb8;
	[tilespmem:$0x1EF00] =	vst v63  }
0x9a: {  	s16 =	rddreg [dreg:$0xb]  }
0x9b: {  	[spmem:s1] =	stream.indirect.scatter.add.f32 [tilespmem:s26], [sflag:$0x5], $0x80, s16, s23, $0xb8;
	[tilespmem:$0x1EF00] =	vst v63  }
0x9c: {  	_ =	swait.ge [sflag:s5], $0x3200  }
0x9d: {  	[sflag:s5] =	ssyncset.done $0x0  }
0x9e: {  	s17 =	rddreg [dreg:$0xc];
	[sflag:s5] =	ssyncadd.s32 $0xFFFFCE00  }
0x9f: {  	[tilespmem:s26], [sflag:$0x2] =	stream.indirect.gather [hbm4b:s6+s23], $0x80, s17, s23, $0xb8;
	[tilespmem:$0x1EF00] =	vst v63  }
0xa0: {  	_ =	swait.ge [sflag:s9], $0x3200  }
0xa1: {  	[sflag:s9] =	ssyncset.done $0x0  }
0xa2: {  	s28 =	rddreg [dreg:$0xd];
	[sflag:s9] =	ssyncadd.s32 $0xFFFFCE00  }
0xa3: {  	[spmem:s1] =	stream.indirect.scatter.add.f32 [tilespmem:s30], [sflag:$0x6], $0x80, s28, s23, $0xb8;
	[tilespmem:$0x1EF00] =	vst v63  }
0xa4: {  	_ =	swait.ge [sflag:s11], $0x3200  }
0xa5: {  	[sflag:s11] =	ssyncset.done $0x0  }
0xa6: {  	[sflag:s11] =	ssyncadd.s32 $0xFFFFCE00  }
0xa7: {  	_ =	swait.ge [sflag:s29], $0x3200  }
0xa8: {  	[sflag:s29] =	ssyncset.done $0x0  }
0xa9: {  	s15 =	rddreg [dreg:$0xe];
	[sflag:s29] =	ssyncadd.s32 $0xFFFFCE00  }
0xaa: {  	[spmem:s1] =	stream.indirect.scatter.add.f32 [tilespmem:s24], [sflag:$0x4], $0x80, s15, s23, $0xb8;
	[tilespmem:$0x1EF00] =	vst v63  }
0xab: {  	s16 =	rddreg [dreg:$0xf]  }
0xac: {  	[tilespmem:s30], [sflag:$0x3] =	stream.indirect.gather [hbm4b:s6+s23], $0x80, s16, s23, $0xb8;
	[tilespmem:$0x1EF00] =	vst v63  }
0xad: {  	_ =	swait.ge [sflag:s31], $0x3200  }
0xae: {  	[sflag:s31] =	ssyncset.done $0x0  }
0xaf: {  	[sflag:s31] =	ssyncadd.s32 $0xFFFFCE00  }
0xb0: {  	_ =	swait.ge [sflag:s0], $0x3200  }
0xb1: {  	[sflag:s0] =	ssyncset.done $0x0  }
0xb2: {  	s17 =	rddreg [dreg:$0x10];
	[sflag:s0] =	ssyncadd.s32 $0xFFFFCE00  }
0xb3: {  	[tilespmem:s24], [sflag:$0x1] =	stream.indirect.gather [hbm4b:s6+s23], $0x80, s17, s23, $0xb8;
	[tilespmem:$0x1EF00] =	vst v63  }
0xb4: {  	s28 =	rddreg [dreg:$0x11]  }
0xb5: {  	[spmem:s1] =	stream.indirect.scatter.add.f32 [tilespmem:s26], [sflag:$0x5], $0x80, s28, s23, $0xb8;
	[tilespmem:$0x1EF00] =	vst v63  }
0xb6: {  	_ =	swait.ge [sflag:s5], $0x3200  }
0xb7: {  	[sflag:s5] =	ssyncset.done $0x0  }
0xb8: {  	s15 =	rddreg [dreg:$0x12];
	[sflag:s5] =	ssyncadd.s32 $0xFFFFCE00  }
0xb9: {  	[tilespmem:s26], [sflag:$0x2] =	stream.indirect.gather [hbm4b:s6+s23], $0x80, s15, s23, $0xb8;
	[tilespmem:$0x1EF00] =	vst v63  }
0xba: {  	_ =	swait.ge [sflag:s9], $0x3200  }
0xbb: {  	[sflag:s9] =	ssyncset.done $0x0  }
0xbc: {  	s16 =	rddreg [dreg:$0x13];
	[sflag:s9] =	ssyncadd.s32 $0xFFFFCE00  }
0xbd: {  	[spmem:s1] =	stream.indirect.scatter.add.f32 [tilespmem:s30], [sflag:$0x6], $0x80, s16, s23, $0xb8;
	[tilespmem:$0x1EF00] =	vst v63  }
0xbe: {  	_ =	swait.ge [sflag:s11], $0x3200  }
0xbf: {  	[sflag:s11] =	ssyncset.done $0x0  }
0xc0: {  	[sflag:s11] =	ssyncadd.s32 $0xFFFFCE00  }
0xc1: {  	_ =	swait.ge [sflag:s29], $0x3200  }
0xc2: {  	[sflag:s29] =	ssyncset.done $0x0  }
0xc3: {  	s17 =	rddreg [dreg:$0x14];
	[sflag:s29] =	ssyncadd.s32 $0xFFFFCE00  }
0xc4: {  	[spmem:s1] =	stream.indirect.scatter.add.f32 [tilespmem:s24], [sflag:$0x4], $0x80, s17, s23, $0xb8;
	[tilespmem:$0x1EF00] =	vst v63  }
0xc5: {  	s28 =	rddreg [dreg:$0x15]  }
0xc6: {  	[tilespmem:s30], [sflag:$0x3] =	stream.indirect.gather [hbm4b:s6+s23], $0x80, s28, s23, $0xb8;
	[tilespmem:$0x1EF00] =	vst v63  }
0xc7: {  	_ =	swait.ge [sflag:s31], $0x3200  }
0xc8: {  	[sflag:s31] =	ssyncset.done $0x0  }
0xc9: {  	[sflag:s31] =	ssyncadd.s32 $0xFFFFCE00  }
0xca: {  	_ =	swait.ge [sflag:s0], $0x3200  }
0xcb: {  	[sflag:s0] =	ssyncset.done $0x0  }
0xcc: {  	s15 =	rddreg [dreg:$0x16];
	[sflag:s0] =	ssyncadd.s32 $0xFFFFCE00  }
0xcd: {  	[tilespmem:s24], [sflag:$0x1] =	stream.indirect.gather [hbm4b:s6+s23], $0x80, s15, s23, $0xb8;
	[tilespmem:$0x1EF00] =	vst v63  }
0xce: {  	s16 =	rddreg [dreg:$0x17]  }
0xcf: {  	[spmem:s1] =	stream.indirect.scatter.add.f32 [tilespmem:s26], [sflag:$0x5], $0x80, s16, s23, $0xb8;
	[tilespmem:$0x1EF00] =	vst v63  }
0xd0: {  	_ =	swait.ge [sflag:s5], $0x3200  }
0xd1: {  	[sflag:s5] =	ssyncset.done $0x0  }
0xd2: {  	s17 =	rddreg [dreg:$0x18];
	[sflag:s5] =	ssyncadd.s32 $0xFFFFCE00  }
0xd3: {  	[tilespmem:s26], [sflag:$0x2] =	stream.indirect.gather [hbm4b:s6+s23], $0x80, s17, s23, $0xb8;
	[tilespmem:$0x1EF00] =	vst v63  }
0xd4: {  	_ =	swait.ge [sflag:s9], $0x3200  }
0xd5: {  	[sflag:s9] =	ssyncset.done $0x0  }
0xd6: {  	s28 =	rddreg [dreg:$0x19];
	[sflag:s9] =	ssyncadd.s32 $0xFFFFCE00  }
0xd7: {  	[spmem:s1] =	stream.indirect.scatter.add.f32 [tilespmem:s30], [sflag:$0x6], $0x80, s28, s23, $0xb8;
	[tilespmem:$0x1EF00] =	vst v63  }
0xd8: {  	_ =	swait.ge [sflag:s11], $0x3200  }
0xd9: {  	[sflag:s11] =	ssyncset.done $0x0  }
0xda: {  	[sflag:s11] =	ssyncadd.s32 $0xFFFFCE00  }
0xdb: {  	_ =	swait.ge [sflag:s29], $0x3200  }
0xdc: {  	[sflag:s29] =	ssyncset.done $0x0  }
0xdd: {  	s15 =	rddreg [dreg:$0x1a];
	[sflag:s29] =	ssyncadd.s32 $0xFFFFCE00  }
0xde: {  	[spmem:s1] =	stream.indirect.scatter.add.f32 [tilespmem:s24], [sflag:$0x4], $0x80, s15, s23, $0xb8;
	[tilespmem:$0x1EF00] =	vst v63  }
0xdf: {  	s16 =	rddreg [dreg:$0x1b]  }
0xe0: {  	[tilespmem:s30], [sflag:$0x3] =	stream.indirect.gather [hbm4b:s6+s23], $0x80, s16, s23, $0xb8;
	[tilespmem:$0x1EF00] =	vst v63  }
0xe1: {  	_ =	swait.ge [sflag:s31], $0x3200  }
0xe2: {  	[sflag:s31] =	ssyncset.done $0x0  }
0xe3: {  	[sflag:s31] =	ssyncadd.s32 $0xFFFFCE00  }
0xe4: {  	_ =	swait.ge [sflag:s0], $0x3200  }
0xe5: {  	[sflag:s0] =	ssyncset.done $0x0  }
0xe6: {  	s17 =	rddreg [dreg:$0x1c];
	[sflag:s0] =	ssyncadd.s32 $0xFFFFCE00  }
0xe7: {  	[tilespmem:s24], [sflag:$0x1] =	stream.indirect.gather [hbm4b:s6+s23], $0x80, s17, s23, $0xb8;
	[tilespmem:$0x1EF00] =	vst v63  }
0xe8: {  	s28 =	rddreg [dreg:$0x1d]  }
0xe9: {  	[spmem:s1] =	stream.indirect.scatter.add.f32 [tilespmem:s26], [sflag:$0x5], $0x80, s28, s23, $0xb8;
	[tilespmem:$0x1EF00] =	vst v63  }
0xea: {  	_ =	swait.ge [sflag:s5], $0x3200  }
0xeb: {  	[sflag:s5] =	ssyncset.done $0x0  }
0xec: {  	s15 =	rddreg [dreg:$0x1e];
	[sflag:s5] =	ssyncadd.s32 $0xFFFFCE00  }
0xed: {  	[tilespmem:s26], [sflag:$0x2] =	stream.indirect.gather [hbm4b:s6+s23], $0x80, s15, s23, $0xb8;
	[tilespmem:$0x1EF00] =	vst v63  }
0xee: {  	_ =	swait.ge [sflag:s9], $0x3200  }
0xef: {  	[sflag:s9] =	ssyncset.done $0x0  }
0xf0: {  	s16 =	rddreg [dreg:$0x1f];
	[sflag:s9] =	ssyncadd.s32 $0xFFFFCE00  }
0xf1: {  	[spmem:s1] =	stream.indirect.scatter.add.f32 [tilespmem:s30], [sflag:$0x6], $0x80, s16, s23, $0xb8;
	[tilespmem:$0x1EF00] =	vst v63  }
0xf2: {  	_ =	swait.ge [sflag:s11], $0x3200  }
0xf3: {  	[sflag:s11] =	ssyncset.done $0x0  }
0xf4: {  	[sflag:s11] =	ssyncadd.s32 $0xFFFFCE00  }
0xf5: {  	_ =	swait.ge [sflag:s29], $0x3200  }
0xf6: {  	s17 =	sld [smem:$0x7C7]  }
0xf7: {  	[sflag:s29] =	ssyncset.done $0x0  }
0xf8: {  	s28 =	sld [smem:$0x7C8];
	[sflag:s29] =	ssyncadd.s32 $0xFFFFCE00  }
0xf9: {  	[spmem:s1] =	stream.indirect.scatter.add.f32 [tilespmem:s24], [sflag:$0x4], $0x80, s17, s23, $0xb8;
	[tilespmem:$0x1EF00] =	vst v63  }
0xfa: {  	_ = 	snop  }
0xfb: {  	[tilespmem:s30], [sflag:$0x3] =	stream.indirect.gather [hbm4b:s6+s23], $0x80, s28, s23, $0xb8;
	[tilespmem:$0x1EF00] =	vst v63  }
0xfc: {  	_ =	swait.ge [sflag:s31], $0x3200  }
0xfd: {  	[sflag:s31] =	ssyncset.done $0x0  }
0xfe: {  	[sflag:s31] =	ssyncadd.s32 $0xFFFFCE00  }
0xff: {  	_ =	swait.ge [sflag:s0], $0x3200  }
0x100: {  	s15 =	sld [smem:$0x7C9]  }
0x101: {  	[sflag:s0] =	ssyncset.done $0x0  }
0x102: {  	s16 =	sld [smem:$0x7CA];
	[sflag:s0] =	ssyncadd.s32 $0xFFFFCE00  }
0x103: {  	[tilespmem:s24], [sflag:$0x1] =	stream.indirect.gather [hbm4b:s6+s23], $0x80, s15, s23, $0xb8;
	[tilespmem:$0x1EF00] =	vst v63  }
0x104: {  	_ = 	snop  }
0x105: {  	[spmem:s1] =	stream.indirect.scatter.add.f32 [tilespmem:s26], [sflag:$0x5], $0x80, s16, s23, $0xb8;
	[tilespmem:$0x1EF00] =	vst v63  }
0x106: {  	_ =	swait.ge [sflag:s5], $0x3200  }
0x107: {  	s17 =	sld [smem:$0x7CB]  }
0x108: {  	[sflag:s5] =	ssyncset.done $0x0  }
0x109: {  	[sflag:s5] =	ssyncadd.s32 $0xFFFFCE00  }
0x10a: {  	[tilespmem:s26], [sflag:$0x2] =	stream.indirect.gather [hbm4b:s6+s23], $0x80, s17, s23, $0xb8;
	[tilespmem:$0x1EF00] =	vst v63  }
0x10b: {  	_ =	swait.ge [sflag:s9], $0x3200  }
0x10c: {  	s28 =	sld [smem:$0x7CC]  }
0x10d: {  	[sflag:s9] =	ssyncset.done $0x0  }
0x10e: {  	[sflag:s9] =	ssyncadd.s32 $0xFFFFCE00  }
0x10f: {  	[spmem:s1] =	stream.indirect.scatter.add.f32 [tilespmem:s30], [sflag:$0x6], $0x80, s28, s23, $0xb8;
	[tilespmem:$0x1EF00] =	vst v63  }
0x110: {  	_ =	swait.ge [sflag:s11], $0x3200  }
0x111: {  	[sflag:s11] =	ssyncset.done $0x0  }
0x112: {  	[sflag:s11] =	ssyncadd.s32 $0xFFFFCE00  }
0x113: {  	_ =	swait.ge [sflag:s29], $0x3200  }
0x114: {  	s15 =	sld [smem:$0x7CD]  }
0x115: {  	[sflag:s29] =	ssyncset.done $0x0  }
0x116: {  	[sflag:s29] =	ssyncadd.s32 $0xFFFFCE00  }
0x117: {  	[spmem:s1] =	stream.indirect.scatter.add.f32 [tilespmem:s24], [sflag:$0x4], $0x80, s15, s23, $0xb8;
	[tilespmem:$0x1EF00] =	vst v63  }
0x118: {  	_ =	swait.ge [sflag:s12], $0x820  }
0x119: {  	[sflag:s12] =	ssyncset.done $0x0  }
0x11a: {  	[sflag:s12] =	ssyncadd.s32 $0xFFFFF7E0  }
0x11b: {  	_ =	swait.ge [sflag:s12], $0x820  }
0x11c: {  	[sflag:s12] =	ssyncset.done $0x0  }
0x11d: {  	[sflag:s12] =	ssyncadd.s32 $0xFFFFF7E0  }
0x11e: {  	_ =	swait.ge [sflag:s31], $0x3200  }
0x11f: {  	s16 =	sld [smem:$0x7CE]  }
0x120: {  	[sflag:s31] =	ssyncset.done $0x0  }
0x121: {  	[sflag:s31] =	ssyncadd.s32 $0xFFFFCE00  }
0x122: {  	[spmem:s1] =	stream.indirect.scatter.add.f32 [tilespmem:s26], [sflag:$0x5], $0x80, s16, s23, $0xb8;
	[tilespmem:$0x1EF00] =	vst v63  }
0x123: {  	p0 =	por $0x1, $0x1;
	s10 =	simm.s32 $0x0;
	_ =	swait.ge [sflag:s0], $0x3200  }
0x124: {  	s10 =	simm.s32 @!p0 $0x7;
	[sflag:s0] =	ssyncset.done $0x0  }
0x125: {  	s10 =	smul.u32 $0x14, s10;
	[sflag:s0] =	ssyncadd.s32 $0xFFFFCE00  }
0x126: {  	[tilespmem:s24], [sflag:$0x1] =	stream.indirect.gather [hbm4b:s6+s23], $0x80, s20, s23, $0xb8;
	[tilespmem:$0x1EF00] =	vst v63  }
0x127: {  	_ =	swait.ge [sflag:s5], $0x3200  }
0x128: {  	s10 =	sadd.s32 $0x28, s10;
	s17 =	sld [smem:$0x7CF]  }
0x129: {  	s16 =	sadd.s32 s8, s10;
	[sflag:s5] =	ssyncset.done $0x0  }
0x12a: {  	s10 =	sadd.s32 s7, s10;
	s16 =	smul.u32 $0xD, s16;
	[sflag:s5] =	ssyncadd.s32 $0xFFFFCE00  }
0x12b: {  	[tilespmem:s26], [sflag:$0x2] =	stream.indirect.gather [hbm4b:s6+s23], $0x80, s17, s23, $0xb8;
	[tilespmem:$0x1EF00] =	vst v63  }
0x12c: {  	s10 =	smul.u32 $0xD, s10;
	s28 =	sadd.s32 s3, s16  }
0x12d: {  	[tilespmem:s2], [sflag:$0x7] =	stream.linear.gather [hbm4b:s28+s2], $0x820, $0x38;
	[tilespmem:$0x1EF00] =	vst v63  }
0x12e: {  	s10 =	sadd.s32 s4, s10  }
0x12f: {  	[tilespmem:s19], [sflag:$0x7] =	stream.linear.gather [hbm4b:s10+s2], $0x820, $0x38;
	[tilespmem:$0x1EF00] =	vst v63  }
0x130: {  	_ =	swait.ge [sflag:s29], $0x3200  }
0x131: {  	[sflag:s29] =	ssyncset.done $0x0  }
0x132: {  	s16 =	sld [smem:$0x7D0];
	[sflag:s29] =	ssyncadd.s32 $0xFFFFCE00  }
0x133: {  	[spmem:s1] =	stream.indirect.scatter.add.f32 [tilespmem:s24], [sflag:$0x4], $0x80, s21, s23, $0xb8;
	[tilespmem:$0x1EF00] =	vst v63  }
0x134: {  	_ = 	snop  }
0x135: {  	[tilespmem:s30], [sflag:$0x3] =	stream.indirect.gather [hbm4b:s6+s23], $0x80, s16, s23, $0xb8;
	[tilespmem:$0x1EF00] =	vst v63  }
0x136: {  	_ =	swait.ge [sflag:s31], $0x3200  }
0x137: {  	[sflag:s31] =	ssyncset.done $0x0  }
0x138: {  	[sflag:s31] =	ssyncadd.s32 $0xFFFFCE00  }
0x139: {  	_ =	swait.ge [sflag:s0], $0x3200  }
0x13a: {  	s17 =	sld [smem:$0x7D1]  }
0x13b: {  	[sflag:s0] =	ssyncset.done $0x0  }
0x13c: {  	s28 =	sld [smem:$0x7D2];
	[sflag:s0] =	ssyncadd.s32 $0xFFFFCE00  }
0x13d: {  	[tilespmem:s24], [sflag:$0x1] =	stream.indirect.gather [hbm4b:s6+s23], $0x80, s17, s23, $0xb8;
	[tilespmem:$0x1EF00] =	vst v63  }
0x13e: {  	_ = 	snop  }
0x13f: {  	[spmem:s1] =	stream.indirect.scatter.add.f32 [tilespmem:s26], [sflag:$0x5], $0x80, s28, s23, $0xb8;
	[tilespmem:$0x1EF00] =	vst v63  }
0x140: {  	_ =	swait.ge [sflag:s5], $0x3200  }
0x141: {  	s15 =	sld [smem:$0x7D3]  }
0x142: {  	[sflag:s5] =	ssyncset.done $0x0  }
0x143: {  	[sflag:s5] =	ssyncadd.s32 $0xFFFFCE00  }
0x144: {  	[tilespmem:s26], [sflag:$0x2] =	stream.indirect.gather [hbm4b:s6+s23], $0x80, s15, s23, $0xb8;
	[tilespmem:$0x1EF00] =	vst v63  }
0x145: {  	_ =	swait.ge [sflag:s9], $0x3200  }
0x146: {  	s16 =	sld [smem:$0x7D4]  }
0x147: {  	[sflag:s9] =	ssyncset.done $0x0  }
0x148: {  	[sflag:s9] =	ssyncadd.s32 $0xFFFFCE00  }
0x149: {  	[spmem:s1] =	stream.indirect.scatter.add.f32 [tilespmem:s30], [sflag:$0x6], $0x80, s16, s23, $0xb8;
	[tilespmem:$0x1EF00] =	vst v63  }
0x14a: {  	_ =	swait.ge [sflag:s11], $0x3200  }
0x14b: {  	[sflag:s11] =	ssyncset.done $0x0  }
0x14c: {  	[sflag:s11] =	ssyncadd.s32 $0xFFFFCE00  }
0x14d: {  	_ =	swait.ge [sflag:s29], $0x3200  }
0x14e: {  	s17 =	sld [smem:$0x7D5]  }
0x14f: {  	[sflag:s29] =	ssyncset.done $0x0  }
0x150: {  	s28 =	sld [smem:$0x7D6];
	[sflag:s29] =	ssyncadd.s32 $0xFFFFCE00  }
0x151: {  	[spmem:s1] =	stream.indirect.scatter.add.f32 [tilespmem:s24], [sflag:$0x4], $0x80, s17, s23, $0xb8;
	[tilespmem:$0x1EF00] =	vst v63  }
0x152: {  	_ = 	snop  }
0x153: {  	[tilespmem:s30], [sflag:$0x3] =	stream.indirect.gather [hbm4b:s6+s23], $0x80, s28, s23, $0xb8;
	[tilespmem:$0x1EF00] =	vst v63  }
0x154: {  	_ =	swait.ge [sflag:s31], $0x3200  }
0x155: {  	[sflag:s31] =	ssyncset.done $0x0  }
0x156: {  	[sflag:s31] =	ssyncadd.s32 $0xFFFFCE00  }
0x157: {  	_ =	swait.ge [sflag:s0], $0x3200  }
0x158: {  	s15 =	sld [smem:$0x7D7]  }
0x159: {  	[sflag:s0] =	ssyncset.done $0x0  }
0x15a: {  	s16 =	sld [smem:$0x7D8];
	[sflag:s0] =	ssyncadd.s32 $0xFFFFCE00  }
0x15b: {  	[tilespmem:s24], [sflag:$0x1] =	stream.indirect.gather [hbm4b:s6+s23], $0x80, s15, s23, $0xb8;
	[tilespmem:$0x1EF00] =	vst v63  }
0x15c: {  	_ = 	snop  }
0x15d: {  	[spmem:s1] =	stream.indirect.scatter.add.f32 [tilespmem:s26], [sflag:$0x5], $0x80, s16, s23, $0xb8;
	[tilespmem:$0x1EF00] =	vst v63  }
0x15e: {  	_ =	swait.ge [sflag:s5], $0x3200  }
0x15f: {  	s17 =	sld [smem:$0x7D9]  }
0x160: {  	[sflag:s5] =	ssyncset.done $0x0  }
0x161: {  	[sflag:s5] =	ssyncadd.s32 $0xFFFFCE00  }
0x162: {  	[tilespmem:s26], [sflag:$0x2] =	stream.indirect.gather [hbm4b:s6+s23], $0x80, s17, s23, $0xb8;
	[tilespmem:$0x1EF00] =	vst v63  }
0x163: {  	_ =	swait.ge [sflag:s9], $0x3200  }
0x164: {  	s28 =	sld [smem:$0x7DA]  }
0x165: {  	[sflag:s9] =	ssyncset.done $0x0  }
0x166: {  	[sflag:s9] =	ssyncadd.s32 $0xFFFFCE00  }
0x167: {  	[spmem:s1] =	stream.indirect.scatter.add.f32 [tilespmem:s30], [sflag:$0x6], $0x80, s28, s23, $0xb8;
	[tilespmem:$0x1EF00] =	vst v63  }
0x168: {  	_ =	swait.ge [sflag:s11], $0x3200  }
0x169: {  	[sflag:s11] =	ssyncset.done $0x0  }
0x16a: {  	[sflag:s11] =	ssyncadd.s32 $0xFFFFCE00  }
0x16b: {  	_ =	swait.ge [sflag:s29], $0x3200  }
0x16c: {  	s15 =	sld [smem:$0x7DB]  }
0x16d: {  	[sflag:s29] =	ssyncset.done $0x0  }
0x16e: {  	s16 =	sld [smem:$0x7DC];
	[sflag:s29] =	ssyncadd.s32 $0xFFFFCE00  }
0x16f: {  	[spmem:s1] =	stream.indirect.scatter.add.f32 [tilespmem:s24], [sflag:$0x4], $0x80, s15, s23, $0xb8;
	[tilespmem:$0x1EF00] =	vst v63  }
0x170: {  	_ = 	snop  }
0x171: {  	[tilespmem:s30], [sflag:$0x3] =	stream.indirect.gather [hbm4b:s6+s23], $0x80, s16, s23, $0xb8;
	[tilespmem:$0x1EF00] =	vst v63  }
0x172: {  	_ =	swait.ge [sflag:s31], $0x3200  }
0x173: {  	[sflag:s31] =	ssyncset.done $0x0  }
0x174: {  	[sflag:s31] =	ssyncadd.s32 $0xFFFFCE00  }
0x175: {  	_ =	swait.ge [sflag:s0], $0x3200  }
0x176: {  	s17 =	sld [smem:$0x7DE]  }
0x177: {  	[sflag:s0] =	ssyncset.done $0x0  }
0x178: {  	s28 =	sld [smem:$0x7DF];
	[sflag:s0] =	ssyncadd.s32 $0xFFFFCE00  }
0x179: {  	[tilespmem:s24], [sflag:$0x1] =	stream.indirect.gather [hbm4b:s6+s23], $0x80, s17, s23, $0xb8;
	[tilespmem:$0x1EF00] =	vst v63  }
0x17a: {  	_ = 	snop  }
0x17b: {  	[spmem:s1] =	stream.indirect.scatter.add.f32 [tilespmem:s26], [sflag:$0x5], $0x80, s28, s23, $0xb8;
	[tilespmem:$0x1EF00] =	vst v63  }
0x17c: {  	_ =	swait.ge [sflag:s5], $0x3200  }
0x17d: {  	s15 =	sld [smem:$0x7E0]  }
0x17e: {  	[sflag:s5] =	ssyncset.done $0x0  }
0x17f: {  	[sflag:s5] =	ssyncadd.s32 $0xFFFFCE00  }
0x180: {  	[tilespmem:s26], [sflag:$0x2] =	stream.indirect.gather [hbm4b:s6+s23], $0x80, s15, s23, $0xb8;
	[tilespmem:$0x1EF00] =	vst v63  }
0x181: {  	_ =	swait.ge [sflag:s9], $0x3200  }
0x182: {  	s16 =	sld [smem:$0x7E3]  }
0x183: {  	[sflag:s9] =	ssyncset.done $0x0  }
0x184: {  	[sflag:s9] =	ssyncadd.s32 $0xFFFFCE00  }
0x185: {  	[spmem:s1] =	stream.indirect.scatter.add.f32 [tilespmem:s30], [sflag:$0x6], $0x80, s16, s23, $0xb8;
	[tilespmem:$0x1EF00] =	vst v63  }
0x186: {  	_ =	swait.ge [sflag:s11], $0x3200  }
0x187: {  	[sflag:s11] =	ssyncset.done $0x0  }
0x188: {  	[sflag:s11] =	ssyncadd.s32 $0xFFFFCE00  }
0x189: {  	_ =	swait.ge [sflag:s29], $0x3200  }
0x18a: {  	s17 =	sld [smem:$0x7E5]  }
0x18b: {  	[sflag:s29] =	ssyncset.done $0x0  }
0x18c: {  	s28 =	sld [smem:$0x7E6];
	[sflag:s29] =	ssyncadd.s32 $0xFFFFCE00  }
0x18d: {  	[spmem:s1] =	stream.indirect.scatter.add.f32 [tilespmem:s24], [sflag:$0x4], $0x80, s17, s23, $0xb8;
	[tilespmem:$0x1EF00] =	vst v63  }
0x18e: {  	_ = 	snop  }
0x18f: {  	[tilespmem:s30], [sflag:$0x3] =	stream.indirect.gather [hbm4b:s6+s23], $0x80, s28, s23, $0xb8;
	[tilespmem:$0x1EF00] =	vst v63  }
0x190: {  	_ =	swait.ge [sflag:s31], $0x3200  }
0x191: {  	[sflag:s31] =	ssyncset.done $0x0  }
0x192: {  	[sflag:s31] =	ssyncadd.s32 $0xFFFFCE00  }
0x193: {  	_ =	swait.ge [sflag:s0], $0x3200  }
0x194: {  	s15 =	sld [smem:$0x7E7]  }
0x195: {  	[sflag:s0] =	ssyncset.done $0x0  }
0x196: {  	s16 =	sld [smem:$0x7E9];
	[sflag:s0] =	ssyncadd.s32 $0xFFFFCE00  }
0x197: {  	[tilespmem:s24], [sflag:$0x1] =	stream.indirect.gather [hbm4b:s6+s23], $0x80, s15, s23, $0xb8;
	[tilespmem:$0x1EF00] =	vst v63  }
0x198: {  	_ = 	snop  }
0x199: {  	[spmem:s1] =	stream.indirect.scatter.add.f32 [tilespmem:s26], [sflag:$0x5], $0x80, s16, s23, $0xb8;
	[tilespmem:$0x1EF00] =	vst v63  }
0x19a: {  	_ =	swait.ge [sflag:s5], $0x3200  }
0x19b: {  	s17 =	sld [smem:$0x7EA]  }
0x19c: {  	[sflag:s5] =	ssyncset.done $0x0  }
0x19d: {  	[sflag:s5] =	ssyncadd.s32 $0xFFFFCE00  }
0x19e: {  	[tilespmem:s26], [sflag:$0x2] =	stream.indirect.gather [hbm4b:s6+s23], $0x80, s17, s23, $0xb8;
	[tilespmem:$0x1EF00] =	vst v63  }
0x19f: {  	_ =	swait.ge [sflag:s9], $0x3200  }
0x1a0: {  	s28 =	sld [smem:$0x7EB]  }
0x1a1: {  	[sflag:s9] =	ssyncset.done $0x0  }
0x1a2: {  	[sflag:s9] =	ssyncadd.s32 $0xFFFFCE00  }
0x1a3: {  	[spmem:s1] =	stream.indirect.scatter.add.f32 [tilespmem:s30], [sflag:$0x6], $0x80, s28, s23, $0xb8;
	[tilespmem:$0x1EF00] =	vst v63  }
0x1a4: {  	_ =	swait.ge [sflag:s11], $0x3200  }
0x1a5: {  	[sflag:s11] =	ssyncset.done $0x0  }
0x1a6: {  	[sflag:s11] =	ssyncadd.s32 $0xFFFFCE00  }
0x1a7: {  	_ =	swait.ge [sflag:s29], $0x3200  }
0x1a8: {  	s15 =	sld [smem:$0x7EC]  }
0x1a9: {  	[sflag:s29] =	ssyncset.done $0x0  }
0x1aa: {  	s16 =	sld [smem:$0x7EE];
	[sflag:s29] =	ssyncadd.s32 $0xFFFFCE00  }
0x1ab: {  	[spmem:s1] =	stream.indirect.scatter.add.f32 [tilespmem:s24], [sflag:$0x4], $0x80, s15, s23, $0xb8;
	[tilespmem:$0x1EF00] =	vst v63  }
0x1ac: {  	_ = 	snop  }
0x1ad: {  	[tilespmem:s30], [sflag:$0x3] =	stream.indirect.gather [hbm4b:s6+s23], $0x80, s16, s23, $0xb8;
	[tilespmem:$0x1EF00] =	vst v63  }
0x1ae: {  	_ =	swait.ge [sflag:s31], $0x3200  }
0x1af: {  	[sflag:s31] =	ssyncset.done $0x0  }
0x1b0: {  	[sflag:s31] =	ssyncadd.s32 $0xFFFFCE00  }
0x1b1: {  	_ =	swait.ge [sflag:s0], $0x3200  }
0x1b2: {  	s17 =	sld [smem:$0x7EF]  }
0x1b3: {  	[sflag:s0] =	ssyncset.done $0x0  }
0x1b4: {  	s28 =	sld [smem:$0x7F0];
	[sflag:s0] =	ssyncadd.s32 $0xFFFFCE00  }
0x1b5: {  	[tilespmem:s24], [sflag:$0x1] =	stream.indirect.gather [hbm4b:s6+s23], $0x80, s17, s23, $0xb8;
	[tilespmem:$0x1EF00] =	vst v63  }
0x1b6: {  	_ = 	snop  }
0x1b7: {  	[spmem:s1] =	stream.indirect.scatter.add.f32 [tilespmem:s26], [sflag:$0x5], $0x80, s28, s23, $0xb8;
	[tilespmem:$0x1EF00] =	vst v63  }
0x1b8: {  	_ =	swait.ge [sflag:s5], $0x3200  }
0x1b9: {  	s15 =	sld [smem:$0x7F2]  }
0x1ba: {  	[sflag:s5] =	ssyncset.done $0x0  }
0x1bb: {  	[sflag:s5] =	ssyncadd.s32 $0xFFFFCE00  }
0x1bc: {  	[tilespmem:s26], [sflag:$0x2] =	stream.indirect.gather [hbm4b:s6+s23], $0x80, s15, s23, $0xb8;
	[tilespmem:$0x1EF00] =	vst v63  }
0x1bd: {  	_ =	swait.ge [sflag:s9], $0x3200  }
0x1be: {  	s16 =	sld [smem:$0x7F4]  }
0x1bf: {  	[sflag:s9] =	ssyncset.done $0x0  }
0x1c0: {  	[sflag:s9] =	ssyncadd.s32 $0xFFFFCE00  }
0x1c1: {  	[spmem:s1] =	stream.indirect.scatter.add.f32 [tilespmem:s30], [sflag:$0x6], $0x80, s16, s23, $0xb8;
	[tilespmem:$0x1EF00] =	vst v63  }
0x1c2: {  	_ =	swait.ge [sflag:s11], $0x3200  }
0x1c3: {  	[sflag:s11] =	ssyncset.done $0x0  }
0x1c4: {  	[sflag:s11] =	ssyncadd.s32 $0xFFFFCE00  }
0x1c5: {  	_ =	swait.ge [sflag:s29], $0x3200  }
0x1c6: {  	s17 =	sld [smem:$0x7F6]  }
0x1c7: {  	[sflag:s29] =	ssyncset.done $0x0  }
0x1c8: {  	s28 =	sld [smem:$0x7F7];
	[sflag:s29] =	ssyncadd.s32 $0xFFFFCE00  }
0x1c9: {  	[spmem:s1] =	stream.indirect.scatter.add.f32 [tilespmem:s24], [sflag:$0x4], $0x80, s17, s23, $0xb8;
	[tilespmem:$0x1EF00] =	vst v63  }
0x1ca: {  	_ = 	snop  }
0x1cb: {  	[tilespmem:s30], [sflag:$0x3] =	stream.indirect.gather [hbm4b:s6+s23], $0x80, s28, s23, $0xb8;
	[tilespmem:$0x1EF00] =	vst v63  }
0x1cc: {  	_ =	swait.ge [sflag:s31], $0x3200  }
0x1cd: {  	[sflag:s31] =	ssyncset.done $0x0  }
0x1ce: {  	[sflag:s31] =	ssyncadd.s32 $0xFFFFCE00  }
0x1cf: {  	_ =	swait.ge [sflag:s0], $0x3200  }
0x1d0: {  	s15 =	sld [smem:$0x7F8]  }
0x1d1: {  	[sflag:s0] =	ssyncset.done $0x0  }
0x1d2: {  	s16 =	sld [smem:$0x7F9];
	[sflag:s0] =	ssyncadd.s32 $0xFFFFCE00  }
0x1d3: {  	[tilespmem:s24], [sflag:$0x1] =	stream.indirect.gather [hbm4b:s6+s23], $0x80, s15, s23, $0xb8;
	[tilespmem:$0x1EF00] =	vst v63  }
0x1d4: {  	_ = 	snop  }
0x1d5: {  	[spmem:s1] =	stream.indirect.scatter.add.f32 [tilespmem:s26], [sflag:$0x5], $0x80, s16, s23, $0xb8;
	[tilespmem:$0x1EF00] =	vst v63  }
0x1d6: {  	_ =	swait.ge [sflag:s5], $0x3200  }
0x1d7: {  	s17 =	sld [smem:$0x7FA]  }
0x1d8: {  	[sflag:s5] =	ssyncset.done $0x0  }
0x1d9: {  	[sflag:s5] =	ssyncadd.s32 $0xFFFFCE00  }
0x1da: {  	[tilespmem:s26], [sflag:$0x2] =	stream.indirect.gather [hbm4b:s6+s23], $0x80, s17, s23, $0xb8;
	[tilespmem:$0x1EF00] =	vst v63  }
0x1db: {  	_ =	swait.ge [sflag:s9], $0x3200  }
0x1dc: {  	s28 =	sld [smem:$0x7FB]  }
0x1dd: {  	[sflag:s9] =	ssyncset.done $0x0  }
0x1de: {  	[sflag:s9] =	ssyncadd.s32 $0xFFFFCE00  }
0x1df: {  	[spmem:s1] =	stream.indirect.scatter.add.f32 [tilespmem:s30], [sflag:$0x6], $0x80, s28, s23, $0xb8;
	[tilespmem:$0x1EF00] =	vst v63  }
0x1e0: {  	_ =	swait.ge [sflag:s11], $0x3200  }
0x1e1: {  	[sflag:s11] =	ssyncset.done $0x0  }
0x1e2: {  	[sflag:s11] =	ssyncadd.s32 $0xFFFFCE00  }
0x1e3: {  	_ =	swait.ge [sflag:s29], $0x3200  }
0x1e4: {  	s15 =	sld [smem:$0x7FC]  }
0x1e5: {  	[sflag:s29] =	ssyncset.done $0x0  }
0x1e6: {  	[sflag:s29] =	ssyncadd.s32 $0xFFFFCE00  }
0x1e7: {  	[spmem:s1] =	stream.indirect.scatter.add.f32 [tilespmem:s24], [sflag:$0x4], $0x80, s15, s23, $0xb8;
	[tilespmem:$0x1EF00] =	vst v63  }
0x1e8: {  	_ =	swait.ge [sflag:s22], $0x820  }
0x1e9: {  	[sflag:s22] =	ssyncset.done $0x0  }
0x1ea: {  	[sflag:s22] =	ssyncadd.s32 $0xFFFFF7E0  }
0x1eb: {  	_ =	swait.ge [sflag:s22], $0x820  }
0x1ec: {  	[sflag:s22] =	ssyncset.done $0x0  }
0x1ed: {  	[sflag:s22] =	ssyncadd.s32 $0xFFFFF7E0  }
0x1ee: {  	_ =	swait.ge [sflag:s31], $0x3200  }
0x1ef: {  	p0 =	por $0x1, $0x1;
	s10 =	simm.s32 $0x0;
	s16 =	sld [smem:$0x7FD]  }
0x1f0: {  	s10 =	simm.s32 @!p0 $0x6;
	[sflag:s31] =	ssyncset.done $0x0  }
0x1f1: {  	s10 =	smul.u32 $0x14, s10;
	[sflag:s31] =	ssyncadd.s32 $0xFFFFCE00  }
0x1f2: {  	[spmem:s1] =	stream.indirect.scatter.add.f32 [tilespmem:s26], [sflag:$0x5], $0x80, s16, s23, $0xb8;
	[tilespmem:$0x1EF00] =	vst v63  }
0x1f3: {  	_ =	swait.ge [sflag:s0], $0x3200  }
0x1f4: {  	s10 =	sadd.s32 $0x3C, s10;
	[sflag:s0] =	ssyncset.done $0x0  }
0x1f5: {  	s17 =	sadd.s32 s8, s10;
	[sflag:s0] =	ssyncadd.s32 $0xFFFFCE00  }
0x1f6: {  	[tilespmem:s24], [sflag:$0x1] =	stream.indirect.gather [hbm4b:s6+s23], $0x80, s2, s23, $0xb8;
	[tilespmem:$0x1EF00] =	vst v63  }
0x1f7: {  	s10 =	sadd.s32 s7, s10;
	s28 =	smul.u32 $0xD, s17;
	_ =	swait.ge [sflag:s5], $0x3200  }
0x1f8: {  	s10 =	smul.u32 $0xD, s10;
	[sflag:s5] =	ssyncset.done $0x0  }
0x1f9: {  	s17 =	sadd.s32 s3, s28;
	s15 =	simm.s32 $0x2;
	[sflag:s5] =	ssyncadd.s32 $0xFFFFCE00  }
0x1fa: {  	[tilespmem:s26], [sflag:$0x2] =	stream.indirect.gather [hbm4b:s6+s23], $0x80, s25, s23, $0xb8;
	[tilespmem:$0x1EF00] =	vst v63  }
.LBB2_2:
0x1fb: {  	[tilespmem:s20], [sflag:$0x8] =	stream.linear.gather [hbm4b:s17+s2], $0x820, $0x38;
	[tilespmem:$0x1EF00] =	vst v63  }
0x1fc: {  	s10 =	sadd.s32 s4, s10  }
0x1fd: {  	[tilespmem:s21], [sflag:$0x8] =	stream.linear.gather [hbm4b:s10+s2], $0x820, $0x38;
	[tilespmem:$0x1EF00] =	vst v63  }
0x1fe: {  	_ =	swait.ge [sflag:s29], $0x3200  }
0x1ff: {  	[sflag:s29] =	ssyncset.done $0x0  }
0x200: {  	[sflag:s29] =	ssyncadd.s32 $0xFFFFCE00  }
0x201: {  	[spmem:s1] =	stream.indirect.scatter.add.f32 [tilespmem:s24], [sflag:$0x4], $0x80, s19, s23, $0xb8;
	[tilespmem:$0x1EF00] =	vst v63  }
0x202: {  	s28 =	rddreg [dreg:$0x3]  }
0x203: {  	[tilespmem:s30], [sflag:$0x3] =	stream.indirect.gather [hbm4b:s6+s23], $0x80, s28, s23, $0xb8;
	[tilespmem:$0x1EF00] =	vst v63  }
0x204: {  	_ =	swait.ge [sflag:s31], $0x3200  }
0x205: {  	[sflag:s31] =	ssyncset.done $0x0  }
0x206: {  	[sflag:s31] =	ssyncadd.s32 $0xFFFFCE00  }
0x207: {  	_ =	swait.ge [sflag:s0], $0x3200  }
0x208: {  	[sflag:s0] =	ssyncset.done $0x0  }
0x209: {  	s17 =	rddreg [dreg:$0x4];
	[sflag:s0] =	ssyncadd.s32 $0xFFFFCE00  }
0x20a: {  	[tilespmem:s24], [sflag:$0x1] =	stream.indirect.gather [hbm4b:s6+s23], $0x80, s17, s23, $0xb8;
	[tilespmem:$0x1EF00] =	vst v63  }
0x20b: {  	s28 =	rddreg [dreg:$0x5]  }
0x20c: {  	[spmem:s1] =	stream.indirect.scatter.add.f32 [tilespmem:s26], [sflag:$0x5], $0x80, s28, s23, $0xb8;
	[tilespmem:$0x1EF00] =	vst v63  }
0x20d: {  	_ =	swait.ge [sflag:s5], $0x3200  }
0x20e: {  	[sflag:s5] =	ssyncset.done $0x0  }
0x20f: {  	s17 =	rddreg [dreg:$0x6];
	[sflag:s5] =	ssyncadd.s32 $0xFFFFCE00  }
0x210: {  	[tilespmem:s26], [sflag:$0x2] =	stream.indirect.gather [hbm4b:s6+s23], $0x80, s17, s23, $0xb8;
	[tilespmem:$0x1EF00] =	vst v63  }
0x211: {  	_ =	swait.ge [sflag:s9], $0x3200  }
0x212: {  	[sflag:s9] =	ssyncset.done $0x0  }
0x213: {  	s28 =	rddreg [dreg:$0x7];
	[sflag:s9] =	ssyncadd.s32 $0xFFFFCE00  }
0x214: {  	[spmem:s1] =	stream.indirect.scatter.add.f32 [tilespmem:s30], [sflag:$0x6], $0x80, s28, s23, $0xb8;
	[tilespmem:$0x1EF00] =	vst v63  }
0x215: {  	_ =	swait.ge [sflag:s11], $0x3200  }
0x216: {  	[sflag:s11] =	ssyncset.done $0x0  }
0x217: {  	[sflag:s11] =	ssyncadd.s32 $0xFFFFCE00  }
0x218: {  	_ =	swait.ge [sflag:s29], $0x3200  }
0x219: {  	[sflag:s29] =	ssyncset.done $0x0  }
0x21a: {  	s17 =	rddreg [dreg:$0x8];
	[sflag:s29] =	ssyncadd.s32 $0xFFFFCE00  }
0x21b: {  	[spmem:s1] =	stream.indirect.scatter.add.f32 [tilespmem:s24], [sflag:$0x4], $0x80, s17, s23, $0xb8;
	[tilespmem:$0x1EF00] =	vst v63  }
0x21c: {  	s28 =	rddreg [dreg:$0x9]  }
0x21d: {  	[tilespmem:s30], [sflag:$0x3] =	stream.indirect.gather [hbm4b:s6+s23], $0x80, s28, s23, $0xb8;
	[tilespmem:$0x1EF00] =	vst v63  }
0x21e: {  	_ =	swait.ge [sflag:s31], $0x3200  }
0x21f: {  	[sflag:s31] =	ssyncset.done $0x0  }
0x220: {  	[sflag:s31] =	ssyncadd.s32 $0xFFFFCE00  }
0x221: {  	_ =	swait.ge [sflag:s0], $0x3200  }
0x222: {  	[sflag:s0] =	ssyncset.done $0x0  }
0x223: {  	s17 =	rddreg [dreg:$0xa];
	[sflag:s0] =	ssyncadd.s32 $0xFFFFCE00  }
0x224: {  	[tilespmem:s24], [sflag:$0x1] =	stream.indirect.gather [hbm4b:s6+s23], $0x80, s17, s23, $0xb8;
	[tilespmem:$0x1EF00] =	vst v63  }
0x225: {  	s28 =	rddreg [dreg:$0xb]  }
0x226: {  	[spmem:s1] =	stream.indirect.scatter.add.f32 [tilespmem:s26], [sflag:$0x5], $0x80, s28, s23, $0xb8;
	[tilespmem:$0x1EF00] =	vst v63  }
0x227: {  	_ =	swait.ge [sflag:s5], $0x3200  }
0x228: {  	[sflag:s5] =	ssyncset.done $0x0  }
0x229: {  	s17 =	rddreg [dreg:$0xc];
	[sflag:s5] =	ssyncadd.s32 $0xFFFFCE00  }
0x22a: {  	[tilespmem:s26], [sflag:$0x2] =	stream.indirect.gather [hbm4b:s6+s23], $0x80, s17, s23, $0xb8;
	[tilespmem:$0x1EF00] =	vst v63  }
0x22b: {  	_ =	swait.ge [sflag:s9], $0x3200  }
0x22c: {  	[sflag:s9] =	ssyncset.done $0x0  }
0x22d: {  	s28 =	rddreg [dreg:$0xd];
	[sflag:s9] =	ssyncadd.s32 $0xFFFFCE00  }
0x22e: {  	[spmem:s1] =	stream.indirect.scatter.add.f32 [tilespmem:s30], [sflag:$0x6], $0x80, s28, s23, $0xb8;
	[tilespmem:$0x1EF00] =	vst v63  }
0x22f: {  	_ =	swait.ge [sflag:s11], $0x3200  }
0x230: {  	[sflag:s11] =	ssyncset.done $0x0  }
0x231: {  	[sflag:s11] =	ssyncadd.s32 $0xFFFFCE00  }
0x232: {  	_ =	swait.ge [sflag:s29], $0x3200  }
0x233: {  	[sflag:s29] =	ssyncset.done $0x0  }
0x234: {  	s17 =	rddreg [dreg:$0xe];
	[sflag:s29] =	ssyncadd.s32 $0xFFFFCE00  }
0x235: {  	[spmem:s1] =	stream.indirect.scatter.add.f32 [tilespmem:s24], [sflag:$0x4], $0x80, s17, s23, $0xb8;
	[tilespmem:$0x1EF00] =	vst v63  }
0x236: {  	s28 =	rddreg [dreg:$0xf]  }
0x237: {  	[tilespmem:s30], [sflag:$0x3] =	stream.indirect.gather [hbm4b:s6+s23], $0x80, s28, s23, $0xb8;
	[tilespmem:$0x1EF00] =	vst v63  }
0x238: {  	_ =	swait.ge [sflag:s31], $0x3200  }
0x239: {  	[sflag:s31] =	ssyncset.done $0x0  }
0x23a: {  	[sflag:s31] =	ssyncadd.s32 $0xFFFFCE00  }
0x23b: {  	_ =	swait.ge [sflag:s0], $0x3200  }
0x23c: {  	[sflag:s0] =	ssyncset.done $0x0  }
0x23d: {  	s17 =	rddreg [dreg:$0x10];
	[sflag:s0] =	ssyncadd.s32 $0xFFFFCE00  }
0x23e: {  	[tilespmem:s24], [sflag:$0x1] =	stream.indirect.gather [hbm4b:s6+s23], $0x80, s17, s23, $0xb8;
	[tilespmem:$0x1EF00] =	vst v63  }
0x23f: {  	s28 =	rddreg [dreg:$0x11]  }
0x240: {  	[spmem:s1] =	stream.indirect.scatter.add.f32 [tilespmem:s26], [sflag:$0x5], $0x80, s28, s23, $0xb8;
	[tilespmem:$0x1EF00] =	vst v63  }
0x241: {  	_ =	swait.ge [sflag:s5], $0x3200  }
0x242: {  	[sflag:s5] =	ssyncset.done $0x0  }
0x243: {  	s17 =	rddreg [dreg:$0x12];
	[sflag:s5] =	ssyncadd.s32 $0xFFFFCE00  }
0x244: {  	[tilespmem:s26], [sflag:$0x2] =	stream.indirect.gather [hbm4b:s6+s23], $0x80, s17, s23, $0xb8;
	[tilespmem:$0x1EF00] =	vst v63  }
0x245: {  	_ =	swait.ge [sflag:s9], $0x3200  }
0x246: {  	[sflag:s9] =	ssyncset.done $0x0  }
0x247: {  	s28 =	rddreg [dreg:$0x13];
	[sflag:s9] =	ssyncadd.s32 $0xFFFFCE00  }
0x248: {  	[spmem:s1] =	stream.indirect.scatter.add.f32 [tilespmem:s30], [sflag:$0x6], $0x80, s28, s23, $0xb8;
	[tilespmem:$0x1EF00] =	vst v63  }
0x249: {  	_ =	swait.ge [sflag:s11], $0x3200  }
0x24a: {  	[sflag:s11] =	ssyncset.done $0x0  }
0x24b: {  	[sflag:s11] =	ssyncadd.s32 $0xFFFFCE00  }
0x24c: {  	_ =	swait.ge [sflag:s29], $0x3200  }
0x24d: {  	[sflag:s29] =	ssyncset.done $0x0  }
0x24e: {  	s17 =	rddreg [dreg:$0x14];
	[sflag:s29] =	ssyncadd.s32 $0xFFFFCE00  }
0x24f: {  	[spmem:s1] =	stream.indirect.scatter.add.f32 [tilespmem:s24], [sflag:$0x4], $0x80, s17, s23, $0xb8;
	[tilespmem:$0x1EF00] =	vst v63  }
0x250: {  	s28 =	rddreg [dreg:$0x15]  }
0x251: {  	[tilespmem:s30], [sflag:$0x3] =	stream.indirect.gather [hbm4b:s6+s23], $0x80, s28, s23, $0xb8;
	[tilespmem:$0x1EF00] =	vst v63  }
0x252: {  	_ =	swait.ge [sflag:s31], $0x3200  }
0x253: {  	[sflag:s31] =	ssyncset.done $0x0  }
0x254: {  	[sflag:s31] =	ssyncadd.s32 $0xFFFFCE00  }
0x255: {  	_ =	swait.ge [sflag:s0], $0x3200  }
0x256: {  	[sflag:s0] =	ssyncset.done $0x0  }
0x257: {  	s17 =	rddreg [dreg:$0x16];
	[sflag:s0] =	ssyncadd.s32 $0xFFFFCE00  }
0x258: {  	[tilespmem:s24], [sflag:$0x1] =	stream.indirect.gather [hbm4b:s6+s23], $0x80, s17, s23, $0xb8;
	[tilespmem:$0x1EF00] =	vst v63  }
0x259: {  	s28 =	rddreg [dreg:$0x17]  }
0x25a: {  	[spmem:s1] =	stream.indirect.scatter.add.f32 [tilespmem:s26], [sflag:$0x5], $0x80, s28, s23, $0xb8;
	[tilespmem:$0x1EF00] =	vst v63  }
0x25b: {  	_ =	swait.ge [sflag:s5], $0x3200  }
0x25c: {  	[sflag:s5] =	ssyncset.done $0x0  }
0x25d: {  	s17 =	rddreg [dreg:$0x18];
	[sflag:s5] =	ssyncadd.s32 $0xFFFFCE00  }
0x25e: {  	[tilespmem:s26], [sflag:$0x2] =	stream.indirect.gather [hbm4b:s6+s23], $0x80, s17, s23, $0xb8;
	[tilespmem:$0x1EF00] =	vst v63  }
0x25f: {  	_ =	swait.ge [sflag:s9], $0x3200  }
0x260: {  	[sflag:s9] =	ssyncset.done $0x0  }
0x261: {  	s28 =	rddreg [dreg:$0x19];
	[sflag:s9] =	ssyncadd.s32 $0xFFFFCE00  }
0x262: {  	[spmem:s1] =	stream.indirect.scatter.add.f32 [tilespmem:s30], [sflag:$0x6], $0x80, s28, s23, $0xb8;
	[tilespmem:$0x1EF00] =	vst v63  }
0x263: {  	_ =	swait.ge [sflag:s11], $0x3200  }
0x264: {  	[sflag:s11] =	ssyncset.done $0x0  }
0x265: {  	[sflag:s11] =	ssyncadd.s32 $0xFFFFCE00  }
0x266: {  	_ =	swait.ge [sflag:s29], $0x3200  }
0x267: {  	[sflag:s29] =	ssyncset.done $0x0  }
0x268: {  	s17 =	rddreg [dreg:$0x1a];
	[sflag:s29] =	ssyncadd.s32 $0xFFFFCE00  }
0x269: {  	[spmem:s1] =	stream.indirect.scatter.add.f32 [tilespmem:s24], [sflag:$0x4], $0x80, s17, s23, $0xb8;
	[tilespmem:$0x1EF00] =	vst v63  }
0x26a: {  	s28 =	rddreg [dreg:$0x1b]  }
0x26b: {  	[tilespmem:s30], [sflag:$0x3] =	stream.indirect.gather [hbm4b:s6+s23], $0x80, s28, s23, $0xb8;
	[tilespmem:$0x1EF00] =	vst v63  }
0x26c: {  	_ =	swait.ge [sflag:s31], $0x3200  }
0x26d: {  	[sflag:s31] =	ssyncset.done $0x0  }
0x26e: {  	[sflag:s31] =	ssyncadd.s32 $0xFFFFCE00  }
0x26f: {  	_ =	swait.ge [sflag:s0], $0x3200  }
0x270: {  	[sflag:s0] =	ssyncset.done $0x0  }
0x271: {  	s17 =	rddreg [dreg:$0x1c];
	[sflag:s0] =	ssyncadd.s32 $0xFFFFCE00  }
0x272: {  	[tilespmem:s24], [sflag:$0x1] =	stream.indirect.gather [hbm4b:s6+s23], $0x80, s17, s23, $0xb8;
	[tilespmem:$0x1EF00] =	vst v63  }
0x273: {  	s28 =	rddreg [dreg:$0x1d]  }
0x274: {  	[spmem:s1] =	stream.indirect.scatter.add.f32 [tilespmem:s26], [sflag:$0x5], $0x80, s28, s23, $0xb8;
	[tilespmem:$0x1EF00] =	vst v63  }
0x275: {  	_ =	swait.ge [sflag:s5], $0x3200  }
0x276: {  	[sflag:s5] =	ssyncset.done $0x0  }
0x277: {  	s17 =	rddreg [dreg:$0x1e];
	[sflag:s5] =	ssyncadd.s32 $0xFFFFCE00  }
0x278: {  	[tilespmem:s26], [sflag:$0x2] =	stream.indirect.gather [hbm4b:s6+s23], $0x80, s17, s23, $0xb8;
	[tilespmem:$0x1EF00] =	vst v63  }
0x279: {  	_ =	swait.ge [sflag:s9], $0x3200  }
0x27a: {  	[sflag:s9] =	ssyncset.done $0x0  }
0x27b: {  	s28 =	rddreg [dreg:$0x1f];
	[sflag:s9] =	ssyncadd.s32 $0xFFFFCE00  }
0x27c: {  	[spmem:s1] =	stream.indirect.scatter.add.f32 [tilespmem:s30], [sflag:$0x6], $0x80, s28, s23, $0xb8;
	[tilespmem:$0x1EF00] =	vst v63  }
0x27d: {  	_ =	swait.ge [sflag:s11], $0x3200  }
0x27e: {  	[sflag:s11] =	ssyncset.done $0x0  }
0x27f: {  	[sflag:s11] =	ssyncadd.s32 $0xFFFFCE00  }
0x280: {  	_ =	swait.ge [sflag:s29], $0x3200  }
0x281: {  	s17 =	sld [smem:$0x7C7]  }
0x282: {  	[sflag:s29] =	ssyncset.done $0x0  }
0x283: {  	s28 =	sld [smem:$0x7C8];
	[sflag:s29] =	ssyncadd.s32 $0xFFFFCE00  }
0x284: {  	[spmem:s1] =	stream.indirect.scatter.add.f32 [tilespmem:s24], [sflag:$0x4], $0x80, s17, s23, $0xb8;
	[tilespmem:$0x1EF00] =	vst v63  }
0x285: {  	_ = 	snop  }
0x286: {  	[tilespmem:s30], [sflag:$0x3] =	stream.indirect.gather [hbm4b:s6+s23], $0x80, s28, s23, $0xb8;
	[tilespmem:$0x1EF00] =	vst v63  }
0x287: {  	_ =	swait.ge [sflag:s31], $0x3200  }
0x288: {  	[sflag:s31] =	ssyncset.done $0x0  }
0x289: {  	[sflag:s31] =	ssyncadd.s32 $0xFFFFCE00  }
0x28a: {  	_ =	swait.ge [sflag:s0], $0x3200  }
0x28b: {  	s17 =	sld [smem:$0x7C9]  }
0x28c: {  	[sflag:s0] =	ssyncset.done $0x0  }
0x28d: {  	s28 =	sld [smem:$0x7CA];
	[sflag:s0] =	ssyncadd.s32 $0xFFFFCE00  }
0x28e: {  	[tilespmem:s24], [sflag:$0x1] =	stream.indirect.gather [hbm4b:s6+s23], $0x80, s17, s23, $0xb8;
	[tilespmem:$0x1EF00] =	vst v63  }
0x28f: {  	_ = 	snop  }
0x290: {  	[spmem:s1] =	stream.indirect.scatter.add.f32 [tilespmem:s26], [sflag:$0x5], $0x80, s28, s23, $0xb8;
	[tilespmem:$0x1EF00] =	vst v63  }
0x291: {  	_ =	swait.ge [sflag:s5], $0x3200  }
0x292: {  	s28 =	sld [smem:$0x7CB]  }
0x293: {  	[sflag:s5] =	ssyncset.done $0x0  }
0x294: {  	[sflag:s5] =	ssyncadd.s32 $0xFFFFCE00  }
0x295: {  	[tilespmem:s26], [sflag:$0x2] =	stream.indirect.gather [hbm4b:s6+s23], $0x80, s28, s23, $0xb8;
	[tilespmem:$0x1EF00] =	vst v63  }
0x296: {  	_ =	swait.ge [sflag:s9], $0x3200  }
0x297: {  	s17 =	sld [smem:$0x7CC]  }
0x298: {  	[sflag:s9] =	ssyncset.done $0x0  }
0x299: {  	[sflag:s9] =	ssyncadd.s32 $0xFFFFCE00  }
0x29a: {  	[spmem:s1] =	stream.indirect.scatter.add.f32 [tilespmem:s30], [sflag:$0x6], $0x80, s17, s23, $0xb8;
	[tilespmem:$0x1EF00] =	vst v63  }
0x29b: {  	_ =	swait.ge [sflag:s11], $0x3200  }
0x29c: {  	[sflag:s11] =	ssyncset.done $0x0  }
0x29d: {  	[sflag:s11] =	ssyncadd.s32 $0xFFFFCE00  }
0x29e: {  	_ =	swait.ge [sflag:s29], $0x3200  }
0x29f: {  	s28 =	sld [smem:$0x7CD]  }
0x2a0: {  	[sflag:s29] =	ssyncset.done $0x0  }
0x2a1: {  	[sflag:s29] =	ssyncadd.s32 $0xFFFFCE00  }
0x2a2: {  	[spmem:s1] =	stream.indirect.scatter.add.f32 [tilespmem:s24], [sflag:$0x4], $0x80, s28, s23, $0xb8;
	[tilespmem:$0x1EF00] =	vst v63  }
0x2a3: {  	_ =	swait.ge [sflag:s12], $0x820  }
0x2a4: {  	[sflag:s12] =	ssyncset.done $0x0  }
0x2a5: {  	[sflag:s12] =	ssyncadd.s32 $0xFFFFF7E0  }
0x2a6: {  	_ =	swait.ge [sflag:s12], $0x820  }
0x2a7: {  	[sflag:s12] =	ssyncset.done $0x0  }
0x2a8: {  	[sflag:s12] =	ssyncadd.s32 $0xFFFFF7E0  }
0x2a9: {  	_ =	swait.ge [sflag:s31], $0x3200  }
0x2aa: {  	s17 =	sld [smem:$0x7CE]  }
0x2ab: {  	[sflag:s31] =	ssyncset.done $0x0  }
0x2ac: {  	s16 =	smov.u32 s15;
	[sflag:s31] =	ssyncadd.s32 $0xFFFFCE00  }
0x2ad: {  	[spmem:s1] =	stream.indirect.scatter.add.f32 [tilespmem:s26], [sflag:$0x5], $0x80, s17, s23, $0xb8;
	[tilespmem:$0x1EF00] =	vst v63  }
0x2ae: {  	p1 =	slt.s32 s16, $0x7;
	s10 =	smov.u32 s16;
	_ =	swait.ge [sflag:s0], $0x3200  }
0x2af: {  	s10 =	simm.s32 @!p1 $0x7;
	[sflag:s0] =	ssyncset.done $0x0  }
0x2b0: {  	s10 =	smul.u32 $0x14, s10;
	[sflag:s0] =	ssyncadd.s32 $0xFFFFCE00  }
0x2b1: {  	[tilespmem:s24], [sflag:$0x1] =	stream.indirect.gather [hbm4b:s6+s23], $0x80, s20, s23, $0xb8;
	[tilespmem:$0x1EF00] =	vst v63  }
0x2b2: {  	_ =	swait.ge [sflag:s5], $0x3200  }
0x2b3: {  	s10 =	sadd.s32 $0x28, s10;
	s17 =	sld [smem:$0x7CF]  }
0x2b4: {  	s28 =	sadd.s32 s8, s10;
	[sflag:s5] =	ssyncset.done $0x0  }
0x2b5: {  	s10 =	sadd.s32 s7, s10;
	s28 =	smul.u32 $0xD, s28;
	[sflag:s5] =	ssyncadd.s32 $0xFFFFCE00  }
0x2b6: {  	[tilespmem:s26], [sflag:$0x2] =	stream.indirect.gather [hbm4b:s6+s23], $0x80, s17, s23, $0xb8;
	[tilespmem:$0x1EF00] =	vst v63  }
0x2b7: {  	s10 =	smul.u32 $0xD, s10;
	s28 =	sadd.s32 s3, s28  }
0x2b8: {  	[tilespmem:s2], [sflag:$0x7] =	stream.linear.gather [hbm4b:s28+s2], $0x820, $0x38;
	[tilespmem:$0x1EF00] =	vst v63  }
0x2b9: {  	s10 =	sadd.s32 s4, s10  }
0x2ba: {  	[tilespmem:s19], [sflag:$0x7] =	stream.linear.gather [hbm4b:s10+s2], $0x820, $0x38;
	[tilespmem:$0x1EF00] =	vst v63  }
0x2bb: {  	_ =	swait.ge [sflag:s29], $0x3200  }
0x2bc: {  	[sflag:s29] =	ssyncset.done $0x0  }
0x2bd: {  	s28 =	sld [smem:$0x7D0];
	[sflag:s29] =	ssyncadd.s32 $0xFFFFCE00  }
0x2be: {  	[spmem:s1] =	stream.indirect.scatter.add.f32 [tilespmem:s24], [sflag:$0x4], $0x80, s21, s23, $0xb8;
	[tilespmem:$0x1EF00] =	vst v63  }
0x2bf: {  	_ = 	snop  }
0x2c0: {  	[tilespmem:s30], [sflag:$0x3] =	stream.indirect.gather [hbm4b:s6+s23], $0x80, s28, s23, $0xb8;
	[tilespmem:$0x1EF00] =	vst v63  }
0x2c1: {  	_ =	swait.ge [sflag:s31], $0x3200  }
0x2c2: {  	[sflag:s31] =	ssyncset.done $0x0  }
0x2c3: {  	[sflag:s31] =	ssyncadd.s32 $0xFFFFCE00  }
0x2c4: {  	_ =	swait.ge [sflag:s0], $0x3200  }
0x2c5: {  	s17 =	sld [smem:$0x7D1]  }
0x2c6: {  	[sflag:s0] =	ssyncset.done $0x0  }
0x2c7: {  	s28 =	sld [smem:$0x7D2];
	[sflag:s0] =	ssyncadd.s32 $0xFFFFCE00  }
0x2c8: {  	[tilespmem:s24], [sflag:$0x1] =	stream.indirect.gather [hbm4b:s6+s23], $0x80, s17, s23, $0xb8;
	[tilespmem:$0x1EF00] =	vst v63  }
0x2c9: {  	_ = 	snop  }
0x2ca: {  	[spmem:s1] =	stream.indirect.scatter.add.f32 [tilespmem:s26], [sflag:$0x5], $0x80, s28, s23, $0xb8;
	[tilespmem:$0x1EF00] =	vst v63  }
0x2cb: {  	_ =	swait.ge [sflag:s5], $0x3200  }
0x2cc: {  	s17 =	sld [smem:$0x7D3]  }
0x2cd: {  	[sflag:s5] =	ssyncset.done $0x0  }
0x2ce: {  	[sflag:s5] =	ssyncadd.s32 $0xFFFFCE00  }
0x2cf: {  	[tilespmem:s26], [sflag:$0x2] =	stream.indirect.gather [hbm4b:s6+s23], $0x80, s17, s23, $0xb8;
	[tilespmem:$0x1EF00] =	vst v63  }
0x2d0: {  	_ =	swait.ge [sflag:s9], $0x3200  }
0x2d1: {  	s28 =	sld [smem:$0x7D4]  }
0x2d2: {  	[sflag:s9] =	ssyncset.done $0x0  }
0x2d3: {  	[sflag:s9] =	ssyncadd.s32 $0xFFFFCE00  }
0x2d4: {  	[spmem:s1] =	stream.indirect.scatter.add.f32 [tilespmem:s30], [sflag:$0x6], $0x80, s28, s23, $0xb8;
	[tilespmem:$0x1EF00] =	vst v63  }
0x2d5: {  	_ =	swait.ge [sflag:s11], $0x3200  }
0x2d6: {  	[sflag:s11] =	ssyncset.done $0x0  }
0x2d7: {  	[sflag:s11] =	ssyncadd.s32 $0xFFFFCE00  }
0x2d8: {  	_ =	swait.ge [sflag:s29], $0x3200  }
0x2d9: {  	s17 =	sld [smem:$0x7D5]  }
0x2da: {  	[sflag:s29] =	ssyncset.done $0x0  }
0x2db: {  	s28 =	sld [smem:$0x7D6];
	[sflag:s29] =	ssyncadd.s32 $0xFFFFCE00  }
0x2dc: {  	[spmem:s1] =	stream.indirect.scatter.add.f32 [tilespmem:s24], [sflag:$0x4], $0x80, s17, s23, $0xb8;
	[tilespmem:$0x1EF00] =	vst v63  }
0x2dd: {  	_ = 	snop  }
0x2de: {  	[tilespmem:s30], [sflag:$0x3] =	stream.indirect.gather [hbm4b:s6+s23], $0x80, s28, s23, $0xb8;
	[tilespmem:$0x1EF00] =	vst v63  }
0x2df: {  	_ =	swait.ge [sflag:s31], $0x3200  }
0x2e0: {  	[sflag:s31] =	ssyncset.done $0x0  }
0x2e1: {  	[sflag:s31] =	ssyncadd.s32 $0xFFFFCE00  }
0x2e2: {  	_ =	swait.ge [sflag:s0], $0x3200  }
0x2e3: {  	s17 =	sld [smem:$0x7D7]  }
0x2e4: {  	[sflag:s0] =	ssyncset.done $0x0  }
0x2e5: {  	s28 =	sld [smem:$0x7D8];
	[sflag:s0] =	ssyncadd.s32 $0xFFFFCE00  }
0x2e6: {  	[tilespmem:s24], [sflag:$0x1] =	stream.indirect.gather [hbm4b:s6+s23], $0x80, s17, s23, $0xb8;
	[tilespmem:$0x1EF00] =	vst v63  }
0x2e7: {  	_ = 	snop  }
0x2e8: {  	[spmem:s1] =	stream.indirect.scatter.add.f32 [tilespmem:s26], [sflag:$0x5], $0x80, s28, s23, $0xb8;
	[tilespmem:$0x1EF00] =	vst v63  }
0x2e9: {  	_ =	swait.ge [sflag:s5], $0x3200  }
0x2ea: {  	s17 =	sld [smem:$0x7D9]  }
0x2eb: {  	[sflag:s5] =	ssyncset.done $0x0  }
0x2ec: {  	[sflag:s5] =	ssyncadd.s32 $0xFFFFCE00  }
0x2ed: {  	[tilespmem:s26], [sflag:$0x2] =	stream.indirect.gather [hbm4b:s6+s23], $0x80, s17, s23, $0xb8;
	[tilespmem:$0x1EF00] =	vst v63  }
0x2ee: {  	_ =	swait.ge [sflag:s9], $0x3200  }
0x2ef: {  	s28 =	sld [smem:$0x7DA]  }
0x2f0: {  	[sflag:s9] =	ssyncset.done $0x0  }
0x2f1: {  	[sflag:s9] =	ssyncadd.s32 $0xFFFFCE00  }
0x2f2: {  	[spmem:s1] =	stream.indirect.scatter.add.f32 [tilespmem:s30], [sflag:$0x6], $0x80, s28, s23, $0xb8;
	[tilespmem:$0x1EF00] =	vst v63  }
0x2f3: {  	_ =	swait.ge [sflag:s11], $0x3200  }
0x2f4: {  	[sflag:s11] =	ssyncset.done $0x0  }
0x2f5: {  	[sflag:s11] =	ssyncadd.s32 $0xFFFFCE00  }
0x2f6: {  	_ =	swait.ge [sflag:s29], $0x3200  }
0x2f7: {  	s17 =	sld [smem:$0x7DB]  }
0x2f8: {  	[sflag:s29] =	ssyncset.done $0x0  }
0x2f9: {  	s28 =	sld [smem:$0x7DC];
	[sflag:s29] =	ssyncadd.s32 $0xFFFFCE00  }
0x2fa: {  	[spmem:s1] =	stream.indirect.scatter.add.f32 [tilespmem:s24], [sflag:$0x4], $0x80, s17, s23, $0xb8;
	[tilespmem:$0x1EF00] =	vst v63  }
0x2fb: {  	_ = 	snop  }
0x2fc: {  	[tilespmem:s30], [sflag:$0x3] =	stream.indirect.gather [hbm4b:s6+s23], $0x80, s28, s23, $0xb8;
	[tilespmem:$0x1EF00] =	vst v63  }
0x2fd: {  	_ =	swait.ge [sflag:s31], $0x3200  }
0x2fe: {  	[sflag:s31] =	ssyncset.done $0x0  }
0x2ff: {  	[sflag:s31] =	ssyncadd.s32 $0xFFFFCE00  }
0x300: {  	_ =	swait.ge [sflag:s0], $0x3200  }
0x301: {  	s17 =	sld [smem:$0x7DE]  }
0x302: {  	[sflag:s0] =	ssyncset.done $0x0  }
0x303: {  	s28 =	sld [smem:$0x7DF];
	[sflag:s0] =	ssyncadd.s32 $0xFFFFCE00  }
0x304: {  	[tilespmem:s24], [sflag:$0x1] =	stream.indirect.gather [hbm4b:s6+s23], $0x80, s17, s23, $0xb8;
	[tilespmem:$0x1EF00] =	vst v63  }
0x305: {  	_ = 	snop  }
0x306: {  	[spmem:s1] =	stream.indirect.scatter.add.f32 [tilespmem:s26], [sflag:$0x5], $0x80, s28, s23, $0xb8;
	[tilespmem:$0x1EF00] =	vst v63  }
0x307: {  	_ =	swait.ge [sflag:s5], $0x3200  }
0x308: {  	s17 =	sld [smem:$0x7E0]  }
0x309: {  	[sflag:s5] =	ssyncset.done $0x0  }
0x30a: {  	[sflag:s5] =	ssyncadd.s32 $0xFFFFCE00  }
0x30b: {  	[tilespmem:s26], [sflag:$0x2] =	stream.indirect.gather [hbm4b:s6+s23], $0x80, s17, s23, $0xb8;
	[tilespmem:$0x1EF00] =	vst v63  }
0x30c: {  	_ =	swait.ge [sflag:s9], $0x3200  }
0x30d: {  	s28 =	sld [smem:$0x7E3]  }
0x30e: {  	[sflag:s9] =	ssyncset.done $0x0  }
0x30f: {  	[sflag:s9] =	ssyncadd.s32 $0xFFFFCE00  }
0x310: {  	[spmem:s1] =	stream.indirect.scatter.add.f32 [tilespmem:s30], [sflag:$0x6], $0x80, s28, s23, $0xb8;
	[tilespmem:$0x1EF00] =	vst v63  }
0x311: {  	_ =	swait.ge [sflag:s11], $0x3200  }
0x312: {  	[sflag:s11] =	ssyncset.done $0x0  }
0x313: {  	[sflag:s11] =	ssyncadd.s32 $0xFFFFCE00  }
0x314: {  	_ =	swait.ge [sflag:s29], $0x3200  }
0x315: {  	s17 =	sld [smem:$0x7E5]  }
0x316: {  	[sflag:s29] =	ssyncset.done $0x0  }
0x317: {  	s28 =	sld [smem:$0x7E6];
	[sflag:s29] =	ssyncadd.s32 $0xFFFFCE00  }
0x318: {  	[spmem:s1] =	stream.indirect.scatter.add.f32 [tilespmem:s24], [sflag:$0x4], $0x80, s17, s23, $0xb8;
	[tilespmem:$0x1EF00] =	vst v63  }
0x319: {  	_ = 	snop  }
0x31a: {  	[tilespmem:s30], [sflag:$0x3] =	stream.indirect.gather [hbm4b:s6+s23], $0x80, s28, s23, $0xb8;
	[tilespmem:$0x1EF00] =	vst v63  }
0x31b: {  	_ =	swait.ge [sflag:s31], $0x3200  }
0x31c: {  	[sflag:s31] =	ssyncset.done $0x0  }
0x31d: {  	[sflag:s31] =	ssyncadd.s32 $0xFFFFCE00  }
0x31e: {  	_ =	swait.ge [sflag:s0], $0x3200  }
0x31f: {  	s17 =	sld [smem:$0x7E7]  }
0x320: {  	[sflag:s0] =	ssyncset.done $0x0  }
0x321: {  	s28 =	sld [smem:$0x7E9];
	[sflag:s0] =	ssyncadd.s32 $0xFFFFCE00  }
0x322: {  	[tilespmem:s24], [sflag:$0x1] =	stream.indirect.gather [hbm4b:s6+s23], $0x80, s17, s23, $0xb8;
	[tilespmem:$0x1EF00] =	vst v63  }
0x323: {  	_ = 	snop  }
0x324: {  	[spmem:s1] =	stream.indirect.scatter.add.f32 [tilespmem:s26], [sflag:$0x5], $0x80, s28, s23, $0xb8;
	[tilespmem:$0x1EF00] =	vst v63  }
0x325: {  	_ =	swait.ge [sflag:s5], $0x3200  }
0x326: {  	s17 =	sld [smem:$0x7EA]  }
0x327: {  	[sflag:s5] =	ssyncset.done $0x0  }
0x328: {  	[sflag:s5] =	ssyncadd.s32 $0xFFFFCE00  }
0x329: {  	[tilespmem:s26], [sflag:$0x2] =	stream.indirect.gather [hbm4b:s6+s23], $0x80, s17, s23, $0xb8;
	[tilespmem:$0x1EF00] =	vst v63  }
0x32a: {  	_ =	swait.ge [sflag:s9], $0x3200  }
0x32b: {  	s28 =	sld [smem:$0x7EB]  }
0x32c: {  	[sflag:s9] =	ssyncset.done $0x0  }
0x32d: {  	[sflag:s9] =	ssyncadd.s32 $0xFFFFCE00  }
0x32e: {  	[spmem:s1] =	stream.indirect.scatter.add.f32 [tilespmem:s30], [sflag:$0x6], $0x80, s28, s23, $0xb8;
	[tilespmem:$0x1EF00] =	vst v63  }
0x32f: {  	_ =	swait.ge [sflag:s11], $0x3200  }
0x330: {  	[sflag:s11] =	ssyncset.done $0x0  }
0x331: {  	[sflag:s11] =	ssyncadd.s32 $0xFFFFCE00  }
0x332: {  	_ =	swait.ge [sflag:s29], $0x3200  }
0x333: {  	s17 =	sld [smem:$0x7EC]  }
0x334: {  	[sflag:s29] =	ssyncset.done $0x0  }
0x335: {  	s28 =	sld [smem:$0x7EE];
	[sflag:s29] =	ssyncadd.s32 $0xFFFFCE00  }
0x336: {  	[spmem:s1] =	stream.indirect.scatter.add.f32 [tilespmem:s24], [sflag:$0x4], $0x80, s17, s23, $0xb8;
	[tilespmem:$0x1EF00] =	vst v63  }
0x337: {  	_ = 	snop  }
0x338: {  	[tilespmem:s30], [sflag:$0x3] =	stream.indirect.gather [hbm4b:s6+s23], $0x80, s28, s23, $0xb8;
	[tilespmem:$0x1EF00] =	vst v63  }
0x339: {  	_ =	swait.ge [sflag:s31], $0x3200  }
0x33a: {  	[sflag:s31] =	ssyncset.done $0x0  }
0x33b: {  	[sflag:s31] =	ssyncadd.s32 $0xFFFFCE00  }
0x33c: {  	_ =	swait.ge [sflag:s0], $0x3200  }
0x33d: {  	s17 =	sld [smem:$0x7EF]  }
0x33e: {  	[sflag:s0] =	ssyncset.done $0x0  }
0x33f: {  	s28 =	sld [smem:$0x7F0];
	[sflag:s0] =	ssyncadd.s32 $0xFFFFCE00  }
0x340: {  	[tilespmem:s24], [sflag:$0x1] =	stream.indirect.gather [hbm4b:s6+s23], $0x80, s17, s23, $0xb8;
	[tilespmem:$0x1EF00] =	vst v63  }
0x341: {  	_ = 	snop  }
0x342: {  	[spmem:s1] =	stream.indirect.scatter.add.f32 [tilespmem:s26], [sflag:$0x5], $0x80, s28, s23, $0xb8;
	[tilespmem:$0x1EF00] =	vst v63  }
0x343: {  	_ =	swait.ge [sflag:s5], $0x3200  }
0x344: {  	s17 =	sld [smem:$0x7F2]  }
0x345: {  	[sflag:s5] =	ssyncset.done $0x0  }
0x346: {  	[sflag:s5] =	ssyncadd.s32 $0xFFFFCE00  }
0x347: {  	[tilespmem:s26], [sflag:$0x2] =	stream.indirect.gather [hbm4b:s6+s23], $0x80, s17, s23, $0xb8;
	[tilespmem:$0x1EF00] =	vst v63  }
0x348: {  	_ =	swait.ge [sflag:s9], $0x3200  }
0x349: {  	s28 =	sld [smem:$0x7F4]  }
0x34a: {  	[sflag:s9] =	ssyncset.done $0x0  }
0x34b: {  	[sflag:s9] =	ssyncadd.s32 $0xFFFFCE00  }
0x34c: {  	[spmem:s1] =	stream.indirect.scatter.add.f32 [tilespmem:s30], [sflag:$0x6], $0x80, s28, s23, $0xb8;
	[tilespmem:$0x1EF00] =	vst v63  }
0x34d: {  	_ =	swait.ge [sflag:s11], $0x3200  }
0x34e: {  	[sflag:s11] =	ssyncset.done $0x0  }
0x34f: {  	[sflag:s11] =	ssyncadd.s32 $0xFFFFCE00  }
0x350: {  	_ =	swait.ge [sflag:s29], $0x3200  }
0x351: {  	s17 =	sld [smem:$0x7F6]  }
0x352: {  	[sflag:s29] =	ssyncset.done $0x0  }
0x353: {  	s28 =	sld [smem:$0x7F7];
	[sflag:s29] =	ssyncadd.s32 $0xFFFFCE00  }
0x354: {  	[spmem:s1] =	stream.indirect.scatter.add.f32 [tilespmem:s24], [sflag:$0x4], $0x80, s17, s23, $0xb8;
	[tilespmem:$0x1EF00] =	vst v63  }
0x355: {  	_ = 	snop  }
0x356: {  	[tilespmem:s30], [sflag:$0x3] =	stream.indirect.gather [hbm4b:s6+s23], $0x80, s28, s23, $0xb8;
	[tilespmem:$0x1EF00] =	vst v63  }
0x357: {  	_ =	swait.ge [sflag:s31], $0x3200  }
0x358: {  	[sflag:s31] =	ssyncset.done $0x0  }
0x359: {  	[sflag:s31] =	ssyncadd.s32 $0xFFFFCE00  }
0x35a: {  	_ =	swait.ge [sflag:s0], $0x3200  }
0x35b: {  	s17 =	sld [smem:$0x7F8]  }
0x35c: {  	[sflag:s0] =	ssyncset.done $0x0  }
0x35d: {  	s28 =	sld [smem:$0x7F9];
	[sflag:s0] =	ssyncadd.s32 $0xFFFFCE00  }
0x35e: {  	[tilespmem:s24], [sflag:$0x1] =	stream.indirect.gather [hbm4b:s6+s23], $0x80, s17, s23, $0xb8;
	[tilespmem:$0x1EF00] =	vst v63  }
0x35f: {  	_ = 	snop  }
0x360: {  	[spmem:s1] =	stream.indirect.scatter.add.f32 [tilespmem:s26], [sflag:$0x5], $0x80, s28, s23, $0xb8;
	[tilespmem:$0x1EF00] =	vst v63  }
0x361: {  	_ =	swait.ge [sflag:s5], $0x3200  }
0x362: {  	s17 =	sld [smem:$0x7FA]  }
0x363: {  	[sflag:s5] =	ssyncset.done $0x0  }
0x364: {  	[sflag:s5] =	ssyncadd.s32 $0xFFFFCE00  }
0x365: {  	[tilespmem:s26], [sflag:$0x2] =	stream.indirect.gather [hbm4b:s6+s23], $0x80, s17, s23, $0xb8;
	[tilespmem:$0x1EF00] =	vst v63  }
0x366: {  	_ =	swait.ge [sflag:s9], $0x3200  }
0x367: {  	s28 =	sld [smem:$0x7FB]  }
0x368: {  	[sflag:s9] =	ssyncset.done $0x0  }
0x369: {  	[sflag:s9] =	ssyncadd.s32 $0xFFFFCE00  }
0x36a: {  	[spmem:s1] =	stream.indirect.scatter.add.f32 [tilespmem:s30], [sflag:$0x6], $0x80, s28, s23, $0xb8;
	[tilespmem:$0x1EF00] =	vst v63  }
0x36b: {  	_ =	swait.ge [sflag:s11], $0x3200  }
0x36c: {  	[sflag:s11] =	ssyncset.done $0x0  }
0x36d: {  	[sflag:s11] =	ssyncadd.s32 $0xFFFFCE00  }
0x36e: {  	_ =	swait.ge [sflag:s29], $0x3200  }
0x36f: {  	s17 =	sld [smem:$0x7FC]  }
0x370: {  	[sflag:s29] =	ssyncset.done $0x0  }
0x371: {  	[sflag:s29] =	ssyncadd.s32 $0xFFFFCE00  }
0x372: {  	[spmem:s1] =	stream.indirect.scatter.add.f32 [tilespmem:s24], [sflag:$0x4], $0x80, s17, s23, $0xb8;
	[tilespmem:$0x1EF00] =	vst v63  }
0x373: {  	_ =	swait.ge [sflag:s22], $0x820  }
0x374: {  	[sflag:s22] =	ssyncset.done $0x0  }
0x375: {  	[sflag:s22] =	ssyncadd.s32 $0xFFFFF7E0  }
0x376: {  	_ =	swait.ge [sflag:s22], $0x820  }
0x377: {  	[sflag:s22] =	ssyncset.done $0x0  }
0x378: {  	[sflag:s22] =	ssyncadd.s32 $0xFFFFF7E0  }
0x379: {  	_ =	swait.ge [sflag:s31], $0x3200  }
0x37a: {  	s28 =	sld [smem:$0x7FD]  }
0x37b: {  	p1 =	slt.s32 s16, $0x6;
	[sflag:s31] =	ssyncset.done $0x0  }
0x37c: {  	s16 =	simm.s32 @!p1 $0x6;
	[sflag:s31] =	ssyncadd.s32 $0xFFFFCE00  }
0x37d: {  	[spmem:s1] =	stream.indirect.scatter.add.f32 [tilespmem:s26], [sflag:$0x5], $0x80, s28, s23, $0xb8;
	[tilespmem:$0x1EF00] =	vst v63  }
0x37e: {  	s17 =	smul.u32 $0x14, s16;
	_ =	swait.ge [sflag:s0], $0x3200  }
0x37f: {  	[sflag:s0] =	ssyncset.done $0x0  }
0x380: {  	p0 =	sne.s32 s15, $0x8;
	s10 =	sadd.s32 $0x3C, s17;
	[sflag:s0] =	ssyncadd.s32 $0xFFFFCE00  }
0x381: {  	[tilespmem:s24], [sflag:$0x1] =	stream.indirect.gather [hbm4b:s6+s23], $0x80, s2, s23, $0xb8;
	[tilespmem:$0x1EF00] =	vst v63  }
.Ltmp0:
0x382: {  	s28 =	sadd.s32 s8, s10;
	(pc) =	sbr.rel @p0 .LBB2_2-.Ltmp0, $4  }
0x383: {  	s16 =	smul.u32 $0xD, s28;
	_ =	swait.ge [sflag:s5], $0x3200  }
0x384: {  	s15 =	sadd.s32 $0x2, s15;
	s10 =	sadd.s32 s7, s10;
	[sflag:s5] =	ssyncset.done $0x0  }
0x385: {  	s10 =	smul.u32 $0xD, s10;
	s17 =	sadd.s32 s3, s16;
	[sflag:s5] =	ssyncadd.s32 $0xFFFFCE00  }
0x386: {  	[tilespmem:s26], [sflag:$0x2] =	stream.indirect.gather [hbm4b:s6+s23], $0x80, s25, s23, $0xb8;
	[tilespmem:$0x1EF00] =	vst v63  }
0x387: {  	[tilespmem:s20], [sflag:$0x8] =	stream.linear.gather [hbm4b:s17+s2], $0x820, $0x38;
	[tilespmem:$0x1EF00] =	vst v63  }
0x388: {  	s10 =	sadd.s32 s4, s10  }
0x389: {  	[tilespmem:s21], [sflag:$0x8] =	stream.linear.gather [hbm4b:s10+s2], $0x820, $0x38;
	[tilespmem:$0x1EF00] =	vst v63  }
0x38a: {  	_ =	swait.ge [sflag:s29], $0x3200  }
0x38b: {  	[sflag:s29] =	ssyncset.done $0x0  }
0x38c: {  	[sflag:s29] =	ssyncadd.s32 $0xFFFFCE00  }
0x38d: {  	_ =	swait.ge [sflag:s31], $0x3200  }
0x38e: {  	[sflag:s31] =	ssyncset.done $0x0  }
0x38f: {  	[sflag:s31] =	ssyncadd.s32 $0xFFFFCE00  }
0x390: {  	_ =	swait.ge [sflag:s12], $0x820  }
0x391: {  	[sflag:s12] =	ssyncset.done $0x0  }
0x392: {  	[sflag:s12] =	ssyncadd.s32 $0xFFFFF7E0  }
0x393: {  	_ =	swait.ge [sflag:s12], $0x820  }
0x394: {  	[sflag:s12] =	ssyncset.done $0x0  }
0x395: {  	[sflag:s12] =	ssyncadd.s32 $0xFFFFF7E0  }
0x396: {  	[bflag:$0x0] =	sbarrier.arrive $0xFFFF  }
0x397: {  	s17 =	sld [smem:$0x7E1]  }
0x398: {  	s15 =	sld [smem:$0x7F3];
	_ =	sdelay $0x1  }
0x399: {  	s10 =	sor.u32 $0x1C0A, s17  }
0x39a: {  	[hbm:s15], [sflag:s10] =	dma.local [spmem:s18], $0x2710  }
0x39b: {  	_ =	swait.ge [sflag:s13], $0x2710  }
0x39c: {  	s28 =	sld [smem:$0x7F5];
	_ =	sdelay $0x1  }
0x39d: {  	s14 =	sadd.s32 $0x1, s14  }
0x39e: {  	p0 =	sne.s32 s14, s28  }
.Ltmp1:
0x39f: {  	_ = 	snop;
	(pc) =	sbr.rel @p0 .LBB2_1-.Ltmp1, $3  }
0x3a0: {  	_ =	sdelay $0x1  }
0x3a1: {  	[sflag:s13] =	ssyncset.done $0x0  }
0x3a2: {  	[sflag:s13] =	ssyncadd.s32 $0xFFFFD8F0  }
0x3a3: {  	_ =	sfence.sel $0x180000  }
0x3a4: {  	[bflag:$0x0] =	sbarrier.arrive $0xFFFF  }
0x3a5: {  	_ =	strace $0x9000004A  }
0x3a6: {  	s0 =	stileid.u32;
	[bflag:$0x2] =	sbarrier.arrive $0xFFFF  }
0x3a7: {  	p0 =	sne.s32 s0, $0x0;
	s0 =	rddreg [dreg:$0x2]  }
0x3a8: {  	s0 =	sadd.s32 @!p0 $0x100000, s0  }
0x3a9: {  	[sflag:s0] =	ssyncadd.tile.s32 @!p0 $0x1;
	_ =	shalt  }
.Lfunc_end2:
_tile_overlayer_lowered:
.L_overlay_start_2:
0x3aa: {  	(tag) =	ssettag $0x2  }
0x3ab: {  	s0 =	rddreg [dreg:$0x0];
	s2 =	stileid.u32  }
0x3ac: {  	s1 =	rddreg [dreg:$0x1];
	p0 =	sne.s32 s2, $0x0  }
0x3ad: {  	s3 =	rddreg [dreg:$0x2];
	[bflag:$0x3] =	sbarrier.arrive $0xFFFF;
	s2 =	simm.s32 @!p0 $0x1C0A  }
0x3ae: {  	[timem:s3], [sflag:s2] =	dma.local @!p0 [hbm:s0], s1  }
0x3af: {  	s0 =	simm.s32 @!p0 $0xA  }
0x3b0: {  	_ =	swait.ge @!p0 [sflag:s0], s1  }
0x3b1: {  	s1 =	ssub.s32 @!p0 $0x0, s1;
	[sflag:s0] =	ssyncset.done @!p0 $0x0  }
0x3b2: {  	[sflag:s0] =	ssyncadd.s32 @!p0 s1  }
0x3b3: {  	[bflag:$0x3] =	sbarrier.arrive $0xFFFF  }
0x3b4: {  	_ =	shalt  }

// kernel: kernel.14.cloned.1.call-start
scs
__scs_entry_jumppad:
0x0: {  	(pc) =	sbr.rel $0x88, $3  }
0x1: {  	(tag) =	ssettag $0x0;
	lr =	simm.s32 $0x1  }
0x2: {  	[smem:$0x3F98] =	sst lr;
	_ =	strace $0xD0000000  }
0x3: {  	_ = 	snop  }
0x4: {  	_ = 	snop  }
0x5: {  	_ = 	snop  }
0x6: {  	_ = 	snop  }
0x7: {  	_ = 	snop  }
__scs_overlays_trampoline_lowered:
0x8: {  	[smem:$0x3FA7] =	sst s0  }
0x9: {  	[smem:$0x3FA8] =	sst s1  }
0xa: {  	[smem:$0x3FA9] =	sst s2  }
0xb: {  	[smem:$0x3FAA] =	sst s3  }
0xc: {  	[smem:$0x3FAB] =	sst s4  }
0xd: {  	[smem:$0x3FAC] =	sst s5  }
0xe: {  	[smem:$0x3FAD] =	sst s6  }
0xf: {  	[smem:$0x3FAE] =	sst s7  }
0x10: {  	[smem:$0x3FAF] =	sst s8  }
0x11: {  	[smem:$0x3FB0] =	sst s9;
	s0 =	simm.s32 @!p0 $0x0  }
0x12: {  	s1 =	sld [smem:$0x3F96];
	s0 =	simm.s32 @p0 $0x1  }
0x13: {  	[smem:$0x3FB1] =	sst s0;
	s0 =	simm.s32 @!p1 $0x0  }
0x14: {  	s2 =	sld [smem:$0x3F95];
	s0 =	simm.s32 @p1 $0x1  }
0x15: {  	[smem:$0x3FB2] =	sst s0;
	s0 =	simm.s32 @!p2 $0x0  }
0x16: {  	s3 =	sld [smem:$0x3FDB];
	s0 =	simm.s32 @p2 $0x1  }
0x17: {  	s4 =	simm.s32 $0x1BF5;
	[smem:$0x3FB4] =	sst s0  }
0x18: {  	s0 =	sld [smem:$0x3F97];
	_ =	swait.ge [sflag:s4], $0x0  }
0x19: {  	s7 =	sld [smem:$0x3F98]  }
0x1a: {  	s8 =	sadd.s32 $0xFFFFE003, lr  }
0x1b: {  	s9 =	sadd.s32 $0xFFFFFEF7, lr;
	s5 =	simm.s32 $0xFFFFFFFF;
	p2 =	slt.u32 s8, $0xFFFFF086  }
0x1c: {  	p1 =	slt.u32 s9, $0xF7A;
	s5 =	simm.s32 @!p2 $0x0  }
0x1d: {  	s5 =	simm.s32 @p1 $0x1;
	p0 =	seq.s32 s7, s2  }
0x1e: {  	s7 =	smul.u32 @!p0 $0xF7A, s2;
	p2 =	seq.s32 @!p0 s5, $0x0  }
0x1f: {  	s9 =	smul.u32 $0xF7A, s1;
	s8 =	simm.s32 @!p0 $0x1BF5;
	p2 =	por !p2, p0  }
0x20: {  	[sflag:s8] =	ssyncset.s32 @!p0 $0xFFFFF086;
	s6 =	sadd.s32 @!p0 s3, s7;
	s7 =	simm.s32 @!p0 $0x108  }
0x21: {  	s3 =	sadd.s32 s3, s9;
	s6 =	sadd.s32 @!p0 $0x88, s6;
	s7 =	simm.s32 @p2 $0x1082  }
0x22: {  	[simem:s7], [sflag:s8] =	dma.local @!p0 [hbm:s6], $0xF7A  }
0x23: {  	s9 =	sor.u32 $0xD0000000, s2;
	s6 =	simm.s32 $0x108;
	_ =	swait.ge @!p0 [sflag:s8], $0x0  }
0x24: {  	s3 =	sadd.s32 $0x88, s3;
	s6 =	simm.s32 @!p1 $0x1082;
	[sflag:s4] =	ssyncset.s32 $0xFFFFF086  }
0x25: {  	[simem:s6], [sflag:s4] =	dma.local [hbm:s3], $0xF7A  }
0x26: {  	[smem:$0x3F98] =	sst s1;
	(tag) =	ssettag s2;
	_ =	strace s9  }
0x27: {  	s1 =	sld [smem:$0x3FA8]  }
0x28: {  	s2 =	sld [smem:$0x3FA9]  }
0x29: {  	s4 =	sld [smem:$0x3FAB]  }
0x2a: {  	p0 =	seq.s32 s5, $0x0;
	s5 =	sld [smem:$0x3FAC]  }
0x2b: {  	s6 =	sld [smem:$0x3FAD]  }
0x2c: {  	s7 =	sld [smem:$0x3FAE]  }
0x2d: {  	s3 =	simm.s32 $0x108;
	s8 =	sld [smem:$0x3FAF]  }
0x2e: {  	s3 =	simm.s32 @!p0 $0x1082;
	s9 =	sld [smem:$0x3FB0]  }
0x2f: {  	lr =	sadd.s32 s0, s3;
	s0 =	sld [smem:$0x3FA7]  }
0x30: {  	s3 =	sld [smem:$0x3FAA]  }
0x31: {  	[smem:$0x3FB3] =	sst s10  }
0x32: {  	s10 =	sld [smem:$0x3FB1];
	_ =	sdelay $0x3  }
0x33: {  	p0 =	seq.s32 s10, $0x1;
	s10 =	sld [smem:$0x3FB3];
	_ =	sdelay $0x3  }
0x34: {  	[smem:$0x3FB3] =	sst s10  }
0x35: {  	s10 =	sld [smem:$0x3FB2];
	_ =	sdelay $0x3  }
0x36: {  	p1 =	seq.s32 s10, $0x1;
	s10 =	sld [smem:$0x3FB3];
	_ =	sdelay $0x3  }
0x37: {  	[smem:$0x3FB3] =	sst s10  }
0x38: {  	s10 =	sld [smem:$0x3FB4]  }
0x39: {  	_ = 	snop;
	(pc) =	sbr.ind lr, $3  }
0x3a: {  	_ = 	snop  }
0x3b: {  	_ = 	snop  }
0x3c: {  	p2 =	seq.s32 s10, $0x1;
	s10 =	sld [smem:$0x3FB3]  }
0x3d: {  	_ =	shalt  }
0x3e: {  	_ =	shalt  }
0x3f: {  	_ =	shalt  }
0x40: {  	_ =	shalt  }
0x41: {  	_ =	shalt  }
0x42: {  	_ =	shalt  }
0x43: {  	_ =	shalt  }
0x44: {  	_ =	shalt  }
0x45: {  	_ =	shalt  }
0x46: {  	_ =	shalt  }
0x47: {  	_ =	shalt  }
0x48: {  	_ =	shalt  }
0x49: {  	_ =	shalt  }
0x4a: {  	_ =	shalt  }
0x4b: {  	_ =	shalt  }
0x4c: {  	_ =	shalt  }
0x4d: {  	_ =	shalt  }
0x4e: {  	_ =	shalt  }
0x4f: {  	_ =	shalt  }
0x50: {  	_ =	shalt  }
0x51: {  	_ =	shalt  }
0x52: {  	_ =	shalt  }
0x53: {  	_ =	shalt  }
0x54: {  	_ =	shalt  }
0x55: {  	_ =	shalt  }
0x56: {  	_ =	shalt  }
0x57: {  	_ =	shalt  }
0x58: {  	_ =	shalt  }
0x59: {  	_ =	shalt  }
0x5a: {  	_ =	shalt  }
0x5b: {  	_ =	shalt  }
0x5c: {  	_ =	shalt  }
0x5d: {  	_ =	shalt  }
0x5e: {  	_ =	shalt  }
0x5f: {  	_ =	shalt  }
0x60: {  	_ =	shalt  }
0x61: {  	_ =	shalt  }
0x62: {  	_ =	shalt  }
0x63: {  	_ =	shalt  }
0x64: {  	_ =	shalt  }
0x65: {  	_ =	shalt  }
0x66: {  	_ =	shalt  }
0x67: {  	_ =	shalt  }
0x68: {  	_ =	shalt  }
0x69: {  	_ =	shalt  }
0x6a: {  	_ =	shalt  }
0x6b: {  	_ =	shalt  }
0x6c: {  	_ =	shalt  }
0x6d: {  	_ =	shalt  }
0x6e: {  	_ =	shalt  }
0x6f: {  	_ =	shalt  }
0x70: {  	_ =	shalt  }
0x71: {  	_ =	shalt  }
0x72: {  	_ =	shalt  }
0x73: {  	_ =	shalt  }
0x74: {  	_ =	shalt  }
0x75: {  	_ =	shalt  }
0x76: {  	_ =	shalt  }
0x77: {  	_ =	shalt  }
0x78: {  	_ =	shalt  }
0x79: {  	_ =	shalt  }
0x7a: {  	_ =	shalt  }
0x7b: {  	_ =	shalt  }
0x7c: {  	_ =	shalt  }
0x7d: {  	_ =	shalt  }
0x7e: {  	_ =	shalt  }
0x7f: {  	_ =	shalt  }
0x80: {  	_ =	shalt  }
0x81: {  	_ =	shalt  }
0x82: {  	_ =	shalt  }
0x83: {  	_ =	shalt  }
0x84: {  	_ =	shalt  }
0x85: {  	_ =	shalt  }
0x86: {  	_ =	shalt  }
0x87: {  	_ =	shalt  }
.Lfunc_end0:
.L_simem_size_0:
called_computation.2_lowered:
.L_overlay_start_0:
0x88: {  	s2 =	sld [smem:$0x3FD9]  }
0x89: {  	s3 =	sld [smem:$0x3FFE];
	_ =	sdelay $0x1  }
0x8a: {  	s1 =	srdreg.scid  }
0x8b: {  	s0 =	sand.u32 $0x1, s1  }
0x8c: {  	s16 =	sshll.u32 s0, $0xA;
	s2 =	sadd.s32 s3, s2  }
0x8d: {  	s2 =	sadd.s32 s2, s16  }
0x8e: {  	[smem:$0x3FBF] =	sst s2  }
0x8f: {  	_ = 	snop  }
0x90: {  	(tm) =	ssettm $0x1  }
0x91: {  	s17 =	sld [smem:$0x3FFB];
	_ =	sdelay $0x3  }
0x92: {  	_ =	strace s17  }
0x93: {  	s2 =	sld [smem:$0x3FFC];
	_ =	sdelay $0x3  }
0x94: {  	_ =	strace s2  }
0x95: {  	s2 =	sld [smem:$0x3FFD];
	_ =	sdelay $0x3  }
0x96: {  	_ =	strace s2  }
0x97: {  	_ =	strace $0x8FFFFFFF  }
0x98: {  	s18 =	sld [smem:$0x3FDB];
	_ =	sdelay $0x1  }
0x99: {  	s19 =	simm.s32 $_scs_section_size  }
0x9a: {  	s4 =	simm.s32 $_size__tile_overlayer_lowered;
	s5 =	simm.s32 $_tile_overlayer_lowered  }
0x9b: {  	s22 =	simm.s32 $0x1BFF;
	s21 =	sshll.u32 s5, $0x1;
	s2 =	sadd.s32 s19, s18  }
0x9c: {  	s6 =	simm.s32 $0x0;
	s20 =	sshll.u32 s4, $0x1;
	s4 =	sadd.s32 s21, s2  }
0x9d: {  	[timem:s6], [sflag:s22] =	dma.local [hbm:s4], s20  }
0x9e: {  	_ =	swait.ge [sflag:s22], s20  }
0x9f: {  	s3 =	ssub.s32 $0x0, s20;
	[sflag:s22] =	ssyncset.done $0x0  }
0xa0: {  	[sflag:s22] =	ssyncadd.s32 s3;
	_ =	sdelay $0x1  }
0xa1: {  	s23 =	simm.s32 $0x1B8B  }
0xa2: {  	_ =	swait.ge [sflag:s23], $0x1  }
0xa3: {  	[sflag:s23] =	ssyncset.done $0x0  }
0xa4: {  	s25 =	simm.s32 $0x1B8E;
	s24 =	sld [smem:$0x3FFE];
	[sflag:s23] =	ssyncadd.s32 $0xFFFFFFFF  }
0xa5: {  	s26 =	simm.s32 $execute0_lowered;
	[smem:$0x3FD2] =	sst s25  }
0xa6: {  	s4 =	sshll.u32 s26, $0x1;
	_ =	strace $0x8000004C;
	[dreg:$0x1] =	wrdreg $0xFFFFFFFF  }
0xa7: {  	s28 =	simm.s32 $_size_execute0_lowered;
	s2 =	sadd.s32 s2, s4;
	[dreg:$0x0] =	wrdreg $0x0  }
0xa8: {  	s4 =	sshll.u32 s28, $0x1;
	[dreg:$0x2] =	wrdreg s2  }
0xa9: {  	[dreg:$0x3] =	wrdreg s4  }
0xaa: {  	[dreg:$0x4] =	wrdreg $0xC0  }
0xab: {  	_ =	task [dreg:s6], $0x5FFFF  }
0xac: {  	[dreg:$0x1] =	wrdreg $0xFFFFFFFF  }
0xad: {  	[dreg:$0x0] =	wrdreg $0x60  }
0xae: {  	[dreg:$0x2] =	wrdreg s24  }
0xaf: {  	[dreg:$0x3] =	wrdreg $0xB6800  }
0xb0: {  	[dreg:$0x4] =	wrdreg $0x9  }
0xb1: {  	_ =	task.clear_ibuf [dreg:s6], $0x5FFFF;
	_ =	strace $0x9000004C  }
0xb2: {  	s29 =	simm.s32 $0x9;
	_ =	strace $0x8000004E  }
0xb3: {  	_ =	swait.ge [sflag:s29], $0x1  }
0xb4: {  	[sflag:s29] =	ssyncadd.s32 $0xFFFFFFFF  }
0xb5: {  	_ =	strace $0x9000004E  }
0xb6: {  	_ =	sfence  }
0xb7: {  	s30 =	sld [smem:$0x0];
	_ =	sdelay $0x2  }
0xb8: {  	s31 =	sshll.u32 s1, $0xD;
	s1 =	sshrl.u32 s1, $0x2  }
0xb9: {  	s3 =	sand.u32 $0x4000, s31;
	s1 =	sadd.s32 s1, s30  }
0xba: {  	s0 =	sor.u32 s3, s0;
	s1 =	sshll.u32 s1, $0x11  }
0xbb: {  	s0 =	sor.u32 s1, s0  }
0xbc: {  	s0 =	sadd.s32 $0x8F2B, s0  }
0xbd: {  	[sflag:s0] =	ssyncadd.remote.s32 $0x1  }
0xbe: {  	_ =	sfence.sel $0xFFFF  }
0xbf: {  	[dreg:$0x0] =	wrdreg $0xFFFFFFFF;
	(pc) =	sbr.abs _section_cstart, $3  }
0xc0: {  	[dreg:$0x1] =	wrdreg $0xFFFFFFFF  }
0xc1: {  	_ =	task.clear_ibuf [dreg:s6], $0x2FFFF;
	_ =	strace $0x9FFFFFFF  }
0xc2: {  	(tm) =	ssettm $0x7FFFFFFF  }
0xc3: {  	_ =	shalt  }
tec
execute0_lowered:
.L_overlay_start_1:
0x0: {  	(tag) =	ssettag $0x1  }
0x1: {  	s0 =	rddreg [dreg:$0x0]  }
0x2: {  	s1 =	rddreg [dreg:$0x1];
	s2 =	simm.s32 $0x0  }
0x3: {  	s3 =	simm.s32 $0xD0;
	[smem:$0x7FF] =	sst s2  }
0x4: {  	s26 =	simm.s32 $0x138;
	_ =	strace $0x8000004D;
	[dreg:$0x3] =	wrdreg s3  }
0x5: {  	s28 =	simm.s32 $0x888;
	[dreg:$0x4] =	wrdreg s26  }
0x6: {  	s4 =	simm.s32 $0x1A0;
	[dreg:$0x5] =	wrdreg s28  }
0x7: {  	s5 =	simm.s32 $0x8F0;
	[dreg:$0x6] =	wrdreg s4  }
0x8: {  	s6 =	simm.s32 $0x958;
	[dreg:$0x7] =	wrdreg s5  }
0x9: {  	s7 =	simm.s32 $0x208;
	[dreg:$0x8] =	wrdreg s6  }
0xa: {  	s8 =	simm.s32 $0x270;
	[dreg:$0x9] =	wrdreg s7  }
0xb: {  	s9 =	simm.s32 $0x9C0;
	[dreg:$0xa] =	wrdreg s8  }
0xc: {  	s10 =	simm.s32 $0x2D8;
	[dreg:$0xb] =	wrdreg s9  }
0xd: {  	s11 =	simm.s32 $0xA28;
	[dreg:$0xc] =	wrdreg s10  }
0xe: {  	s12 =	simm.s32 $0xA90;
	[dreg:$0xd] =	wrdreg s11  }
0xf: {  	s13 =	simm.s32 $0x340;
	[dreg:$0xe] =	wrdreg s12  }
0x10: {  	s14 =	simm.s32 $0x3A8;
	[dreg:$0xf] =	wrdreg s13  }
0x11: {  	s15 =	simm.s32 $0xAF8;
	[dreg:$0x10] =	wrdreg s14  }
0x12: {  	s16 =	simm.s32 $0x410;
	[dreg:$0x11] =	wrdreg s15  }
0x13: {  	s17 =	simm.s32 $0xB60;
	[dreg:$0x12] =	wrdreg s16  }
0x14: {  	s18 =	simm.s32 $0xBC8;
	[dreg:$0x13] =	wrdreg s17  }
0x15: {  	s19 =	simm.s32 $0x478;
	[dreg:$0x14] =	wrdreg s18  }
0x16: {  	s20 =	simm.s32 $0x4E0;
	[dreg:$0x15] =	wrdreg s19  }
0x17: {  	s21 =	simm.s32 $0xC30;
	[dreg:$0x16] =	wrdreg s20  }
0x18: {  	s22 =	simm.s32 $0x548;
	[dreg:$0x17] =	wrdreg s21  }
0x19: {  	s23 =	simm.s32 $0xC98;
	[dreg:$0x18] =	wrdreg s22  }
0x1a: {  	s24 =	simm.s32 $0xD00;
	[dreg:$0x19] =	wrdreg s23  }
0x1b: {  	s25 =	simm.s32 $0x5B0;
	[dreg:$0x1a] =	wrdreg s24  }
0x1c: {  	[dreg:$0x1b] =	wrdreg s25;
	s26 =	simm.s32 $0x618  }
0x1d: {  	s28 =	simm.s32 $0xD68;
	[dreg:$0x1c] =	wrdreg s26  }
0x1e: {  	s4 =	simm.s32 $0x680;
	[dreg:$0x1d] =	wrdreg s28  }
0x1f: {  	s5 =	simm.s32 $0xDD0;
	[dreg:$0x1e] =	wrdreg s4  }
0x20: {  	s6 =	simm.s32 $0xE38;
	[dreg:$0x1f] =	wrdreg s5  }
0x21: {  	s7 =	simm.s32 $0x6E8;
	[smem:$0x7C7] =	sst s6  }
0x22: {  	s8 =	simm.s32 $0x7B8;
	[smem:$0x7C8] =	sst s7  }
0x23: {  	s9 =	simm.s32 $0xF08;
	[smem:$0x7CB] =	sst s8  }
0x24: {  	s10 =	simm.s32 $0xF70;
	[smem:$0x7CC] =	sst s9  }
0x25: {  	s11 =	simm.s32 $0xFD8;
	[smem:$0x7CD] =	sst s10  }
0x26: {  	s12 =	simm.s32 $0x10A8;
	[smem:$0x7CE] =	sst s11  }
0x27: {  	s14 =	simm.s32 $0x1110;
	[smem:$0x7CF] =	sst s12  }
0x28: {  	s15 =	simm.s32 $0x1178;
	[smem:$0x7D0] =	sst s14  }
0x29: {  	s16 =	simm.s32 $0x18C8;
	[smem:$0x7D1] =	sst s15  }
0x2a: {  	s17 =	simm.s32 $0x11E0;
	[smem:$0x7D2] =	sst s16  }
0x2b: {  	s18 =	simm.s32 $0x1930;
	[smem:$0x7D3] =	sst s17  }
0x2c: {  	s20 =	simm.s32 $0x1998;
	[smem:$0x7D4] =	sst s18  }
0x2d: {  	s21 =	simm.s32 $0x12B0;
	[smem:$0x7D5] =	sst s20  }
0x2e: {  	s23 =	simm.s32 $0x1A00;
	[smem:$0x7D7] =	sst s21  }
0x2f: {  	s24 =	simm.s32 $0x1318;
	[smem:$0x7D8] =	sst s23  }
0x30: {  	s29 =	simm.s32 $0x1;
	s4 =	simm.s32 $0x750;
	[smem:$0x7D9] =	sst s24  }
0x31: {  	s30 =	simm.s32 $0x8480;
	s5 =	simm.s32 $0xEA0;
	[smem:$0x7C9] =	sst s4  }
0x32: {  	s31 =	simm.s32 $0x2;
	s11 =	simm.s32 $0x1248;
	[smem:$0x7CA] =	sst s5  }
0x33: {  	s3 =	sadd.s32 $0x15C00, s0;
	s12 =	simm.s32 $0x1A68;
	[smem:$0x7D6] =	sst s11  }
0x34: {  	s13 =	stileid.u32;
	s26 =	simm.s32 $0x1AD0;
	[smem:$0x7DA] =	sst s12  }
0x35: {  	s6 =	srdreg.scid;
	s28 =	simm.s32 $0x1380;
	[smem:$0x7DB] =	sst s26  }
0x36: {  	s9 =	smul.u32 $0x271, s13;
	s14 =	simm.s32 $0x1B38;
	[smem:$0x7DC] =	sst s28  }
0x37: {  	s25 =	smul.u32 $0x4E200, s13;
	s16 =	simm.s32 $0x1450;
	[smem:$0x7DF] =	sst s14  }
0x38: {  	s15 =	sshll.u32 s13, $0x6;
	s18 =	simm.s32 $0x1BA0;
	[smem:$0x7E0] =	sst s16  }
0x39: {  	s20 =	simm.s32 $0x14B8;
	s21 =	smul.u32 $0xA28, s13;
	[smem:$0x7E1] =	sst s15  }
0x3a: {  	s24 =	simm.s32 $0x1C70;
	s4 =	sadd.s32 $0x2A200, s0;
	[smem:$0x7E3] =	sst s18  }
0x3b: {  	s7 =	sand.u32 $0x1, s6;
	s6 =	sadd.s32 $0x34600, s0;
	[smem:$0x7E6] =	sst s20  }
0x3c: {  	s12 =	simm.s32 $0x13E8;
	[smem:$0x7E9] =	sst s24;
	s28 =	simm.s32 $0x1CD8  }
0x3d: {  	s14 =	simm.s32 $0x15F0;
	s18 =	simm.s32 $0x16C0;
	s20 =	simm.s32 $0x1E78  }
0x3e: {  	s24 =	simm.s32 $0x17F8;
	s8 =	smul.u32 $0x2710, s7;
	[smem:$0x7DE] =	sst s12  }
0x3f: {  	s19 =	ssub.s32 $0x2, s7;
	s22 =	smul.u32 $0xC80, s7;
	[smem:$0x7EB] =	sst s28  }
0x40: {  	s7 =	smul.u32 $0xC8, s13;
	s11 =	sshrl.u32 s25, $0x2;
	[smem:$0x7EE] =	sst s14  }
0x41: {  	s12 =	sor.u32 $0x1C09, s15;
	s25 =	simm.s32 $0x1588;
	[smem:$0x7F2] =	sst s18  }
0x42: {  	s13 =	smul.u32 $0x5140, s13;
	s15 =	simm.s32 $0x1658;
	[smem:$0x7F6] =	sst s20  }
0x43: {  	s20 =	simm.s32 $0x1040;
	[smem:$0x7FA] =	sst s24;
	s28 =	simm.s32 $0x2018  }
0x44: {  	s24 =	simm.s32 $0x2080;
	s14 =	simm.s32 $0x0;
	[smem:$0x7E2] =	sst s12  }
0x45: {  	s10 =	sshrl.u32 s19, $0x1;
	s11 =	sadd.s32 s11, s1;
	[smem:$0x7EA] =	sst s25  }
0x46: {  	s12 =	simm.s32 $0x1D40;
	[smem:$0x7EF] =	sst s15;
	s25 =	simm.s32 $0x1F48  }
0x47: {  	[smem:$0x7FD] =	sst s28;
	s8 =	sadd.s32 s9, s8;
	s5 =	ssub.s32 s19, s10  }
0x48: {  	s19 =	simm.s32 $0x1C08;
	[smem:$0x7EC] =	sst s12;
	s16 =	sshrl.u32 s13, $0x3  }
0x49: {  	s18 =	sshrl.u32 s11, $0x3;
	[smem:$0x7FB] =	sst s25;
	s25 =	simm.s32 $0x68  }
0x4a: {  	s11 =	simm.s32 $0x6;
	s12 =	simm.s32 $0x8;
	s9 =	sshll.u32 s8, $0x4  }
0x4b: {  	s8 =	sadd.s32 s7, s22;
	[smem:$0x7E5] =	sst s19;
	s22 =	simm.s32 $0x1520  }
0x4c: {  	s13 =	simm.s32 $0xA;
	s19 =	simm.s32 $0x1E10;
	[smem:$0x7E7] =	sst s22  }
0x4d: {  	s5 =	smax.u32 s5, $0x1;
	s0 =	sadd.s32 s9, s0;
	[smem:$0x7F4] =	sst s19  }
0x4e: {  	s9 =	sadd.s32 s6, s9;
	s17 =	smul.u32 $0xD, s8;
	[smem:$0x7F5] =	sst s5  }
0x4f: {  	s23 =	smul.u32 $0x68, s8;
	s22 =	simm.s32 $0x1790;
	[smem:$0x7DD] =	sst s9  }
0x50: {  	s19 =	simm.s32 $0x820;
	s0 =	sadd.s32 $0x82800, s0;
	[smem:$0x7F8] =	sst s22  }
0x51: {  	s5 =	simm.s32 $0x5;
	s10 =	sadd.s32 s3, s17;
	[smem:$0x7F3] =	sst s0  }
0x52: {  	s22 =	simm.s32 $0x7;
	s17 =	simm.s32 $0x1DA8;
	[smem:$0x7E4] =	sst s10  }
0x53: {  	s26 =	sshrl.u32 s23, $0x3;
	s23 =	simm.s32 $0x1EE0;
	[smem:$0x7F0] =	sst s17  }
0x54: {  	s9 =	simm.s32 $0x3;
	s10 =	sadd.s32 s4, s21;
	[smem:$0x7F9] =	sst s23  }
0x55: {  	s21 =	simm.s32 $0x1728;
	[smem:$0x7E8] =	sst s10;
	s10 =	sadd.s32 s3, s26  }
0x56: {  	s0 =	simm.s32 $0x4;
	[smem:$0x7F7] =	sst s21;
	s10 =	sadd.s32 $0x104, s10  }
0x57: {  	s26 =	simm.s32 $0x1FB0;
	[smem:$0x7ED] =	sst s10;
	s10 =	sadd.s32 s4, s16  }
0x58: {  	s23 =	simm.s32 $0x64;
	[smem:$0x7FC] =	sst s26;
	s10 =	sadd.s32 $0x104, s10  }
0x59: {  	s21 =	simm.s32 $0x1860;
	s26 =	simm.s32 $0x5280;
	[smem:$0x7F1] =	sst s10  }
.LBB2_1:
0x5a: {  	s10 =	sld [smem:$0x7DD]  }
0x5b: {  	s15 =	sld [smem:$0x7E2];
	_ =	sdelay $0x2  }
0x5c: {  	[spmem:s18], [sflag:s15] =	dma.local [hbm:s10], $0x2710  }
0x5d: {  	s10 =	sld [smem:$0x7E4];
	_ =	sdelay $0x1  }
0x5e: {  	s16 =	sld [smem:$0x7E8]  }
0x5f: {  	[tilespmem:s2], [sflag:$0x7] =	stream.linear.gather [hbm4b:s10+s2], $0x820, $0x38;
	[tilespmem:$0x1EF00] =	vst v63  }
0x60: {  	s17 =	sld [smem:$0x7ED]  }
0x61: {  	[tilespmem:s19], [sflag:$0x7] =	stream.linear.gather [hbm4b:s16+s2], $0x820, $0x38;
	[tilespmem:$0x1EF00] =	vst v63  }
0x62: {  	s28 =	sld [smem:$0x7F1]  }
0x63: {  	[tilespmem:s20], [sflag:$0x8] =	stream.linear.gather [hbm4b:s17+s2], $0x820, $0x38;
	[tilespmem:$0x1EF00] =	vst v63  }
0x64: {  	_ = 	snop  }
0x65: {  	[tilespmem:s21], [sflag:$0x8] =	stream.linear.gather [hbm4b:s28+s2], $0x820, $0x38;
	[tilespmem:$0x1EF00] =	vst v63  }
0x66: {  	_ =	swait.ge [sflag:s22], $0x820  }
0x67: {  	[sflag:s22] =	ssyncset.done $0x0  }
0x68: {  	[sflag:s22] =	ssyncadd.s32 $0xFFFFF7E0  }
0x69: {  	_ =	swait.ge [sflag:s22], $0x820  }
0x6a: {  	[sflag:s22] =	ssyncset.done $0x0  }
0x6b: {  	[sflag:s22] =	ssyncadd.s32 $0xFFFFF7E0  }
0x6c: {  	[tilespmem:s24], [sflag:$0x1] =	stream.indirect.gather [hbm4b:s6+s23], $0x80, s2, s23, $0xb8;
	[tilespmem:$0x1EF00] =	vst v63  }
0x6d: {  	s15 =	simm.s32 $0x9  }
0x6e: {  	[tilespmem:s26], [sflag:$0x2] =	stream.indirect.gather [hbm4b:s6+s23], $0x80, s25, s23, $0xb8;
	[tilespmem:$0x1EF00] =	vst v63  }
0x6f: {  	_ =	swait.ge [sflag:s15], $0x2710  }
0x70: {  	[sflag:s15] =	ssyncset.done $0x0  }
0x71: {  	[sflag:s15] =	ssyncadd.s32 $0xFFFFD8F0  }
0x72: {  	[bflag:$0x0] =	sbarrier.arrive $0xFFFF  }
0x73: {  	_ =	swait.ge [sflag:s29], $0x3200  }
0x74: {  	[sflag:s29] =	ssyncset.done $0x0  }
0x75: {  	[sflag:s29] =	ssyncadd.s32 $0xFFFFCE00  }
0x76: {  	[spmem:s1] =	stream.indirect.scatter.add.f32 [tilespmem:s24], [sflag:$0x4], $0x80, s19, s23, $0xb8;
	[tilespmem:$0x1EF00] =	vst v63  }
0x77: {  	s16 =	rddreg [dreg:$0x3]  }
0x78: {  	[tilespmem:s30], [sflag:$0x3] =	stream.indirect.gather [hbm4b:s6+s23], $0x80, s16, s23, $0xb8;
	[tilespmem:$0x1EF00] =	vst v63  }
0x79: {  	_ =	swait.ge [sflag:s31], $0x3200  }
0x7a: {  	[sflag:s31] =	ssyncset.done $0x0  }
0x7b: {  	[sflag:s31] =	ssyncadd.s32 $0xFFFFCE00  }
0x7c: {  	_ =	swait.ge [sflag:s0], $0x3200  }
0x7d: {  	[sflag:s0] =	ssyncset.done $0x0  }
0x7e: {  	s17 =	rddreg [dreg:$0x4];
	[sflag:s0] =	ssyncadd.s32 $0xFFFFCE00  }
0x7f: {  	[tilespmem:s24], [sflag:$0x1] =	stream.indirect.gather [hbm4b:s6+s23], $0x80, s17, s23, $0xb8;
	[tilespmem:$0x1EF00] =	vst v63  }
0x80: {  	s28 =	rddreg [dreg:$0x5]  }
0x81: {  	[spmem:s1] =	stream.indirect.scatter.add.f32 [tilespmem:s26], [sflag:$0x5], $0x80, s28, s23, $0xb8;
	[tilespmem:$0x1EF00] =	vst v63  }
0x82: {  	_ =	swait.ge [sflag:s5], $0x3200  }
0x83: {  	[sflag:s5] =	ssyncset.done $0x0  }
0x84: {  	s15 =	rddreg [dreg:$0x6];
	[sflag:s5] =	ssyncadd.s32 $0xFFFFCE00  }
0x85: {  	[tilespmem:s26], [sflag:$0x2] =	stream.indirect.gather [hbm4b:s6+s23], $0x80, s15, s23, $0xb8;
	[tilespmem:$0x1EF00] =	vst v63  }
0x86: {  	_ =	swait.ge [sflag:s9], $0x3200  }
0x87: {  	[sflag:s9] =	ssyncset.done $0x0  }
0x88: {  	s16 =	rddreg [dreg:$0x7];
	[sflag:s9] =	ssyncadd.s32 $0xFFFFCE00  }
0x89: {  	[spmem:s1] =	stream.indirect.scatter.add.f32 [tilespmem:s30], [sflag:$0x6], $0x80, s16, s23, $0xb8;
	[tilespmem:$0x1EF00] =	vst v63  }
0x8a: {  	_ =	swait.ge [sflag:s11], $0x3200  }
0x8b: {  	[sflag:s11] =	ssyncset.done $0x0  }
0x8c: {  	[sflag:s11] =	ssyncadd.s32 $0xFFFFCE00  }
0x8d: {  	_ =	swait.ge [sflag:s29], $0x3200  }
0x8e: {  	[sflag:s29] =	ssyncset.done $0x0  }
0x8f: {  	s17 =	rddreg [dreg:$0x8];
	[sflag:s29] =	ssyncadd.s32 $0xFFFFCE00  }
0x90: {  	[spmem:s1] =	stream.indirect.scatter.add.f32 [tilespmem:s24], [sflag:$0x4], $0x80, s17, s23, $0xb8;
	[tilespmem:$0x1EF00] =	vst v63  }
0x91: {  	s28 =	rddreg [dreg:$0x9]  }
0x92: {  	[tilespmem:s30], [sflag:$0x3] =	stream.indirect.gather [hbm4b:s6+s23], $0x80, s28, s23, $0xb8;
	[tilespmem:$0x1EF00] =	vst v63  }
0x93: {  	_ =	swait.ge [sflag:s31], $0x3200  }
0x94: {  	[sflag:s31] =	ssyncset.done $0x0  }
0x95: {  	[sflag:s31] =	ssyncadd.s32 $0xFFFFCE00  }
0x96: {  	_ =	swait.ge [sflag:s0], $0x3200  }
0x97: {  	[sflag:s0] =	ssyncset.done $0x0  }
0x98: {  	s15 =	rddreg [dreg:$0xa];
	[sflag:s0] =	ssyncadd.s32 $0xFFFFCE00  }
0x99: {  	[tilespmem:s24], [sflag:$0x1] =	stream.indirect.gather [hbm4b:s6+s23], $0x80, s15, s23, $0xb8;
	[tilespmem:$0x1EF00] =	vst v63  }
0x9a: {  	s16 =	rddreg [dreg:$0xb]  }
0x9b: {  	[spmem:s1] =	stream.indirect.scatter.add.f32 [tilespmem:s26], [sflag:$0x5], $0x80, s16, s23, $0xb8;
	[tilespmem:$0x1EF00] =	vst v63  }
0x9c: {  	_ =	swait.ge [sflag:s5], $0x3200  }
0x9d: {  	[sflag:s5] =	ssyncset.done $0x0  }
0x9e: {  	s17 =	rddreg [dreg:$0xc];
	[sflag:s5] =	ssyncadd.s32 $0xFFFFCE00  }
0x9f: {  	[tilespmem:s26], [sflag:$0x2] =	stream.indirect.gather [hbm4b:s6+s23], $0x80, s17, s23, $0xb8;
	[tilespmem:$0x1EF00] =	vst v63  }
0xa0: {  	_ =	swait.ge [sflag:s9], $0x3200  }
0xa1: {  	[sflag:s9] =	ssyncset.done $0x0  }
0xa2: {  	s28 =	rddreg [dreg:$0xd];
	[sflag:s9] =	ssyncadd.s32 $0xFFFFCE00  }
0xa3: {  	[spmem:s1] =	stream.indirect.scatter.add.f32 [tilespmem:s30], [sflag:$0x6], $0x80, s28, s23, $0xb8;
	[tilespmem:$0x1EF00] =	vst v63  }
0xa4: {  	_ =	swait.ge [sflag:s11], $0x3200  }
0xa5: {  	[sflag:s11] =	ssyncset.done $0x0  }
0xa6: {  	[sflag:s11] =	ssyncadd.s32 $0xFFFFCE00  }
0xa7: {  	_ =	swait.ge [sflag:s29], $0x3200  }
0xa8: {  	[sflag:s29] =	ssyncset.done $0x0  }
0xa9: {  	s15 =	rddreg [dreg:$0xe];
	[sflag:s29] =	ssyncadd.s32 $0xFFFFCE00  }
0xaa: {  	[spmem:s1] =	stream.indirect.scatter.add.f32 [tilespmem:s24], [sflag:$0x4], $0x80, s15, s23, $0xb8;
	[tilespmem:$0x1EF00] =	vst v63  }
0xab: {  	s16 =	rddreg [dreg:$0xf]  }
0xac: {  	[tilespmem:s30], [sflag:$0x3] =	stream.indirect.gather [hbm4b:s6+s23], $0x80, s16, s23, $0xb8;
	[tilespmem:$0x1EF00] =	vst v63  }
0xad: {  	_ =	swait.ge [sflag:s31], $0x3200  }
0xae: {  	[sflag:s31] =	ssyncset.done $0x0  }
0xaf: {  	[sflag:s31] =	ssyncadd.s32 $0xFFFFCE00  }
0xb0: {  	_ =	swait.ge [sflag:s0], $0x3200  }
0xb1: {  	[sflag:s0] =	ssyncset.done $0x0  }
0xb2: {  	s17 =	rddreg [dreg:$0x10];
	[sflag:s0] =	ssyncadd.s32 $0xFFFFCE00  }
0xb3: {  	[tilespmem:s24], [sflag:$0x1] =	stream.indirect.gather [hbm4b:s6+s23], $0x80, s17, s23, $0xb8;
	[tilespmem:$0x1EF00] =	vst v63  }
0xb4: {  	s28 =	rddreg [dreg:$0x11]  }
0xb5: {  	[spmem:s1] =	stream.indirect.scatter.add.f32 [tilespmem:s26], [sflag:$0x5], $0x80, s28, s23, $0xb8;
	[tilespmem:$0x1EF00] =	vst v63  }
0xb6: {  	_ =	swait.ge [sflag:s5], $0x3200  }
0xb7: {  	[sflag:s5] =	ssyncset.done $0x0  }
0xb8: {  	s15 =	rddreg [dreg:$0x12];
	[sflag:s5] =	ssyncadd.s32 $0xFFFFCE00  }
0xb9: {  	[tilespmem:s26], [sflag:$0x2] =	stream.indirect.gather [hbm4b:s6+s23], $0x80, s15, s23, $0xb8;
	[tilespmem:$0x1EF00] =	vst v63  }
0xba: {  	_ =	swait.ge [sflag:s9], $0x3200  }
0xbb: {  	[sflag:s9] =	ssyncset.done $0x0  }
0xbc: {  	s16 =	rddreg [dreg:$0x13];
	[sflag:s9] =	ssyncadd.s32 $0xFFFFCE00  }
0xbd: {  	[spmem:s1] =	stream.indirect.scatter.add.f32 [tilespmem:s30], [sflag:$0x6], $0x80, s16, s23, $0xb8;
	[tilespmem:$0x1EF00] =	vst v63  }
0xbe: {  	_ =	swait.ge [sflag:s11], $0x3200  }
0xbf: {  	[sflag:s11] =	ssyncset.done $0x0  }
0xc0: {  	[sflag:s11] =	ssyncadd.s32 $0xFFFFCE00  }
0xc1: {  	_ =	swait.ge [sflag:s29], $0x3200  }
0xc2: {  	[sflag:s29] =	ssyncset.done $0x0  }
0xc3: {  	s17 =	rddreg [dreg:$0x14];
	[sflag:s29] =	ssyncadd.s32 $0xFFFFCE00  }
0xc4: {  	[spmem:s1] =	stream.indirect.scatter.add.f32 [tilespmem:s24], [sflag:$0x4], $0x80, s17, s23, $0xb8;
	[tilespmem:$0x1EF00] =	vst v63  }
0xc5: {  	s28 =	rddreg [dreg:$0x15]  }
0xc6: {  	[tilespmem:s30], [sflag:$0x3] =	stream.indirect.gather [hbm4b:s6+s23], $0x80, s28, s23, $0xb8;
	[tilespmem:$0x1EF00] =	vst v63  }
0xc7: {  	_ =	swait.ge [sflag:s31], $0x3200  }
0xc8: {  	[sflag:s31] =	ssyncset.done $0x0  }
0xc9: {  	[sflag:s31] =	ssyncadd.s32 $0xFFFFCE00  }
0xca: {  	_ =	swait.ge [sflag:s0], $0x3200  }
0xcb: {  	[sflag:s0] =	ssyncset.done $0x0  }
0xcc: {  	s15 =	rddreg [dreg:$0x16];
	[sflag:s0] =	ssyncadd.s32 $0xFFFFCE00  }
0xcd: {  	[tilespmem:s24], [sflag:$0x1] =	stream.indirect.gather [hbm4b:s6+s23], $0x80, s15, s23, $0xb8;
	[tilespmem:$0x1EF00] =	vst v63  }
0xce: {  	s16 =	rddreg [dreg:$0x17]  }
0xcf: {  	[spmem:s1] =	stream.indirect.scatter.add.f32 [tilespmem:s26], [sflag:$0x5], $0x80, s16, s23, $0xb8;
	[tilespmem:$0x1EF00] =	vst v63  }
0xd0: {  	_ =	swait.ge [sflag:s5], $0x3200  }
0xd1: {  	[sflag:s5] =	ssyncset.done $0x0  }
0xd2: {  	s17 =	rddreg [dreg:$0x18];
	[sflag:s5] =	ssyncadd.s32 $0xFFFFCE00  }
0xd3: {  	[tilespmem:s26], [sflag:$0x2] =	stream.indirect.gather [hbm4b:s6+s23], $0x80, s17, s23, $0xb8;
	[tilespmem:$0x1EF00] =	vst v63  }
0xd4: {  	_ =	swait.ge [sflag:s9], $0x3200  }
0xd5: {  	[sflag:s9] =	ssyncset.done $0x0  }
0xd6: {  	s28 =	rddreg [dreg:$0x19];
	[sflag:s9] =	ssyncadd.s32 $0xFFFFCE00  }
0xd7: {  	[spmem:s1] =	stream.indirect.scatter.add.f32 [tilespmem:s30], [sflag:$0x6], $0x80, s28, s23, $0xb8;
	[tilespmem:$0x1EF00] =	vst v63  }
0xd8: {  	_ =	swait.ge [sflag:s11], $0x3200  }
0xd9: {  	[sflag:s11] =	ssyncset.done $0x0  }
0xda: {  	[sflag:s11] =	ssyncadd.s32 $0xFFFFCE00  }
0xdb: {  	_ =	swait.ge [sflag:s29], $0x3200  }
0xdc: {  	[sflag:s29] =	ssyncset.done $0x0  }
0xdd: {  	s15 =	rddreg [dreg:$0x1a];
	[sflag:s29] =	ssyncadd.s32 $0xFFFFCE00  }
0xde: {  	[spmem:s1] =	stream.indirect.scatter.add.f32 [tilespmem:s24], [sflag:$0x4], $0x80, s15, s23, $0xb8;
	[tilespmem:$0x1EF00] =	vst v63  }
0xdf: {  	s16 =	rddreg [dreg:$0x1b]  }
0xe0: {  	[tilespmem:s30], [sflag:$0x3] =	stream.indirect.gather [hbm4b:s6+s23], $0x80, s16, s23, $0xb8;
	[tilespmem:$0x1EF00] =	vst v63  }
0xe1: {  	_ =	swait.ge [sflag:s31], $0x3200  }
0xe2: {  	[sflag:s31] =	ssyncset.done $0x0  }
0xe3: {  	[sflag:s31] =	ssyncadd.s32 $0xFFFFCE00  }
0xe4: {  	_ =	swait.ge [sflag:s0], $0x3200  }
0xe5: {  	[sflag:s0] =	ssyncset.done $0x0  }
0xe6: {  	s17 =	rddreg [dreg:$0x1c];
	[sflag:s0] =	ssyncadd.s32 $0xFFFFCE00  }
0xe7: {  	[tilespmem:s24], [sflag:$0x1] =	stream.indirect.gather [hbm4b:s6+s23], $0x80, s17, s23, $0xb8;
	[tilespmem:$0x1EF00] =	vst v63  }
0xe8: {  	s28 =	rddreg [dreg:$0x1d]  }
0xe9: {  	[spmem:s1] =	stream.indirect.scatter.add.f32 [tilespmem:s26], [sflag:$0x5], $0x80, s28, s23, $0xb8;
	[tilespmem:$0x1EF00] =	vst v63  }
0xea: {  	_ =	swait.ge [sflag:s5], $0x3200  }
0xeb: {  	[sflag:s5] =	ssyncset.done $0x0  }
0xec: {  	s15 =	rddreg [dreg:$0x1e];
	[sflag:s5] =	ssyncadd.s32 $0xFFFFCE00  }
0xed: {  	[tilespmem:s26], [sflag:$0x2] =	stream.indirect.gather [hbm4b:s6+s23], $0x80, s15, s23, $0xb8;
	[tilespmem:$0x1EF00] =	vst v63  }
0xee: {  	_ =	swait.ge [sflag:s9], $0x3200  }
0xef: {  	[sflag:s9] =	ssyncset.done $0x0  }
0xf0: {  	s16 =	rddreg [dreg:$0x1f];
	[sflag:s9] =	ssyncadd.s32 $0xFFFFCE00  }
0xf1: {  	[spmem:s1] =	stream.indirect.scatter.add.f32 [tilespmem:s30], [sflag:$0x6], $0x80, s16, s23, $0xb8;
	[tilespmem:$0x1EF00] =	vst v63  }
0xf2: {  	_ =	swait.ge [sflag:s11], $0x3200  }
0xf3: {  	[sflag:s11] =	ssyncset.done $0x0  }
0xf4: {  	[sflag:s11] =	ssyncadd.s32 $0xFFFFCE00  }
0xf5: {  	_ =	swait.ge [sflag:s29], $0x3200  }
0xf6: {  	s17 =	sld [smem:$0x7C7]  }
0xf7: {  	[sflag:s29] =	ssyncset.done $0x0  }
0xf8: {  	s28 =	sld [smem:$0x7C8];
	[sflag:s29] =	ssyncadd.s32 $0xFFFFCE00  }
0xf9: {  	[spmem:s1] =	stream.indirect.scatter.add.f32 [tilespmem:s24], [sflag:$0x4], $0x80, s17, s23, $0xb8;
	[tilespmem:$0x1EF00] =	vst v63  }
0xfa: {  	_ = 	snop  }
0xfb: {  	[tilespmem:s30], [sflag:$0x3] =	stream.indirect.gather [hbm4b:s6+s23], $0x80, s28, s23, $0xb8;
	[tilespmem:$0x1EF00] =	vst v63  }
0xfc: {  	_ =	swait.ge [sflag:s31], $0x3200  }
0xfd: {  	[sflag:s31] =	ssyncset.done $0x0  }
0xfe: {  	[sflag:s31] =	ssyncadd.s32 $0xFFFFCE00  }
0xff: {  	_ =	swait.ge [sflag:s0], $0x3200  }
0x100: {  	s15 =	sld [smem:$0x7C9]  }
0x101: {  	[sflag:s0] =	ssyncset.done $0x0  }
0x102: {  	s16 =	sld [smem:$0x7CA];
	[sflag:s0] =	ssyncadd.s32 $0xFFFFCE00  }
0x103: {  	[tilespmem:s24], [sflag:$0x1] =	stream.indirect.gather [hbm4b:s6+s23], $0x80, s15, s23, $0xb8;
	[tilespmem:$0x1EF00] =	vst v63  }
0x104: {  	_ = 	snop  }
0x105: {  	[spmem:s1] =	stream.indirect.scatter.add.f32 [tilespmem:s26], [sflag:$0x5], $0x80, s16, s23, $0xb8;
	[tilespmem:$0x1EF00] =	vst v63  }
0x106: {  	_ =	swait.ge [sflag:s5], $0x3200  }
0x107: {  	s17 =	sld [smem:$0x7CB]  }
0x108: {  	[sflag:s5] =	ssyncset.done $0x0  }
0x109: {  	[sflag:s5] =	ssyncadd.s32 $0xFFFFCE00  }
0x10a: {  	[tilespmem:s26], [sflag:$0x2] =	stream.indirect.gather [hbm4b:s6+s23], $0x80, s17, s23, $0xb8;
	[tilespmem:$0x1EF00] =	vst v63  }
0x10b: {  	_ =	swait.ge [sflag:s9], $0x3200  }
0x10c: {  	s28 =	sld [smem:$0x7CC]  }
0x10d: {  	[sflag:s9] =	ssyncset.done $0x0  }
0x10e: {  	[sflag:s9] =	ssyncadd.s32 $0xFFFFCE00  }
0x10f: {  	[spmem:s1] =	stream.indirect.scatter.add.f32 [tilespmem:s30], [sflag:$0x6], $0x80, s28, s23, $0xb8;
	[tilespmem:$0x1EF00] =	vst v63  }
0x110: {  	_ =	swait.ge [sflag:s11], $0x3200  }
0x111: {  	[sflag:s11] =	ssyncset.done $0x0  }
0x112: {  	[sflag:s11] =	ssyncadd.s32 $0xFFFFCE00  }
0x113: {  	_ =	swait.ge [sflag:s29], $0x3200  }
0x114: {  	s15 =	sld [smem:$0x7CD]  }
0x115: {  	[sflag:s29] =	ssyncset.done $0x0  }
0x116: {  	[sflag:s29] =	ssyncadd.s32 $0xFFFFCE00  }
0x117: {  	[spmem:s1] =	stream.indirect.scatter.add.f32 [tilespmem:s24], [sflag:$0x4], $0x80, s15, s23, $0xb8;
	[tilespmem:$0x1EF00] =	vst v63  }
0x118: {  	_ =	swait.ge [sflag:s12], $0x820  }
0x119: {  	[sflag:s12] =	ssyncset.done $0x0  }
0x11a: {  	[sflag:s12] =	ssyncadd.s32 $0xFFFFF7E0  }
0x11b: {  	_ =	swait.ge [sflag:s12], $0x820  }
0x11c: {  	[sflag:s12] =	ssyncset.done $0x0  }
0x11d: {  	[sflag:s12] =	ssyncadd.s32 $0xFFFFF7E0  }
0x11e: {  	_ =	swait.ge [sflag:s31], $0x3200  }
0x11f: {  	s16 =	sld [smem:$0x7CE]  }
0x120: {  	[sflag:s31] =	ssyncset.done $0x0  }
0x121: {  	[sflag:s31] =	ssyncadd.s32 $0xFFFFCE00  }
0x122: {  	[spmem:s1] =	stream.indirect.scatter.add.f32 [tilespmem:s26], [sflag:$0x5], $0x80, s16, s23, $0xb8;
	[tilespmem:$0x1EF00] =	vst v63  }
0x123: {  	p0 =	por $0x1, $0x1;
	s10 =	simm.s32 $0x0;
	_ =	swait.ge [sflag:s0], $0x3200  }
0x124: {  	s10 =	simm.s32 @!p0 $0x7;
	[sflag:s0] =	ssyncset.done $0x0  }
0x125: {  	s10 =	smul.u32 $0x14, s10;
	[sflag:s0] =	ssyncadd.s32 $0xFFFFCE00  }
0x126: {  	[tilespmem:s24], [sflag:$0x1] =	stream.indirect.gather [hbm4b:s6+s23], $0x80, s20, s23, $0xb8;
	[tilespmem:$0x1EF00] =	vst v63  }
0x127: {  	_ =	swait.ge [sflag:s5], $0x3200  }
0x128: {  	s10 =	sadd.s32 $0x28, s10;
	s17 =	sld [smem:$0x7CF]  }
0x129: {  	s16 =	sadd.s32 s8, s10;
	[sflag:s5] =	ssyncset.done $0x0  }
0x12a: {  	s10 =	sadd.s32 s7, s10;
	s16 =	smul.u32 $0xD, s16;
	[sflag:s5] =	ssyncadd.s32 $0xFFFFCE00  }
0x12b: {  	[tilespmem:s26], [sflag:$0x2] =	stream.indirect.gather [hbm4b:s6+s23], $0x80, s17, s23, $0xb8;
	[tilespmem:$0x1EF00] =	vst v63  }
0x12c: {  	s10 =	smul.u32 $0xD, s10;
	s28 =	sadd.s32 s3, s16  }
0x12d: {  	[tilespmem:s2], [sflag:$0x7] =	stream.linear.gather [hbm4b:s28+s2], $0x820, $0x38;
	[tilespmem:$0x1EF00] =	vst v63  }
0x12e: {  	s10 =	sadd.s32 s4, s10  }
0x12f: {  	[tilespmem:s19], [sflag:$0x7] =	stream.linear.gather [hbm4b:s10+s2], $0x820, $0x38;
	[tilespmem:$0x1EF00] =	vst v63  }
0x130: {  	_ =	swait.ge [sflag:s29], $0x3200  }
0x131: {  	[sflag:s29] =	ssyncset.done $0x0  }
0x132: {  	s16 =	sld [smem:$0x7D0];
	[sflag:s29] =	ssyncadd.s32 $0xFFFFCE00  }
0x133: {  	[spmem:s1] =	stream.indirect.scatter.add.f32 [tilespmem:s24], [sflag:$0x4], $0x80, s21, s23, $0xb8;
	[tilespmem:$0x1EF00] =	vst v63  }
0x134: {  	_ = 	snop  }
0x135: {  	[tilespmem:s30], [sflag:$0x3] =	stream.indirect.gather [hbm4b:s6+s23], $0x80, s16, s23, $0xb8;
	[tilespmem:$0x1EF00] =	vst v63  }
0x136: {  	_ =	swait.ge [sflag:s31], $0x3200  }
0x137: {  	[sflag:s31] =	ssyncset.done $0x0  }
0x138: {  	[sflag:s31] =	ssyncadd.s32 $0xFFFFCE00  }
0x139: {  	_ =	swait.ge [sflag:s0], $0x3200  }
0x13a: {  	s17 =	sld [smem:$0x7D1]  }
0x13b: {  	[sflag:s0] =	ssyncset.done $0x0  }
0x13c: {  	s28 =	sld [smem:$0x7D2];
	[sflag:s0] =	ssyncadd.s32 $0xFFFFCE00  }
0x13d: {  	[tilespmem:s24], [sflag:$0x1] =	stream.indirect.gather [hbm4b:s6+s23], $0x80, s17, s23, $0xb8;
	[tilespmem:$0x1EF00] =	vst v63  }
0x13e: {  	_ = 	snop  }
0x13f: {  	[spmem:s1] =	stream.indirect.scatter.add.f32 [tilespmem:s26], [sflag:$0x5], $0x80, s28, s23, $0xb8;
	[tilespmem:$0x1EF00] =	vst v63  }
0x140: {  	_ =	swait.ge [sflag:s5], $0x3200  }
0x141: {  	s15 =	sld [smem:$0x7D3]  }
0x142: {  	[sflag:s5] =	ssyncset.done $0x0  }
0x143: {  	[sflag:s5] =	ssyncadd.s32 $0xFFFFCE00  }
0x144: {  	[tilespmem:s26], [sflag:$0x2] =	stream.indirect.gather [hbm4b:s6+s23], $0x80, s15, s23, $0xb8;
	[tilespmem:$0x1EF00] =	vst v63  }
0x145: {  	_ =	swait.ge [sflag:s9], $0x3200  }
0x146: {  	s16 =	sld [smem:$0x7D4]  }
0x147: {  	[sflag:s9] =	ssyncset.done $0x0  }
0x148: {  	[sflag:s9] =	ssyncadd.s32 $0xFFFFCE00  }
0x149: {  	[spmem:s1] =	stream.indirect.scatter.add.f32 [tilespmem:s30], [sflag:$0x6], $0x80, s16, s23, $0xb8;
	[tilespmem:$0x1EF00] =	vst v63  }
0x14a: {  	_ =	swait.ge [sflag:s11], $0x3200  }
0x14b: {  	[sflag:s11] =	ssyncset.done $0x0  }
0x14c: {  	[sflag:s11] =	ssyncadd.s32 $0xFFFFCE00  }
0x14d: {  	_ =	swait.ge [sflag:s29], $0x3200  }
0x14e: {  	s17 =	sld [smem:$0x7D5]  }
0x14f: {  	[sflag:s29] =	ssyncset.done $0x0  }
0x150: {  	s28 =	sld [smem:$0x7D6];
	[sflag:s29] =	ssyncadd.s32 $0xFFFFCE00  }
0x151: {  	[spmem:s1] =	stream.indirect.scatter.add.f32 [tilespmem:s24], [sflag:$0x4], $0x80, s17, s23, $0xb8;
	[tilespmem:$0x1EF00] =	vst v63  }
0x152: {  	_ = 	snop  }
0x153: {  	[tilespmem:s30], [sflag:$0x3] =	stream.indirect.gather [hbm4b:s6+s23], $0x80, s28, s23, $0xb8;
	[tilespmem:$0x1EF00] =	vst v63  }
0x154: {  	_ =	swait.ge [sflag:s31], $0x3200  }
0x155: {  	[sflag:s31] =	ssyncset.done $0x0  }
0x156: {  	[sflag:s31] =	ssyncadd.s32 $0xFFFFCE00  }
0x157: {  	_ =	swait.ge [sflag:s0], $0x3200  }
0x158: {  	s15 =	sld [smem:$0x7D7]  }
0x159: {  	[sflag:s0] =	ssyncset.done $0x0  }
0x15a: {  	s16 =	sld [smem:$0x7D8];
	[sflag:s0] =	ssyncadd.s32 $0xFFFFCE00  }
0x15b: {  	[tilespmem:s24], [sflag:$0x1] =	stream.indirect.gather [hbm4b:s6+s23], $0x80, s15, s23, $0xb8;
	[tilespmem:$0x1EF00] =	vst v63  }
0x15c: {  	_ = 	snop  }
0x15d: {  	[spmem:s1] =	stream.indirect.scatter.add.f32 [tilespmem:s26], [sflag:$0x5], $0x80, s16, s23, $0xb8;
	[tilespmem:$0x1EF00] =	vst v63  }
0x15e: {  	_ =	swait.ge [sflag:s5], $0x3200  }
0x15f: {  	s17 =	sld [smem:$0x7D9]  }
0x160: {  	[sflag:s5] =	ssyncset.done $0x0  }
0x161: {  	[sflag:s5] =	ssyncadd.s32 $0xFFFFCE00  }
0x162: {  	[tilespmem:s26], [sflag:$0x2] =	stream.indirect.gather [hbm4b:s6+s23], $0x80, s17, s23, $0xb8;
	[tilespmem:$0x1EF00] =	vst v63  }
0x163: {  	_ =	swait.ge [sflag:s9], $0x3200  }
0x164: {  	s28 =	sld [smem:$0x7DA]  }
0x165: {  	[sflag:s9] =	ssyncset.done $0x0  }
0x166: {  	[sflag:s9] =	ssyncadd.s32 $0xFFFFCE00  }
0x167: {  	[spmem:s1] =	stream.indirect.scatter.add.f32 [tilespmem:s30], [sflag:$0x6], $0x80, s28, s23, $0xb8;
	[tilespmem:$0x1EF00] =	vst v63  }
0x168: {  	_ =	swait.ge [sflag:s11], $0x3200  }
0x169: {  	[sflag:s11] =	ssyncset.done $0x0  }
0x16a: {  	[sflag:s11] =	ssyncadd.s32 $0xFFFFCE00  }
0x16b: {  	_ =	swait.ge [sflag:s29], $0x3200  }
0x16c: {  	s15 =	sld [smem:$0x7DB]  }
0x16d: {  	[sflag:s29] =	ssyncset.done $0x0  }
0x16e: {  	s16 =	sld [smem:$0x7DC];
	[sflag:s29] =	ssyncadd.s32 $0xFFFFCE00  }
0x16f: {  	[spmem:s1] =	stream.indirect.scatter.add.f32 [tilespmem:s24], [sflag:$0x4], $0x80, s15, s23, $0xb8;
	[tilespmem:$0x1EF00] =	vst v63  }
0x170: {  	_ = 	snop  }
0x171: {  	[tilespmem:s30], [sflag:$0x3] =	stream.indirect.gather [hbm4b:s6+s23], $0x80, s16, s23, $0xb8;
	[tilespmem:$0x1EF00] =	vst v63  }
0x172: {  	_ =	swait.ge [sflag:s31], $0x3200  }
0x173: {  	[sflag:s31] =	ssyncset.done $0x0  }
0x174: {  	[sflag:s31] =	ssyncadd.s32 $0xFFFFCE00  }
0x175: {  	_ =	swait.ge [sflag:s0], $0x3200  }
0x176: {  	s17 =	sld [smem:$0x7DE]  }
0x177: {  	[sflag:s0] =	ssyncset.done $0x0  }
0x178: {  	s28 =	sld [smem:$0x7DF];
	[sflag:s0] =	ssyncadd.s32 $0xFFFFCE00  }
0x179: {  	[tilespmem:s24], [sflag:$0x1] =	stream.indirect.gather [hbm4b:s6+s23], $0x80, s17, s23, $0xb8;
	[tilespmem:$0x1EF00] =	vst v63  }
0x17a: {  	_ = 	snop  }
0x17b: {  	[spmem:s1] =	stream.indirect.scatter.add.f32 [tilespmem:s26], [sflag:$0x5], $0x80, s28, s23, $0xb8;
	[tilespmem:$0x1EF00] =	vst v63  }
0x17c: {  	_ =	swait.ge [sflag:s5], $0x3200  }
0x17d: {  	s15 =	sld [smem:$0x7E0]  }
0x17e: {  	[sflag:s5] =	ssyncset.done $0x0  }
0x17f: {  	[sflag:s5] =	ssyncadd.s32 $0xFFFFCE00  }
0x180: {  	[tilespmem:s26], [sflag:$0x2] =	stream.indirect.gather [hbm4b:s6+s23], $0x80, s15, s23, $0xb8;
	[tilespmem:$0x1EF00] =	vst v63  }
0x181: {  	_ =	swait.ge [sflag:s9], $0x3200  }
0x182: {  	s16 =	sld [smem:$0x7E3]  }
0x183: {  	[sflag:s9] =	ssyncset.done $0x0  }
0x184: {  	[sflag:s9] =	ssyncadd.s32 $0xFFFFCE00  }
0x185: {  	[spmem:s1] =	stream.indirect.scatter.add.f32 [tilespmem:s30], [sflag:$0x6], $0x80, s16, s23, $0xb8;
	[tilespmem:$0x1EF00] =	vst v63  }
0x186: {  	_ =	swait.ge [sflag:s11], $0x3200  }
0x187: {  	[sflag:s11] =	ssyncset.done $0x0  }
0x188: {  	[sflag:s11] =	ssyncadd.s32 $0xFFFFCE00  }
0x189: {  	_ =	swait.ge [sflag:s29], $0x3200  }
0x18a: {  	s17 =	sld [smem:$0x7E5]  }
0x18b: {  	[sflag:s29] =	ssyncset.done $0x0  }
0x18c: {  	s28 =	sld [smem:$0x7E6];
	[sflag:s29] =	ssyncadd.s32 $0xFFFFCE00  }
0x18d: {  	[spmem:s1] =	stream.indirect.scatter.add.f32 [tilespmem:s24], [sflag:$0x4], $0x80, s17, s23, $0xb8;
	[tilespmem:$0x1EF00] =	vst v63  }
0x18e: {  	_ = 	snop  }
0x18f: {  	[tilespmem:s30], [sflag:$0x3] =	stream.indirect.gather [hbm4b:s6+s23], $0x80, s28, s23, $0xb8;
	[tilespmem:$0x1EF00] =	vst v63  }
0x190: {  	_ =	swait.ge [sflag:s31], $0x3200  }
0x191: {  	[sflag:s31] =	ssyncset.done $0x0  }
0x192: {  	[sflag:s31] =	ssyncadd.s32 $0xFFFFCE00  }
0x193: {  	_ =	swait.ge [sflag:s0], $0x3200  }
0x194: {  	s15 =	sld [smem:$0x7E7]  }
0x195: {  	[sflag:s0] =	ssyncset.done $0x0  }
0x196: {  	s16 =	sld [smem:$0x7E9];
	[sflag:s0] =	ssyncadd.s32 $0xFFFFCE00  }
0x197: {  	[tilespmem:s24], [sflag:$0x1] =	stream.indirect.gather [hbm4b:s6+s23], $0x80, s15, s23, $0xb8;
	[tilespmem:$0x1EF00] =	vst v63  }
0x198: {  	_ = 	snop  }
0x199: {  	[spmem:s1] =	stream.indirect.scatter.add.f32 [tilespmem:s26], [sflag:$0x5], $0x80, s16, s23, $0xb8;
	[tilespmem:$0x1EF00] =	vst v63  }
0x19a: {  	_ =	swait.ge [sflag:s5], $0x3200  }
0x19b: {  	s17 =	sld [smem:$0x7EA]  }
0x19c: {  	[sflag:s5] =	ssyncset.done $0x0  }
0x19d: {  	[sflag:s5] =	ssyncadd.s32 $0xFFFFCE00  }
0x19e: {  	[tilespmem:s26], [sflag:$0x2] =	stream.indirect.gather [hbm4b:s6+s23], $0x80, s17, s23, $0xb8;
	[tilespmem:$0x1EF00] =	vst v63  }
0x19f: {  	_ =	swait.ge [sflag:s9], $0x3200  }
0x1a0: {  	s28 =	sld [smem:$0x7EB]  }
0x1a1: {  	[sflag:s9] =	ssyncset.done $0x0  }
0x1a2: {  	[sflag:s9] =	ssyncadd.s32 $0xFFFFCE00  }
0x1a3: {  	[spmem:s1] =	stream.indirect.scatter.add.f32 [tilespmem:s30], [sflag:$0x6], $0x80, s28, s23, $0xb8;
	[tilespmem:$0x1EF00] =	vst v63  }
0x1a4: {  	_ =	swait.ge [sflag:s11], $0x3200  }
0x1a5: {  	[sflag:s11] =	ssyncset.done $0x0  }
0x1a6: {  	[sflag:s11] =	ssyncadd.s32 $0xFFFFCE00  }
0x1a7: {  	_ =	swait.ge [sflag:s29], $0x3200  }
0x1a8: {  	s15 =	sld [smem:$0x7EC]  }
0x1a9: {  	[sflag:s29] =	ssyncset.done $0x0  }
0x1aa: {  	s16 =	sld [smem:$0x7EE];
	[sflag:s29] =	ssyncadd.s32 $0xFFFFCE00  }
0x1ab: {  	[spmem:s1] =	stream.indirect.scatter.add.f32 [tilespmem:s24], [sflag:$0x4], $0x80, s15, s23, $0xb8;
	[tilespmem:$0x1EF00] =	vst v63  }
0x1ac: {  	_ = 	snop  }
0x1ad: {  	[tilespmem:s30], [sflag:$0x3] =	stream.indirect.gather [hbm4b:s6+s23], $0x80, s16, s23, $0xb8;
	[tilespmem:$0x1EF00] =	vst v63  }
0x1ae: {  	_ =	swait.ge [sflag:s31], $0x3200  }
0x1af: {  	[sflag:s31] =	ssyncset.done $0x0  }
0x1b0: {  	[sflag:s31] =	ssyncadd.s32 $0xFFFFCE00  }
0x1b1: {  	_ =	swait.ge [sflag:s0], $0x3200  }
0x1b2: {  	s17 =	sld [smem:$0x7EF]  }
0x1b3: {  	[sflag:s0] =	ssyncset.done $0x0  }
0x1b4: {  	s28 =	sld [smem:$0x7F0];
	[sflag:s0] =	ssyncadd.s32 $0xFFFFCE00  }
0x1b5: {  	[tilespmem:s24], [sflag:$0x1] =	stream.indirect.gather [hbm4b:s6+s23], $0x80, s17, s23, $0xb8;
	[tilespmem:$0x1EF00] =	vst v63  }
0x1b6: {  	_ = 	snop  }
0x1b7: {  	[spmem:s1] =	stream.indirect.scatter.add.f32 [tilespmem:s26], [sflag:$0x5], $0x80, s28, s23, $0xb8;
	[tilespmem:$0x1EF00] =	vst v63  }
0x1b8: {  	_ =	swait.ge [sflag:s5], $0x3200  }
0x1b9: {  	s15 =	sld [smem:$0x7F2]  }
0x1ba: {  	[sflag:s5] =	ssyncset.done $0x0  }
0x1bb: {  	[sflag:s5] =	ssyncadd.s32 $0xFFFFCE00  }
0x1bc: {  	[tilespmem:s26], [sflag:$0x2] =	stream.indirect.gather [hbm4b:s6+s23], $0x80, s15, s23, $0xb8;
	[tilespmem:$0x1EF00] =	vst v63  }
0x1bd: {  	_ =	swait.ge [sflag:s9], $0x3200  }
0x1be: {  	s16 =	sld [smem:$0x7F4]  }
0x1bf: {  	[sflag:s9] =	ssyncset.done $0x0  }
0x1c0: {  	[sflag:s9] =	ssyncadd.s32 $0xFFFFCE00  }
0x1c1: {  	[spmem:s1] =	stream.indirect.scatter.add.f32 [tilespmem:s30], [sflag:$0x6], $0x80, s16, s23, $0xb8;
	[tilespmem:$0x1EF00] =	vst v63  }
0x1c2: {  	_ =	swait.ge [sflag:s11], $0x3200  }
0x1c3: {  	[sflag:s11] =	ssyncset.done $0x0  }
0x1c4: {  	[sflag:s11] =	ssyncadd.s32 $0xFFFFCE00  }
0x1c5: {  	_ =	swait.ge [sflag:s29], $0x3200  }
0x1c6: {  	s17 =	sld [smem:$0x7F6]  }
0x1c7: {  	[sflag:s29] =	ssyncset.done $0x0  }
0x1c8: {  	s28 =	sld [smem:$0x7F7];
	[sflag:s29] =	ssyncadd.s32 $0xFFFFCE00  }
0x1c9: {  	[spmem:s1] =	stream.indirect.scatter.add.f32 [tilespmem:s24], [sflag:$0x4], $0x80, s17, s23, $0xb8;
	[tilespmem:$0x1EF00] =	vst v63  }
0x1ca: {  	_ = 	snop  }
0x1cb: {  	[tilespmem:s30], [sflag:$0x3] =	stream.indirect.gather [hbm4b:s6+s23], $0x80, s28, s23, $0xb8;
	[tilespmem:$0x1EF00] =	vst v63  }
0x1cc: {  	_ =	swait.ge [sflag:s31], $0x3200  }
0x1cd: {  	[sflag:s31] =	ssyncset.done $0x0  }
0x1ce: {  	[sflag:s31] =	ssyncadd.s32 $0xFFFFCE00  }
0x1cf: {  	_ =	swait.ge [sflag:s0], $0x3200  }
0x1d0: {  	s15 =	sld [smem:$0x7F8]  }
0x1d1: {  	[sflag:s0] =	ssyncset.done $0x0  }
0x1d2: {  	s16 =	sld [smem:$0x7F9];
	[sflag:s0] =	ssyncadd.s32 $0xFFFFCE00  }
0x1d3: {  	[tilespmem:s24], [sflag:$0x1] =	stream.indirect.gather [hbm4b:s6+s23], $0x80, s15, s23, $0xb8;
	[tilespmem:$0x1EF00] =	vst v63  }
0x1d4: {  	_ = 	snop  }
0x1d5: {  	[spmem:s1] =	stream.indirect.scatter.add.f32 [tilespmem:s26], [sflag:$0x5], $0x80, s16, s23, $0xb8;
	[tilespmem:$0x1EF00] =	vst v63  }
0x1d6: {  	_ =	swait.ge [sflag:s5], $0x3200  }
0x1d7: {  	s17 =	sld [smem:$0x7FA]  }
0x1d8: {  	[sflag:s5] =	ssyncset.done $0x0  }
0x1d9: {  	[sflag:s5] =	ssyncadd.s32 $0xFFFFCE00  }
0x1da: {  	[tilespmem:s26], [sflag:$0x2] =	stream.indirect.gather [hbm4b:s6+s23], $0x80, s17, s23, $0xb8;
	[tilespmem:$0x1EF00] =	vst v63  }
0x1db: {  	_ =	swait.ge [sflag:s9], $0x3200  }
0x1dc: {  	s28 =	sld [smem:$0x7FB]  }
0x1dd: {  	[sflag:s9] =	ssyncset.done $0x0  }
0x1de: {  	[sflag:s9] =	ssyncadd.s32 $0xFFFFCE00  }
0x1df: {  	[spmem:s1] =	stream.indirect.scatter.add.f32 [tilespmem:s30], [sflag:$0x6], $0x80, s28, s23, $0xb8;
	[tilespmem:$0x1EF00] =	vst v63  }
0x1e0: {  	_ =	swait.ge [sflag:s11], $0x3200  }
0x1e1: {  	[sflag:s11] =	ssyncset.done $0x0  }
0x1e2: {  	[sflag:s11] =	ssyncadd.s32 $0xFFFFCE00  }
0x1e3: {  	_ =	swait.ge [sflag:s29], $0x3200  }
0x1e4: {  	s15 =	sld [smem:$0x7FC]  }
0x1e5: {  	[sflag:s29] =	ssyncset.done $0x0  }
0x1e6: {  	[sflag:s29] =	ssyncadd.s32 $0xFFFFCE00  }
0x1e7: {  	[spmem:s1] =	stream.indirect.scatter.add.f32 [tilespmem:s24], [sflag:$0x4], $0x80, s15, s23, $0xb8;
	[tilespmem:$0x1EF00] =	vst v63  }
0x1e8: {  	_ =	swait.ge [sflag:s22], $0x820  }
0x1e9: {  	[sflag:s22] =	ssyncset.done $0x0  }
0x1ea: {  	[sflag:s22] =	ssyncadd.s32 $0xFFFFF7E0  }
0x1eb: {  	_ =	swait.ge [sflag:s22], $0x820  }
0x1ec: {  	[sflag:s22] =	ssyncset.done $0x0  }
0x1ed: {  	[sflag:s22] =	ssyncadd.s32 $0xFFFFF7E0  }
0x1ee: {  	_ =	swait.ge [sflag:s31], $0x3200  }
0x1ef: {  	p0 =	por $0x1, $0x1;
	s10 =	simm.s32 $0x0;
	s16 =	sld [smem:$0x7FD]  }
0x1f0: {  	s10 =	simm.s32 @!p0 $0x6;
	[sflag:s31] =	ssyncset.done $0x0  }
0x1f1: {  	s10 =	smul.u32 $0x14, s10;
	[sflag:s31] =	ssyncadd.s32 $0xFFFFCE00  }
0x1f2: {  	[spmem:s1] =	stream.indirect.scatter.add.f32 [tilespmem:s26], [sflag:$0x5], $0x80, s16, s23, $0xb8;
	[tilespmem:$0x1EF00] =	vst v63  }
0x1f3: {  	_ =	swait.ge [sflag:s0], $0x3200  }
0x1f4: {  	s10 =	sadd.s32 $0x3C, s10;
	[sflag:s0] =	ssyncset.done $0x0  }
0x1f5: {  	s17 =	sadd.s32 s8, s10;
	[sflag:s0] =	ssyncadd.s32 $0xFFFFCE00  }
0x1f6: {  	[tilespmem:s24], [sflag:$0x1] =	stream.indirect.gather [hbm4b:s6+s23], $0x80, s2, s23, $0xb8;
	[tilespmem:$0x1EF00] =	vst v63  }
0x1f7: {  	s10 =	sadd.s32 s7, s10;
	s28 =	smul.u32 $0xD, s17;
	_ =	swait.ge [sflag:s5], $0x3200  }
0x1f8: {  	s10 =	smul.u32 $0xD, s10;
	[sflag:s5] =	ssyncset.done $0x0  }
0x1f9: {  	s17 =	sadd.s32 s3, s28;
	s15 =	simm.s32 $0x2;
	[sflag:s5] =	ssyncadd.s32 $0xFFFFCE00  }
0x1fa: {  	[tilespmem:s26], [sflag:$0x2] =	stream.indirect.gather [hbm4b:s6+s23], $0x80, s25, s23, $0xb8;
	[tilespmem:$0x1EF00] =	vst v63  }
.LBB2_2:
0x1fb: {  	[tilespmem:s20], [sflag:$0x8] =	stream.linear.gather [hbm4b:s17+s2], $0x820, $0x38;
	[tilespmem:$0x1EF00] =	vst v63  }
0x1fc: {  	s10 =	sadd.s32 s4, s10  }
0x1fd: {  	[tilespmem:s21], [sflag:$0x8] =	stream.linear.gather [hbm4b:s10+s2], $0x820, $0x38;
	[tilespmem:$0x1EF00] =	vst v63  }
0x1fe: {  	_ =	swait.ge [sflag:s29], $0x3200  }
0x1ff: {  	[sflag:s29] =	ssyncset.done $0x0  }
0x200: {  	[sflag:s29] =	ssyncadd.s32 $0xFFFFCE00  }
0x201: {  	[spmem:s1] =	stream.indirect.scatter.add.f32 [tilespmem:s24], [sflag:$0x4], $0x80, s19, s23, $0xb8;
	[tilespmem:$0x1EF00] =	vst v63  }
0x202: {  	s28 =	rddreg [dreg:$0x3]  }
0x203: {  	[tilespmem:s30], [sflag:$0x3] =	stream.indirect.gather [hbm4b:s6+s23], $0x80, s28, s23, $0xb8;
	[tilespmem:$0x1EF00] =	vst v63  }
0x204: {  	_ =	swait.ge [sflag:s31], $0x3200  }
0x205: {  	[sflag:s31] =	ssyncset.done $0x0  }
0x206: {  	[sflag:s31] =	ssyncadd.s32 $0xFFFFCE00  }
0x207: {  	_ =	swait.ge [sflag:s0], $0x3200  }
0x208: {  	[sflag:s0] =	ssyncset.done $0x0  }
0x209: {  	s17 =	rddreg [dreg:$0x4];
	[sflag:s0] =	ssyncadd.s32 $0xFFFFCE00  }
0x20a: {  	[tilespmem:s24], [sflag:$0x1] =	stream.indirect.gather [hbm4b:s6+s23], $0x80, s17, s23, $0xb8;
	[tilespmem:$0x1EF00] =	vst v63  }
0x20b: {  	s28 =	rddreg [dreg:$0x5]  }
0x20c: {  	[spmem:s1] =	stream.indirect.scatter.add.f32 [tilespmem:s26], [sflag:$0x5], $0x80, s28, s23, $0xb8;
	[tilespmem:$0x1EF00] =	vst v63  }
0x20d: {  	_ =	swait.ge [sflag:s5], $0x3200  }
0x20e: {  	[sflag:s5] =	ssyncset.done $0x0  }
0x20f: {  	s17 =	rddreg [dreg:$0x6];
	[sflag:s5] =	ssyncadd.s32 $0xFFFFCE00  }
0x210: {  	[tilespmem:s26], [sflag:$0x2] =	stream.indirect.gather [hbm4b:s6+s23], $0x80, s17, s23, $0xb8;
	[tilespmem:$0x1EF00] =	vst v63  }
0x211: {  	_ =	swait.ge [sflag:s9], $0x3200  }
0x212: {  	[sflag:s9] =	ssyncset.done $0x0  }
0x213: {  	s28 =	rddreg [dreg:$0x7];
	[sflag:s9] =	ssyncadd.s32 $0xFFFFCE00  }
0x214: {  	[spmem:s1] =	stream.indirect.scatter.add.f32 [tilespmem:s30], [sflag:$0x6], $0x80, s28, s23, $0xb8;
	[tilespmem:$0x1EF00] =	vst v63  }
0x215: {  	_ =	swait.ge [sflag:s11], $0x3200  }
0x216: {  	[sflag:s11] =	ssyncset.done $0x0  }
0x217: {  	[sflag:s11] =	ssyncadd.s32 $0xFFFFCE00  }
0x218: {  	_ =	swait.ge [sflag:s29], $0x3200  }
0x219: {  	[sflag:s29] =	ssyncset.done $0x0  }
0x21a: {  	s17 =	rddreg [dreg:$0x8];
	[sflag:s29] =	ssyncadd.s32 $0xFFFFCE00  }
0x21b: {  	[spmem:s1] =	stream.indirect.scatter.add.f32 [tilespmem:s24], [sflag:$0x4], $0x80, s17, s23, $0xb8;
	[tilespmem:$0x1EF00] =	vst v63  }
0x21c: {  	s28 =	rddreg [dreg:$0x9]  }
0x21d: {  	[tilespmem:s30], [sflag:$0x3] =	stream.indirect.gather [hbm4b:s6+s23], $0x80, s28, s23, $0xb8;
	[tilespmem:$0x1EF00] =	vst v63  }
0x21e: {  	_ =	swait.ge [sflag:s31], $0x3200  }
0x21f: {  	[sflag:s31] =	ssyncset.done $0x0  }
0x220: {  	[sflag:s31] =	ssyncadd.s32 $0xFFFFCE00  }
0x221: {  	_ =	swait.ge [sflag:s0], $0x3200  }
0x222: {  	[sflag:s0] =	ssyncset.done $0x0  }
0x223: {  	s17 =	rddreg [dreg:$0xa];
	[sflag:s0] =	ssyncadd.s32 $0xFFFFCE00  }
0x224: {  	[tilespmem:s24], [sflag:$0x1] =	stream.indirect.gather [hbm4b:s6+s23], $0x80, s17, s23, $0xb8;
	[tilespmem:$0x1EF00] =	vst v63  }
0x225: {  	s28 =	rddreg [dreg:$0xb]  }
0x226: {  	[spmem:s1] =	stream.indirect.scatter.add.f32 [tilespmem:s26], [sflag:$0x5], $0x80, s28, s23, $0xb8;
	[tilespmem:$0x1EF00] =	vst v63  }
0x227: {  	_ =	swait.ge [sflag:s5], $0x3200  }
0x228: {  	[sflag:s5] =	ssyncset.done $0x0  }
0x229: {  	s17 =	rddreg [dreg:$0xc];
	[sflag:s5] =	ssyncadd.s32 $0xFFFFCE00  }
0x22a: {  	[tilespmem:s26], [sflag:$0x2] =	stream.indirect.gather [hbm4b:s6+s23], $0x80, s17, s23, $0xb8;
	[tilespmem:$0x1EF00] =	vst v63  }
0x22b: {  	_ =	swait.ge [sflag:s9], $0x3200  }
0x22c: {  	[sflag:s9] =	ssyncset.done $0x0  }
0x22d: {  	s28 =	rddreg [dreg:$0xd];
	[sflag:s9] =	ssyncadd.s32 $0xFFFFCE00  }
0x22e: {  	[spmem:s1] =	stream.indirect.scatter.add.f32 [tilespmem:s30], [sflag:$0x6], $0x80, s28, s23, $0xb8;
	[tilespmem:$0x1EF00] =	vst v63  }
0x22f: {  	_ =	swait.ge [sflag:s11], $0x3200  }
0x230: {  	[sflag:s11] =	ssyncset.done $0x0  }
0x231: {  	[sflag:s11] =	ssyncadd.s32 $0xFFFFCE00  }
0x232: {  	_ =	swait.ge [sflag:s29], $0x3200  }
0x233: {  	[sflag:s29] =	ssyncset.done $0x0  }
0x234: {  	s17 =	rddreg [dreg:$0xe];
	[sflag:s29] =	ssyncadd.s32 $0xFFFFCE00  }
0x235: {  	[spmem:s1] =	stream.indirect.scatter.add.f32 [tilespmem:s24], [sflag:$0x4], $0x80, s17, s23, $0xb8;
	[tilespmem:$0x1EF00] =	vst v63  }
0x236: {  	s28 =	rddreg [dreg:$0xf]  }
0x237: {  	[tilespmem:s30], [sflag:$0x3] =	stream.indirect.gather [hbm4b:s6+s23], $0x80, s28, s23, $0xb8;
	[tilespmem:$0x1EF00] =	vst v63  }
0x238: {  	_ =	swait.ge [sflag:s31], $0x3200  }
0x239: {  	[sflag:s31] =	ssyncset.done $0x0  }
0x23a: {  	[sflag:s31] =	ssyncadd.s32 $0xFFFFCE00  }
0x23b: {  	_ =	swait.ge [sflag:s0], $0x3200  }
0x23c: {  	[sflag:s0] =	ssyncset.done $0x0  }
0x23d: {  	s17 =	rddreg [dreg:$0x10];
	[sflag:s0] =	ssyncadd.s32 $0xFFFFCE00  }
0x23e: {  	[tilespmem:s24], [sflag:$0x1] =	stream.indirect.gather [hbm4b:s6+s23], $0x80, s17, s23, $0xb8;
	[tilespmem:$0x1EF00] =	vst v63  }
0x23f: {  	s28 =	rddreg [dreg:$0x11]  }
0x240: {  	[spmem:s1] =	stream.indirect.scatter.add.f32 [tilespmem:s26], [sflag:$0x5], $0x80, s28, s23, $0xb8;
	[tilespmem:$0x1EF00] =	vst v63  }
0x241: {  	_ =	swait.ge [sflag:s5], $0x3200  }
0x242: {  	[sflag:s5] =	ssyncset.done $0x0  }
0x243: {  	s17 =	rddreg [dreg:$0x12];
	[sflag:s5] =	ssyncadd.s32 $0xFFFFCE00  }
0x244: {  	[tilespmem:s26], [sflag:$0x2] =	stream.indirect.gather [hbm4b:s6+s23], $0x80, s17, s23, $0xb8;
	[tilespmem:$0x1EF00] =	vst v63  }
0x245: {  	_ =	swait.ge [sflag:s9], $0x3200  }
0x246: {  	[sflag:s9] =	ssyncset.done $0x0  }
0x247: {  	s28 =	rddreg [dreg:$0x13];
	[sflag:s9] =	ssyncadd.s32 $0xFFFFCE00  }
0x248: {  	[spmem:s1] =	stream.indirect.scatter.add.f32 [tilespmem:s30], [sflag:$0x6], $0x80, s28, s23, $0xb8;
	[tilespmem:$0x1EF00] =	vst v63  }
0x249: {  	_ =	swait.ge [sflag:s11], $0x3200  }
0x24a: {  	[sflag:s11] =	ssyncset.done $0x0  }
0x24b: {  	[sflag:s11] =	ssyncadd.s32 $0xFFFFCE00  }
0x24c: {  	_ =	swait.ge [sflag:s29], $0x3200  }
0x24d: {  	[sflag:s29] =	ssyncset.done $0x0  }
0x24e: {  	s17 =	rddreg [dreg:$0x14];
	[sflag:s29] =	ssyncadd.s32 $0xFFFFCE00  }
0x24f: {  	[spmem:s1] =	stream.indirect.scatter.add.f32 [tilespmem:s24], [sflag:$0x4], $0x80, s17, s23, $0xb8;
	[tilespmem:$0x1EF00] =	vst v63  }
0x250: {  	s28 =	rddreg [dreg:$0x15]  }
0x251: {  	[tilespmem:s30], [sflag:$0x3] =	stream.indirect.gather [hbm4b:s6+s23], $0x80, s28, s23, $0xb8;
	[tilespmem:$0x1EF00] =	vst v63  }
0x252: {  	_ =	swait.ge [sflag:s31], $0x3200  }
0x253: {  	[sflag:s31] =	ssyncset.done $0x0  }
0x254: {  	[sflag:s31] =	ssyncadd.s32 $0xFFFFCE00  }
0x255: {  	_ =	swait.ge [sflag:s0], $0x3200  }
0x256: {  	[sflag:s0] =	ssyncset.done $0x0  }
0x257: {  	s17 =	rddreg [dreg:$0x16];
	[sflag:s0] =	ssyncadd.s32 $0xFFFFCE00  }
0x258: {  	[tilespmem:s24], [sflag:$0x1] =	stream.indirect.gather [hbm4b:s6+s23], $0x80, s17, s23, $0xb8;
	[tilespmem:$0x1EF00] =	vst v63  }
0x259: {  	s28 =	rddreg [dreg:$0x17]  }
0x25a: {  	[spmem:s1] =	stream.indirect.scatter.add.f32 [tilespmem:s26], [sflag:$0x5], $0x80, s28, s23, $0xb8;
	[tilespmem:$0x1EF00] =	vst v63  }
0x25b: {  	_ =	swait.ge [sflag:s5], $0x3200  }
0x25c: {  	[sflag:s5] =	ssyncset.done $0x0  }
0x25d: {  	s17 =	rddreg [dreg:$0x18];
	[sflag:s5] =	ssyncadd.s32 $0xFFFFCE00  }
0x25e: {  	[tilespmem:s26], [sflag:$0x2] =	stream.indirect.gather [hbm4b:s6+s23], $0x80, s17, s23, $0xb8;
	[tilespmem:$0x1EF00] =	vst v63  }
0x25f: {  	_ =	swait.ge [sflag:s9], $0x3200  }
0x260: {  	[sflag:s9] =	ssyncset.done $0x0  }
0x261: {  	s28 =	rddreg [dreg:$0x19];
	[sflag:s9] =	ssyncadd.s32 $0xFFFFCE00  }
0x262: {  	[spmem:s1] =	stream.indirect.scatter.add.f32 [tilespmem:s30], [sflag:$0x6], $0x80, s28, s23, $0xb8;
	[tilespmem:$0x1EF00] =	vst v63  }
0x263: {  	_ =	swait.ge [sflag:s11], $0x3200  }
0x264: {  	[sflag:s11] =	ssyncset.done $0x0  }
0x265: {  	[sflag:s11] =	ssyncadd.s32 $0xFFFFCE00  }
0x266: {  	_ =	swait.ge [sflag:s29], $0x3200  }
0x267: {  	[sflag:s29] =	ssyncset.done $0x0  }
0x268: {  	s17 =	rddreg [dreg:$0x1a];
	[sflag:s29] =	ssyncadd.s32 $0xFFFFCE00  }
0x269: {  	[spmem:s1] =	stream.indirect.scatter.add.f32 [tilespmem:s24], [sflag:$0x4], $0x80, s17, s23, $0xb8;
	[tilespmem:$0x1EF00] =	vst v63  }
0x26a: {  	s28 =	rddreg [dreg:$0x1b]  }
0x26b: {  	[tilespmem:s30], [sflag:$0x3] =	stream.indirect.gather [hbm4b:s6+s23], $0x80, s28, s23, $0xb8;
	[tilespmem:$0x1EF00] =	vst v63  }
0x26c: {  	_ =	swait.ge [sflag:s31], $0x3200  }
0x26d: {  	[sflag:s31] =	ssyncset.done $0x0  }
0x26e: {  	[sflag:s31] =	ssyncadd.s32 $0xFFFFCE00  }
0x26f: {  	_ =	swait.ge [sflag:s0], $0x3200  }
0x270: {  	[sflag:s0] =	ssyncset.done $0x0  }
0x271: {  	s17 =	rddreg [dreg:$0x1c];
	[sflag:s0] =	ssyncadd.s32 $0xFFFFCE00  }
0x272: {  	[tilespmem:s24], [sflag:$0x1] =	stream.indirect.gather [hbm4b:s6+s23], $0x80, s17, s23, $0xb8;
	[tilespmem:$0x1EF00] =	vst v63  }
0x273: {  	s28 =	rddreg [dreg:$0x1d]  }
0x274: {  	[spmem:s1] =	stream.indirect.scatter.add.f32 [tilespmem:s26], [sflag:$0x5], $0x80, s28, s23, $0xb8;
	[tilespmem:$0x1EF00] =	vst v63  }
0x275: {  	_ =	swait.ge [sflag:s5], $0x3200  }
0x276: {  	[sflag:s5] =	ssyncset.done $0x0  }
0x277: {  	s17 =	rddreg [dreg:$0x1e];
	[sflag:s5] =	ssyncadd.s32 $0xFFFFCE00  }
0x278: {  	[tilespmem:s26], [sflag:$0x2] =	stream.indirect.gather [hbm4b:s6+s23], $0x80, s17, s23, $0xb8;
	[tilespmem:$0x1EF00] =	vst v63  }
0x279: {  	_ =	swait.ge [sflag:s9], $0x3200  }
0x27a: {  	[sflag:s9] =	ssyncset.done $0x0  }
0x27b: {  	s28 =	rddreg [dreg:$0x1f];
	[sflag:s9] =	ssyncadd.s32 $0xFFFFCE00  }
0x27c: {  	[spmem:s1] =	stream.indirect.scatter.add.f32 [tilespmem:s30], [sflag:$0x6], $0x80, s28, s23, $0xb8;
	[tilespmem:$0x1EF00] =	vst v63  }
0x27d: {  	_ =	swait.ge [sflag:s11], $0x3200  }
0x27e: {  	[sflag:s11] =	ssyncset.done $0x0  }
0x27f: {  	[sflag:s11] =	ssyncadd.s32 $0xFFFFCE00  }
0x280: {  	_ =	swait.ge [sflag:s29], $0x3200  }
0x281: {  	s17 =	sld [smem:$0x7C7]  }
0x282: {  	[sflag:s29] =	ssyncset.done $0x0  }
0x283: {  	s28 =	sld [smem:$0x7C8];
	[sflag:s29] =	ssyncadd.s32 $0xFFFFCE00  }
0x284: {  	[spmem:s1] =	stream.indirect.scatter.add.f32 [tilespmem:s24], [sflag:$0x4], $0x80, s17, s23, $0xb8;
	[tilespmem:$0x1EF00] =	vst v63  }
0x285: {  	_ = 	snop  }
0x286: {  	[tilespmem:s30], [sflag:$0x3] =	stream.indirect.gather [hbm4b:s6+s23], $0x80, s28, s23, $0xb8;
	[tilespmem:$0x1EF00] =	vst v63  }
0x287: {  	_ =	swait.ge [sflag:s31], $0x3200  }
0x288: {  	[sflag:s31] =	ssyncset.done $0x0  }
0x289: {  	[sflag:s31] =	ssyncadd.s32 $0xFFFFCE00  }
0x28a: {  	_ =	swait.ge [sflag:s0], $0x3200  }
0x28b: {  	s17 =	sld [smem:$0x7C9]  }
0x28c: {  	[sflag:s0] =	ssyncset.done $0x0  }
0x28d: {  	s28 =	sld [smem:$0x7CA];
	[sflag:s0] =	ssyncadd.s32 $0xFFFFCE00  }
0x28e: {  	[tilespmem:s24], [sflag:$0x1] =	stream.indirect.gather [hbm4b:s6+s23], $0x80, s17, s23, $0xb8;
	[tilespmem:$0x1EF00] =	vst v63  }
0x28f: {  	_ = 	snop  }
0x290: {  	[spmem:s1] =	stream.indirect.scatter.add.f32 [tilespmem:s26], [sflag:$0x5], $0x80, s28, s23, $0xb8;
	[tilespmem:$0x1EF00] =	vst v63  }
0x291: {  	_ =	swait.ge [sflag:s5], $0x3200  }
0x292: {  	s28 =	sld [smem:$0x7CB]  }
0x293: {  	[sflag:s5] =	ssyncset.done $0x0  }
0x294: {  	[sflag:s5] =	ssyncadd.s32 $0xFFFFCE00  }
0x295: {  	[tilespmem:s26], [sflag:$0x2] =	stream.indirect.gather [hbm4b:s6+s23], $0x80, s28, s23, $0xb8;
	[tilespmem:$0x1EF00] =	vst v63  }
0x296: {  	_ =	swait.ge [sflag:s9], $0x3200  }
0x297: {  	s17 =	sld [smem:$0x7CC]  }
0x298: {  	[sflag:s9] =	ssyncset.done $0x0  }
0x299: {  	[sflag:s9] =	ssyncadd.s32 $0xFFFFCE00  }
0x29a: {  	[spmem:s1] =	stream.indirect.scatter.add.f32 [tilespmem:s30], [sflag:$0x6], $0x80, s17, s23, $0xb8;
	[tilespmem:$0x1EF00] =	vst v63  }
0x29b: {  	_ =	swait.ge [sflag:s11], $0x3200  }
0x29c: {  	[sflag:s11] =	ssyncset.done $0x0  }
0x29d: {  	[sflag:s11] =	ssyncadd.s32 $0xFFFFCE00  }
0x29e: {  	_ =	swait.ge [sflag:s29], $0x3200  }
0x29f: {  	s28 =	sld [smem:$0x7CD]  }
0x2a0: {  	[sflag:s29] =	ssyncset.done $0x0  }
0x2a1: {  	[sflag:s29] =	ssyncadd.s32 $0xFFFFCE00  }
0x2a2: {  	[spmem:s1] =	stream.indirect.scatter.add.f32 [tilespmem:s24], [sflag:$0x4], $0x80, s28, s23, $0xb8;
	[tilespmem:$0x1EF00] =	vst v63  }
0x2a3: {  	_ =	swait.ge [sflag:s12], $0x820  }
0x2a4: {  	[sflag:s12] =	ssyncset.done $0x0  }
0x2a5: {  	[sflag:s12] =	ssyncadd.s32 $0xFFFFF7E0  }
0x2a6: {  	_ =	swait.ge [sflag:s12], $0x820  }
0x2a7: {  	[sflag:s12] =	ssyncset.done $0x0  }
0x2a8: {  	[sflag:s12] =	ssyncadd.s32 $0xFFFFF7E0  }
0x2a9: {  	_ =	swait.ge [sflag:s31], $0x3200  }
0x2aa: {  	s17 =	sld [smem:$0x7CE]  }
0x2ab: {  	[sflag:s31] =	ssyncset.done $0x0  }
0x2ac: {  	s16 =	smov.u32 s15;
	[sflag:s31] =	ssyncadd.s32 $0xFFFFCE00  }
0x2ad: {  	[spmem:s1] =	stream.indirect.scatter.add.f32 [tilespmem:s26], [sflag:$0x5], $0x80, s17, s23, $0xb8;
	[tilespmem:$0x1EF00] =	vst v63  }
0x2ae: {  	p1 =	slt.s32 s16, $0x7;
	s10 =	smov.u32 s16;
	_ =	swait.ge [sflag:s0], $0x3200  }
0x2af: {  	s10 =	simm.s32 @!p1 $0x7;
	[sflag:s0] =	ssyncset.done $0x0  }
0x2b0: {  	s10 =	smul.u32 $0x14, s10;
	[sflag:s0] =	ssyncadd.s32 $0xFFFFCE00  }
0x2b1: {  	[tilespmem:s24], [sflag:$0x1] =	stream.indirect.gather [hbm4b:s6+s23], $0x80, s20, s23, $0xb8;
	[tilespmem:$0x1EF00] =	vst v63  }
0x2b2: {  	_ =	swait.ge [sflag:s5], $0x3200  }
0x2b3: {  	s10 =	sadd.s32 $0x28, s10;
	s17 =	sld [smem:$0x7CF]  }
0x2b4: {  	s28 =	sadd.s32 s8, s10;
	[sflag:s5] =	ssyncset.done $0x0  }
0x2b5: {  	s10 =	sadd.s32 s7, s10;
	s28 =	smul.u32 $0xD, s28;
	[sflag:s5] =	ssyncadd.s32 $0xFFFFCE00  }
0x2b6: {  	[tilespmem:s26], [sflag:$0x2] =	stream.indirect.gather [hbm4b:s6+s23], $0x80, s17, s23, $0xb8;
	[tilespmem:$0x1EF00] =	vst v63  }
0x2b7: {  	s10 =	smul.u32 $0xD, s10;
	s28 =	sadd.s32 s3, s28  }
0x2b8: {  	[tilespmem:s2], [sflag:$0x7] =	stream.linear.gather [hbm4b:s28+s2], $0x820, $0x38;
	[tilespmem:$0x1EF00] =	vst v63  }
0x2b9: {  	s10 =	sadd.s32 s4, s10  }
0x2ba: {  	[tilespmem:s19], [sflag:$0x7] =	stream.linear.gather [hbm4b:s10+s2], $0x820, $0x38;
	[tilespmem:$0x1EF00] =	vst v63  }
0x2bb: {  	_ =	swait.ge [sflag:s29], $0x3200  }
0x2bc: {  	[sflag:s29] =	ssyncset.done $0x0  }
0x2bd: {  	s28 =	sld [smem:$0x7D0];
	[sflag:s29] =	ssyncadd.s32 $0xFFFFCE00  }
0x2be: {  	[spmem:s1] =	stream.indirect.scatter.add.f32 [tilespmem:s24], [sflag:$0x4], $0x80, s21, s23, $0xb8;
	[tilespmem:$0x1EF00] =	vst v63  }
0x2bf: {  	_ = 	snop  }
0x2c0: {  	[tilespmem:s30], [sflag:$0x3] =	stream.indirect.gather [hbm4b:s6+s23], $0x80, s28, s23, $0xb8;
	[tilespmem:$0x1EF00] =	vst v63  }
0x2c1: {  	_ =	swait.ge [sflag:s31], $0x3200  }
0x2c2: {  	[sflag:s31] =	ssyncset.done $0x0  }
0x2c3: {  	[sflag:s31] =	ssyncadd.s32 $0xFFFFCE00  }
0x2c4: {  	_ =	swait.ge [sflag:s0], $0x3200  }
0x2c5: {  	s17 =	sld [smem:$0x7D1]  }
0x2c6: {  	[sflag:s0] =	ssyncset.done $0x0  }
0x2c7: {  	s28 =	sld [smem:$0x7D2];
	[sflag:s0] =	ssyncadd.s32 $0xFFFFCE00  }
0x2c8: {  	[tilespmem:s24], [sflag:$0x1] =	stream.indirect.gather [hbm4b:s6+s23], $0x80, s17, s23, $0xb8;
	[tilespmem:$0x1EF00] =	vst v63  }
0x2c9: {  	_ = 	snop  }
0x2ca: {  	[spmem:s1] =	stream.indirect.scatter.add.f32 [tilespmem:s26], [sflag:$0x5], $0x80, s28, s23, $0xb8;
	[tilespmem:$0x1EF00] =	vst v63  }
0x2cb: {  	_ =	swait.ge [sflag:s5], $0x3200  }
0x2cc: {  	s17 =	sld [smem:$0x7D3]  }
0x2cd: {  	[sflag:s5] =	ssyncset.done $0x0  }
0x2ce: {  	[sflag:s5] =	ssyncadd.s32 $0xFFFFCE00  }
0x2cf: {  	[tilespmem:s26], [sflag:$0x2] =	stream.indirect.gather [hbm4b:s6+s23], $0x80, s17, s23, $0xb8;
	[tilespmem:$0x1EF00] =	vst v63  }
0x2d0: {  	_ =	swait.ge [sflag:s9], $0x3200  }
0x2d1: {  	s28 =	sld [smem:$0x7D4]  }
0x2d2: {  	[sflag:s9] =	ssyncset.done $0x0  }
0x2d3: {  	[sflag:s9] =	ssyncadd.s32 $0xFFFFCE00  }
0x2d4: {  	[spmem:s1] =	stream.indirect.scatter.add.f32 [tilespmem:s30], [sflag:$0x6], $0x80, s28, s23, $0xb8;
	[tilespmem:$0x1EF00] =	vst v63  }
0x2d5: {  	_ =	swait.ge [sflag:s11], $0x3200  }
0x2d6: {  	[sflag:s11] =	ssyncset.done $0x0  }
0x2d7: {  	[sflag:s11] =	ssyncadd.s32 $0xFFFFCE00  }
0x2d8: {  	_ =	swait.ge [sflag:s29], $0x3200  }
0x2d9: {  	s17 =	sld [smem:$0x7D5]  }
0x2da: {  	[sflag:s29] =	ssyncset.done $0x0  }
0x2db: {  	s28 =	sld [smem:$0x7D6];
	[sflag:s29] =	ssyncadd.s32 $0xFFFFCE00  }
0x2dc: {  	[spmem:s1] =	stream.indirect.scatter.add.f32 [tilespmem:s24], [sflag:$0x4], $0x80, s17, s23, $0xb8;
	[tilespmem:$0x1EF00] =	vst v63  }
0x2dd: {  	_ = 	snop  }
0x2de: {  	[tilespmem:s30], [sflag:$0x3] =	stream.indirect.gather [hbm4b:s6+s23], $0x80, s28, s23, $0xb8;
	[tilespmem:$0x1EF00] =	vst v63  }
0x2df: {  	_ =	swait.ge [sflag:s31], $0x3200  }
0x2e0: {  	[sflag:s31] =	ssyncset.done $0x0  }
0x2e1: {  	[sflag:s31] =	ssyncadd.s32 $0xFFFFCE00  }
0x2e2: {  	_ =	swait.ge [sflag:s0], $0x3200  }
0x2e3: {  	s17 =	sld [smem:$0x7D7]  }
0x2e4: {  	[sflag:s0] =	ssyncset.done $0x0  }
0x2e5: {  	s28 =	sld [smem:$0x7D8];
	[sflag:s0] =	ssyncadd.s32 $0xFFFFCE00  }
0x2e6: {  	[tilespmem:s24], [sflag:$0x1] =	stream.indirect.gather [hbm4b:s6+s23], $0x80, s17, s23, $0xb8;
	[tilespmem:$0x1EF00] =	vst v63  }
0x2e7: {  	_ = 	snop  }
0x2e8: {  	[spmem:s1] =	stream.indirect.scatter.add.f32 [tilespmem:s26], [sflag:$0x5], $0x80, s28, s23, $0xb8;
	[tilespmem:$0x1EF00] =	vst v63  }
0x2e9: {  	_ =	swait.ge [sflag:s5], $0x3200  }
0x2ea: {  	s17 =	sld [smem:$0x7D9]  }
0x2eb: {  	[sflag:s5] =	ssyncset.done $0x0  }
0x2ec: {  	[sflag:s5] =	ssyncadd.s32 $0xFFFFCE00  }
0x2ed: {  	[tilespmem:s26], [sflag:$0x2] =	stream.indirect.gather [hbm4b:s6+s23], $0x80, s17, s23, $0xb8;
	[tilespmem:$0x1EF00] =	vst v63  }
0x2ee: {  	_ =	swait.ge [sflag:s9], $0x3200  }
0x2ef: {  	s28 =	sld [smem:$0x7DA]  }
0x2f0: {  	[sflag:s9] =	ssyncset.done $0x0  }
0x2f1: {  	[sflag:s9] =	ssyncadd.s32 $0xFFFFCE00  }
0x2f2: {  	[spmem:s1] =	stream.indirect.scatter.add.f32 [tilespmem:s30], [sflag:$0x6], $0x80, s28, s23, $0xb8;
	[tilespmem:$0x1EF00] =	vst v63  }
0x2f3: {  	_ =	swait.ge [sflag:s11], $0x3200  }
0x2f4: {  	[sflag:s11] =	ssyncset.done $0x0  }
0x2f5: {  	[sflag:s11] =	ssyncadd.s32 $0xFFFFCE00  }
0x2f6: {  	_ =	swait.ge [sflag:s29], $0x3200  }
0x2f7: {  	s17 =	sld [smem:$0x7DB]  }
0x2f8: {  	[sflag:s29] =	ssyncset.done $0x0  }
0x2f9: {  	s28 =	sld [smem:$0x7DC];
	[sflag:s29] =	ssyncadd.s32 $0xFFFFCE00  }
0x2fa: {  	[spmem:s1] =	stream.indirect.scatter.add.f32 [tilespmem:s24], [sflag:$0x4], $0x80, s17, s23, $0xb8;
	[tilespmem:$0x1EF00] =	vst v63  }
0x2fb: {  	_ = 	snop  }
0x2fc: {  	[tilespmem:s30], [sflag:$0x3] =	stream.indirect.gather [hbm4b:s6+s23], $0x80, s28, s23, $0xb8;
	[tilespmem:$0x1EF00] =	vst v63  }
0x2fd: {  	_ =	swait.ge [sflag:s31], $0x3200  }
0x2fe: {  	[sflag:s31] =	ssyncset.done $0x0  }
0x2ff: {  	[sflag:s31] =	ssyncadd.s32 $0xFFFFCE00  }
0x300: {  	_ =	swait.ge [sflag:s0], $0x3200  }
0x301: {  	s17 =	sld [smem:$0x7DE]  }
0x302: {  	[sflag:s0] =	ssyncset.done $0x0  }
0x303: {  	s28 =	sld [smem:$0x7DF];
	[sflag:s0] =	ssyncadd.s32 $0xFFFFCE00  }
0x304: {  	[tilespmem:s24], [sflag:$0x1] =	stream.indirect.gather [hbm4b:s6+s23], $0x80, s17, s23, $0xb8;
	[tilespmem:$0x1EF00] =	vst v63  }
0x305: {  	_ = 	snop  }
0x306: {  	[spmem:s1] =	stream.indirect.scatter.add.f32 [tilespmem:s26], [sflag:$0x5], $0x80, s28, s23, $0xb8;
	[tilespmem:$0x1EF00] =	vst v63  }
0x307: {  	_ =	swait.ge [sflag:s5], $0x3200  }
0x308: {  	s17 =	sld [smem:$0x7E0]  }
0x309: {  	[sflag:s5] =	ssyncset.done $0x0  }
0x30a: {  	[sflag:s5] =	ssyncadd.s32 $0xFFFFCE00  }
0x30b: {  	[tilespmem:s26], [sflag:$0x2] =	stream.indirect.gather [hbm4b:s6+s23], $0x80, s17, s23, $0xb8;
	[tilespmem:$0x1EF00] =	vst v63  }
0x30c: {  	_ =	swait.ge [sflag:s9], $0x3200  }
0x30d: {  	s28 =	sld [smem:$0x7E3]  }
0x30e: {  	[sflag:s9] =	ssyncset.done $0x0  }
0x30f: {  	[sflag:s9] =	ssyncadd.s32 $0xFFFFCE00  }
0x310: {  	[spmem:s1] =	stream.indirect.scatter.add.f32 [tilespmem:s30], [sflag:$0x6], $0x80, s28, s23, $0xb8;
	[tilespmem:$0x1EF00] =	vst v63  }
0x311: {  	_ =	swait.ge [sflag:s11], $0x3200  }
0x312: {  	[sflag:s11] =	ssyncset.done $0x0  }
0x313: {  	[sflag:s11] =	ssyncadd.s32 $0xFFFFCE00  }
0x314: {  	_ =	swait.ge [sflag:s29], $0x3200  }
0x315: {  	s17 =	sld [smem:$0x7E5]  }
0x316: {  	[sflag:s29] =	ssyncset.done $0x0  }
0x317: {  	s28 =	sld [smem:$0x7E6];
	[sflag:s29] =	ssyncadd.s32 $0xFFFFCE00  }
0x318: {  	[spmem:s1] =	stream.indirect.scatter.add.f32 [tilespmem:s24], [sflag:$0x4], $0x80, s17, s23, $0xb8;
	[tilespmem:$0x1EF00] =	vst v63  }
0x319: {  	_ = 	snop  }
0x31a: {  	[tilespmem:s30], [sflag:$0x3] =	stream.indirect.gather [hbm4b:s6+s23], $0x80, s28, s23, $0xb8;
	[tilespmem:$0x1EF00] =	vst v63  }
0x31b: {  	_ =	swait.ge [sflag:s31], $0x3200  }
0x31c: {  	[sflag:s31] =	ssyncset.done $0x0  }
0x31d: {  	[sflag:s31] =	ssyncadd.s32 $0xFFFFCE00  }
0x31e: {  	_ =	swait.ge [sflag:s0], $0x3200  }
0x31f: {  	s17 =	sld [smem:$0x7E7]  }
0x320: {  	[sflag:s0] =	ssyncset.done $0x0  }
0x321: {  	s28 =	sld [smem:$0x7E9];
	[sflag:s0] =	ssyncadd.s32 $0xFFFFCE00  }
0x322: {  	[tilespmem:s24], [sflag:$0x1] =	stream.indirect.gather [hbm4b:s6+s23], $0x80, s17, s23, $0xb8;
	[tilespmem:$0x1EF00] =	vst v63  }
0x323: {  	_ = 	snop  }
0x324: {  	[spmem:s1] =	stream.indirect.scatter.add.f32 [tilespmem:s26], [sflag:$0x5], $0x80, s28, s23, $0xb8;
	[tilespmem:$0x1EF00] =	vst v63  }
0x325: {  	_ =	swait.ge [sflag:s5], $0x3200  }
0x326: {  	s17 =	sld [smem:$0x7EA]  }
0x327: {  	[sflag:s5] =	ssyncset.done $0x0  }
0x328: {  	[sflag:s5] =	ssyncadd.s32 $0xFFFFCE00  }
0x329: {  	[tilespmem:s26], [sflag:$0x2] =	stream.indirect.gather [hbm4b:s6+s23], $0x80, s17, s23, $0xb8;
	[tilespmem:$0x1EF00] =	vst v63  }
0x32a: {  	_ =	swait.ge [sflag:s9], $0x3200  }
0x32b: {  	s28 =	sld [smem:$0x7EB]  }
0x32c: {  	[sflag:s9] =	ssyncset.done $0x0  }
0x32d: {  	[sflag:s9] =	ssyncadd.s32 $0xFFFFCE00  }
0x32e: {  	[spmem:s1] =	stream.indirect.scatter.add.f32 [tilespmem:s30], [sflag:$0x6], $0x80, s28, s23, $0xb8;
	[tilespmem:$0x1EF00] =	vst v63  }
0x32f: {  	_ =	swait.ge [sflag:s11], $0x3200  }
0x330: {  	[sflag:s11] =	ssyncset.done $0x0  }
0x331: {  	[sflag:s11] =	ssyncadd.s32 $0xFFFFCE00  }
0x332: {  	_ =	swait.ge [sflag:s29], $0x3200  }
0x333: {  	s17 =	sld [smem:$0x7EC]  }
0x334: {  	[sflag:s29] =	ssyncset.done $0x0  }
0x335: {  	s28 =	sld [smem:$0x7EE];
	[sflag:s29] =	ssyncadd.s32 $0xFFFFCE00  }
0x336: {  	[spmem:s1] =	stream.indirect.scatter.add.f32 [tilespmem:s24], [sflag:$0x4], $0x80, s17, s23, $0xb8;
	[tilespmem:$0x1EF00] =	vst v63  }
0x337: {  	_ = 	snop  }
0x338: {  	[tilespmem:s30], [sflag:$0x3] =	stream.indirect.gather [hbm4b:s6+s23], $0x80, s28, s23, $0xb8;
	[tilespmem:$0x1EF00] =	vst v63  }
0x339: {  	_ =	swait.ge [sflag:s31], $0x3200  }
0x33a: {  	[sflag:s31] =	ssyncset.done $0x0  }
0x33b: {  	[sflag:s31] =	ssyncadd.s32 $0xFFFFCE00  }
0x33c: {  	_ =	swait.ge [sflag:s0], $0x3200  }
0x33d: {  	s17 =	sld [smem:$0x7EF]  }
0x33e: {  	[sflag:s0] =	ssyncset.done $0x0  }
0x33f: {  	s28 =	sld [smem:$0x7F0];
	[sflag:s0] =	ssyncadd.s32 $0xFFFFCE00  }
0x340: {  	[tilespmem:s24], [sflag:$0x1] =	stream.indirect.gather [hbm4b:s6+s23], $0x80, s17, s23, $0xb8;
	[tilespmem:$0x1EF00] =	vst v63  }
0x341: {  	_ = 	snop  }
0x342: {  	[spmem:s1] =	stream.indirect.scatter.add.f32 [tilespmem:s26], [sflag:$0x5], $0x80, s28, s23, $0xb8;
	[tilespmem:$0x1EF00] =	vst v63  }
0x343: {  	_ =	swait.ge [sflag:s5], $0x3200  }
0x344: {  	s17 =	sld [smem:$0x7F2]  }
0x345: {  	[sflag:s5] =	ssyncset.done $0x0  }
0x346: {  	[sflag:s5] =	ssyncadd.s32 $0xFFFFCE00  }
0x347: {  	[tilespmem:s26], [sflag:$0x2] =	stream.indirect.gather [hbm4b:s6+s23], $0x80, s17, s23, $0xb8;
	[tilespmem:$0x1EF00] =	vst v63  }
0x348: {  	_ =	swait.ge [sflag:s9], $0x3200  }
0x349: {  	s28 =	sld [smem:$0x7F4]  }
0x34a: {  	[sflag:s9] =	ssyncset.done $0x0  }
0x34b: {  	[sflag:s9] =	ssyncadd.s32 $0xFFFFCE00  }
0x34c: {  	[spmem:s1] =	stream.indirect.scatter.add.f32 [tilespmem:s30], [sflag:$0x6], $0x80, s28, s23, $0xb8;
	[tilespmem:$0x1EF00] =	vst v63  }
0x34d: {  	_ =	swait.ge [sflag:s11], $0x3200  }
0x34e: {  	[sflag:s11] =	ssyncset.done $0x0  }
0x34f: {  	[sflag:s11] =	ssyncadd.s32 $0xFFFFCE00  }
0x350: {  	_ =	swait.ge [sflag:s29], $0x3200  }
0x351: {  	s17 =	sld [smem:$0x7F6]  }
0x352: {  	[sflag:s29] =	ssyncset.done $0x0  }
0x353: {  	s28 =	sld [smem:$0x7F7];
	[sflag:s29] =	ssyncadd.s32 $0xFFFFCE00  }
0x354: {  	[spmem:s1] =	stream.indirect.scatter.add.f32 [tilespmem:s24], [sflag:$0x4], $0x80, s17, s23, $0xb8;
	[tilespmem:$0x1EF00] =	vst v63  }
0x355: {  	_ = 	snop  }
0x356: {  	[tilespmem:s30], [sflag:$0x3] =	stream.indirect.gather [hbm4b:s6+s23], $0x80, s28, s23, $0xb8;
	[tilespmem:$0x1EF00] =	vst v63  }
0x357: {  	_ =	swait.ge [sflag:s31], $0x3200  }
0x358: {  	[sflag:s31] =	ssyncset.done $0x0  }
0x359: {  	[sflag:s31] =	ssyncadd.s32 $0xFFFFCE00  }
0x35a: {  	_ =	swait.ge [sflag:s0], $0x3200  }
0x35b: {  	s17 =	sld [smem:$0x7F8]  }
0x35c: {  	[sflag:s0] =	ssyncset.done $0x0  }
0x35d: {  	s28 =	sld [smem:$0x7F9];
	[sflag:s0] =	ssyncadd.s32 $0xFFFFCE00  }
0x35e: {  	[tilespmem:s24], [sflag:$0x1] =	stream.indirect.gather [hbm4b:s6+s23], $0x80, s17, s23, $0xb8;
	[tilespmem:$0x1EF00] =	vst v63  }
0x35f: {  	_ = 	snop  }
0x360: {  	[spmem:s1] =	stream.indirect.scatter.add.f32 [tilespmem:s26], [sflag:$0x5], $0x80, s28, s23, $0xb8;
	[tilespmem:$0x1EF00] =	vst v63  }
0x361: {  	_ =	swait.ge [sflag:s5], $0x3200  }
0x362: {  	s17 =	sld [smem:$0x7FA]  }
0x363: {  	[sflag:s5] =	ssyncset.done $0x0  }
0x364: {  	[sflag:s5] =	ssyncadd.s32 $0xFFFFCE00  }
0x365: {  	[tilespmem:s26], [sflag:$0x2] =	stream.indirect.gather [hbm4b:s6+s23], $0x80, s17, s23, $0xb8;
	[tilespmem:$0x1EF00] =	vst v63  }
0x366: {  	_ =	swait.ge [sflag:s9], $0x3200  }
0x367: {  	s28 =	sld [smem:$0x7FB]  }
0x368: {  	[sflag:s9] =	ssyncset.done $0x0  }
0x369: {  	[sflag:s9] =	ssyncadd.s32 $0xFFFFCE00  }
0x36a: {  	[spmem:s1] =	stream.indirect.scatter.add.f32 [tilespmem:s30], [sflag:$0x6], $0x80, s28, s23, $0xb8;
	[tilespmem:$0x1EF00] =	vst v63  }
0x36b: {  	_ =	swait.ge [sflag:s11], $0x3200  }
0x36c: {  	[sflag:s11] =	ssyncset.done $0x0  }
0x36d: {  	[sflag:s11] =	ssyncadd.s32 $0xFFFFCE00  }
0x36e: {  	_ =	swait.ge [sflag:s29], $0x3200  }
0x36f: {  	s17 =	sld [smem:$0x7FC]  }
0x370: {  	[sflag:s29] =	ssyncset.done $0x0  }
0x371: {  	[sflag:s29] =	ssyncadd.s32 $0xFFFFCE00  }
0x372: {  	[spmem:s1] =	stream.indirect.scatter.add.f32 [tilespmem:s24], [sflag:$0x4], $0x80, s17, s23, $0xb8;
	[tilespmem:$0x1EF00] =	vst v63  }
0x373: {  	_ =	swait.ge [sflag:s22], $0x820  }
0x374: {  	[sflag:s22] =	ssyncset.done $0x0  }
0x375: {  	[sflag:s22] =	ssyncadd.s32 $0xFFFFF7E0  }
0x376: {  	_ =	swait.ge [sflag:s22], $0x820  }
0x377: {  	[sflag:s22] =	ssyncset.done $0x0  }
0x378: {  	[sflag:s22] =	ssyncadd.s32 $0xFFFFF7E0  }
0x379: {  	_ =	swait.ge [sflag:s31], $0x3200  }
0x37a: {  	s28 =	sld [smem:$0x7FD]  }
0x37b: {  	p1 =	slt.s32 s16, $0x6;
	[sflag:s31] =	ssyncset.done $0x0  }
0x37c: {  	s16 =	simm.s32 @!p1 $0x6;
	[sflag:s31] =	ssyncadd.s32 $0xFFFFCE00  }
0x37d: {  	[spmem:s1] =	stream.indirect.scatter.add.f32 [tilespmem:s26], [sflag:$0x5], $0x80, s28, s23, $0xb8;
	[tilespmem:$0x1EF00] =	vst v63  }
0x37e: {  	s17 =	smul.u32 $0x14, s16;
	_ =	swait.ge [sflag:s0], $0x3200  }
0x37f: {  	[sflag:s0] =	ssyncset.done $0x0  }
0x380: {  	p0 =	sne.s32 s15, $0x8;
	s10 =	sadd.s32 $0x3C, s17;
	[sflag:s0] =	ssyncadd.s32 $0xFFFFCE00  }
0x381: {  	[tilespmem:s24], [sflag:$0x1] =	stream.indirect.gather [hbm4b:s6+s23], $0x80, s2, s23, $0xb8;
	[tilespmem:$0x1EF00] =	vst v63  }
.Ltmp0:
0x382: {  	s28 =	sadd.s32 s8, s10;
	(pc) =	sbr.rel @p0 .LBB2_2-.Ltmp0, $4  }
0x383: {  	s16 =	smul.u32 $0xD, s28;
	_ =	swait.ge [sflag:s5], $0x3200  }
0x384: {  	s15 =	sadd.s32 $0x2, s15;
	s10 =	sadd.s32 s7, s10;
	[sflag:s5] =	ssyncset.done $0x0  }
0x385: {  	s10 =	smul.u32 $0xD, s10;
	s17 =	sadd.s32 s3, s16;
	[sflag:s5] =	ssyncadd.s32 $0xFFFFCE00  }
0x386: {  	[tilespmem:s26], [sflag:$0x2] =	stream.indirect.gather [hbm4b:s6+s23], $0x80, s25, s23, $0xb8;
	[tilespmem:$0x1EF00] =	vst v63  }
0x387: {  	[tilespmem:s20], [sflag:$0x8] =	stream.linear.gather [hbm4b:s17+s2], $0x820, $0x38;
	[tilespmem:$0x1EF00] =	vst v63  }
0x388: {  	s10 =	sadd.s32 s4, s10  }
0x389: {  	[tilespmem:s21], [sflag:$0x8] =	stream.linear.gather [hbm4b:s10+s2], $0x820, $0x38;
	[tilespmem:$0x1EF00] =	vst v63  }
0x38a: {  	_ =	swait.ge [sflag:s29], $0x3200  }
0x38b: {  	[sflag:s29] =	ssyncset.done $0x0  }
0x38c: {  	[sflag:s29] =	ssyncadd.s32 $0xFFFFCE00  }
0x38d: {  	_ =	swait.ge [sflag:s31], $0x3200  }
0x38e: {  	[sflag:s31] =	ssyncset.done $0x0  }
0x38f: {  	[sflag:s31] =	ssyncadd.s32 $0xFFFFCE00  }
0x390: {  	_ =	swait.ge [sflag:s12], $0x820  }
0x391: {  	[sflag:s12] =	ssyncset.done $0x0  }
0x392: {  	[sflag:s12] =	ssyncadd.s32 $0xFFFFF7E0  }
0x393: {  	_ =	swait.ge [sflag:s12], $0x820  }
0x394: {  	[sflag:s12] =	ssyncset.done $0x0  }
0x395: {  	[sflag:s12] =	ssyncadd.s32 $0xFFFFF7E0  }
0x396: {  	[bflag:$0x0] =	sbarrier.arrive $0xFFFF  }
0x397: {  	s17 =	sld [smem:$0x7E1]  }
0x398: {  	s15 =	sld [smem:$0x7F3];
	_ =	sdelay $0x1  }
0x399: {  	s10 =	sor.u32 $0x1C0A, s17  }
0x39a: {  	[hbm:s15], [sflag:s10] =	dma.local [spmem:s18], $0x2710  }
0x39b: {  	_ =	swait.ge [sflag:s13], $0x2710  }
0x39c: {  	s28 =	sld [smem:$0x7F5];
	_ =	sdelay $0x1  }
0x39d: {  	s14 =	sadd.s32 $0x1, s14  }
0x39e: {  	p0 =	sne.s32 s14, s28  }
.Ltmp1:
0x39f: {  	_ = 	snop;
	(pc) =	sbr.rel @p0 .LBB2_1-.Ltmp1, $3  }
0x3a0: {  	_ =	sdelay $0x1  }
0x3a1: {  	[sflag:s13] =	ssyncset.done $0x0  }
0x3a2: {  	[sflag:s13] =	ssyncadd.s32 $0xFFFFD8F0  }
0x3a3: {  	_ =	sfence.sel $0x180000  }
0x3a4: {  	[bflag:$0x0] =	sbarrier.arrive $0xFFFF  }
0x3a5: {  	_ =	strace $0x9000004D  }
0x3a6: {  	s0 =	stileid.u32;
	[bflag:$0x2] =	sbarrier.arrive $0xFFFF  }
0x3a7: {  	p0 =	sne.s32 s0, $0x0;
	s0 =	rddreg [dreg:$0x2]  }
0x3a8: {  	s0 =	sadd.s32 @!p0 $0x100000, s0  }
0x3a9: {  	[sflag:s0] =	ssyncadd.tile.s32 @!p0 $0x1;
	_ =	shalt  }
.Lfunc_end2:
_tile_overlayer_lowered:
.L_overlay_start_2:
0x3aa: {  	(tag) =	ssettag $0x2  }
0x3ab: {  	s0 =	rddreg [dreg:$0x0];
	s2 =	stileid.u32  }
0x3ac: {  	s1 =	rddreg [dreg:$0x1];
	p0 =	sne.s32 s2, $0x0  }
0x3ad: {  	s3 =	rddreg [dreg:$0x2];
	[bflag:$0x3] =	sbarrier.arrive $0xFFFF;
	s2 =	simm.s32 @!p0 $0x1C0A  }
0x3ae: {  	[timem:s3], [sflag:s2] =	dma.local @!p0 [hbm:s0], s1  }
0x3af: {  	s0 =	simm.s32 @!p0 $0xA  }
0x3b0: {  	_ =	swait.ge @!p0 [sflag:s0], s1  }
0x3b1: {  	s1 =	ssub.s32 @!p0 $0x0, s1;
	[sflag:s0] =	ssyncset.done @!p0 $0x0  }
0x3b2: {  	[sflag:s0] =	ssyncadd.s32 @!p0 s1  }
0x3b3: {  	[bflag:$0x3] =	sbarrier.arrive $0xFFFF  }
0x3b4: {  	_ =	shalt  }

// kernel: kernel.8.cloned.1.call-start
scs
__scs_entry_jumppad:
0x0: {  	(pc) =	sbr.rel $0x88, $3  }
0x1: {  	(tag) =	ssettag $0x0;
	lr =	simm.s32 $0x1  }
0x2: {  	[smem:$0x3F98] =	sst lr;
	_ =	strace $0xD0000000  }
0x3: {  	_ = 	snop  }
0x4: {  	_ = 	snop  }
0x5: {  	_ = 	snop  }
0x6: {  	_ = 	snop  }
0x7: {  	_ = 	snop  }
__scs_overlays_trampoline_lowered:
0x8: {  	[smem:$0x3FA7] =	sst s0  }
0x9: {  	[smem:$0x3FA8] =	sst s1  }
0xa: {  	[smem:$0x3FA9] =	sst s2  }
0xb: {  	[smem:$0x3FAA] =	sst s3  }
0xc: {  	[smem:$0x3FAB] =	sst s4  }
0xd: {  	[smem:$0x3FAC] =	sst s5  }
0xe: {  	[smem:$0x3FAD] =	sst s6  }
0xf: {  	[smem:$0x3FAE] =	sst s7  }
0x10: {  	[smem:$0x3FAF] =	sst s8  }
0x11: {  	[smem:$0x3FB0] =	sst s9;
	s0 =	simm.s32 @!p0 $0x0  }
0x12: {  	s1 =	sld [smem:$0x3F96];
	s0 =	simm.s32 @p0 $0x1  }
0x13: {  	[smem:$0x3FB1] =	sst s0;
	s0 =	simm.s32 @!p1 $0x0  }
0x14: {  	s2 =	sld [smem:$0x3F95];
	s0 =	simm.s32 @p1 $0x1  }
0x15: {  	[smem:$0x3FB2] =	sst s0;
	s0 =	simm.s32 @!p2 $0x0  }
0x16: {  	s3 =	sld [smem:$0x3FDB];
	s0 =	simm.s32 @p2 $0x1  }
0x17: {  	s4 =	simm.s32 $0x1BF5;
	[smem:$0x3FB4] =	sst s0  }
0x18: {  	s0 =	sld [smem:$0x3F97];
	_ =	swait.ge [sflag:s4], $0x0  }
0x19: {  	s7 =	sld [smem:$0x3F98]  }
0x1a: {  	s8 =	sadd.s32 $0xFFFFE003, lr  }
0x1b: {  	s9 =	sadd.s32 $0xFFFFFEF7, lr;
	s5 =	simm.s32 $0xFFFFFFFF;
	p2 =	slt.u32 s8, $0xFFFFF086  }
0x1c: {  	p1 =	slt.u32 s9, $0xF7A;
	s5 =	simm.s32 @!p2 $0x0  }
0x1d: {  	s5 =	simm.s32 @p1 $0x1;
	p0 =	seq.s32 s7, s2  }
0x1e: {  	s7 =	smul.u32 @!p0 $0xF7A, s2;
	p2 =	seq.s32 @!p0 s5, $0x0  }
0x1f: {  	s9 =	smul.u32 $0xF7A, s1;
	s8 =	simm.s32 @!p0 $0x1BF5;
	p2 =	por !p2, p0  }
0x20: {  	[sflag:s8] =	ssyncset.s32 @!p0 $0xFFFFF086;
	s6 =	sadd.s32 @!p0 s3, s7;
	s7 =	simm.s32 @!p0 $0x108  }
0x21: {  	s3 =	sadd.s32 s3, s9;
	s6 =	sadd.s32 @!p0 $0x88, s6;
	s7 =	simm.s32 @p2 $0x1082  }
0x22: {  	[simem:s7], [sflag:s8] =	dma.local @!p0 [hbm:s6], $0xF7A  }
0x23: {  	s9 =	sor.u32 $0xD0000000, s2;
	s6 =	simm.s32 $0x108;
	_ =	swait.ge @!p0 [sflag:s8], $0x0  }
0x24: {  	s3 =	sadd.s32 $0x88, s3;
	s6 =	simm.s32 @!p1 $0x1082;
	[sflag:s4] =	ssyncset.s32 $0xFFFFF086  }
0x25: {  	[simem:s6], [sflag:s4] =	dma.local [hbm:s3], $0xF7A  }
0x26: {  	[smem:$0x3F98] =	sst s1;
	(tag) =	ssettag s2;
	_ =	strace s9  }
0x27: {  	s1 =	sld [smem:$0x3FA8]  }
0x28: {  	s2 =	sld [smem:$0x3FA9]  }
0x29: {  	s4 =	sld [smem:$0x3FAB]  }
0x2a: {  	p0 =	seq.s32 s5, $0x0;
	s5 =	sld [smem:$0x3FAC]  }
0x2b: {  	s6 =	sld [smem:$0x3FAD]  }
0x2c: {  	s7 =	sld [smem:$0x3FAE]  }
0x2d: {  	s3 =	simm.s32 $0x108;
	s8 =	sld [smem:$0x3FAF]  }
0x2e: {  	s3 =	simm.s32 @!p0 $0x1082;
	s9 =	sld [smem:$0x3FB0]  }
0x2f: {  	lr =	sadd.s32 s0, s3;
	s0 =	sld [smem:$0x3FA7]  }
0x30: {  	s3 =	sld [smem:$0x3FAA]  }
0x31: {  	[smem:$0x3FB3] =	sst s10  }
0x32: {  	s10 =	sld [smem:$0x3FB1];
	_ =	sdelay $0x3  }
0x33: {  	p0 =	seq.s32 s10, $0x1;
	s10 =	sld [smem:$0x3FB3];
	_ =	sdelay $0x3  }
0x34: {  	[smem:$0x3FB3] =	sst s10  }
0x35: {  	s10 =	sld [smem:$0x3FB2];
	_ =	sdelay $0x3  }
0x36: {  	p1 =	seq.s32 s10, $0x1;
	s10 =	sld [smem:$0x3FB3];
	_ =	sdelay $0x3  }
0x37: {  	[smem:$0x3FB3] =	sst s10  }
0x38: {  	s10 =	sld [smem:$0x3FB4]  }
0x39: {  	_ = 	snop;
	(pc) =	sbr.ind lr, $3  }
0x3a: {  	_ = 	snop  }
0x3b: {  	_ = 	snop  }
0x3c: {  	p2 =	seq.s32 s10, $0x1;
	s10 =	sld [smem:$0x3FB3]  }
0x3d: {  	_ =	shalt  }
0x3e: {  	_ =	shalt  }
0x3f: {  	_ =	shalt  }
0x40: {  	_ =	shalt  }
0x41: {  	_ =	shalt  }
0x42: {  	_ =	shalt  }
0x43: {  	_ =	shalt  }
0x44: {  	_ =	shalt  }
0x45: {  	_ =	shalt  }
0x46: {  	_ =	shalt  }
0x47: {  	_ =	shalt  }
0x48: {  	_ =	shalt  }
0x49: {  	_ =	shalt  }
0x4a: {  	_ =	shalt  }
0x4b: {  	_ =	shalt  }
0x4c: {  	_ =	shalt  }
0x4d: {  	_ =	shalt  }
0x4e: {  	_ =	shalt  }
0x4f: {  	_ =	shalt  }
0x50: {  	_ =	shalt  }
0x51: {  	_ =	shalt  }
0x52: {  	_ =	shalt  }
0x53: {  	_ =	shalt  }
0x54: {  	_ =	shalt  }
0x55: {  	_ =	shalt  }
0x56: {  	_ =	shalt  }
0x57: {  	_ =	shalt  }
0x58: {  	_ =	shalt  }
0x59: {  	_ =	shalt  }
0x5a: {  	_ =	shalt  }
0x5b: {  	_ =	shalt  }
0x5c: {  	_ =	shalt  }
0x5d: {  	_ =	shalt  }
0x5e: {  	_ =	shalt  }
0x5f: {  	_ =	shalt  }
0x60: {  	_ =	shalt  }
0x61: {  	_ =	shalt  }
0x62: {  	_ =	shalt  }
0x63: {  	_ =	shalt  }
0x64: {  	_ =	shalt  }
0x65: {  	_ =	shalt  }
0x66: {  	_ =	shalt  }
0x67: {  	_ =	shalt  }
0x68: {  	_ =	shalt  }
0x69: {  	_ =	shalt  }
0x6a: {  	_ =	shalt  }
0x6b: {  	_ =	shalt  }
0x6c: {  	_ =	shalt  }
0x6d: {  	_ =	shalt  }
0x6e: {  	_ =	shalt  }
0x6f: {  	_ =	shalt  }
0x70: {  	_ =	shalt  }
0x71: {  	_ =	shalt  }
0x72: {  	_ =	shalt  }
0x73: {  	_ =	shalt  }
0x74: {  	_ =	shalt  }
0x75: {  	_ =	shalt  }
0x76: {  	_ =	shalt  }
0x77: {  	_ =	shalt  }
0x78: {  	_ =	shalt  }
0x79: {  	_ =	shalt  }
0x7a: {  	_ =	shalt  }
0x7b: {  	_ =	shalt  }
0x7c: {  	_ =	shalt  }
0x7d: {  	_ =	shalt  }
0x7e: {  	_ =	shalt  }
0x7f: {  	_ =	shalt  }
0x80: {  	_ =	shalt  }
0x81: {  	_ =	shalt  }
0x82: {  	_ =	shalt  }
0x83: {  	_ =	shalt  }
0x84: {  	_ =	shalt  }
0x85: {  	_ =	shalt  }
0x86: {  	_ =	shalt  }
0x87: {  	_ =	shalt  }
.Lfunc_end0:
.L_simem_size_0:
called_computation_lowered:
.L_overlay_start_0:
0x88: {  	s2 =	sld [smem:$0x3FD9]  }
0x89: {  	s3 =	sld [smem:$0x3FFE];
	_ =	sdelay $0x1  }
0x8a: {  	s1 =	srdreg.scid  }
0x8b: {  	s0 =	sand.u32 $0x1, s1  }
0x8c: {  	s16 =	sshll.u32 s0, $0xA;
	s2 =	sadd.s32 s3, s2  }
0x8d: {  	s2 =	sadd.s32 s2, s16  }
0x8e: {  	[smem:$0x3FBF] =	sst s2  }
0x8f: {  	_ = 	snop  }
0x90: {  	(tm) =	ssettm $0x1  }
0x91: {  	s17 =	sld [smem:$0x3FFB];
	_ =	sdelay $0x3  }
0x92: {  	_ =	strace s17  }
0x93: {  	s2 =	sld [smem:$0x3FFC];
	_ =	sdelay $0x3  }
0x94: {  	_ =	strace s2  }
0x95: {  	s2 =	sld [smem:$0x3FFD];
	_ =	sdelay $0x3  }
0x96: {  	_ =	strace s2  }
0x97: {  	_ =	strace $0x8FFFFFFF  }
0x98: {  	s18 =	sld [smem:$0x3FDB];
	_ =	sdelay $0x1  }
0x99: {  	s19 =	simm.s32 $_scs_section_size  }
0x9a: {  	s4 =	simm.s32 $_size__tile_overlayer_lowered;
	s5 =	simm.s32 $_tile_overlayer_lowered  }
0x9b: {  	s22 =	simm.s32 $0x1BFF;
	s21 =	sshll.u32 s5, $0x1;
	s2 =	sadd.s32 s19, s18  }
0x9c: {  	s6 =	simm.s32 $0x0;
	s20 =	sshll.u32 s4, $0x1;
	s4 =	sadd.s32 s21, s2  }
0x9d: {  	[timem:s6], [sflag:s22] =	dma.local [hbm:s4], s20  }
0x9e: {  	_ =	swait.ge [sflag:s22], s20  }
0x9f: {  	s3 =	ssub.s32 $0x0, s20;
	[sflag:s22] =	ssyncset.done $0x0  }
0xa0: {  	[sflag:s22] =	ssyncadd.s32 s3;
	_ =	sdelay $0x1  }
0xa1: {  	s23 =	simm.s32 $0x1B8B  }
0xa2: {  	_ =	swait.ge [sflag:s23], $0x1  }
0xa3: {  	[sflag:s23] =	ssyncset.done $0x0  }
0xa4: {  	s25 =	simm.s32 $0x1B8E;
	s24 =	sld [smem:$0x3FFE];
	[sflag:s23] =	ssyncadd.s32 $0xFFFFFFFF  }
0xa5: {  	s26 =	simm.s32 $execute0_lowered;
	[smem:$0x3FD2] =	sst s25  }
0xa6: {  	s4 =	sshll.u32 s26, $0x1;
	_ =	strace $0x80000046;
	[dreg:$0x1] =	wrdreg $0xFFFFFFFF  }
0xa7: {  	s28 =	simm.s32 $_size_execute0_lowered;
	s2 =	sadd.s32 s2, s4;
	[dreg:$0x0] =	wrdreg $0x0  }
0xa8: {  	s4 =	sshll.u32 s28, $0x1;
	[dreg:$0x2] =	wrdreg s2  }
0xa9: {  	[dreg:$0x3] =	wrdreg s4  }
0xaa: {  	[dreg:$0x4] =	wrdreg $0xC0  }
0xab: {  	_ =	task [dreg:s6], $0x5FFFF  }
0xac: {  	[dreg:$0x1] =	wrdreg $0xFFFFFFFF  }
0xad: {  	[dreg:$0x0] =	wrdreg $0x60  }
0xae: {  	[dreg:$0x2] =	wrdreg s24  }
0xaf: {  	[dreg:$0x3] =	wrdreg $0x9  }
0xb0: {  	_ =	task.clear_ibuf [dreg:s6], $0x4FFFF;
	_ =	strace $0x90000046  }
0xb1: {  	s29 =	simm.s32 $0x9;
	_ =	strace $0x80000048  }
0xb2: {  	_ =	swait.ge [sflag:s29], $0x1  }
0xb3: {  	[sflag:s29] =	ssyncadd.s32 $0xFFFFFFFF  }
0xb4: {  	_ =	strace $0x90000048  }
0xb5: {  	_ =	sfence  }
0xb6: {  	s30 =	sld [smem:$0x0];
	_ =	sdelay $0x2  }
0xb7: {  	s31 =	sshll.u32 s1, $0xD;
	s1 =	sshrl.u32 s1, $0x2  }
0xb8: {  	s3 =	sand.u32 $0x4000, s31;
	s1 =	sadd.s32 s1, s30  }
0xb9: {  	s0 =	sor.u32 s3, s0;
	s1 =	sshll.u32 s1, $0x11  }
0xba: {  	s0 =	sor.u32 s1, s0  }
0xbb: {  	s0 =	sadd.s32 $0x8F2B, s0  }
0xbc: {  	[sflag:s0] =	ssyncadd.remote.s32 $0x1  }
0xbd: {  	_ =	sfence.sel $0xFFFF  }
0xbe: {  	[dreg:$0x0] =	wrdreg $0xFFFFFFFF;
	(pc) =	sbr.abs _section_cstart, $3  }
0xbf: {  	[dreg:$0x1] =	wrdreg $0xFFFFFFFF  }
0xc0: {  	_ =	task.clear_ibuf [dreg:s6], $0x2FFFF;
	_ =	strace $0x9FFFFFFF  }
0xc1: {  	(tm) =	ssettm $0x7FFFFFFF  }
tec
execute0_lowered:
.L_overlay_start_1:
0x0: {  	(tag) =	ssettag $0x1  }
0x1: {  	s1 =	srdreg.scid;
	s0 =	stileid.u32  }
0x2: {  	s3 =	rddreg [dreg:$0x0];
	s8 =	simm.s32 $0x80;
	s9 =	simm.s32 $0x400  }
0x3: {  	s4 =	sand.u32 $0x1, s1;
	s2 =	sshll.u32 s0, $0x1;
	s1 =	rddreg [dreg:$0x1]  }
0x4: {  	s6 =	sshrl.u32 s0, $0x2;
	s5 =	sor.u32 s4, s2;
	s2 =	simm.s32 $0x0  }
0x5: {  	s6 =	smul.u32 $0x13C00, s6;
	s4 =	ssub.s32 $0x2, s4;
	s7 =	sshll.u32 s5, $0x7  }
0x6: {  	[smem:$0x7FF] =	sst s2;
	s5 =	smul.u32 $0x4E2, s5;
	s7 =	sand.u32 $0x380, s7  }
0x7: {  	s31 =	sshrl.u32 s4, $0x1;
	_ =	strace $0x80000047;
	s6 =	sor.u32 s6, s7  }
0x8: {  	s5 =	sadd.s32 s5, s3;
	s7 =	ssub.s32 s4, s31;
	s6 =	sshrl.u32 s6, $0x3  }
0x9: {  	s6 =	sadd.s32 s6, s3;
	s3 =	sadd.s32 $0x2000, s5;
	s5 =	smax.u32 s7, $0x1  }
0xa: {  	v0 =	vimm.f32 $0.0e+00;
	v1 =	vimm.f32 $1.000000000e+00;
	s7 =	simm.s32 $0x2780;
	s4 =	sadd.s32 $0xBE00, s6;
	s6 =	simm.s32 $0x1  }
.LBB2_1:
0xb: {  	s10 =	simm.s32 $0x40;
	s11 =	simm.s32 $0x0  }
.LBB2_2:
0xc: {  	p0 =	sne.s32 s10, $0x9C00;
	[tilespmem:s11+$0x2780] =	vst v0;
	s11 =	smov.u32 s10;
	s10 =	sadd.s32 $0x40, s10  }
.Ltmp0:
0xd: {  	(pc) =	sbr.rel @p0 .LBB2_2-.Ltmp0, $2  }
0xe: {  	_ =	sdelay $0x2  }
0xf: {  	s11 =	sshra.s32 s11, $0x2  }
0x10: {  	[tilespmem:s11+$0x2780] =	vst v0;
	s10 =	simm.s32 $0x0  }
0x11: {  	[tilespmem:s10], [sflag:$0x1] =	stream.linear.gather [hbm4b:s3+s10], $0x2710, $0x38;
	[tilespmem:$0x4F00] =	vst v63  }
0x12: {  	_ =	swait.ge [sflag:s6], $0x2710  }
0x13: {  	[sflag:s6] =	ssyncset.done $0x0  }
0x14: {  	s11 =	simm.s32 $0x0;
	s10 =	simm.s32 $0x40;
	[sflag:s6] =	ssyncadd.s32 $0xFFFFD8F0  }
.LBB2_4:
0x15: {  	p0 =	sne.s32 s10, $0x9C00;
	v2 =	vld [tilespmem:s11+$0x0];
	_ =	sdelay $0x3  }
.Ltmp1:
0x16: {  	(pc) =	sbr.rel @p0 .LBB2_4-.Ltmp1, $2  }
0x17: {  	_ =	sdelay $0x2  }
0x18: {  	s11 =	sshra.s32 s10, $0x2;
	s10 =	sadd.s32 $0x40, s10;
	[tilespmem:v2+s7+$0x0] =	vst.idx.add.f32.msk $0xffff, v1  }
0x19: {  	v2 =	vld [tilespmem:s11+$0x0];
	_ =	sdelay $0x5  }
0x1a: {  	s2 =	sadd.s32 $0x1, s2  }
0x1b: {  	p0 =	sne.s32 s2, s5  }
.Ltmp2:
0x1c: {  	[tilespmem:v2+s7+$0x0] =	vst.idx.add.f32.msk $0xffff, v1;
	(pc) =	sbr.rel @p0 .LBB2_1-.Ltmp2, $4  }
0x1d: {  	[hbm4b:s4+s8] =	stream.strided.scatter [tilespmem:s7], [sflag:$0x1], $0x2780, s9, s8, $0x38;
	[tilespmem:$0x4F00] =	vst v63  }
0x1e: {  	_ =	swait.ge [sflag:s6], $0x2780  }
0x1f: {  	[sflag:s6] =	ssyncset.done $0x0  }
0x20: {  	[sflag:s6] =	ssyncadd.s32 $0xFFFFD880  }
0x21: {  	_ =	sfence.sel $0x180000  }
0x22: {  	[bflag:$0x0] =	sbarrier.arrive $0xFFFF  }
0x23: {  	p0 =	sne.s32 s0, $0x0;
	_ =	strace $0x90000047  }
0x24: {  	s0 =	sadd.s32 @!p0 $0x100000, s1;
	[bflag:$0x2] =	sbarrier.arrive $0xFFFF  }
0x25: {  	[sflag:s0] =	ssyncadd.tile.s32 @!p0 $0x1;
	_ =	shalt  }
.Lfunc_end2:
_tile_overlayer_lowered:
.L_overlay_start_2:
0x26: {  	(tag) =	ssettag $0x2  }
0x27: {  	s0 =	rddreg [dreg:$0x0];
	s2 =	stileid.u32  }
0x28: {  	s1 =	rddreg [dreg:$0x1];
	p0 =	sne.s32 s2, $0x0  }
0x29: {  	s3 =	rddreg [dreg:$0x2];
	[bflag:$0x3] =	sbarrier.arrive $0xFFFF;
	s2 =	simm.s32 @!p0 $0x1C01  }
0x2a: {  	[timem:s3], [sflag:s2] =	dma.local @!p0 [hbm:s0], s1  }
0x2b: {  	s0 =	simm.s32 @!p0 $0x1  }
0x2c: {  	_ =	swait.ge @!p0 [sflag:s0], s1  }
0x2d: {  	s1 =	ssub.s32 @!p0 $0x0, s1;
	[sflag:s0] =	ssyncset.done @!p0 $0x0  }
0x2e: {  	[sflag:s0] =	ssyncadd.s32 @!p0 s1  }
0x2f: {  	[bflag:$0x3] =	sbarrier.arrive $0xFFFF  }
0x30: {  	_ =	shalt  }

</sc_bundles>
